<compile_context>
chip_gen: v7x
topology: tpu7x:2x2x1
jax: 0.10.2.dev20260603
libtpu: 0.0.44.dev20260713+nightly
codegen_flags: <defaults>
</compile_context>

<pallas_src>
import functools

import jax
import jax.numpy as jnp
from jax import lax
from jax.experimental import pallas as pl
from jax.experimental.pallas import tpu as pltpu
from jax.experimental.pallas import tpu_sc as plsc

N = 10000
NP = 10240
D = 128
H1 = 32
H2 = 16
NC = 2
NS = 16
TILES = NC * NS
B = 128
E = 320000
EPT = E // TILES
KF = EPT // B
TAIL = EPT - KF * B
EROWS = E // B
RW = EROWS // TILES
RWMAX = EROWS - RW * (TILES - 1)
RPT = NP // NS

_mesh = plsc.VectorSubcoreMesh(core_axis_name="c", subcore_axis_name="s")


def _nwin(w):
    return jnp.where(w == TILES - 1, RWMAX, RW)


def _hist_body(ei_hbm, out_hbm, dst_v, ones_v, zer_v, deg_sh, sem):
    cid = lax.axis_index("c")
    tid = lax.axis_index("s")
    w = cid * NS + tid
    r0 = tid * RPT
    nwin = _nwin(w)
    pltpu.sync_copy(ei_hbm.at[1, pl.ds(w * RW, RWMAX)], dst_v)
    for i in range(B // 16):
        ones_v[pl.ds(i * 16, 16)] = jnp.ones((16,), jnp.float32)
    for i in range(RPT // 16):
        zer_v[pl.ds(i * 16, 16)] = jnp.zeros((16,), jnp.float32)
    pltpu.sync_copy(zer_v, deg_sh.at[pl.ds(r0, RPT)])
    plsc.subcore_barrier()

    @pl.loop(0, nwin)
    def _(k):
        pltpu.async_copy(ones_v, deg_sh.at[dst_v.at[k]], sem, add=True)

    @pl.loop(0, nwin)
    def _(k):
        pltpu.make_async_copy(ones_v, deg_sh.at[dst_v.at[k]], sem).wait()

    plsc.subcore_barrier()
    pltpu.sync_copy(deg_sh.at[pl.ds(r0, RPT)], out_hbm.at[cid, pl.ds(r0, RPT)])


def _sc_hist(ei3):
    return pl.kernel(
        _hist_body,
        out_type=jax.ShapeDtypeStruct((NC, NP), jnp.float32),
        mesh=_mesh,
        scratch_types=[
            pltpu.VMEM((RWMAX, B), jnp.int32),
            pltpu.VMEM((B,), jnp.float32),
            pltpu.VMEM((RPT,), jnp.float32),
            pltpu.VMEM_SHARED((NP,), jnp.float32),
            pltpu.SemaphoreType.DMA,
        ],
        compiler_params=pltpu.CompilerParams(use_tc_tiling_on_sc=False),
    )(ei3)


def _scat_body(F, g_hbm, ei_hbm, out_hbm,
               src_v, dst_v, rows, zbuf, g_sh, acc_sh, gsems):
    cid = lax.axis_index("c")
    tid = lax.axis_index("s")
    w = cid * NS + tid
    r0 = tid * RPT
    nwin = _nwin(w)
    pltpu.sync_copy(ei_hbm.at[0, pl.ds(w * RW, RWMAX)], src_v)
    pltpu.sync_copy(ei_hbm.at[1, pl.ds(w * RW, RWMAX)], dst_v)
    pltpu.sync_copy(g_hbm.at[pl.ds(r0, RPT)], g_sh.at[pl.ds(r0, RPT)])
    for i in range(16):
        for c in range(F // 16):
            zbuf[i, pl.ds(c * 16, 16)] = jnp.zeros((16,), jnp.float32)
    for b in range(RPT // 16):
        pltpu.sync_copy(zbuf, acc_sh.at[pl.ds(r0 + b * 16, 16)])
    plsc.subcore_barrier()

    pltpu.async_copy(g_sh.at[src_v.at[0]], rows.at[0], gsems[0])

    @pl.loop(0, nwin, step=2)
    def _(k):
        pltpu.async_copy(g_sh.at[src_v.at[k + 1]], rows.at[1], gsems[1])
        pltpu.make_async_copy(g_sh.at[src_v.at[k]], rows.at[0],
                              gsems[0]).wait()
        pltpu.sync_copy(rows.at[0], acc_sh.at[dst_v.at[k]], add=True)
        knext = jnp.minimum(k + 2, nwin - 2)
        pltpu.async_copy(g_sh.at[src_v.at[knext]], rows.at[0], gsems[0])
        pltpu.make_async_copy(g_sh.at[src_v.at[k + 1]], rows.at[1],
                              gsems[1]).wait()
        pltpu.sync_copy(rows.at[1], acc_sh.at[dst_v.at[k + 1]], add=True)

    pltpu.make_async_copy(g_sh.at[src_v.at[0]], rows.at[0], gsems[0]).wait()
    plsc.subcore_barrier()
    pltpu.sync_copy(acc_sh.at[pl.ds(r0, RPT)],
                    out_hbm.at[cid, pl.ds(r0, RPT)])


def _sc_scatter(g, ei3, F):
    return pl.kernel(
        functools.partial(_scat_body, F),
        out_type=jax.ShapeDtypeStruct((NC, NP, F), jnp.float32),
        mesh=_mesh,
        scratch_types=[
            pltpu.VMEM((RWMAX, B), jnp.int32),
            pltpu.VMEM((RWMAX, B), jnp.int32),
            pltpu.VMEM((2, B, F), jnp.float32),
            pltpu.VMEM((16, F), jnp.float32),
            pltpu.VMEM_SHARED((NP, F), jnp.float32),
            pltpu.VMEM_SHARED((NP, F), jnp.float32),
            [pltpu.SemaphoreType.DMA] * 2,
        ],
        compiler_params=pltpu.CompilerParams(use_tc_tiling_on_sc=False),
    )(g, ei3)


R = 10240


def _prep_body(hist_ref, x_ref, w1_ref, g1_ref, dinv_ref):
    ones2 = jnp.ones((NC, 1), jnp.float32)
    deg = lax.dot_general(hist_ref[...], ones2,
                          (((0,), (0,)), ((), ())),
                          preferred_element_type=jnp.float32)
    dinv = lax.rsqrt(1.0 + deg)
    y1 = jnp.dot(x_ref[...], w1_ref[...],
                 preferred_element_type=jnp.float32)
    g1_ref[...] = dinv * y1
    dinv_ref[...] = jnp.broadcast_to(dinv, (R, H1))


def _tc_prep(hist, x, W1):
    return pl.pallas_call(
        _prep_body,
        grid=(NP // R,),
        in_specs=[
            pl.BlockSpec((NC, R), lambda i: (0, i)),
            pl.BlockSpec((R, D), lambda i: (i, 0)),
            pl.BlockSpec((D, H1), lambda i: (0, 0)),
        ],
        out_specs=[
            pl.BlockSpec((R, H1), lambda i: (i, 0)),
            pl.BlockSpec((R, H1), lambda i: (i, 0)),
        ],
        out_shape=[
            jax.ShapeDtypeStruct((NP, H1), jnp.float32),
            jax.ShapeDtypeStruct((NP, H1), jnp.float32),
        ],
    )(hist, x, W1)


def _mid_body(s1_ref, g1_ref, dinv_ref, w2_ref, g2_ref):
    h1 = dinv_ref[...] * (s1_ref[0] + s1_ref[1] + g1_ref[...])
    y2 = jnp.dot(h1, w2_ref[...], preferred_element_type=jnp.float32)
    g2_ref[...] = dinv_ref[:, :H2] * y2


def _tc_mid(s1, g1, dinv32, W2):
    return pl.pallas_call(
        _mid_body,
        grid=(NP // R,),
        in_specs=[
            pl.BlockSpec((NC, R, H1), lambda i: (0, i, 0)),
            pl.BlockSpec((R, H1), lambda i: (i, 0)),
            pl.BlockSpec((R, H1), lambda i: (i, 0)),
            pl.BlockSpec((H1, H2), lambda i: (0, 0)),
        ],
        out_specs=pl.BlockSpec((R, H2), lambda i: (i, 0)),
        out_shape=jax.ShapeDtypeStruct((NP, H2), jnp.float32),
    )(s1, g1, dinv32, W2)


def _out_body(s2_ref, g2_ref, dinv_ref, w3_ref, w4_ref, o_ref):
    h2 = dinv_ref[:N, :H2] * (s2_ref[0, :N] + s2_ref[1, :N] + g2_ref[:N])
    w34 = jnp.dot(w3_ref[...], w4_ref[...],
                  preferred_element_type=jnp.float32)
    o_ref[...] = jnp.dot(h2, w34, preferred_element_type=jnp.float32)


def _tc_out(s2, g2, dinv32, W3, W4):
    return pl.pallas_call(
        _out_body,
        grid=(NP // R,),
        in_specs=[
            pl.BlockSpec((NC, R, H2), lambda i: (0, i, 0)),
            pl.BlockSpec((R, H2), lambda i: (i, 0)),
            pl.BlockSpec((R, H1), lambda i: (i, 0)),
            pl.BlockSpec((H2, H1), lambda i: (0, 0)),
            pl.BlockSpec((H1, D), lambda i: (0, 0)),
        ],
        out_specs=pl.BlockSpec((N, D), lambda i: (i, 0)),
        out_shape=jax.ShapeDtypeStruct((N, D), jnp.float32),
    )(s2, g2, dinv32, W3, W4)


def kernel(x, edge_index, W1, W2, W3, W4):
    ei3 = edge_index.astype(jnp.int32).reshape(2, EROWS, B)

    hist = _sc_hist(ei3)
    g1, dinv32 = _tc_prep(hist, x, W1)
    s1 = _sc_scatter(g1, ei3, H1)
    g2 = _tc_mid(s1, g1, dinv32, W2)
    s2 = _sc_scatter(g2, ei3, H2)
    return _tc_out(s2, g2, dinv32, W3, W4)

# --- scband reference (transcript-rebuilt; emitter-appended) ---
"""Pipeline reference for scband-arga-87239375716422 (READ-ONLY COPY).

The authoritative reference and input builder live on the scoring server;
editing this copy changes nothing except your own understanding.
"""

import jax, jax.numpy as jnp
import numpy as np

N_NODES = 10000
N_EDGES = 320000
D_FEAT = 128
HIDDEN1 = 32
HIDDEN2 = 16


def setup_inputs(seed: int = 0) -> dict:
    key = jax.random.key(seed)
    k1, k2, k3, k4, k5, k6 = jax.random.split(key, 6)
    x = jax.random.normal(k1, (N_NODES, D_FEAT), dtype=jnp.float32)
    edge_index = jax.random.randint(k2, (2, N_EDGES), 0, N_NODES, dtype=jnp.int64)
    # glorot-style inits for the two GCN layers and two dense layers
    W1 = jax.random.uniform(k3, (D_FEAT, HIDDEN1), dtype=jnp.float32, minval=-1.0, maxval=1.0) * np.sqrt(6.0 / (D_FEAT + HIDDEN1))
    W2 = jax.random.uniform(k4, (HIDDEN1, HIDDEN2), dtype=jnp.float32, minval=-1.0, maxval=1.0) * np.sqrt(6.0 / (HIDDEN1 + HIDDEN2))
    W3 = jax.random.uniform(k5, (HIDDEN2, HIDDEN1), dtype=jnp.float32, minval=-1.0, maxval=1.0) * np.sqrt(6.0 / (HIDDEN2 + HIDDEN1))
    W4 = jax.random.uniform(k6, (HIDDEN1, D_FEAT), dtype=jnp.float32, minval=-1.0, maxval=1.0) * np.sqrt(6.0 / (HIDDEN1 + D_FEAT))
    return {"x": x, "edge_index": edge_index, "W1": W1, "W2": W2, "W3": W3, "W4": W4}


def reference(x, edge_index, W1, W2, W3, W4):
    N = x.shape[0]
    src = edge_index[0]
    dst = edge_index[1]
    # add self loops (GCN: A_hat = A + I)
    loop = jnp.arange(N, dtype=src.dtype)
    src = jnp.concatenate([src, loop])
    dst = jnp.concatenate([dst, loop])
    # symmetric normalization D^{-1/2} A_hat D^{-1/2}
    deg = jax.ops.segment_sum(jnp.ones_like(dst, dtype=jnp.float32), dst, num_segments=N)
    deg_inv_sqrt = jax.lax.rsqrt(jnp.maximum(deg, 1.0))
    w = deg_inv_sqrt[src] * deg_inv_sqrt[dst]

    def gcn_layer(h, W):
        h = h @ W
        msg = h[src] * w[:, None]
        return jax.ops.segment_sum(msg, dst, num_segments=N)

    # Encoder: GraphConvolutionSparse -> GraphConvolution (act = identity, dropout=0 at eval)
    hidden1 = gcn_layer(x, W1)
    embeddings = gcn_layer(hidden1, W2)
    # Decoder: two Dense layers (act = identity)
    hidden2 = embeddings @ W3
    reconstructions = hidden2 @ W4
    return reconstructions

if __name__ == "__main__":
    import jax
    _d = setup_inputs()
    print(jax.jit(kernel)(*tuple(_d.values())))

</pallas_src>

<mosaic_0001>
#map = affine_map<(d0, d1) -> (0, 0)>
#map1 = affine_map<(d0, d1) -> (0, 0, 0)>
module attributes {stable_mosaic.version = 14 : i64} {
  func.func @_scat_body(%arg0: i32, %arg1: i32, %arg2: memref<10240x16xf32, #tpu.memory_space<hbm>>, %arg3: memref<2x2500x128xi32, #tpu.memory_space<hbm>>, %arg4: memref<2x10240x16xf32, #tpu.memory_space<hbm>>, %arg5: memref<82x128xi32, #tpu.memory_space<vmem>>, %arg6: memref<82x128xi32, #tpu.memory_space<vmem>>, %arg7: memref<2x128x16xf32, #tpu.memory_space<vmem>>, %arg8: memref<16x16xf32, #tpu.memory_space<vmem>>, %arg9: memref<10240x16xf32, #tpu.memory_space<vmem_shared>>, %arg10: memref<10240x16xf32, #tpu.memory_space<vmem_shared>>, %arg11: memref<!tpu.dma_semaphore, #tpu.memory_space<semaphore_mem>>, %arg12: memref<!tpu.dma_semaphore, #tpu.memory_space<semaphore_mem>>) attributes {dimension_semantics = [#tpu.dimension_semantics<core_parallel>, #tpu.dimension_semantics<subcore_parallel>], iteration_bounds = array<i64: 2, 16>, scalar_prefetch = 0 : i64, scratch_operands = 8 : i64, tpu.core_type = #tpu.core_type<sc_vector_subcore>, window_params = [{transform_indices = #map}, {transform_indices = #map1}, {transform_indices = #map1}]} {
    %mul3A = arith.constant 16 : i32
    %mul3A_0 = arith.muli %arg0, %mul3A : i32
    %add3A = arith.addi %mul3A_0, %arg1 : i32
    %mul3A_1 = arith.constant 640 : i32
    %mul3A_2 = arith.muli %arg1, %mul3A_1 : i32
    %eq3A = arith.constant 31 : i32
    %eq3A_3 = arith.cmpi eq, %add3A, %eq3A : i32
    %jit3A = arith.constant 82 : i32
    %jit3A_4 = arith.constant 78 : i32
    %select_n3A = arith.select %eq3A_3, %jit3A, %jit3A_4 : i32
    %mul3A_5 = arith.constant 78 : i32
    %mul3A_6 = arith.muli %add3A, %mul3A_5 : i32
    %run_scoped3A = arith.constant 0 : i32
    "tpu.region"() ({
      %run_scoped3A_255 = tpu.sem_alloc : memref<!tpu.dma_semaphore, #tpu.memory_space<semaphore_mem>>
      %dma_start3A_256 = arith.constant 0 : i32
      %dma_start3A_257 = tpu.memref_slice %arg3[%run_scoped3A, %mul3A_6, %dma_start3A_256] : memref<2x2500x128xi32, #tpu.memory_space<hbm>> -> memref<1x82x128xi32, #tpu.memory_space<hbm>>
      %dma_start3A_258 = tpu.memref_squeeze %dma_start3A_257 : memref<1x82x128xi32, #tpu.memory_space<hbm>> -> memref<82x128xi32, #tpu.memory_space<hbm>>
      %dma_start3A_259 = arith.constant 0 : i32
      %dma_start3A_260 = tpu.memref_slice %arg3[%run_scoped3A, %mul3A_6, %dma_start3A_259] : memref<2x2500x128xi32, #tpu.memory_space<hbm>> -> memref<1x82x128xi32, #tpu.memory_space<hbm>>
      %dma_start3A_261 = tpu.memref_squeeze %dma_start3A_260 : memref<1x82x128xi32, #tpu.memory_space<hbm>> -> memref<82x128xi32, #tpu.memory_space<hbm>>
      tpu.enqueue_dma source(%dma_start3A_261 : memref<82x128xi32, #tpu.memory_space<hbm>>) target(%arg5 : memref<82x128xi32, #tpu.memory_space<vmem>>) target_semaphore(%run_scoped3A_255 : memref<!tpu.dma_semaphore, #tpu.memory_space<semaphore_mem>>)
      %dma_wait3A_262 = arith.constant 0 : i32
      %dma_wait3A_263 = tpu.memref_slice %arg3[%run_scoped3A, %mul3A_6, %dma_wait3A_262] : memref<2x2500x128xi32, #tpu.memory_space<hbm>> -> memref<1x82x128xi32, #tpu.memory_space<hbm>>
      %dma_wait3A_264 = tpu.memref_squeeze %dma_wait3A_263 : memref<1x82x128xi32, #tpu.memory_space<hbm>> -> memref<82x128xi32, #tpu.memory_space<hbm>>
      %dma_wait3A_265 = arith.constant 0 : i32
      %dma_wait3A_266 = tpu.memref_slice %arg3[%run_scoped3A, %mul3A_6, %dma_wait3A_265] : memref<2x2500x128xi32, #tpu.memory_space<hbm>> -> memref<1x82x128xi32, #tpu.memory_space<hbm>>
      %dma_wait3A_267 = tpu.memref_squeeze %dma_wait3A_266 : memref<1x82x128xi32, #tpu.memory_space<hbm>> -> memref<82x128xi32, #tpu.memory_space<hbm>>
      tpu.wait_dma2 semaphore(%run_scoped3A_255 : memref<!tpu.dma_semaphore, #tpu.memory_space<semaphore_mem>>) src(%dma_wait3A_267 : memref<82x128xi32, #tpu.memory_space<hbm>>) dst(%arg5 : memref<82x128xi32, #tpu.memory_space<vmem>>)
      tpu.yield
    }) : () -> ()
    %mul3A_7 = arith.constant 78 : i32
    %mul3A_8 = arith.muli %add3A, %mul3A_7 : i32
    %run_scoped3A_9 = arith.constant 1 : i32
    "tpu.region"() ({
      %run_scoped3A_255 = tpu.sem_alloc : memref<!tpu.dma_semaphore, #tpu.memory_space<semaphore_mem>>
      %dma_start3A_256 = arith.constant 0 : i32
      %dma_start3A_257 = tpu.memref_slice %arg3[%run_scoped3A_9, %mul3A_8, %dma_start3A_256] : memref<2x2500x128xi32, #tpu.memory_space<hbm>> -> memref<1x82x128xi32, #tpu.memory_space<hbm>>
      %dma_start3A_258 = tpu.memref_squeeze %dma_start3A_257 : memref<1x82x128xi32, #tpu.memory_space<hbm>> -> memref<82x128xi32, #tpu.memory_space<hbm>>
      %dma_start3A_259 = arith.constant 0 : i32
      %dma_start3A_260 = tpu.memref_slice %arg3[%run_scoped3A_9, %mul3A_8, %dma_start3A_259] : memref<2x2500x128xi32, #tpu.memory_space<hbm>> -> memref<1x82x128xi32, #tpu.memory_space<hbm>>
      %dma_start3A_261 = tpu.memref_squeeze %dma_start3A_260 : memref<1x82x128xi32, #tpu.memory_space<hbm>> -> memref<82x128xi32, #tpu.memory_space<hbm>>
      tpu.enqueue_dma source(%dma_start3A_261 : memref<82x128xi32, #tpu.memory_space<hbm>>) target(%arg6 : memref<82x128xi32, #tpu.memory_space<vmem>>) target_semaphore(%run_scoped3A_255 : memref<!tpu.dma_semaphore, #tpu.memory_space<semaphore_mem>>)
      %dma_wait3A_262 = arith.constant 0 : i32
      %dma_wait3A_263 = tpu.memref_slice %arg3[%run_scoped3A_9, %mul3A_8, %dma_wait3A_262] : memref<2x2500x128xi32, #tpu.memory_space<hbm>> -> memref<1x82x128xi32, #tpu.memory_space<hbm>>
      %dma_wait3A_264 = tpu.memref_squeeze %dma_wait3A_263 : memref<1x82x128xi32, #tpu.memory_space<hbm>> -> memref<82x128xi32, #tpu.memory_space<hbm>>
      %dma_wait3A_265 = arith.constant 0 : i32
      %dma_wait3A_266 = tpu.memref_slice %arg3[%run_scoped3A_9, %mul3A_8, %dma_wait3A_265] : memref<2x2500x128xi32, #tpu.memory_space<hbm>> -> memref<1x82x128xi32, #tpu.memory_space<hbm>>
      %dma_wait3A_267 = tpu.memref_squeeze %dma_wait3A_266 : memref<1x82x128xi32, #tpu.memory_space<hbm>> -> memref<82x128xi32, #tpu.memory_space<hbm>>
      tpu.wait_dma2 semaphore(%run_scoped3A_255 : memref<!tpu.dma_semaphore, #tpu.memory_space<semaphore_mem>>) src(%dma_wait3A_267 : memref<82x128xi32, #tpu.memory_space<hbm>>) dst(%arg6 : memref<82x128xi32, #tpu.memory_space<vmem>>)
      tpu.yield
    }) : () -> ()
    "tpu.region"() ({
      %run_scoped3A_255 = tpu.sem_alloc : memref<!tpu.dma_semaphore, #tpu.memory_space<semaphore_mem>>
      %dma_start3A_256 = arith.constant 0 : i32
      %dma_start3A_257 = tpu.memref_slice %arg9[%mul3A_2, %dma_start3A_256] : memref<10240x16xf32, #tpu.memory_space<vmem_shared>> -> memref<640x16xf32, #tpu.memory_space<vmem_shared>>
      %dma_start3A_258 = arith.constant 0 : i32
      %dma_start3A_259 = tpu.memref_slice %arg2[%mul3A_2, %dma_start3A_258] : memref<10240x16xf32, #tpu.memory_space<hbm>> -> memref<640x16xf32, #tpu.memory_space<hbm>>
      tpu.enqueue_dma source(%dma_start3A_259 : memref<640x16xf32, #tpu.memory_space<hbm>>) target(%dma_start3A_257 : memref<640x16xf32, #tpu.memory_space<vmem_shared>>) target_semaphore(%run_scoped3A_255 : memref<!tpu.dma_semaphore, #tpu.memory_space<semaphore_mem>>)
      %dma_wait3A_260 = arith.constant 0 : i32
      %dma_wait3A_261 = tpu.memref_slice %arg9[%mul3A_2, %dma_wait3A_260] : memref<10240x16xf32, #tpu.memory_space<vmem_shared>> -> memref<640x16xf32, #tpu.memory_space<vmem_shared>>
      %dma_wait3A_262 = arith.constant 0 : i32
      %dma_wait3A_263 = tpu.memref_slice %arg2[%mul3A_2, %dma_wait3A_262] : memref<10240x16xf32, #tpu.memory_space<hbm>> -> memref<640x16xf32, #tpu.memory_space<hbm>>
      tpu.wait_dma2 semaphore(%run_scoped3A_255 : memref<!tpu.dma_semaphore, #tpu.memory_space<semaphore_mem>>) src(%dma_wait3A_263 : memref<640x16xf32, #tpu.memory_space<hbm>>) dst(%dma_wait3A_261 : memref<640x16xf32, #tpu.memory_space<vmem_shared>>)
      tpu.yield
    }) : () -> ()
    %broadcast_in_dim3A = arith.constant 0.000000e+00 : f32
    %broadcast_in_dim3A_10 = vector.broadcast %broadcast_in_dim3A : f32 to vector<16xf32>
    %swap3A = arith.constant 0 : i32
    %swap3A_11 = arith.index_cast %swap3A : i32 to index
    %swap3A_12 = arith.constant 0 : index
    %swap3A_13 = tpu.vector_load %arg8[%swap3A_11, %swap3A_12] {strides = array<i32>} : memref<16x16xf32, #tpu.memory_space<vmem>>, vector<1x16xf32>,
    %swap3A_14 = vector.shape_cast %swap3A_13 : vector<1x16xf32> to vector<16xf32>
    %swap3A_15 = vector.shape_cast %broadcast_in_dim3A_10 : vector<16xf32> to vector<1x16xf32>
    tpu.vector_store %arg8[%swap3A_11, %swap3A_12], %swap3A_15 {strides = array<i32>} : memref<16x16xf32, #tpu.memory_space<vmem>>, vector<1x16xf32>,
    %broadcast_in_dim3A_16 = arith.constant 0.000000e+00 : f32
    %broadcast_in_dim3A_17 = vector.broadcast %broadcast_in_dim3A_16 : f32 to vector<16xf32>
    %swap3A_18 = arith.constant 1 : i32
    %swap3A_19 = arith.index_cast %swap3A_18 : i32 to index
    %swap3A_20 = arith.constant 0 : index
    %swap3A_21 = tpu.vector_load %arg8[%swap3A_19, %swap3A_20] {strides = array<i32>} : memref<16x16xf32, #tpu.memory_space<vmem>>, vector<1x16xf32>,
    %swap3A_22 = vector.shape_cast %swap3A_21 : vector<1x16xf32> to vector<16xf32>
    %swap3A_23 = vector.shape_cast %broadcast_in_dim3A_17 : vector<16xf32> to vector<1x16xf32>
    tpu.vector_store %arg8[%swap3A_19, %swap3A_20], %swap3A_23 {strides = array<i32>} : memref<16x16xf32, #tpu.memory_space<vmem>>, vector<1x16xf32>,
    %broadcast_in_dim3A_24 = arith.constant 0.000000e+00 : f32
    %broadcast_in_dim3A_25 = vector.broadcast %broadcast_in_dim3A_24 : f32 to vector<16xf32>
    %swap3A_26 = arith.constant 2 : i32
    %swap3A_27 = arith.index_cast %swap3A_26 : i32 to index
    %swap3A_28 = arith.constant 0 : index
    %swap3A_29 = tpu.vector_load %arg8[%swap3A_27, %swap3A_28] {strides = array<i32>} : memref<16x16xf32, #tpu.memory_space<vmem>>, vector<1x16xf32>,
    %swap3A_30 = vector.shape_cast %swap3A_29 : vector<1x16xf32> to vector<16xf32>
    %swap3A_31 = vector.shape_cast %broadcast_in_dim3A_25 : vector<16xf32> to vector<1x16xf32>
    tpu.vector_store %arg8[%swap3A_27, %swap3A_28], %swap3A_31 {strides = array<i32>} : memref<16x16xf32, #tpu.memory_space<vmem>>, vector<1x16xf32>,
    %broadcast_in_dim3A_32 = arith.constant 0.000000e+00 : f32
    %broadcast_in_dim3A_33 = vector.broadcast %broadcast_in_dim3A_32 : f32 to vector<16xf32>
    %swap3A_34 = arith.constant 3 : i32
    %swap3A_35 = arith.index_cast %swap3A_34 : i32 to index
    %swap3A_36 = arith.constant 0 : index
    %swap3A_37 = tpu.vector_load %arg8[%swap3A_35, %swap3A_36] {strides = array<i32>} : memref<16x16xf32, #tpu.memory_space<vmem>>, vector<1x16xf32>,
    %swap3A_38 = vector.shape_cast %swap3A_37 : vector<1x16xf32> to vector<16xf32>
    %swap3A_39 = vector.shape_cast %broadcast_in_dim3A_33 : vector<16xf32> to vector<1x16xf32>
    tpu.vector_store %arg8[%swap3A_35, %swap3A_36], %swap3A_39 {strides = array<i32>} : memref<16x16xf32, #tpu.memory_space<vmem>>, vector<1x16xf32>,
    %broadcast_in_dim3A_40 = arith.constant 0.000000e+00 : f32
    %broadcast_in_dim3A_41 = vector.broadcast %broadcast_in_dim3A_40 : f32 to vector<16xf32>
    %swap3A_42 = arith.constant 4 : i32
    %swap3A_43 = arith.index_cast %swap3A_42 : i32 to index
    %swap3A_44 = arith.constant 0 : index
    %swap3A_45 = tpu.vector_load %arg8[%swap3A_43, %swap3A_44] {strides = array<i32>} : memref<16x16xf32, #tpu.memory_space<vmem>>, vector<1x16xf32>,
    %swap3A_46 = vector.shape_cast %swap3A_45 : vector<1x16xf32> to vector<16xf32>
    %swap3A_47 = vector.shape_cast %broadcast_in_dim3A_41 : vector<16xf32> to vector<1x16xf32>
    tpu.vector_store %arg8[%swap3A_43, %swap3A_44], %swap3A_47 {strides = array<i32>} : memref<16x16xf32, #tpu.memory_space<vmem>>, vector<1x16xf32>,
    %broadcast_in_dim3A_48 = arith.constant 0.000000e+00 : f32
    %broadcast_in_dim3A_49 = vector.broadcast %broadcast_in_dim3A_48 : f32 to vector<16xf32>
    %swap3A_50 = arith.constant 5 : i32
    %swap3A_51 = arith.index_cast %swap3A_50 : i32 to index
    %swap3A_52 = arith.constant 0 : index
    %swap3A_53 = tpu.vector_load %arg8[%swap3A_51, %swap3A_52] {strides = array<i32>} : memref<16x16xf32, #tpu.memory_space<vmem>>, vector<1x16xf32>,
    %swap3A_54 = vector.shape_cast %swap3A_53 : vector<1x16xf32> to vector<16xf32>
    %swap3A_55 = vector.shape_cast %broadcast_in_dim3A_49 : vector<16xf32> to vector<1x16xf32>
    tpu.vector_store %arg8[%swap3A_51, %swap3A_52], %swap3A_55 {strides = array<i32>} : memref<16x16xf32, #tpu.memory_space<vmem>>, vector<1x16xf32>,
    %broadcast_in_dim3A_56 = arith.constant 0.000000e+00 : f32
    %broadcast_in_dim3A_57 = vector.broadcast %broadcast_in_dim3A_56 : f32 to vector<16xf32>
    %swap3A_58 = arith.constant 6 : i32
    %swap3A_59 = arith.index_cast %swap3A_58 : i32 to index
    %swap3A_60 = arith.constant 0 : index
    %swap3A_61 = tpu.vector_load %arg8[%swap3A_59, %swap3A_60] {strides = array<i32>} : memref<16x16xf32, #tpu.memory_space<vmem>>, vector<1x16xf32>,
    %swap3A_62 = vector.shape_cast %swap3A_61 : vector<1x16xf32> to vector<16xf32>
    %swap3A_63 = vector.shape_cast %broadcast_in_dim3A_57 : vector<16xf32> to vector<1x16xf32>
    tpu.vector_store %arg8[%swap3A_59, %swap3A_60], %swap3A_63 {strides = array<i32>} : memref<16x16xf32, #tpu.memory_space<vmem>>, vector<1x16xf32>,
    %broadcast_in_dim3A_64 = arith.constant 0.000000e+00 : f32
    %broadcast_in_dim3A_65 = vector.broadcast %broadcast_in_dim3A_64 : f32 to vector<16xf32>
    %swap3A_66 = arith.constant 7 : i32
    %swap3A_67 = arith.index_cast %swap3A_66 : i32 to index
    %swap3A_68 = arith.constant 0 : index
    %swap3A_69 = tpu.vector_load %arg8[%swap3A_67, %swap3A_68] {strides = array<i32>} : memref<16x16xf32, #tpu.memory_space<vmem>>, vector<1x16xf32>,
    %swap3A_70 = vector.shape_cast %swap3A_69 : vector<1x16xf32> to vector<16xf32>
    %swap3A_71 = vector.shape_cast %broadcast_in_dim3A_65 : vector<16xf32> to vector<1x16xf32>
    tpu.vector_store %arg8[%swap3A_67, %swap3A_68], %swap3A_71 {strides = array<i32>} : memref<16x16xf32, #tpu.memory_space<vmem>>, vector<1x16xf32>,
    %broadcast_in_dim3A_72 = arith.constant 0.000000e+00 : f32
    %broadcast_in_dim3A_73 = vector.broadcast %broadcast_in_dim3A_72 : f32 to vector<16xf32>
    %swap3A_74 = arith.constant 8 : i32
    %swap3A_75 = arith.index_cast %swap3A_74 : i32 to index
    %swap3A_76 = arith.constant 0 : index
    %swap3A_77 = tpu.vector_load %arg8[%swap3A_75, %swap3A_76] {strides = array<i32>} : memref<16x16xf32, #tpu.memory_space<vmem>>, vector<1x16xf32>,
    %swap3A_78 = vector.shape_cast %swap3A_77 : vector<1x16xf32> to vector<16xf32>
    %swap3A_79 = vector.shape_cast %broadcast_in_dim3A_73 : vector<16xf32> to vector<1x16xf32>
    tpu.vector_store %arg8[%swap3A_75, %swap3A_76], %swap3A_79 {strides = array<i32>} : memref<16x16xf32, #tpu.memory_space<vmem>>, vector<1x16xf32>,
    %broadcast_in_dim3A_80 = arith.constant 0.000000e+00 : f32
    %broadcast_in_dim3A_81 = vector.broadcast %broadcast_in_dim3A_80 : f32 to vector<16xf32>
    %swap3A_82 = arith.constant 9 : i32
    %swap3A_83 = arith.index_cast %swap3A_82 : i32 to index
    %swap3A_84 = arith.constant 0 : index
    %swap3A_85 = tpu.vector_load %arg8[%swap3A_83, %swap3A_84] {strides = array<i32>} : memref<16x16xf32, #tpu.memory_space<vmem>>, vector<1x16xf32>,
    %swap3A_86 = vector.shape_cast %swap3A_85 : vector<1x16xf32> to vector<16xf32>
    %swap3A_87 = vector.shape_cast %broadcast_in_dim3A_81 : vector<16xf32> to vector<1x16xf32>
    tpu.vector_store %arg8[%swap3A_83, %swap3A_84], %swap3A_87 {strides = array<i32>} : memref<16x16xf32, #tpu.memory_space<vmem>>, vector<1x16xf32>,
    %broadcast_in_dim3A_88 = arith.constant 0.000000e+00 : f32
    %broadcast_in_dim3A_89 = vector.broadcast %broadcast_in_dim3A_88 : f32 to vector<16xf32>
    %swap3A_90 = arith.constant 10 : i32
    %swap3A_91 = arith.index_cast %swap3A_90 : i32 to index
    %swap3A_92 = arith.constant 0 : index
    %swap3A_93 = tpu.vector_load %arg8[%swap3A_91, %swap3A_92] {strides = array<i32>} : memref<16x16xf32, #tpu.memory_space<vmem>>, vector<1x16xf32>,
    %swap3A_94 = vector.shape_cast %swap3A_93 : vector<1x16xf32> to vector<16xf32>
    %swap3A_95 = vector.shape_cast %broadcast_in_dim3A_89 : vector<16xf32> to vector<1x16xf32>
    tpu.vector_store %arg8[%swap3A_91, %swap3A_92], %swap3A_95 {strides = array<i32>} : memref<16x16xf32, #tpu.memory_space<vmem>>, vector<1x16xf32>,
    %broadcast_in_dim3A_96 = arith.constant 0.000000e+00 : f32
    %broadcast_in_dim3A_97 = vector.broadcast %broadcast_in_dim3A_96 : f32 to vector<16xf32>
    %swap3A_98 = arith.constant 11 : i32
    %swap3A_99 = arith.index_cast %swap3A_98 : i32 to index
    %swap3A_100 = arith.constant 0 : index
    %swap3A_101 = tpu.vector_load %arg8[%swap3A_99, %swap3A_100] {strides = array<i32>} : memref<16x16xf32, #tpu.memory_space<vmem>>, vector<1x16xf32>,
    %swap3A_102 = vector.shape_cast %swap3A_101 : vector<1x16xf32> to vector<16xf32>
    %swap3A_103 = vector.shape_cast %broadcast_in_dim3A_97 : vector<16xf32> to vector<1x16xf32>
    tpu.vector_store %arg8[%swap3A_99, %swap3A_100], %swap3A_103 {strides = array<i32>} : memref<16x16xf32, #tpu.memory_space<vmem>>, vector<1x16xf32>,
    %broadcast_in_dim3A_104 = arith.constant 0.000000e+00 : f32
    %broadcast_in_dim3A_105 = vector.broadcast %broadcast_in_dim3A_104 : f32 to vector<16xf32>
    %swap3A_106 = arith.constant 12 : i32
    %swap3A_107 = arith.index_cast %swap3A_106 : i32 to index
    %swap3A_108 = arith.constant 0 : index
    %swap3A_109 = tpu.vector_load %arg8[%swap3A_107, %swap3A_108] {strides = array<i32>} : memref<16x16xf32, #tpu.memory_space<vmem>>, vector<1x16xf32>,
    %swap3A_110 = vector.shape_cast %swap3A_109 : vector<1x16xf32> to vector<16xf32>
    %swap3A_111 = vector.shape_cast %broadcast_in_dim3A_105 : vector<16xf32> to vector<1x16xf32>
    tpu.vector_store %arg8[%swap3A_107, %swap3A_108], %swap3A_111 {strides = array<i32>} : memref<16x16xf32, #tpu.memory_space<vmem>>, vector<1x16xf32>,
    %broadcast_in_dim3A_112 = arith.constant 0.000000e+00 : f32
    %broadcast_in_dim3A_113 = vector.broadcast %broadcast_in_dim3A_112 : f32 to vector<16xf32>
    %swap3A_114 = arith.constant 13 : i32
    %swap3A_115 = arith.index_cast %swap3A_114 : i32 to index
    %swap3A_116 = arith.constant 0 : index
    %swap3A_117 = tpu.vector_load %arg8[%swap3A_115, %swap3A_116] {strides = array<i32>} : memref<16x16xf32, #tpu.memory_space<vmem>>, vector<1x16xf32>,
    %swap3A_118 = vector.shape_cast %swap3A_117 : vector<1x16xf32> to vector<16xf32>
    %swap3A_119 = vector.shape_cast %broadcast_in_dim3A_113 : vector<16xf32> to vector<1x16xf32>
    tpu.vector_store %arg8[%swap3A_115, %swap3A_116], %swap3A_119 {strides = array<i32>} : memref<16x16xf32, #tpu.memory_space<vmem>>, vector<1x16xf32>,
    %broadcast_in_dim3A_120 = arith.constant 0.000000e+00 : f32
    %broadcast_in_dim3A_121 = vector.broadcast %broadcast_in_dim3A_120 : f32 to vector<16xf32>
    %swap3A_122 = arith.constant 14 : i32
    %swap3A_123 = arith.index_cast %swap3A_122 : i32 to index
    %swap3A_124 = arith.constant 0 : index
    %swap3A_125 = tpu.vector_load %arg8[%swap3A_123, %swap3A_124] {strides = array<i32>} : memref<16x16xf32, #tpu.memory_space<vmem>>, vector<1x16xf32>,
    %swap3A_126 = vector.shape_cast %swap3A_125 : vector<1x16xf32> to vector<16xf32>
    %swap3A_127 = vector.shape_cast %broadcast_in_dim3A_121 : vector<16xf32> to vector<1x16xf32>
    tpu.vector_store %arg8[%swap3A_123, %swap3A_124], %swap3A_127 {strides = array<i32>} : memref<16x16xf32, #tpu.memory_space<vmem>>, vector<1x16xf32>,
    %broadcast_in_dim3A_128 = arith.constant 0.000000e+00 : f32
    %broadcast_in_dim3A_129 = vector.broadcast %broadcast_in_dim3A_128 : f32 to vector<16xf32>
    %swap3A_130 = arith.constant 15 : i32
    %swap3A_131 = arith.index_cast %swap3A_130 : i32 to index
    %swap3A_132 = arith.constant 0 : index
    %swap3A_133 = tpu.vector_load %arg8[%swap3A_131, %swap3A_132] {strides = array<i32>} : memref<16x16xf32, #tpu.memory_space<vmem>>, vector<1x16xf32>,
    %swap3A_134 = vector.shape_cast %swap3A_133 : vector<1x16xf32> to vector<16xf32>
    %swap3A_135 = vector.shape_cast %broadcast_in_dim3A_129 : vector<16xf32> to vector<1x16xf32>
    tpu.vector_store %arg8[%swap3A_131, %swap3A_132], %swap3A_135 {strides = array<i32>} : memref<16x16xf32, #tpu.memory_space<vmem>>, vector<1x16xf32>,
    %add3A_136 = arith.constant 0 : i32
    %add3A_137 = arith.addi %mul3A_2, %add3A_136 : i32
    "tpu.region"() ({
      %run_scoped3A_255 = tpu.sem_alloc : memref<!tpu.dma_semaphore, #tpu.memory_space<semaphore_mem>>
      %dma_start3A_256 = arith.constant 0 : i32
      %dma_start3A_257 = tpu.memref_slice %arg10[%add3A_137, %dma_start3A_256] : memref<10240x16xf32, #tpu.memory_space<vmem_shared>> -> memref<16x16xf32, #tpu.memory_space<vmem_shared>>
      %dma_start3A_258 = arith.constant 0 : i32
      %dma_start3A_259 = tpu.memref_slice %arg10[%add3A_137, %dma_start3A_258] : memref<10240x16xf32, #tpu.memory_space<vmem_shared>> -> memref<16x16xf32, #tpu.memory_space<vmem_shared>>
      tpu.enqueue_dma source(%arg8 : memref<16x16xf32, #tpu.memory_space<vmem>>) target(%dma_start3A_259 : memref<16x16xf32, #tpu.memory_space<vmem_shared>>) target_semaphore(%run_scoped3A_255 : memref<!tpu.dma_semaphore, #tpu.memory_space<semaphore_mem>>)
      %dma_wait3A_260 = arith.constant 0 : i32
      %dma_wait3A_261 = tpu.memref_slice %arg10[%add3A_137, %dma_wait3A_260] : memref<10240x16xf32, #tpu.memory_space<vmem_shared>> -> memref<16x16xf32, #tpu.memory_space<vmem_shared>>
      %dma_wait3A_262 = arith.constant 0 : i32
      %dma_wait3A_263 = tpu.memref_slice %arg10[%add3A_137, %dma_wait3A_262] : memref<10240x16xf32, #tpu.memory_space<vmem_shared>> -> memref<16x16xf32, #tpu.memory_space<vmem_shared>>
      tpu.wait_dma2 semaphore(%run_scoped3A_255 : memref<!tpu.dma_semaphore, #tpu.memory_space<semaphore_mem>>) src(%arg8 : memref<16x16xf32, #tpu.memory_space<vmem>>) dst(%dma_wait3A_263 : memref<16x16xf32, #tpu.memory_space<vmem_shared>>)
      tpu.yield
    }) : () -> ()
    %add3A_138 = arith.constant 16 : i32
    %add3A_139 = arith.addi %mul3A_2, %add3A_138 : i32
    "tpu.region"() ({
      %run_scoped3A_255 = tpu.sem_alloc : memref<!tpu.dma_semaphore, #tpu.memory_space<semaphore_mem>>
      %dma_start3A_256 = arith.constant 0 : i32
      %dma_start3A_257 = tpu.memref_slice %arg10[%add3A_139, %dma_start3A_256] : memref<10240x16xf32, #tpu.memory_space<vmem_shared>> -> memref<16x16xf32, #tpu.memory_space<vmem_shared>>
      %dma_start3A_258 = arith.constant 0 : i32
      %dma_start3A_259 = tpu.memref_slice %arg10[%add3A_139, %dma_start3A_258] : memref<10240x16xf32, #tpu.memory_space<vmem_shared>> -> memref<16x16xf32, #tpu.memory_space<vmem_shared>>
      tpu.enqueue_dma source(%arg8 : memref<16x16xf32, #tpu.memory_space<vmem>>) target(%dma_start3A_259 : memref<16x16xf32, #tpu.memory_space<vmem_shared>>) target_semaphore(%run_scoped3A_255 : memref<!tpu.dma_semaphore, #tpu.memory_space<semaphore_mem>>)
      %dma_wait3A_260 = arith.constant 0 : i32
      %dma_wait3A_261 = tpu.memref_slice %arg10[%add3A_139, %dma_wait3A_260] : memref<10240x16xf32, #tpu.memory_space<vmem_shared>> -> memref<16x16xf32, #tpu.memory_space<vmem_shared>>
      %dma_wait3A_262 = arith.constant 0 : i32
      %dma_wait3A_263 = tpu.memref_slice %arg10[%add3A_139, %dma_wait3A_262] : memref<10240x16xf32, #tpu.memory_space<vmem_shared>> -> memref<16x16xf32, #tpu.memory_space<vmem_shared>>
      tpu.wait_dma2 semaphore(%run_scoped3A_255 : memref<!tpu.dma_semaphore, #tpu.memory_space<semaphore_mem>>) src(%arg8 : memref<16x16xf32, #tpu.memory_space<vmem>>) dst(%dma_wait3A_263 : memref<16x16xf32, #tpu.memory_space<vmem_shared>>)
      tpu.yield
    }) : () -> ()
    %add3A_140 = arith.constant 32 : i32
    %add3A_141 = arith.addi %mul3A_2, %add3A_140 : i32
    "tpu.region"() ({
      %run_scoped3A_255 = tpu.sem_alloc : memref<!tpu.dma_semaphore, #tpu.memory_space<semaphore_mem>>
      %dma_start3A_256 = arith.constant 0 : i32
      %dma_start3A_257 = tpu.memref_slice %arg10[%add3A_141, %dma_start3A_256] : memref<10240x16xf32, #tpu.memory_space<vmem_shared>> -> memref<16x16xf32, #tpu.memory_space<vmem_shared>>
      %dma_start3A_258 = arith.constant 0 : i32
      %dma_start3A_259 = tpu.memref_slice %arg10[%add3A_141, %dma_start3A_258] : memref<10240x16xf32, #tpu.memory_space<vmem_shared>> -> memref<16x16xf32, #tpu.memory_space<vmem_shared>>
      tpu.enqueue_dma source(%arg8 : memref<16x16xf32, #tpu.memory_space<vmem>>) target(%dma_start3A_259 : memref<16x16xf32, #tpu.memory_space<vmem_shared>>) target_semaphore(%run_scoped3A_255 : memref<!tpu.dma_semaphore, #tpu.memory_space<semaphore_mem>>)
      %dma_wait3A_260 = arith.constant 0 : i32
      %dma_wait3A_261 = tpu.memref_slice %arg10[%add3A_141, %dma_wait3A_260] : memref<10240x16xf32, #tpu.memory_space<vmem_shared>> -> memref<16x16xf32, #tpu.memory_space<vmem_shared>>
      %dma_wait3A_262 = arith.constant 0 : i32
      %dma_wait3A_263 = tpu.memref_slice %arg10[%add3A_141, %dma_wait3A_262] : memref<10240x16xf32, #tpu.memory_space<vmem_shared>> -> memref<16x16xf32, #tpu.memory_space<vmem_shared>>
      tpu.wait_dma2 semaphore(%run_scoped3A_255 : memref<!tpu.dma_semaphore, #tpu.memory_space<semaphore_mem>>) src(%arg8 : memref<16x16xf32, #tpu.memory_space<vmem>>) dst(%dma_wait3A_263 : memref<16x16xf32, #tpu.memory_space<vmem_shared>>)
      tpu.yield
    }) : () -> ()
    %add3A_142 = arith.constant 48 : i32
    %add3A_143 = arith.addi %mul3A_2, %add3A_142 : i32
    "tpu.region"() ({
      %run_scoped3A_255 = tpu.sem_alloc : memref<!tpu.dma_semaphore, #tpu.memory_space<semaphore_mem>>
      %dma_start3A_256 = arith.constant 0 : i32
      %dma_start3A_257 = tpu.memref_slice %arg10[%add3A_143, %dma_start3A_256] : memref<10240x16xf32, #tpu.memory_space<vmem_shared>> -> memref<16x16xf32, #tpu.memory_space<vmem_shared>>
      %dma_start3A_258 = arith.constant 0 : i32
      %dma_start3A_259 = tpu.memref_slice %arg10[%add3A_143, %dma_start3A_258] : memref<10240x16xf32, #tpu.memory_space<vmem_shared>> -> memref<16x16xf32, #tpu.memory_space<vmem_shared>>
      tpu.enqueue_dma source(%arg8 : memref<16x16xf32, #tpu.memory_space<vmem>>) target(%dma_start3A_259 : memref<16x16xf32, #tpu.memory_space<vmem_shared>>) target_semaphore(%run_scoped3A_255 : memref<!tpu.dma_semaphore, #tpu.memory_space<semaphore_mem>>)
      %dma_wait3A_260 = arith.constant 0 : i32
      %dma_wait3A_261 = tpu.memref_slice %arg10[%add3A_143, %dma_wait3A_260] : memref<10240x16xf32, #tpu.memory_space<vmem_shared>> -> memref<16x16xf32, #tpu.memory_space<vmem_shared>>
      %dma_wait3A_262 = arith.constant 0 : i32
      %dma_wait3A_263 = tpu.memref_slice %arg10[%add3A_143, %dma_wait3A_262] : memref<10240x16xf32, #tpu.memory_space<vmem_shared>> -> memref<16x16xf32, #tpu.memory_space<vmem_shared>>
      tpu.wait_dma2 semaphore(%run_scoped3A_255 : memref<!tpu.dma_semaphore, #tpu.memory_space<semaphore_mem>>) src(%arg8 : memref<16x16xf32, #tpu.memory_space<vmem>>) dst(%dma_wait3A_263 : memref<16x16xf32, #tpu.memory_space<vmem_shared>>)
      tpu.yield
    }) : () -> ()
    %add3A_144 = arith.constant 64 : i32
    %add3A_145 = arith.addi %mul3A_2, %add3A_144 : i32
    "tpu.region"() ({
      %run_scoped3A_255 = tpu.sem_alloc : memref<!tpu.dma_semaphore, #tpu.memory_space<semaphore_mem>>
      %dma_start3A_256 = arith.constant 0 : i32
      %dma_start3A_257 = tpu.memref_slice %arg10[%add3A_145, %dma_start3A_256] : memref<10240x16xf32, #tpu.memory_space<vmem_shared>> -> memref<16x16xf32, #tpu.memory_space<vmem_shared>>
      %dma_start3A_258 = arith.constant 0 : i32
      %dma_start3A_259 = tpu.memref_slice %arg10[%add3A_145, %dma_start3A_258] : memref<10240x16xf32, #tpu.memory_space<vmem_shared>> -> memref<16x16xf32, #tpu.memory_space<vmem_shared>>
      tpu.enqueue_dma source(%arg8 : memref<16x16xf32, #tpu.memory_space<vmem>>) target(%dma_start3A_259 : memref<16x16xf32, #tpu.memory_space<vmem_shared>>) target_semaphore(%run_scoped3A_255 : memref<!tpu.dma_semaphore, #tpu.memory_space<semaphore_mem>>)
      %dma_wait3A_260 = arith.constant 0 : i32
      %dma_wait3A_261 = tpu.memref_slice %arg10[%add3A_145, %dma_wait3A_260] : memref<10240x16xf32, #tpu.memory_space<vmem_shared>> -> memref<16x16xf32, #tpu.memory_space<vmem_shared>>
      %dma_wait3A_262 = arith.constant 0 : i32
      %dma_wait3A_263 = tpu.memref_slice %arg10[%add3A_145, %dma_wait3A_262] : memref<10240x16xf32, #tpu.memory_space<vmem_shared>> -> memref<16x16xf32, #tpu.memory_space<vmem_shared>>
      tpu.wait_dma2 semaphore(%run_scoped3A_255 : memref<!tpu.dma_semaphore, #tpu.memory_space<semaphore_mem>>) src(%arg8 : memref<16x16xf32, #tpu.memory_space<vmem>>) dst(%dma_wait3A_263 : memref<16x16xf32, #tpu.memory_space<vmem_shared>>)
      tpu.yield
    }) : () -> ()
    %add3A_146 = arith.constant 80 : i32
    %add3A_147 = arith.addi %mul3A_2, %add3A_146 : i32
    "tpu.region"() ({
      %run_scoped3A_255 = tpu.sem_alloc : memref<!tpu.dma_semaphore, #tpu.memory_space<semaphore_mem>>
      %dma_start3A_256 = arith.constant 0 : i32
      %dma_start3A_257 = tpu.memref_slice %arg10[%add3A_147, %dma_start3A_256] : memref<10240x16xf32, #tpu.memory_space<vmem_shared>> -> memref<16x16xf32, #tpu.memory_space<vmem_shared>>
      %dma_start3A_258 = arith.constant 0 : i32
      %dma_start3A_259 = tpu.memref_slice %arg10[%add3A_147, %dma_start3A_258] : memref<10240x16xf32, #tpu.memory_space<vmem_shared>> -> memref<16x16xf32, #tpu.memory_space<vmem_shared>>
      tpu.enqueue_dma source(%arg8 : memref<16x16xf32, #tpu.memory_space<vmem>>) target(%dma_start3A_259 : memref<16x16xf32, #tpu.memory_space<vmem_shared>>) target_semaphore(%run_scoped3A_255 : memref<!tpu.dma_semaphore, #tpu.memory_space<semaphore_mem>>)
      %dma_wait3A_260 = arith.constant 0 : i32
      %dma_wait3A_261 = tpu.memref_slice %arg10[%add3A_147, %dma_wait3A_260] : memref<10240x16xf32, #tpu.memory_space<vmem_shared>> -> memref<16x16xf32, #tpu.memory_space<vmem_shared>>
      %dma_wait3A_262 = arith.constant 0 : i32
      %dma_wait3A_263 = tpu.memref_slice %arg10[%add3A_147, %dma_wait3A_262] : memref<10240x16xf32, #tpu.memory_space<vmem_shared>> -> memref<16x16xf32, #tpu.memory_space<vmem_shared>>
      tpu.wait_dma2 semaphore(%run_scoped3A_255 : memref<!tpu.dma_semaphore, #tpu.memory_space<semaphore_mem>>) src(%arg8 : memref<16x16xf32, #tpu.memory_space<vmem>>) dst(%dma_wait3A_263 : memref<16x16xf32, #tpu.memory_space<vmem_shared>>)
      tpu.yield
    }) : () -> ()
    %add3A_148 = arith.constant 96 : i32
    %add3A_149 = arith.addi %mul3A_2, %add3A_148 : i32
    "tpu.region"() ({
      %run_scoped3A_255 = tpu.sem_alloc : memref<!tpu.dma_semaphore, #tpu.memory_space<semaphore_mem>>
      %dma_start3A_256 = arith.constant 0 : i32
      %dma_start3A_257 = tpu.memref_slice %arg10[%add3A_149, %dma_start3A_256] : memref<10240x16xf32, #tpu.memory_space<vmem_shared>> -> memref<16x16xf32, #tpu.memory_space<vmem_shared>>
      %dma_start3A_258 = arith.constant 0 : i32
      %dma_start3A_259 = tpu.memref_slice %arg10[%add3A_149, %dma_start3A_258] : memref<10240x16xf32, #tpu.memory_space<vmem_shared>> -> memref<16x16xf32, #tpu.memory_space<vmem_shared>>
      tpu.enqueue_dma source(%arg8 : memref<16x16xf32, #tpu.memory_space<vmem>>) target(%dma_start3A_259 : memref<16x16xf32, #tpu.memory_space<vmem_shared>>) target_semaphore(%run_scoped3A_255 : memref<!tpu.dma_semaphore, #tpu.memory_space<semaphore_mem>>)
      %dma_wait3A_260 = arith.constant 0 : i32
      %dma_wait3A_261 = tpu.memref_slice %arg10[%add3A_149, %dma_wait3A_260] : memref<10240x16xf32, #tpu.memory_space<vmem_shared>> -> memref<16x16xf32, #tpu.memory_space<vmem_shared>>
      %dma_wait3A_262 = arith.constant 0 : i32
      %dma_wait3A_263 = tpu.memref_slice %arg10[%add3A_149, %dma_wait3A_262] : memref<10240x16xf32, #tpu.memory_space<vmem_shared>> -> memref<16x16xf32, #tpu.memory_space<vmem_shared>>
      tpu.wait_dma2 semaphore(%run_scoped3A_255 : memref<!tpu.dma_semaphore, #tpu.memory_space<semaphore_mem>>) src(%arg8 : memref<16x16xf32, #tpu.memory_space<vmem>>) dst(%dma_wait3A_263 : memref<16x16xf32, #tpu.memory_space<vmem_shared>>)
      tpu.yield
    }) : () -> ()
    %add3A_150 = arith.constant 112 : i32
    %add3A_151 = arith.addi %mul3A_2, %add3A_150 : i32
    "tpu.region"() ({
      %run_scoped3A_255 = tpu.sem_alloc : memref<!tpu.dma_semaphore, #tpu.memory_space<semaphore_mem>>
      %dma_start3A_256 = arith.constant 0 : i32
      %dma_start3A_257 = tpu.memref_slice %arg10[%add3A_151, %dma_start3A_256] : memref<10240x16xf32, #tpu.memory_space<vmem_shared>> -> memref<16x16xf32, #tpu.memory_space<vmem_shared>>
      %dma_start3A_258 = arith.constant 0 : i32
      %dma_start3A_259 = tpu.memref_slice %arg10[%add3A_151, %dma_start3A_258] : memref<10240x16xf32, #tpu.memory_space<vmem_shared>> -> memref<16x16xf32, #tpu.memory_space<vmem_shared>>
      tpu.enqueue_dma source(%arg8 : memref<16x16xf32, #tpu.memory_space<vmem>>) target(%dma_start3A_259 : memref<16x16xf32, #tpu.memory_space<vmem_shared>>) target_semaphore(%run_scoped3A_255 : memref<!tpu.dma_semaphore, #tpu.memory_space<semaphore_mem>>)
      %dma_wait3A_260 = arith.constant 0 : i32
      %dma_wait3A_261 = tpu.memref_slice %arg10[%add3A_151, %dma_wait3A_260] : memref<10240x16xf32, #tpu.memory_space<vmem_shared>> -> memref<16x16xf32, #tpu.memory_space<vmem_shared>>
      %dma_wait3A_262 = arith.constant 0 : i32
      %dma_wait3A_263 = tpu.memref_slice %arg10[%add3A_151, %dma_wait3A_262] : memref<10240x16xf32, #tpu.memory_space<vmem_shared>> -> memref<16x16xf32, #tpu.memory_space<vmem_shared>>
      tpu.wait_dma2 semaphore(%run_scoped3A_255 : memref<!tpu.dma_semaphore, #tpu.memory_space<semaphore_mem>>) src(%arg8 : memref<16x16xf32, #tpu.memory_space<vmem>>) dst(%dma_wait3A_263 : memref<16x16xf32, #tpu.memory_space<vmem_shared>>)
      tpu.yield
    }) : () -> ()
    %add3A_152 = arith.constant 128 : i32
    %add3A_153 = arith.addi %mul3A_2, %add3A_152 : i32
    "tpu.region"() ({
      %run_scoped3A_255 = tpu.sem_alloc : memref<!tpu.dma_semaphore, #tpu.memory_space<semaphore_mem>>
      %dma_start3A_256 = arith.constant 0 : i32
      %dma_start3A_257 = tpu.memref_slice %arg10[%add3A_153, %dma_start3A_256] : memref<10240x16xf32, #tpu.memory_space<vmem_shared>> -> memref<16x16xf32, #tpu.memory_space<vmem_shared>>
      %dma_start3A_258 = arith.constant 0 : i32
      %dma_start3A_259 = tpu.memref_slice %arg10[%add3A_153, %dma_start3A_258] : memref<10240x16xf32, #tpu.memory_space<vmem_shared>> -> memref<16x16xf32, #tpu.memory_space<vmem_shared>>
      tpu.enqueue_dma source(%arg8 : memref<16x16xf32, #tpu.memory_space<vmem>>) target(%dma_start3A_259 : memref<16x16xf32, #tpu.memory_space<vmem_shared>>) target_semaphore(%run_scoped3A_255 : memref<!tpu.dma_semaphore, #tpu.memory_space<semaphore_mem>>)
      %dma_wait3A_260 = arith.constant 0 : i32
      %dma_wait3A_261 = tpu.memref_slice %arg10[%add3A_153, %dma_wait3A_260] : memref<10240x16xf32, #tpu.memory_space<vmem_shared>> -> memref<16x16xf32, #tpu.memory_space<vmem_shared>>
      %dma_wait3A_262 = arith.constant 0 : i32
      %dma_wait3A_263 = tpu.memref_slice %arg10[%add3A_153, %dma_wait3A_262] : memref<10240x16xf32, #tpu.memory_space<vmem_shared>> -> memref<16x16xf32, #tpu.memory_space<vmem_shared>>
      tpu.wait_dma2 semaphore(%run_scoped3A_255 : memref<!tpu.dma_semaphore, #tpu.memory_space<semaphore_mem>>) src(%arg8 : memref<16x16xf32, #tpu.memory_space<vmem>>) dst(%dma_wait3A_263 : memref<16x16xf32, #tpu.memory_space<vmem_shared>>)
      tpu.yield
    }) : () -> ()
    %add3A_154 = arith.constant 144 : i32
    %add3A_155 = arith.addi %mul3A_2, %add3A_154 : i32
    "tpu.region"() ({
      %run_scoped3A_255 = tpu.sem_alloc : memref<!tpu.dma_semaphore, #tpu.memory_space<semaphore_mem>>
      %dma_start3A_256 = arith.constant 0 : i32
      %dma_start3A_257 = tpu.memref_slice %arg10[%add3A_155, %dma_start3A_256] : memref<10240x16xf32, #tpu.memory_space<vmem_shared>> -> memref<16x16xf32, #tpu.memory_space<vmem_shared>>
      %dma_start3A_258 = arith.constant 0 : i32
      %dma_start3A_259 = tpu.memref_slice %arg10[%add3A_155, %dma_start3A_258] : memref<10240x16xf32, #tpu.memory_space<vmem_shared>> -> memref<16x16xf32, #tpu.memory_space<vmem_shared>>
      tpu.enqueue_dma source(%arg8 : memref<16x16xf32, #tpu.memory_space<vmem>>) target(%dma_start3A_259 : memref<16x16xf32, #tpu.memory_space<vmem_shared>>) target_semaphore(%run_scoped3A_255 : memref<!tpu.dma_semaphore, #tpu.memory_space<semaphore_mem>>)
      %dma_wait3A_260 = arith.constant 0 : i32
      %dma_wait3A_261 = tpu.memref_slice %arg10[%add3A_155, %dma_wait3A_260] : memref<10240x16xf32, #tpu.memory_space<vmem_shared>> -> memref<16x16xf32, #tpu.memory_space<vmem_shared>>
      %dma_wait3A_262 = arith.constant 0 : i32
      %dma_wait3A_263 = tpu.memref_slice %arg10[%add3A_155, %dma_wait3A_262] : memref<10240x16xf32, #tpu.memory_space<vmem_shared>> -> memref<16x16xf32, #tpu.memory_space<vmem_shared>>
      tpu.wait_dma2 semaphore(%run_scoped3A_255 : memref<!tpu.dma_semaphore, #tpu.memory_space<semaphore_mem>>) src(%arg8 : memref<16x16xf32, #tpu.memory_space<vmem>>) dst(%dma_wait3A_263 : memref<16x16xf32, #tpu.memory_space<vmem_shared>>)
      tpu.yield
    }) : () -> ()
    %add3A_156 = arith.constant 160 : i32
    %add3A_157 = arith.addi %mul3A_2, %add3A_156 : i32
    "tpu.region"() ({
      %run_scoped3A_255 = tpu.sem_alloc : memref<!tpu.dma_semaphore, #tpu.memory_space<semaphore_mem>>
      %dma_start3A_256 = arith.constant 0 : i32
      %dma_start3A_257 = tpu.memref_slice %arg10[%add3A_157, %dma_start3A_256] : memref<10240x16xf32, #tpu.memory_space<vmem_shared>> -> memref<16x16xf32, #tpu.memory_space<vmem_shared>>
      %dma_start3A_258 = arith.constant 0 : i32
      %dma_start3A_259 = tpu.memref_slice %arg10[%add3A_157, %dma_start3A_258] : memref<10240x16xf32, #tpu.memory_space<vmem_shared>> -> memref<16x16xf32, #tpu.memory_space<vmem_shared>>
      tpu.enqueue_dma source(%arg8 : memref<16x16xf32, #tpu.memory_space<vmem>>) target(%dma_start3A_259 : memref<16x16xf32, #tpu.memory_space<vmem_shared>>) target_semaphore(%run_scoped3A_255 : memref<!tpu.dma_semaphore, #tpu.memory_space<semaphore_mem>>)
      %dma_wait3A_260 = arith.constant 0 : i32
      %dma_wait3A_261 = tpu.memref_slice %arg10[%add3A_157, %dma_wait3A_260] : memref<10240x16xf32, #tpu.memory_space<vmem_shared>> -> memref<16x16xf32, #tpu.memory_space<vmem_shared>>
      %dma_wait3A_262 = arith.constant 0 : i32
      %dma_wait3A_263 = tpu.memref_slice %arg10[%add3A_157, %dma_wait3A_262] : memref<10240x16xf32, #tpu.memory_space<vmem_shared>> -> memref<16x16xf32, #tpu.memory_space<vmem_shared>>
      tpu.wait_dma2 semaphore(%run_scoped3A_255 : memref<!tpu.dma_semaphore, #tpu.memory_space<semaphore_mem>>) src(%arg8 : memref<16x16xf32, #tpu.memory_space<vmem>>) dst(%dma_wait3A_263 : memref<16x16xf32, #tpu.memory_space<vmem_shared>>)
      tpu.yield
    }) : () -> ()
    %add3A_158 = arith.constant 176 : i32
    %add3A_159 = arith.addi %mul3A_2, %add3A_158 : i32
    "tpu.region"() ({
      %run_scoped3A_255 = tpu.sem_alloc : memref<!tpu.dma_semaphore, #tpu.memory_space<semaphore_mem>>
      %dma_start3A_256 = arith.constant 0 : i32
      %dma_start3A_257 = tpu.memref_slice %arg10[%add3A_159, %dma_start3A_256] : memref<10240x16xf32, #tpu.memory_space<vmem_shared>> -> memref<16x16xf32, #tpu.memory_space<vmem_shared>>
      %dma_start3A_258 = arith.constant 0 : i32
      %dma_start3A_259 = tpu.memref_slice %arg10[%add3A_159, %dma_start3A_258] : memref<10240x16xf32, #tpu.memory_space<vmem_shared>> -> memref<16x16xf32, #tpu.memory_space<vmem_shared>>
      tpu.enqueue_dma source(%arg8 : memref<16x16xf32, #tpu.memory_space<vmem>>) target(%dma_start3A_259 : memref<16x16xf32, #tpu.memory_space<vmem_shared>>) target_semaphore(%run_scoped3A_255 : memref<!tpu.dma_semaphore, #tpu.memory_space<semaphore_mem>>)
      %dma_wait3A_260 = arith.constant 0 : i32
      %dma_wait3A_261 = tpu.memref_slice %arg10[%add3A_159, %dma_wait3A_260] : memref<10240x16xf32, #tpu.memory_space<vmem_shared>> -> memref<16x16xf32, #tpu.memory_space<vmem_shared>>
      %dma_wait3A_262 = arith.constant 0 : i32
      %dma_wait3A_263 = tpu.memref_slice %arg10[%add3A_159, %dma_wait3A_262] : memref<10240x16xf32, #tpu.memory_space<vmem_shared>> -> memref<16x16xf32, #tpu.memory_space<vmem_shared>>
      tpu.wait_dma2 semaphore(%run_scoped3A_255 : memref<!tpu.dma_semaphore, #tpu.memory_space<semaphore_mem>>) src(%arg8 : memref<16x16xf32, #tpu.memory_space<vmem>>) dst(%dma_wait3A_263 : memref<16x16xf32, #tpu.memory_space<vmem_shared>>)
      tpu.yield
    }) : () -> ()
    %add3A_160 = arith.constant 192 : i32
    %add3A_161 = arith.addi %mul3A_2, %add3A_160 : i32
    "tpu.region"() ({
      %run_scoped3A_255 = tpu.sem_alloc : memref<!tpu.dma_semaphore, #tpu.memory_space<semaphore_mem>>
      %dma_start3A_256 = arith.constant 0 : i32
      %dma_start3A_257 = tpu.memref_slice %arg10[%add3A_161, %dma_start3A_256] : memref<10240x16xf32, #tpu.memory_space<vmem_shared>> -> memref<16x16xf32, #tpu.memory_space<vmem_shared>>
      %dma_start3A_258 = arith.constant 0 : i32
      %dma_start3A_259 = tpu.memref_slice %arg10[%add3A_161, %dma_start3A_258] : memref<10240x16xf32, #tpu.memory_space<vmem_shared>> -> memref<16x16xf32, #tpu.memory_space<vmem_shared>>
      tpu.enqueue_dma source(%arg8 : memref<16x16xf32, #tpu.memory_space<vmem>>) target(%dma_start3A_259 : memref<16x16xf32, #tpu.memory_space<vmem_shared>>) target_semaphore(%run_scoped3A_255 : memref<!tpu.dma_semaphore, #tpu.memory_space<semaphore_mem>>)
      %dma_wait3A_260 = arith.constant 0 : i32
      %dma_wait3A_261 = tpu.memref_slice %arg10[%add3A_161, %dma_wait3A_260] : memref<10240x16xf32, #tpu.memory_space<vmem_shared>> -> memref<16x16xf32, #tpu.memory_space<vmem_shared>>
      %dma_wait3A_262 = arith.constant 0 : i32
      %dma_wait3A_263 = tpu.memref_slice %arg10[%add3A_161, %dma_wait3A_262] : memref<10240x16xf32, #tpu.memory_space<vmem_shared>> -> memref<16x16xf32, #tpu.memory_space<vmem_shared>>
      tpu.wait_dma2 semaphore(%run_scoped3A_255 : memref<!tpu.dma_semaphore, #tpu.memory_space<semaphore_mem>>) src(%arg8 : memref<16x16xf32, #tpu.memory_space<vmem>>) dst(%dma_wait3A_263 : memref<16x16xf32, #tpu.memory_space<vmem_shared>>)
      tpu.yield
    }) : () -> ()
    %add3A_162 = arith.constant 208 : i32
    %add3A_163 = arith.addi %mul3A_2, %add3A_162 : i32
    "tpu.region"() ({
      %run_scoped3A_255 = tpu.sem_alloc : memref<!tpu.dma_semaphore, #tpu.memory_space<semaphore_mem>>
      %dma_start3A_256 = arith.constant 0 : i32
      %dma_start3A_257 = tpu.memref_slice %arg10[%add3A_163, %dma_start3A_256] : memref<10240x16xf32, #tpu.memory_space<vmem_shared>> -> memref<16x16xf32, #tpu.memory_space<vmem_shared>>
      %dma_start3A_258 = arith.constant 0 : i32
      %dma_start3A_259 = tpu.memref_slice %arg10[%add3A_163, %dma_start3A_258] : memref<10240x16xf32, #tpu.memory_space<vmem_shared>> -> memref<16x16xf32, #tpu.memory_space<vmem_shared>>
      tpu.enqueue_dma source(%arg8 : memref<16x16xf32, #tpu.memory_space<vmem>>) target(%dma_start3A_259 : memref<16x16xf32, #tpu.memory_space<vmem_shared>>) target_semaphore(%run_scoped3A_255 : memref<!tpu.dma_semaphore, #tpu.memory_space<semaphore_mem>>)
      %dma_wait3A_260 = arith.constant 0 : i32
      %dma_wait3A_261 = tpu.memref_slice %arg10[%add3A_163, %dma_wait3A_260] : memref<10240x16xf32, #tpu.memory_space<vmem_shared>> -> memref<16x16xf32, #tpu.memory_space<vmem_shared>>
      %dma_wait3A_262 = arith.constant 0 : i32
      %dma_wait3A_263 = tpu.memref_slice %arg10[%add3A_163, %dma_wait3A_262] : memref<10240x16xf32, #tpu.memory_space<vmem_shared>> -> memref<16x16xf32, #tpu.memory_space<vmem_shared>>
      tpu.wait_dma2 semaphore(%run_scoped3A_255 : memref<!tpu.dma_semaphore, #tpu.memory_space<semaphore_mem>>) src(%arg8 : memref<16x16xf32, #tpu.memory_space<vmem>>) dst(%dma_wait3A_263 : memref<16x16xf32, #tpu.memory_space<vmem_shared>>)
      tpu.yield
    }) : () -> ()
    %add3A_164 = arith.constant 224 : i32
    %add3A_165 = arith.addi %mul3A_2, %add3A_164 : i32
    "tpu.region"() ({
      %run_scoped3A_255 = tpu.sem_alloc : memref<!tpu.dma_semaphore, #tpu.memory_space<semaphore_mem>>
      %dma_start3A_256 = arith.constant 0 : i32
      %dma_start3A_257 = tpu.memref_slice %arg10[%add3A_165, %dma_start3A_256] : memref<10240x16xf32, #tpu.memory_space<vmem_shared>> -> memref<16x16xf32, #tpu.memory_space<vmem_shared>>
      %dma_start3A_258 = arith.constant 0 : i32
      %dma_start3A_259 = tpu.memref_slice %arg10[%add3A_165, %dma_start3A_258] : memref<10240x16xf32, #tpu.memory_space<vmem_shared>> -> memref<16x16xf32, #tpu.memory_space<vmem_shared>>
      tpu.enqueue_dma source(%arg8 : memref<16x16xf32, #tpu.memory_space<vmem>>) target(%dma_start3A_259 : memref<16x16xf32, #tpu.memory_space<vmem_shared>>) target_semaphore(%run_scoped3A_255 : memref<!tpu.dma_semaphore, #tpu.memory_space<semaphore_mem>>)
      %dma_wait3A_260 = arith.constant 0 : i32
      %dma_wait3A_261 = tpu.memref_slice %arg10[%add3A_165, %dma_wait3A_260] : memref<10240x16xf32, #tpu.memory_space<vmem_shared>> -> memref<16x16xf32, #tpu.memory_space<vmem_shared>>
      %dma_wait3A_262 = arith.constant 0 : i32
      %dma_wait3A_263 = tpu.memref_slice %arg10[%add3A_165, %dma_wait3A_262] : memref<10240x16xf32, #tpu.memory_space<vmem_shared>> -> memref<16x16xf32, #tpu.memory_space<vmem_shared>>
      tpu.wait_dma2 semaphore(%run_scoped3A_255 : memref<!tpu.dma_semaphore, #tpu.memory_space<semaphore_mem>>) src(%arg8 : memref<16x16xf32, #tpu.memory_space<vmem>>) dst(%dma_wait3A_263 : memref<16x16xf32, #tpu.memory_space<vmem_shared>>)
      tpu.yield
    }) : () -> ()
    %add3A_166 = arith.constant 240 : i32
    %add3A_167 = arith.addi %mul3A_2, %add3A_166 : i32
    "tpu.region"() ({
      %run_scoped3A_255 = tpu.sem_alloc : memref<!tpu.dma_semaphore, #tpu.memory_space<semaphore_mem>>
      %dma_start3A_256 = arith.constant 0 : i32
      %dma_start3A_257 = tpu.memref_slice %arg10[%add3A_167, %dma_start3A_256] : memref<10240x16xf32, #tpu.memory_space<vmem_shared>> -> memref<16x16xf32, #tpu.memory_space<vmem_shared>>
      %dma_start3A_258 = arith.constant 0 : i32
      %dma_start3A_259 = tpu.memref_slice %arg10[%add3A_167, %dma_start3A_258] : memref<10240x16xf32, #tpu.memory_space<vmem_shared>> -> memref<16x16xf32, #tpu.memory_space<vmem_shared>>
      tpu.enqueue_dma source(%arg8 : memref<16x16xf32, #tpu.memory_space<vmem>>) target(%dma_start3A_259 : memref<16x16xf32, #tpu.memory_space<vmem_shared>>) target_semaphore(%run_scoped3A_255 : memref<!tpu.dma_semaphore, #tpu.memory_space<semaphore_mem>>)
      %dma_wait3A_260 = arith.constant 0 : i32
      %dma_wait3A_261 = tpu.memref_slice %arg10[%add3A_167, %dma_wait3A_260] : memref<10240x16xf32, #tpu.memory_space<vmem_shared>> -> memref<16x16xf32, #tpu.memory_space<vmem_shared>>
      %dma_wait3A_262 = arith.constant 0 : i32
      %dma_wait3A_263 = tpu.memref_slice %arg10[%add3A_167, %dma_wait3A_262] : memref<10240x16xf32, #tpu.memory_space<vmem_shared>> -> memref<16x16xf32, #tpu.memory_space<vmem_shared>>
      tpu.wait_dma2 semaphore(%run_scoped3A_255 : memref<!tpu.dma_semaphore, #tpu.memory_space<semaphore_mem>>) src(%arg8 : memref<16x16xf32, #tpu.memory_space<vmem>>) dst(%dma_wait3A_263 : memref<16x16xf32, #tpu.memory_space<vmem_shared>>)
      tpu.yield
    }) : () -> ()
    %add3A_168 = arith.constant 256 : i32
    %add3A_169 = arith.addi %mul3A_2, %add3A_168 : i32
    "tpu.region"() ({
      %run_scoped3A_255 = tpu.sem_alloc : memref<!tpu.dma_semaphore, #tpu.memory_space<semaphore_mem>>
      %dma_start3A_256 = arith.constant 0 : i32
      %dma_start3A_257 = tpu.memref_slice %arg10[%add3A_169, %dma_start3A_256] : memref<10240x16xf32, #tpu.memory_space<vmem_shared>> -> memref<16x16xf32, #tpu.memory_space<vmem_shared>>
      %dma_start3A_258 = arith.constant 0 : i32
      %dma_start3A_259 = tpu.memref_slice %arg10[%add3A_169, %dma_start3A_258] : memref<10240x16xf32, #tpu.memory_space<vmem_shared>> -> memref<16x16xf32, #tpu.memory_space<vmem_shared>>
      tpu.enqueue_dma source(%arg8 : memref<16x16xf32, #tpu.memory_space<vmem>>) target(%dma_start3A_259 : memref<16x16xf32, #tpu.memory_space<vmem_shared>>) target_semaphore(%run_scoped3A_255 : memref<!tpu.dma_semaphore, #tpu.memory_space<semaphore_mem>>)
      %dma_wait3A_260 = arith.constant 0 : i32
      %dma_wait3A_261 = tpu.memref_slice %arg10[%add3A_169, %dma_wait3A_260] : memref<10240x16xf32, #tpu.memory_space<vmem_shared>> -> memref<16x16xf32, #tpu.memory_space<vmem_shared>>
      %dma_wait3A_262 = arith.constant 0 : i32
      %dma_wait3A_263 = tpu.memref_slice %arg10[%add3A_169, %dma_wait3A_262] : memref<10240x16xf32, #tpu.memory_space<vmem_shared>> -> memref<16x16xf32, #tpu.memory_space<vmem_shared>>
      tpu.wait_dma2 semaphore(%run_scoped3A_255 : memref<!tpu.dma_semaphore, #tpu.memory_space<semaphore_mem>>) src(%arg8 : memref<16x16xf32, #tpu.memory_space<vmem>>) dst(%dma_wait3A_263 : memref<16x16xf32, #tpu.memory_space<vmem_shared>>)
      tpu.yield
    }) : () -> ()
    %add3A_170 = arith.constant 272 : i32
    %add3A_171 = arith.addi %mul3A_2, %add3A_170 : i32
    "tpu.region"() ({
      %run_scoped3A_255 = tpu.sem_alloc : memref<!tpu.dma_semaphore, #tpu.memory_space<semaphore_mem>>
      %dma_start3A_256 = arith.constant 0 : i32
      %dma_start3A_257 = tpu.memref_slice %arg10[%add3A_171, %dma_start3A_256] : memref<10240x16xf32, #tpu.memory_space<vmem_shared>> -> memref<16x16xf32, #tpu.memory_space<vmem_shared>>
      %dma_start3A_258 = arith.constant 0 : i32
      %dma_start3A_259 = tpu.memref_slice %arg10[%add3A_171, %dma_start3A_258] : memref<10240x16xf32, #tpu.memory_space<vmem_shared>> -> memref<16x16xf32, #tpu.memory_space<vmem_shared>>
      tpu.enqueue_dma source(%arg8 : memref<16x16xf32, #tpu.memory_space<vmem>>) target(%dma_start3A_259 : memref<16x16xf32, #tpu.memory_space<vmem_shared>>) target_semaphore(%run_scoped3A_255 : memref<!tpu.dma_semaphore, #tpu.memory_space<semaphore_mem>>)
      %dma_wait3A_260 = arith.constant 0 : i32
      %dma_wait3A_261 = tpu.memref_slice %arg10[%add3A_171, %dma_wait3A_260] : memref<10240x16xf32, #tpu.memory_space<vmem_shared>> -> memref<16x16xf32, #tpu.memory_space<vmem_shared>>
      %dma_wait3A_262 = arith.constant 0 : i32
      %dma_wait3A_263 = tpu.memref_slice %arg10[%add3A_171, %dma_wait3A_262] : memref<10240x16xf32, #tpu.memory_space<vmem_shared>> -> memref<16x16xf32, #tpu.memory_space<vmem_shared>>
      tpu.wait_dma2 semaphore(%run_scoped3A_255 : memref<!tpu.dma_semaphore, #tpu.memory_space<semaphore_mem>>) src(%arg8 : memref<16x16xf32, #tpu.memory_space<vmem>>) dst(%dma_wait3A_263 : memref<16x16xf32, #tpu.memory_space<vmem_shared>>)
      tpu.yield
    }) : () -> ()
    %add3A_172 = arith.constant 288 : i32
    %add3A_173 = arith.addi %mul3A_2, %add3A_172 : i32
    "tpu.region"() ({
      %run_scoped3A_255 = tpu.sem_alloc : memref<!tpu.dma_semaphore, #tpu.memory_space<semaphore_mem>>
      %dma_start3A_256 = arith.constant 0 : i32
      %dma_start3A_257 = tpu.memref_slice %arg10[%add3A_173, %dma_start3A_256] : memref<10240x16xf32, #tpu.memory_space<vmem_shared>> -> memref<16x16xf32, #tpu.memory_space<vmem_shared>>
      %dma_start3A_258 = arith.constant 0 : i32
      %dma_start3A_259 = tpu.memref_slice %arg10[%add3A_173, %dma_start3A_258] : memref<10240x16xf32, #tpu.memory_space<vmem_shared>> -> memref<16x16xf32, #tpu.memory_space<vmem_shared>>
      tpu.enqueue_dma source(%arg8 : memref<16x16xf32, #tpu.memory_space<vmem>>) target(%dma_start3A_259 : memref<16x16xf32, #tpu.memory_space<vmem_shared>>) target_semaphore(%run_scoped3A_255 : memref<!tpu.dma_semaphore, #tpu.memory_space<semaphore_mem>>)
      %dma_wait3A_260 = arith.constant 0 : i32
      %dma_wait3A_261 = tpu.memref_slice %arg10[%add3A_173, %dma_wait3A_260] : memref<10240x16xf32, #tpu.memory_space<vmem_shared>> -> memref<16x16xf32, #tpu.memory_space<vmem_shared>>
      %dma_wait3A_262 = arith.constant 0 : i32
      %dma_wait3A_263 = tpu.memref_slice %arg10[%add3A_173, %dma_wait3A_262] : memref<10240x16xf32, #tpu.memory_space<vmem_shared>> -> memref<16x16xf32, #tpu.memory_space<vmem_shared>>
      tpu.wait_dma2 semaphore(%run_scoped3A_255 : memref<!tpu.dma_semaphore, #tpu.memory_space<semaphore_mem>>) src(%arg8 : memref<16x16xf32, #tpu.memory_space<vmem>>) dst(%dma_wait3A_263 : memref<16x16xf32, #tpu.memory_space<vmem_shared>>)
      tpu.yield
    }) : () -> ()
    %add3A_174 = arith.constant 304 : i32
    %add3A_175 = arith.addi %mul3A_2, %add3A_174 : i32
    "tpu.region"() ({
      %run_scoped3A_255 = tpu.sem_alloc : memref<!tpu.dma_semaphore, #tpu.memory_space<semaphore_mem>>
      %dma_start3A_256 = arith.constant 0 : i32
      %dma_start3A_257 = tpu.memref_slice %arg10[%add3A_175, %dma_start3A_256] : memref<10240x16xf32, #tpu.memory_space<vmem_shared>> -> memref<16x16xf32, #tpu.memory_space<vmem_shared>>
      %dma_start3A_258 = arith.constant 0 : i32
      %dma_start3A_259 = tpu.memref_slice %arg10[%add3A_175, %dma_start3A_258] : memref<10240x16xf32, #tpu.memory_space<vmem_shared>> -> memref<16x16xf32, #tpu.memory_space<vmem_shared>>
      tpu.enqueue_dma source(%arg8 : memref<16x16xf32, #tpu.memory_space<vmem>>) target(%dma_start3A_259 : memref<16x16xf32, #tpu.memory_space<vmem_shared>>) target_semaphore(%run_scoped3A_255 : memref<!tpu.dma_semaphore, #tpu.memory_space<semaphore_mem>>)
      %dma_wait3A_260 = arith.constant 0 : i32
      %dma_wait3A_261 = tpu.memref_slice %arg10[%add3A_175, %dma_wait3A_260] : memref<10240x16xf32, #tpu.memory_space<vmem_shared>> -> memref<16x16xf32, #tpu.memory_space<vmem_shared>>
      %dma_wait3A_262 = arith.constant 0 : i32
      %dma_wait3A_263 = tpu.memref_slice %arg10[%add3A_175, %dma_wait3A_262] : memref<10240x16xf32, #tpu.memory_space<vmem_shared>> -> memref<16x16xf32, #tpu.memory_space<vmem_shared>>
      tpu.wait_dma2 semaphore(%run_scoped3A_255 : memref<!tpu.dma_semaphore, #tpu.memory_space<semaphore_mem>>) src(%arg8 : memref<16x16xf32, #tpu.memory_space<vmem>>) dst(%dma_wait3A_263 : memref<16x16xf32, #tpu.memory_space<vmem_shared>>)
      tpu.yield
    }) : () -> ()
    %add3A_176 = arith.constant 320 : i32
    %add3A_177 = arith.addi %mul3A_2, %add3A_176 : i32
    "tpu.region"() ({
      %run_scoped3A_255 = tpu.sem_alloc : memref<!tpu.dma_semaphore, #tpu.memory_space<semaphore_mem>>
      %dma_start3A_256 = arith.constant 0 : i32
      %dma_start3A_257 = tpu.memref_slice %arg10[%add3A_177, %dma_start3A_256] : memref<10240x16xf32, #tpu.memory_space<vmem_shared>> -> memref<16x16xf32, #tpu.memory_space<vmem_shared>>
      %dma_start3A_258 = arith.constant 0 : i32
      %dma_start3A_259 = tpu.memref_slice %arg10[%add3A_177, %dma_start3A_258] : memref<10240x16xf32, #tpu.memory_space<vmem_shared>> -> memref<16x16xf32, #tpu.memory_space<vmem_shared>>
      tpu.enqueue_dma source(%arg8 : memref<16x16xf32, #tpu.memory_space<vmem>>) target(%dma_start3A_259 : memref<16x16xf32, #tpu.memory_space<vmem_shared>>) target_semaphore(%run_scoped3A_255 : memref<!tpu.dma_semaphore, #tpu.memory_space<semaphore_mem>>)
      %dma_wait3A_260 = arith.constant 0 : i32
      %dma_wait3A_261 = tpu.memref_slice %arg10[%add3A_177, %dma_wait3A_260] : memref<10240x16xf32, #tpu.memory_space<vmem_shared>> -> memref<16x16xf32, #tpu.memory_space<vmem_shared>>
      %dma_wait3A_262 = arith.constant 0 : i32
      %dma_wait3A_263 = tpu.memref_slice %arg10[%add3A_177, %dma_wait3A_262] : memref<10240x16xf32, #tpu.memory_space<vmem_shared>> -> memref<16x16xf32, #tpu.memory_space<vmem_shared>>
      tpu.wait_dma2 semaphore(%run_scoped3A_255 : memref<!tpu.dma_semaphore, #tpu.memory_space<semaphore_mem>>) src(%arg8 : memref<16x16xf32, #tpu.memory_space<vmem>>) dst(%dma_wait3A_263 : memref<16x16xf32, #tpu.memory_space<vmem_shared>>)
      tpu.yield
    }) : () -> ()
    %add3A_178 = arith.constant 336 : i32
    %add3A_179 = arith.addi %mul3A_2, %add3A_178 : i32
    "tpu.region"() ({
      %run_scoped3A_255 = tpu.sem_alloc : memref<!tpu.dma_semaphore, #tpu.memory_space<semaphore_mem>>
      %dma_start3A_256 = arith.constant 0 : i32
      %dma_start3A_257 = tpu.memref_slice %arg10[%add3A_179, %dma_start3A_256] : memref<10240x16xf32, #tpu.memory_space<vmem_shared>> -> memref<16x16xf32, #tpu.memory_space<vmem_shared>>
      %dma_start3A_258 = arith.constant 0 : i32
      %dma_start3A_259 = tpu.memref_slice %arg10[%add3A_179, %dma_start3A_258] : memref<10240x16xf32, #tpu.memory_space<vmem_shared>> -> memref<16x16xf32, #tpu.memory_space<vmem_shared>>
      tpu.enqueue_dma source(%arg8 : memref<16x16xf32, #tpu.memory_space<vmem>>) target(%dma_start3A_259 : memref<16x16xf32, #tpu.memory_space<vmem_shared>>) target_semaphore(%run_scoped3A_255 : memref<!tpu.dma_semaphore, #tpu.memory_space<semaphore_mem>>)
      %dma_wait3A_260 = arith.constant 0 : i32
      %dma_wait3A_261 = tpu.memref_slice %arg10[%add3A_179, %dma_wait3A_260] : memref<10240x16xf32, #tpu.memory_space<vmem_shared>> -> memref<16x16xf32, #tpu.memory_space<vmem_shared>>
      %dma_wait3A_262 = arith.constant 0 : i32
      %dma_wait3A_263 = tpu.memref_slice %arg10[%add3A_179, %dma_wait3A_262] : memref<10240x16xf32, #tpu.memory_space<vmem_shared>> -> memref<16x16xf32, #tpu.memory_space<vmem_shared>>
      tpu.wait_dma2 semaphore(%run_scoped3A_255 : memref<!tpu.dma_semaphore, #tpu.memory_space<semaphore_mem>>) src(%arg8 : memref<16x16xf32, #tpu.memory_space<vmem>>) dst(%dma_wait3A_263 : memref<16x16xf32, #tpu.memory_space<vmem_shared>>)
      tpu.yield
    }) : () -> ()
    %add3A_180 = arith.constant 352 : i32
    %add3A_181 = arith.addi %mul3A_2, %add3A_180 : i32
    "tpu.region"() ({
      %run_scoped3A_255 = tpu.sem_alloc : memref<!tpu.dma_semaphore, #tpu.memory_space<semaphore_mem>>
      %dma_start3A_256 = arith.constant 0 : i32
      %dma_start3A_257 = tpu.memref_slice %arg10[%add3A_181, %dma_start3A_256] : memref<10240x16xf32, #tpu.memory_space<vmem_shared>> -> memref<16x16xf32, #tpu.memory_space<vmem_shared>>
      %dma_start3A_258 = arith.constant 0 : i32
      %dma_start3A_259 = tpu.memref_slice %arg10[%add3A_181, %dma_start3A_258] : memref<10240x16xf32, #tpu.memory_space<vmem_shared>> -> memref<16x16xf32, #tpu.memory_space<vmem_shared>>
      tpu.enqueue_dma source(%arg8 : memref<16x16xf32, #tpu.memory_space<vmem>>) target(%dma_start3A_259 : memref<16x16xf32, #tpu.memory_space<vmem_shared>>) target_semaphore(%run_scoped3A_255 : memref<!tpu.dma_semaphore, #tpu.memory_space<semaphore_mem>>)
      %dma_wait3A_260 = arith.constant 0 : i32
      %dma_wait3A_261 = tpu.memref_slice %arg10[%add3A_181, %dma_wait3A_260] : memref<10240x16xf32, #tpu.memory_space<vmem_shared>> -> memref<16x16xf32, #tpu.memory_space<vmem_shared>>
      %dma_wait3A_262 = arith.constant 0 : i32
      %dma_wait3A_263 = tpu.memref_slice %arg10[%add3A_181, %dma_wait3A_262] : memref<10240x16xf32, #tpu.memory_space<vmem_shared>> -> memref<16x16xf32, #tpu.memory_space<vmem_shared>>
      tpu.wait_dma2 semaphore(%run_scoped3A_255 : memref<!tpu.dma_semaphore, #tpu.memory_space<semaphore_mem>>) src(%arg8 : memref<16x16xf32, #tpu.memory_space<vmem>>) dst(%dma_wait3A_263 : memref<16x16xf32, #tpu.memory_space<vmem_shared>>)
      tpu.yield
    }) : () -> ()
    %add3A_182 = arith.constant 368 : i32
    %add3A_183 = arith.addi %mul3A_2, %add3A_182 : i32
    "tpu.region"() ({
      %run_scoped3A_255 = tpu.sem_alloc : memref<!tpu.dma_semaphore, #tpu.memory_space<semaphore_mem>>
      %dma_start3A_256 = arith.constant 0 : i32
      %dma_start3A_257 = tpu.memref_slice %arg10[%add3A_183, %dma_start3A_256] : memref<10240x16xf32, #tpu.memory_space<vmem_shared>> -> memref<16x16xf32, #tpu.memory_space<vmem_shared>>
      %dma_start3A_258 = arith.constant 0 : i32
      %dma_start3A_259 = tpu.memref_slice %arg10[%add3A_183, %dma_start3A_258] : memref<10240x16xf32, #tpu.memory_space<vmem_shared>> -> memref<16x16xf32, #tpu.memory_space<vmem_shared>>
      tpu.enqueue_dma source(%arg8 : memref<16x16xf32, #tpu.memory_space<vmem>>) target(%dma_start3A_259 : memref<16x16xf32, #tpu.memory_space<vmem_shared>>) target_semaphore(%run_scoped3A_255 : memref<!tpu.dma_semaphore, #tpu.memory_space<semaphore_mem>>)
      %dma_wait3A_260 = arith.constant 0 : i32
      %dma_wait3A_261 = tpu.memref_slice %arg10[%add3A_183, %dma_wait3A_260] : memref<10240x16xf32, #tpu.memory_space<vmem_shared>> -> memref<16x16xf32, #tpu.memory_space<vmem_shared>>
      %dma_wait3A_262 = arith.constant 0 : i32
      %dma_wait3A_263 = tpu.memref_slice %arg10[%add3A_183, %dma_wait3A_262] : memref<10240x16xf32, #tpu.memory_space<vmem_shared>> -> memref<16x16xf32, #tpu.memory_space<vmem_shared>>
      tpu.wait_dma2 semaphore(%run_scoped3A_255 : memref<!tpu.dma_semaphore, #tpu.memory_space<semaphore_mem>>) src(%arg8 : memref<16x16xf32, #tpu.memory_space<vmem>>) dst(%dma_wait3A_263 : memref<16x16xf32, #tpu.memory_space<vmem_shared>>)
      tpu.yield
    }) : () -> ()
    %add3A_184 = arith.constant 384 : i32
    %add3A_185 = arith.addi %mul3A_2, %add3A_184 : i32
    "tpu.region"() ({
      %run_scoped3A_255 = tpu.sem_alloc : memref<!tpu.dma_semaphore, #tpu.memory_space<semaphore_mem>>
      %dma_start3A_256 = arith.constant 0 : i32
      %dma_start3A_257 = tpu.memref_slice %arg10[%add3A_185, %dma_start3A_256] : memref<10240x16xf32, #tpu.memory_space<vmem_shared>> -> memref<16x16xf32, #tpu.memory_space<vmem_shared>>
      %dma_start3A_258 = arith.constant 0 : i32
      %dma_start3A_259 = tpu.memref_slice %arg10[%add3A_185, %dma_start3A_258] : memref<10240x16xf32, #tpu.memory_space<vmem_shared>> -> memref<16x16xf32, #tpu.memory_space<vmem_shared>>
      tpu.enqueue_dma source(%arg8 : memref<16x16xf32, #tpu.memory_space<vmem>>) target(%dma_start3A_259 : memref<16x16xf32, #tpu.memory_space<vmem_shared>>) target_semaphore(%run_scoped3A_255 : memref<!tpu.dma_semaphore, #tpu.memory_space<semaphore_mem>>)
      %dma_wait3A_260 = arith.constant 0 : i32
      %dma_wait3A_261 = tpu.memref_slice %arg10[%add3A_185, %dma_wait3A_260] : memref<10240x16xf32, #tpu.memory_space<vmem_shared>> -> memref<16x16xf32, #tpu.memory_space<vmem_shared>>
      %dma_wait3A_262 = arith.constant 0 : i32
      %dma_wait3A_263 = tpu.memref_slice %arg10[%add3A_185, %dma_wait3A_262] : memref<10240x16xf32, #tpu.memory_space<vmem_shared>> -> memref<16x16xf32, #tpu.memory_space<vmem_shared>>
      tpu.wait_dma2 semaphore(%run_scoped3A_255 : memref<!tpu.dma_semaphore, #tpu.memory_space<semaphore_mem>>) src(%arg8 : memref<16x16xf32, #tpu.memory_space<vmem>>) dst(%dma_wait3A_263 : memref<16x16xf32, #tpu.memory_space<vmem_shared>>)
      tpu.yield
    }) : () -> ()
    %add3A_186 = arith.constant 400 : i32
    %add3A_187 = arith.addi %mul3A_2, %add3A_186 : i32
    "tpu.region"() ({
      %run_scoped3A_255 = tpu.sem_alloc : memref<!tpu.dma_semaphore, #tpu.memory_space<semaphore_mem>>
      %dma_start3A_256 = arith.constant 0 : i32
      %dma_start3A_257 = tpu.memref_slice %arg10[%add3A_187, %dma_start3A_256] : memref<10240x16xf32, #tpu.memory_space<vmem_shared>> -> memref<16x16xf32, #tpu.memory_space<vmem_shared>>
      %dma_start3A_258 = arith.constant 0 : i32
      %dma_start3A_259 = tpu.memref_slice %arg10[%add3A_187, %dma_start3A_258] : memref<10240x16xf32, #tpu.memory_space<vmem_shared>> -> memref<16x16xf32, #tpu.memory_space<vmem_shared>>
      tpu.enqueue_dma source(%arg8 : memref<16x16xf32, #tpu.memory_space<vmem>>) target(%dma_start3A_259 : memref<16x16xf32, #tpu.memory_space<vmem_shared>>) target_semaphore(%run_scoped3A_255 : memref<!tpu.dma_semaphore, #tpu.memory_space<semaphore_mem>>)
      %dma_wait3A_260 = arith.constant 0 : i32
      %dma_wait3A_261 = tpu.memref_slice %arg10[%add3A_187, %dma_wait3A_260] : memref<10240x16xf32, #tpu.memory_space<vmem_shared>> -> memref<16x16xf32, #tpu.memory_space<vmem_shared>>
      %dma_wait3A_262 = arith.constant 0 : i32
      %dma_wait3A_263 = tpu.memref_slice %arg10[%add3A_187, %dma_wait3A_262] : memref<10240x16xf32, #tpu.memory_space<vmem_shared>> -> memref<16x16xf32, #tpu.memory_space<vmem_shared>>
      tpu.wait_dma2 semaphore(%run_scoped3A_255 : memref<!tpu.dma_semaphore, #tpu.memory_space<semaphore_mem>>) src(%arg8 : memref<16x16xf32, #tpu.memory_space<vmem>>) dst(%dma_wait3A_263 : memref<16x16xf32, #tpu.memory_space<vmem_shared>>)
      tpu.yield
    }) : () -> ()
    %add3A_188 = arith.constant 416 : i32
    %add3A_189 = arith.addi %mul3A_2, %add3A_188 : i32
    "tpu.region"() ({
      %run_scoped3A_255 = tpu.sem_alloc : memref<!tpu.dma_semaphore, #tpu.memory_space<semaphore_mem>>
      %dma_start3A_256 = arith.constant 0 : i32
      %dma_start3A_257 = tpu.memref_slice %arg10[%add3A_189, %dma_start3A_256] : memref<10240x16xf32, #tpu.memory_space<vmem_shared>> -> memref<16x16xf32, #tpu.memory_space<vmem_shared>>
      %dma_start3A_258 = arith.constant 0 : i32
      %dma_start3A_259 = tpu.memref_slice %arg10[%add3A_189, %dma_start3A_258] : memref<10240x16xf32, #tpu.memory_space<vmem_shared>> -> memref<16x16xf32, #tpu.memory_space<vmem_shared>>
      tpu.enqueue_dma source(%arg8 : memref<16x16xf32, #tpu.memory_space<vmem>>) target(%dma_start3A_259 : memref<16x16xf32, #tpu.memory_space<vmem_shared>>) target_semaphore(%run_scoped3A_255 : memref<!tpu.dma_semaphore, #tpu.memory_space<semaphore_mem>>)
      %dma_wait3A_260 = arith.constant 0 : i32
      %dma_wait3A_261 = tpu.memref_slice %arg10[%add3A_189, %dma_wait3A_260] : memref<10240x16xf32, #tpu.memory_space<vmem_shared>> -> memref<16x16xf32, #tpu.memory_space<vmem_shared>>
      %dma_wait3A_262 = arith.constant 0 : i32
      %dma_wait3A_263 = tpu.memref_slice %arg10[%add3A_189, %dma_wait3A_262] : memref<10240x16xf32, #tpu.memory_space<vmem_shared>> -> memref<16x16xf32, #tpu.memory_space<vmem_shared>>
      tpu.wait_dma2 semaphore(%run_scoped3A_255 : memref<!tpu.dma_semaphore, #tpu.memory_space<semaphore_mem>>) src(%arg8 : memref<16x16xf32, #tpu.memory_space<vmem>>) dst(%dma_wait3A_263 : memref<16x16xf32, #tpu.memory_space<vmem_shared>>)
      tpu.yield
    }) : () -> ()
    %add3A_190 = arith.constant 432 : i32
    %add3A_191 = arith.addi %mul3A_2, %add3A_190 : i32
    "tpu.region"() ({
      %run_scoped3A_255 = tpu.sem_alloc : memref<!tpu.dma_semaphore, #tpu.memory_space<semaphore_mem>>
      %dma_start3A_256 = arith.constant 0 : i32
      %dma_start3A_257 = tpu.memref_slice %arg10[%add3A_191, %dma_start3A_256] : memref<10240x16xf32, #tpu.memory_space<vmem_shared>> -> memref<16x16xf32, #tpu.memory_space<vmem_shared>>
      %dma_start3A_258 = arith.constant 0 : i32
      %dma_start3A_259 = tpu.memref_slice %arg10[%add3A_191, %dma_start3A_258] : memref<10240x16xf32, #tpu.memory_space<vmem_shared>> -> memref<16x16xf32, #tpu.memory_space<vmem_shared>>
      tpu.enqueue_dma source(%arg8 : memref<16x16xf32, #tpu.memory_space<vmem>>) target(%dma_start3A_259 : memref<16x16xf32, #tpu.memory_space<vmem_shared>>) target_semaphore(%run_scoped3A_255 : memref<!tpu.dma_semaphore, #tpu.memory_space<semaphore_mem>>)
      %dma_wait3A_260 = arith.constant 0 : i32
      %dma_wait3A_261 = tpu.memref_slice %arg10[%add3A_191, %dma_wait3A_260] : memref<10240x16xf32, #tpu.memory_space<vmem_shared>> -> memref<16x16xf32, #tpu.memory_space<vmem_shared>>
      %dma_wait3A_262 = arith.constant 0 : i32
      %dma_wait3A_263 = tpu.memref_slice %arg10[%add3A_191, %dma_wait3A_262] : memref<10240x16xf32, #tpu.memory_space<vmem_shared>> -> memref<16x16xf32, #tpu.memory_space<vmem_shared>>
      tpu.wait_dma2 semaphore(%run_scoped3A_255 : memref<!tpu.dma_semaphore, #tpu.memory_space<semaphore_mem>>) src(%arg8 : memref<16x16xf32, #tpu.memory_space<vmem>>) dst(%dma_wait3A_263 : memref<16x16xf32, #tpu.memory_space<vmem_shared>>)
      tpu.yield
    }) : () -> ()
    %add3A_192 = arith.constant 448 : i32
    %add3A_193 = arith.addi %mul3A_2, %add3A_192 : i32
    "tpu.region"() ({
      %run_scoped3A_255 = tpu.sem_alloc : memref<!tpu.dma_semaphore, #tpu.memory_space<semaphore_mem>>
      %dma_start3A_256 = arith.constant 0 : i32
      %dma_start3A_257 = tpu.memref_slice %arg10[%add3A_193, %dma_start3A_256] : memref<10240x16xf32, #tpu.memory_space<vmem_shared>> -> memref<16x16xf32, #tpu.memory_space<vmem_shared>>
      %dma_start3A_258 = arith.constant 0 : i32
      %dma_start3A_259 = tpu.memref_slice %arg10[%add3A_193, %dma_start3A_258] : memref<10240x16xf32, #tpu.memory_space<vmem_shared>> -> memref<16x16xf32, #tpu.memory_space<vmem_shared>>
      tpu.enqueue_dma source(%arg8 : memref<16x16xf32, #tpu.memory_space<vmem>>) target(%dma_start3A_259 : memref<16x16xf32, #tpu.memory_space<vmem_shared>>) target_semaphore(%run_scoped3A_255 : memref<!tpu.dma_semaphore, #tpu.memory_space<semaphore_mem>>)
      %dma_wait3A_260 = arith.constant 0 : i32
      %dma_wait3A_261 = tpu.memref_slice %arg10[%add3A_193, %dma_wait3A_260] : memref<10240x16xf32, #tpu.memory_space<vmem_shared>> -> memref<16x16xf32, #tpu.memory_space<vmem_shared>>
      %dma_wait3A_262 = arith.constant 0 : i32
      %dma_wait3A_263 = tpu.memref_slice %arg10[%add3A_193, %dma_wait3A_262] : memref<10240x16xf32, #tpu.memory_space<vmem_shared>> -> memref<16x16xf32, #tpu.memory_space<vmem_shared>>
      tpu.wait_dma2 semaphore(%run_scoped3A_255 : memref<!tpu.dma_semaphore, #tpu.memory_space<semaphore_mem>>) src(%arg8 : memref<16x16xf32, #tpu.memory_space<vmem>>) dst(%dma_wait3A_263 : memref<16x16xf32, #tpu.memory_space<vmem_shared>>)
      tpu.yield
    }) : () -> ()
    %add3A_194 = arith.constant 464 : i32
    %add3A_195 = arith.addi %mul3A_2, %add3A_194 : i32
    "tpu.region"() ({
      %run_scoped3A_255 = tpu.sem_alloc : memref<!tpu.dma_semaphore, #tpu.memory_space<semaphore_mem>>
      %dma_start3A_256 = arith.constant 0 : i32
      %dma_start3A_257 = tpu.memref_slice %arg10[%add3A_195, %dma_start3A_256] : memref<10240x16xf32, #tpu.memory_space<vmem_shared>> -> memref<16x16xf32, #tpu.memory_space<vmem_shared>>
      %dma_start3A_258 = arith.constant 0 : i32
      %dma_start3A_259 = tpu.memref_slice %arg10[%add3A_195, %dma_start3A_258] : memref<10240x16xf32, #tpu.memory_space<vmem_shared>> -> memref<16x16xf32, #tpu.memory_space<vmem_shared>>
      tpu.enqueue_dma source(%arg8 : memref<16x16xf32, #tpu.memory_space<vmem>>) target(%dma_start3A_259 : memref<16x16xf32, #tpu.memory_space<vmem_shared>>) target_semaphore(%run_scoped3A_255 : memref<!tpu.dma_semaphore, #tpu.memory_space<semaphore_mem>>)
      %dma_wait3A_260 = arith.constant 0 : i32
      %dma_wait3A_261 = tpu.memref_slice %arg10[%add3A_195, %dma_wait3A_260] : memref<10240x16xf32, #tpu.memory_space<vmem_shared>> -> memref<16x16xf32, #tpu.memory_space<vmem_shared>>
      %dma_wait3A_262 = arith.constant 0 : i32
      %dma_wait3A_263 = tpu.memref_slice %arg10[%add3A_195, %dma_wait3A_262] : memref<10240x16xf32, #tpu.memory_space<vmem_shared>> -> memref<16x16xf32, #tpu.memory_space<vmem_shared>>
      tpu.wait_dma2 semaphore(%run_scoped3A_255 : memref<!tpu.dma_semaphore, #tpu.memory_space<semaphore_mem>>) src(%arg8 : memref<16x16xf32, #tpu.memory_space<vmem>>) dst(%dma_wait3A_263 : memref<16x16xf32, #tpu.memory_space<vmem_shared>>)
      tpu.yield
    }) : () -> ()
    %add3A_196 = arith.constant 480 : i32
    %add3A_197 = arith.addi %mul3A_2, %add3A_196 : i32
    "tpu.region"() ({
      %run_scoped3A_255 = tpu.sem_alloc : memref<!tpu.dma_semaphore, #tpu.memory_space<semaphore_mem>>
      %dma_start3A_256 = arith.constant 0 : i32
      %dma_start3A_257 = tpu.memref_slice %arg10[%add3A_197, %dma_start3A_256] : memref<10240x16xf32, #tpu.memory_space<vmem_shared>> -> memref<16x16xf32, #tpu.memory_space<vmem_shared>>
      %dma_start3A_258 = arith.constant 0 : i32
      %dma_start3A_259 = tpu.memref_slice %arg10[%add3A_197, %dma_start3A_258] : memref<10240x16xf32, #tpu.memory_space<vmem_shared>> -> memref<16x16xf32, #tpu.memory_space<vmem_shared>>
      tpu.enqueue_dma source(%arg8 : memref<16x16xf32, #tpu.memory_space<vmem>>) target(%dma_start3A_259 : memref<16x16xf32, #tpu.memory_space<vmem_shared>>) target_semaphore(%run_scoped3A_255 : memref<!tpu.dma_semaphore, #tpu.memory_space<semaphore_mem>>)
      %dma_wait3A_260 = arith.constant 0 : i32
      %dma_wait3A_261 = tpu.memref_slice %arg10[%add3A_197, %dma_wait3A_260] : memref<10240x16xf32, #tpu.memory_space<vmem_shared>> -> memref<16x16xf32, #tpu.memory_space<vmem_shared>>
      %dma_wait3A_262 = arith.constant 0 : i32
      %dma_wait3A_263 = tpu.memref_slice %arg10[%add3A_197, %dma_wait3A_262] : memref<10240x16xf32, #tpu.memory_space<vmem_shared>> -> memref<16x16xf32, #tpu.memory_space<vmem_shared>>
      tpu.wait_dma2 semaphore(%run_scoped3A_255 : memref<!tpu.dma_semaphore, #tpu.memory_space<semaphore_mem>>) src(%arg8 : memref<16x16xf32, #tpu.memory_space<vmem>>) dst(%dma_wait3A_263 : memref<16x16xf32, #tpu.memory_space<vmem_shared>>)
      tpu.yield
    }) : () -> ()
    %add3A_198 = arith.constant 496 : i32
    %add3A_199 = arith.addi %mul3A_2, %add3A_198 : i32
    "tpu.region"() ({
      %run_scoped3A_255 = tpu.sem_alloc : memref<!tpu.dma_semaphore, #tpu.memory_space<semaphore_mem>>
      %dma_start3A_256 = arith.constant 0 : i32
      %dma_start3A_257 = tpu.memref_slice %arg10[%add3A_199, %dma_start3A_256] : memref<10240x16xf32, #tpu.memory_space<vmem_shared>> -> memref<16x16xf32, #tpu.memory_space<vmem_shared>>
      %dma_start3A_258 = arith.constant 0 : i32
      %dma_start3A_259 = tpu.memref_slice %arg10[%add3A_199, %dma_start3A_258] : memref<10240x16xf32, #tpu.memory_space<vmem_shared>> -> memref<16x16xf32, #tpu.memory_space<vmem_shared>>
      tpu.enqueue_dma source(%arg8 : memref<16x16xf32, #tpu.memory_space<vmem>>) target(%dma_start3A_259 : memref<16x16xf32, #tpu.memory_space<vmem_shared>>) target_semaphore(%run_scoped3A_255 : memref<!tpu.dma_semaphore, #tpu.memory_space<semaphore_mem>>)
      %dma_wait3A_260 = arith.constant 0 : i32
      %dma_wait3A_261 = tpu.memref_slice %arg10[%add3A_199, %dma_wait3A_260] : memref<10240x16xf32, #tpu.memory_space<vmem_shared>> -> memref<16x16xf32, #tpu.memory_space<vmem_shared>>
      %dma_wait3A_262 = arith.constant 0 : i32
      %dma_wait3A_263 = tpu.memref_slice %arg10[%add3A_199, %dma_wait3A_262] : memref<10240x16xf32, #tpu.memory_space<vmem_shared>> -> memref<16x16xf32, #tpu.memory_space<vmem_shared>>
      tpu.wait_dma2 semaphore(%run_scoped3A_255 : memref<!tpu.dma_semaphore, #tpu.memory_space<semaphore_mem>>) src(%arg8 : memref<16x16xf32, #tpu.memory_space<vmem>>) dst(%dma_wait3A_263 : memref<16x16xf32, #tpu.memory_space<vmem_shared>>)
      tpu.yield
    }) : () -> ()
    %add3A_200 = arith.constant 512 : i32
    %add3A_201 = arith.addi %mul3A_2, %add3A_200 : i32
    "tpu.region"() ({
      %run_scoped3A_255 = tpu.sem_alloc : memref<!tpu.dma_semaphore, #tpu.memory_space<semaphore_mem>>
      %dma_start3A_256 = arith.constant 0 : i32
      %dma_start3A_257 = tpu.memref_slice %arg10[%add3A_201, %dma_start3A_256] : memref<10240x16xf32, #tpu.memory_space<vmem_shared>> -> memref<16x16xf32, #tpu.memory_space<vmem_shared>>
      %dma_start3A_258 = arith.constant 0 : i32
      %dma_start3A_259 = tpu.memref_slice %arg10[%add3A_201, %dma_start3A_258] : memref<10240x16xf32, #tpu.memory_space<vmem_shared>> -> memref<16x16xf32, #tpu.memory_space<vmem_shared>>
      tpu.enqueue_dma source(%arg8 : memref<16x16xf32, #tpu.memory_space<vmem>>) target(%dma_start3A_259 : memref<16x16xf32, #tpu.memory_space<vmem_shared>>) target_semaphore(%run_scoped3A_255 : memref<!tpu.dma_semaphore, #tpu.memory_space<semaphore_mem>>)
      %dma_wait3A_260 = arith.constant 0 : i32
      %dma_wait3A_261 = tpu.memref_slice %arg10[%add3A_201, %dma_wait3A_260] : memref<10240x16xf32, #tpu.memory_space<vmem_shared>> -> memref<16x16xf32, #tpu.memory_space<vmem_shared>>
      %dma_wait3A_262 = arith.constant 0 : i32
      %dma_wait3A_263 = tpu.memref_slice %arg10[%add3A_201, %dma_wait3A_262] : memref<10240x16xf32, #tpu.memory_space<vmem_shared>> -> memref<16x16xf32, #tpu.memory_space<vmem_shared>>
      tpu.wait_dma2 semaphore(%run_scoped3A_255 : memref<!tpu.dma_semaphore, #tpu.memory_space<semaphore_mem>>) src(%arg8 : memref<16x16xf32, #tpu.memory_space<vmem>>) dst(%dma_wait3A_263 : memref<16x16xf32, #tpu.memory_space<vmem_shared>>)
      tpu.yield
    }) : () -> ()
    %add3A_202 = arith.constant 528 : i32
    %add3A_203 = arith.addi %mul3A_2, %add3A_202 : i32
    "tpu.region"() ({
      %run_scoped3A_255 = tpu.sem_alloc : memref<!tpu.dma_semaphore, #tpu.memory_space<semaphore_mem>>
      %dma_start3A_256 = arith.constant 0 : i32
      %dma_start3A_257 = tpu.memref_slice %arg10[%add3A_203, %dma_start3A_256] : memref<10240x16xf32, #tpu.memory_space<vmem_shared>> -> memref<16x16xf32, #tpu.memory_space<vmem_shared>>
      %dma_start3A_258 = arith.constant 0 : i32
      %dma_start3A_259 = tpu.memref_slice %arg10[%add3A_203, %dma_start3A_258] : memref<10240x16xf32, #tpu.memory_space<vmem_shared>> -> memref<16x16xf32, #tpu.memory_space<vmem_shared>>
      tpu.enqueue_dma source(%arg8 : memref<16x16xf32, #tpu.memory_space<vmem>>) target(%dma_start3A_259 : memref<16x16xf32, #tpu.memory_space<vmem_shared>>) target_semaphore(%run_scoped3A_255 : memref<!tpu.dma_semaphore, #tpu.memory_space<semaphore_mem>>)
      %dma_wait3A_260 = arith.constant 0 : i32
      %dma_wait3A_261 = tpu.memref_slice %arg10[%add3A_203, %dma_wait3A_260] : memref<10240x16xf32, #tpu.memory_space<vmem_shared>> -> memref<16x16xf32, #tpu.memory_space<vmem_shared>>
      %dma_wait3A_262 = arith.constant 0 : i32
      %dma_wait3A_263 = tpu.memref_slice %arg10[%add3A_203, %dma_wait3A_262] : memref<10240x16xf32, #tpu.memory_space<vmem_shared>> -> memref<16x16xf32, #tpu.memory_space<vmem_shared>>
      tpu.wait_dma2 semaphore(%run_scoped3A_255 : memref<!tpu.dma_semaphore, #tpu.memory_space<semaphore_mem>>) src(%arg8 : memref<16x16xf32, #tpu.memory_space<vmem>>) dst(%dma_wait3A_263 : memref<16x16xf32, #tpu.memory_space<vmem_shared>>)
      tpu.yield
    }) : () -> ()
    %add3A_204 = arith.constant 544 : i32
    %add3A_205 = arith.addi %mul3A_2, %add3A_204 : i32
    "tpu.region"() ({
      %run_scoped3A_255 = tpu.sem_alloc : memref<!tpu.dma_semaphore, #tpu.memory_space<semaphore_mem>>
      %dma_start3A_256 = arith.constant 0 : i32
      %dma_start3A_257 = tpu.memref_slice %arg10[%add3A_205, %dma_start3A_256] : memref<10240x16xf32, #tpu.memory_space<vmem_shared>> -> memref<16x16xf32, #tpu.memory_space<vmem_shared>>
      %dma_start3A_258 = arith.constant 0 : i32
      %dma_start3A_259 = tpu.memref_slice %arg10[%add3A_205, %dma_start3A_258] : memref<10240x16xf32, #tpu.memory_space<vmem_shared>> -> memref<16x16xf32, #tpu.memory_space<vmem_shared>>
      tpu.enqueue_dma source(%arg8 : memref<16x16xf32, #tpu.memory_space<vmem>>) target(%dma_start3A_259 : memref<16x16xf32, #tpu.memory_space<vmem_shared>>) target_semaphore(%run_scoped3A_255 : memref<!tpu.dma_semaphore, #tpu.memory_space<semaphore_mem>>)
      %dma_wait3A_260 = arith.constant 0 : i32
      %dma_wait3A_261 = tpu.memref_slice %arg10[%add3A_205, %dma_wait3A_260] : memref<10240x16xf32, #tpu.memory_space<vmem_shared>> -> memref<16x16xf32, #tpu.memory_space<vmem_shared>>
      %dma_wait3A_262 = arith.constant 0 : i32
      %dma_wait3A_263 = tpu.memref_slice %arg10[%add3A_205, %dma_wait3A_262] : memref<10240x16xf32, #tpu.memory_space<vmem_shared>> -> memref<16x16xf32, #tpu.memory_space<vmem_shared>>
      tpu.wait_dma2 semaphore(%run_scoped3A_255 : memref<!tpu.dma_semaphore, #tpu.memory_space<semaphore_mem>>) src(%arg8 : memref<16x16xf32, #tpu.memory_space<vmem>>) dst(%dma_wait3A_263 : memref<16x16xf32, #tpu.memory_space<vmem_shared>>)
      tpu.yield
    }) : () -> ()
    %add3A_206 = arith.constant 560 : i32
    %add3A_207 = arith.addi %mul3A_2, %add3A_206 : i32
    "tpu.region"() ({
      %run_scoped3A_255 = tpu.sem_alloc : memref<!tpu.dma_semaphore, #tpu.memory_space<semaphore_mem>>
      %dma_start3A_256 = arith.constant 0 : i32
      %dma_start3A_257 = tpu.memref_slice %arg10[%add3A_207, %dma_start3A_256] : memref<10240x16xf32, #tpu.memory_space<vmem_shared>> -> memref<16x16xf32, #tpu.memory_space<vmem_shared>>
      %dma_start3A_258 = arith.constant 0 : i32
      %dma_start3A_259 = tpu.memref_slice %arg10[%add3A_207, %dma_start3A_258] : memref<10240x16xf32, #tpu.memory_space<vmem_shared>> -> memref<16x16xf32, #tpu.memory_space<vmem_shared>>
      tpu.enqueue_dma source(%arg8 : memref<16x16xf32, #tpu.memory_space<vmem>>) target(%dma_start3A_259 : memref<16x16xf32, #tpu.memory_space<vmem_shared>>) target_semaphore(%run_scoped3A_255 : memref<!tpu.dma_semaphore, #tpu.memory_space<semaphore_mem>>)
      %dma_wait3A_260 = arith.constant 0 : i32
      %dma_wait3A_261 = tpu.memref_slice %arg10[%add3A_207, %dma_wait3A_260] : memref<10240x16xf32, #tpu.memory_space<vmem_shared>> -> memref<16x16xf32, #tpu.memory_space<vmem_shared>>
      %dma_wait3A_262 = arith.constant 0 : i32
      %dma_wait3A_263 = tpu.memref_slice %arg10[%add3A_207, %dma_wait3A_262] : memref<10240x16xf32, #tpu.memory_space<vmem_shared>> -> memref<16x16xf32, #tpu.memory_space<vmem_shared>>
      tpu.wait_dma2 semaphore(%run_scoped3A_255 : memref<!tpu.dma_semaphore, #tpu.memory_space<semaphore_mem>>) src(%arg8 : memref<16x16xf32, #tpu.memory_space<vmem>>) dst(%dma_wait3A_263 : memref<16x16xf32, #tpu.memory_space<vmem_shared>>)
      tpu.yield
    }) : () -> ()
    %add3A_208 = arith.constant 576 : i32
    %add3A_209 = arith.addi %mul3A_2, %add3A_208 : i32
    "tpu.region"() ({
      %run_scoped3A_255 = tpu.sem_alloc : memref<!tpu.dma_semaphore, #tpu.memory_space<semaphore_mem>>
      %dma_start3A_256 = arith.constant 0 : i32
      %dma_start3A_257 = tpu.memref_slice %arg10[%add3A_209, %dma_start3A_256] : memref<10240x16xf32, #tpu.memory_space<vmem_shared>> -> memref<16x16xf32, #tpu.memory_space<vmem_shared>>
      %dma_start3A_258 = arith.constant 0 : i32
      %dma_start3A_259 = tpu.memref_slice %arg10[%add3A_209, %dma_start3A_258] : memref<10240x16xf32, #tpu.memory_space<vmem_shared>> -> memref<16x16xf32, #tpu.memory_space<vmem_shared>>
      tpu.enqueue_dma source(%arg8 : memref<16x16xf32, #tpu.memory_space<vmem>>) target(%dma_start3A_259 : memref<16x16xf32, #tpu.memory_space<vmem_shared>>) target_semaphore(%run_scoped3A_255 : memref<!tpu.dma_semaphore, #tpu.memory_space<semaphore_mem>>)
      %dma_wait3A_260 = arith.constant 0 : i32
      %dma_wait3A_261 = tpu.memref_slice %arg10[%add3A_209, %dma_wait3A_260] : memref<10240x16xf32, #tpu.memory_space<vmem_shared>> -> memref<16x16xf32, #tpu.memory_space<vmem_shared>>
      %dma_wait3A_262 = arith.constant 0 : i32
      %dma_wait3A_263 = tpu.memref_slice %arg10[%add3A_209, %dma_wait3A_262] : memref<10240x16xf32, #tpu.memory_space<vmem_shared>> -> memref<16x16xf32, #tpu.memory_space<vmem_shared>>
      tpu.wait_dma2 semaphore(%run_scoped3A_255 : memref<!tpu.dma_semaphore, #tpu.memory_space<semaphore_mem>>) src(%arg8 : memref<16x16xf32, #tpu.memory_space<vmem>>) dst(%dma_wait3A_263 : memref<16x16xf32, #tpu.memory_space<vmem_shared>>)
      tpu.yield
    }) : () -> ()
    %add3A_210 = arith.constant 592 : i32
    %add3A_211 = arith.addi %mul3A_2, %add3A_210 : i32
    "tpu.region"() ({
      %run_scoped3A_255 = tpu.sem_alloc : memref<!tpu.dma_semaphore, #tpu.memory_space<semaphore_mem>>
      %dma_start3A_256 = arith.constant 0 : i32
      %dma_start3A_257 = tpu.memref_slice %arg10[%add3A_211, %dma_start3A_256] : memref<10240x16xf32, #tpu.memory_space<vmem_shared>> -> memref<16x16xf32, #tpu.memory_space<vmem_shared>>
      %dma_start3A_258 = arith.constant 0 : i32
      %dma_start3A_259 = tpu.memref_slice %arg10[%add3A_211, %dma_start3A_258] : memref<10240x16xf32, #tpu.memory_space<vmem_shared>> -> memref<16x16xf32, #tpu.memory_space<vmem_shared>>
      tpu.enqueue_dma source(%arg8 : memref<16x16xf32, #tpu.memory_space<vmem>>) target(%dma_start3A_259 : memref<16x16xf32, #tpu.memory_space<vmem_shared>>) target_semaphore(%run_scoped3A_255 : memref<!tpu.dma_semaphore, #tpu.memory_space<semaphore_mem>>)
      %dma_wait3A_260 = arith.constant 0 : i32
      %dma_wait3A_261 = tpu.memref_slice %arg10[%add3A_211, %dma_wait3A_260] : memref<10240x16xf32, #tpu.memory_space<vmem_shared>> -> memref<16x16xf32, #tpu.memory_space<vmem_shared>>
      %dma_wait3A_262 = arith.constant 0 : i32
      %dma_wait3A_263 = tpu.memref_slice %arg10[%add3A_211, %dma_wait3A_262] : memref<10240x16xf32, #tpu.memory_space<vmem_shared>> -> memref<16x16xf32, #tpu.memory_space<vmem_shared>>
      tpu.wait_dma2 semaphore(%run_scoped3A_255 : memref<!tpu.dma_semaphore, #tpu.memory_space<semaphore_mem>>) src(%arg8 : memref<16x16xf32, #tpu.memory_space<vmem>>) dst(%dma_wait3A_263 : memref<16x16xf32, #tpu.memory_space<vmem_shared>>)
      tpu.yield
    }) : () -> ()
    %add3A_212 = arith.constant 608 : i32
    %add3A_213 = arith.addi %mul3A_2, %add3A_212 : i32
    "tpu.region"() ({
      %run_scoped3A_255 = tpu.sem_alloc : memref<!tpu.dma_semaphore, #tpu.memory_space<semaphore_mem>>
      %dma_start3A_256 = arith.constant 0 : i32
      %dma_start3A_257 = tpu.memref_slice %arg10[%add3A_213, %dma_start3A_256] : memref<10240x16xf32, #tpu.memory_space<vmem_shared>> -> memref<16x16xf32, #tpu.memory_space<vmem_shared>>
      %dma_start3A_258 = arith.constant 0 : i32
      %dma_start3A_259 = tpu.memref_slice %arg10[%add3A_213, %dma_start3A_258] : memref<10240x16xf32, #tpu.memory_space<vmem_shared>> -> memref<16x16xf32, #tpu.memory_space<vmem_shared>>
      tpu.enqueue_dma source(%arg8 : memref<16x16xf32, #tpu.memory_space<vmem>>) target(%dma_start3A_259 : memref<16x16xf32, #tpu.memory_space<vmem_shared>>) target_semaphore(%run_scoped3A_255 : memref<!tpu.dma_semaphore, #tpu.memory_space<semaphore_mem>>)
      %dma_wait3A_260 = arith.constant 0 : i32
      %dma_wait3A_261 = tpu.memref_slice %arg10[%add3A_213, %dma_wait3A_260] : memref<10240x16xf32, #tpu.memory_space<vmem_shared>> -> memref<16x16xf32, #tpu.memory_space<vmem_shared>>
      %dma_wait3A_262 = arith.constant 0 : i32
      %dma_wait3A_263 = tpu.memref_slice %arg10[%add3A_213, %dma_wait3A_262] : memref<10240x16xf32, #tpu.memory_space<vmem_shared>> -> memref<16x16xf32, #tpu.memory_space<vmem_shared>>
      tpu.wait_dma2 semaphore(%run_scoped3A_255 : memref<!tpu.dma_semaphore, #tpu.memory_space<semaphore_mem>>) src(%arg8 : memref<16x16xf32, #tpu.memory_space<vmem>>) dst(%dma_wait3A_263 : memref<16x16xf32, #tpu.memory_space<vmem_shared>>)
      tpu.yield
    }) : () -> ()
    %add3A_214 = arith.constant 624 : i32
    %add3A_215 = arith.addi %mul3A_2, %add3A_214 : i32
    "tpu.region"() ({
      %run_scoped3A_255 = tpu.sem_alloc : memref<!tpu.dma_semaphore, #tpu.memory_space<semaphore_mem>>
      %dma_start3A_256 = arith.constant 0 : i32
      %dma_start3A_257 = tpu.memref_slice %arg10[%add3A_215, %dma_start3A_256] : memref<10240x16xf32, #tpu.memory_space<vmem_shared>> -> memref<16x16xf32, #tpu.memory_space<vmem_shared>>
      %dma_start3A_258 = arith.constant 0 : i32
      %dma_start3A_259 = tpu.memref_slice %arg10[%add3A_215, %dma_start3A_258] : memref<10240x16xf32, #tpu.memory_space<vmem_shared>> -> memref<16x16xf32, #tpu.memory_space<vmem_shared>>
      tpu.enqueue_dma source(%arg8 : memref<16x16xf32, #tpu.memory_space<vmem>>) target(%dma_start3A_259 : memref<16x16xf32, #tpu.memory_space<vmem_shared>>) target_semaphore(%run_scoped3A_255 : memref<!tpu.dma_semaphore, #tpu.memory_space<semaphore_mem>>)
      %dma_wait3A_260 = arith.constant 0 : i32
      %dma_wait3A_261 = tpu.memref_slice %arg10[%add3A_215, %dma_wait3A_260] : memref<10240x16xf32, #tpu.memory_space<vmem_shared>> -> memref<16x16xf32, #tpu.memory_space<vmem_shared>>
      %dma_wait3A_262 = arith.constant 0 : i32
      %dma_wait3A_263 = tpu.memref_slice %arg10[%add3A_215, %dma_wait3A_262] : memref<10240x16xf32, #tpu.memory_space<vmem_shared>> -> memref<16x16xf32, #tpu.memory_space<vmem_shared>>
      tpu.wait_dma2 semaphore(%run_scoped3A_255 : memref<!tpu.dma_semaphore, #tpu.memory_space<semaphore_mem>>) src(%arg8 : memref<16x16xf32, #tpu.memory_space<vmem>>) dst(%dma_wait3A_263 : memref<16x16xf32, #tpu.memory_space<vmem_shared>>)
      tpu.yield
    }) : () -> ()
    %barrier3A = arith.constant 0 : index
    tpu.barrier barrier_id(%barrier3A)
    %dma_start3A = arith.constant 0 : i32
    %dma_start3A_216 = arith.constant 0 : i32
    %dma_start3A_217 = arith.constant 0 : i32
    %dma_start3A_218 = arith.constant 0 : i32
    %dma_start3A_219 = tpu.memref_slice %arg7[%dma_start3A_216, %dma_start3A_217, %dma_start3A_218] : memref<2x128x16xf32, #tpu.memory_space<vmem>> -> memref<1x128x16xf32, #tpu.memory_space<vmem>>
    %dma_start3A_220 = tpu.memref_squeeze %dma_start3A_219 : memref<1x128x16xf32, #tpu.memory_space<vmem>> -> memref<128x16xf32, #tpu.memory_space<vmem>>
    %dma_start3A_221 = arith.constant 0 : i32
    %dma_start3A_222 = tpu.memref_slice %arg5[%dma_start3A, %dma_start3A_221] : memref<82x128xi32, #tpu.memory_space<vmem>> -> memref<1x128xi32, #tpu.memory_space<vmem>>
    %dma_start3A_223 = tpu.memref_squeeze %dma_start3A_222 : memref<1x128xi32, #tpu.memory_space<vmem>> -> memref<128xi32, #tpu.memory_space<vmem>>
    %dma_start3A_224 = arith.constant 0 : i32
    %dma_start3A_225 = arith.constant 0 : i32
    %dma_start3A_226 = tpu.memref_slice %arg9[%dma_start3A_224, %dma_start3A_225] : memref<10240x16xf32, #tpu.memory_space<vmem_shared>> -> memref<10240x16xf32, #tpu.memory_space<vmem_shared>>
    tpu.enqueue_indirect_dma source(%dma_start3A_226 : memref<10240x16xf32, #tpu.memory_space<vmem_shared>>) target(%dma_start3A_220 : memref<128x16xf32, #tpu.memory_space<vmem>>) offsets(%dma_start3A_223 : memref<128xi32, #tpu.memory_space<vmem>>) semaphore(%arg11 : memref<!tpu.dma_semaphore, #tpu.memory_space<semaphore_mem>>)
    %sub3A = arith.constant 0 : i32
    %sub3A_227 = arith.subi %select_n3A, %sub3A : i32
    %sub3A_228 = arith.constant 2 : i32
    %sub3A_229 = arith.constant 1 : i32
    %sub3A_230 = arith.subi %sub3A_228, %sub3A_229 : i32
    %add3A_231 = arith.addi %sub3A_227, %sub3A_230 : i32
    %div3A = arith.constant 2 : i32
    %div3A_232 = arith.divsi %add3A_231, %div3A : i32
    %while3A = arith.constant 2 : i32
    %while3A_233 = arith.constant 0 : i32
    %while3A_234 = arith.constant 0 : i32
    %while3A_235 = arith.subi %div3A_232, %while3A_234 : i32
    %while3A_236 = arith.addi %while3A_234, %while3A_235 : i32
    %while3A_237 = arith.constant 1 : i32
    %while3A_238 = arith.divsi %while3A_235, %while3A_237 : i32
    %while3A_239 = arith.muli %while3A_238, %while3A_237 : i32
    %while3A_240 = arith.addi %while3A_234, %while3A_239 : i32
    %while3A_241 = arith.constant 1 : i32
    scf.for %while3A_255 = %while3A_234 to %while3A_240 step %while3A_241  : i32 {
      %mul3A_256 = arith.muli %while3A_255, %while3A : i32
      %add3A_257 = arith.addi %while3A_233, %mul3A_256 : i32
      %add3A_258 = arith.constant 1 : i32
      %add3A_259 = arith.addi %add3A_257, %add3A_258 : i32
      %dma_start3A_260 = arith.constant 1 : i32
      %dma_start3A_261 = arith.constant 0 : i32
      %dma_start3A_262 = arith.constant 0 : i32
      %dma_start3A_263 = tpu.memref_slice %arg7[%dma_start3A_260, %dma_start3A_261, %dma_start3A_262] : memref<2x128x16xf32, #tpu.memory_space<vmem>> -> memref<1x128x16xf32, #tpu.memory_space<vmem>>
      %dma_start3A_264 = tpu.memref_squeeze %dma_start3A_263 : memref<1x128x16xf32, #tpu.memory_space<vmem>> -> memref<128x16xf32, #tpu.memory_space<vmem>>
      %dma_start3A_265 = arith.constant 0 : i32
      %dma_start3A_266 = tpu.memref_slice %arg5[%add3A_259, %dma_start3A_265] : memref<82x128xi32, #tpu.memory_space<vmem>> -> memref<1x128xi32, #tpu.memory_space<vmem>>
      %dma_start3A_267 = tpu.memref_squeeze %dma_start3A_266 : memref<1x128xi32, #tpu.memory_space<vmem>> -> memref<128xi32, #tpu.memory_space<vmem>>
      %dma_start3A_268 = arith.constant 0 : i32
      %dma_start3A_269 = arith.constant 0 : i32
      %dma_start3A_270 = tpu.memref_slice %arg9[%dma_start3A_268, %dma_start3A_269] : memref<10240x16xf32, #tpu.memory_space<vmem_shared>> -> memref<10240x16xf32, #tpu.memory_space<vmem_shared>>
      tpu.enqueue_indirect_dma source(%dma_start3A_270 : memref<10240x16xf32, #tpu.memory_space<vmem_shared>>) target(%dma_start3A_264 : memref<128x16xf32, #tpu.memory_space<vmem>>) offsets(%dma_start3A_267 : memref<128xi32, #tpu.memory_space<vmem>>) semaphore(%arg12 : memref<!tpu.dma_semaphore, #tpu.memory_space<semaphore_mem>>)
      %dma_wait3A_271 = arith.constant 0 : i32
      %dma_wait3A_272 = arith.constant 0 : i32
      %dma_wait3A_273 = arith.constant 0 : i32
      %dma_wait3A_274 = tpu.memref_slice %arg7[%dma_wait3A_271, %dma_wait3A_272, %dma_wait3A_273] : memref<2x128x16xf32, #tpu.memory_space<vmem>> -> memref<1x128x16xf32, #tpu.memory_space<vmem>>
      %dma_wait3A_275 = tpu.memref_squeeze %dma_wait3A_274 : memref<1x128x16xf32, #tpu.memory_space<vmem>> -> memref<128x16xf32, #tpu.memory_space<vmem>>
      %dma_wait3A_276 = arith.constant 0 : i32
      %dma_wait3A_277 = tpu.memref_slice %arg5[%add3A_257, %dma_wait3A_276] : memref<82x128xi32, #tpu.memory_space<vmem>> -> memref<1x128xi32, #tpu.memory_space<vmem>>
      %dma_wait3A_278 = tpu.memref_squeeze %dma_wait3A_277 : memref<1x128xi32, #tpu.memory_space<vmem>> -> memref<128xi32, #tpu.memory_space<vmem>>
      %dma_wait3A_279 = arith.constant 0 : i32
      %dma_wait3A_280 = arith.constant 0 : i32
      %dma_wait3A_281 = tpu.memref_slice %arg9[%dma_wait3A_279, %dma_wait3A_280] : memref<10240x16xf32, #tpu.memory_space<vmem_shared>> -> memref<10240x16xf32, #tpu.memory_space<vmem_shared>>
      tpu.wait_indirect_dma semaphore(%arg11 : memref<!tpu.dma_semaphore, #tpu.memory_space<semaphore_mem>>) src(%dma_wait3A_281 : memref<10240x16xf32, #tpu.memory_space<vmem_shared>>) dst(%dma_wait3A_275 : memref<128x16xf32, #tpu.memory_space<vmem>>)
      %run_scoped3A_282 = arith.constant 0 : i32
      "tpu.region"() ({
        %run_scoped3A_314 = tpu.sem_alloc : memref<!tpu.dma_semaphore, #tpu.memory_space<semaphore_mem>>
        %dma_start3A_315 = arith.constant 0 : i32
        %dma_start3A_316 = arith.constant 0 : i32
        %dma_start3A_317 = tpu.memref_slice %arg7[%run_scoped3A_282, %dma_start3A_315, %dma_start3A_316] : memref<2x128x16xf32, #tpu.memory_space<vmem>> -> memref<1x128x16xf32, #tpu.memory_space<vmem>>
        %dma_start3A_318 = tpu.memref_squeeze %dma_start3A_317 : memref<1x128x16xf32, #tpu.memory_space<vmem>> -> memref<128x16xf32, #tpu.memory_space<vmem>>
        %dma_start3A_319 = arith.constant 0 : i32
        %dma_start3A_320 = tpu.memref_slice %arg6[%add3A_257, %dma_start3A_319] : memref<82x128xi32, #tpu.memory_space<vmem>> -> memref<1x128xi32, #tpu.memory_space<vmem>>
        %dma_start3A_321 = tpu.memref_squeeze %dma_start3A_320 : memref<1x128xi32, #tpu.memory_space<vmem>> -> memref<128xi32, #tpu.memory_space<vmem>>
        %dma_start3A_322 = arith.constant 0 : i32
        %dma_start3A_323 = arith.constant 0 : i32
        %dma_start3A_324 = tpu.memref_slice %arg10[%dma_start3A_322, %dma_start3A_323] : memref<10240x16xf32, #tpu.memory_space<vmem_shared>> -> memref<10240x16xf32, #tpu.memory_space<vmem_shared>>
        tpu.enqueue_indirect_dma source(%dma_start3A_318 : memref<128x16xf32, #tpu.memory_space<vmem>>) target(%dma_start3A_324 : memref<10240x16xf32, #tpu.memory_space<vmem_shared>>) offsets(%dma_start3A_321 : memref<128xi32, #tpu.memory_space<vmem>>) semaphore(%run_scoped3A_314 : memref<!tpu.dma_semaphore, #tpu.memory_space<semaphore_mem>>) {add = true}
        %dma_wait3A_325 = arith.constant 0 : i32
        %dma_wait3A_326 = arith.constant 0 : i32
        %dma_wait3A_327 = tpu.memref_slice %arg7[%run_scoped3A_282, %dma_wait3A_325, %dma_wait3A_326] : memref<2x128x16xf32, #tpu.memory_space<vmem>> -> memref<1x128x16xf32, #tpu.memory_space<vmem>>
        %dma_wait3A_328 = tpu.memref_squeeze %dma_wait3A_327 : memref<1x128x16xf32, #tpu.memory_space<vmem>> -> memref<128x16xf32, #tpu.memory_space<vmem>>
        %dma_wait3A_329 = arith.constant 0 : i32
        %dma_wait3A_330 = tpu.memref_slice %arg6[%add3A_257, %dma_wait3A_329] : memref<82x128xi32, #tpu.memory_space<vmem>> -> memref<1x128xi32, #tpu.memory_space<vmem>>
        %dma_wait3A_331 = tpu.memref_squeeze %dma_wait3A_330 : memref<1x128xi32, #tpu.memory_space<vmem>> -> memref<128xi32, #tpu.memory_space<vmem>>
        %dma_wait3A_332 = arith.constant 0 : i32
        %dma_wait3A_333 = arith.constant 0 : i32
        %dma_wait3A_334 = tpu.memref_slice %arg10[%dma_wait3A_332, %dma_wait3A_333] : memref<10240x16xf32, #tpu.memory_space<vmem_shared>> -> memref<10240x16xf32, #tpu.memory_space<vmem_shared>>
        tpu.wait_indirect_dma semaphore(%run_scoped3A_314 : memref<!tpu.dma_semaphore, #tpu.memory_space<semaphore_mem>>) src(%dma_wait3A_328 : memref<128x16xf32, #tpu.memory_space<vmem>>) dst(%dma_wait3A_334 : memref<10240x16xf32, #tpu.memory_space<vmem_shared>>)
        tpu.yield
      }) : () -> ()
      %add3A_283 = arith.constant 2 : i32
      %add3A_284 = arith.addi %add3A_257, %add3A_283 : i32
      %sub3A_285 = arith.constant 2 : i32
      %sub3A_286 = arith.subi %select_n3A, %sub3A_285 : i32
      %min3A = arith.minsi %add3A_284, %sub3A_286 : i32
      %dma_start3A_287 = arith.constant 0 : i32
      %dma_start3A_288 = arith.constant 0 : i32
      %dma_start3A_289 = arith.constant 0 : i32
      %dma_start3A_290 = tpu.memref_slice %arg7[%dma_start3A_287, %dma_start3A_288, %dma_start3A_289] : memref<2x128x16xf32, #tpu.memory_space<vmem>> -> memref<1x128x16xf32, #tpu.memory_space<vmem>>
      %dma_start3A_291 = tpu.memref_squeeze %dma_start3A_290 : memref<1x128x16xf32, #tpu.memory_space<vmem>> -> memref<128x16xf32, #tpu.memory_space<vmem>>
      %dma_start3A_292 = arith.constant 0 : i32
      %dma_start3A_293 = tpu.memref_slice %arg5[%min3A, %dma_start3A_292] : memref<82x128xi32, #tpu.memory_space<vmem>> -> memref<1x128xi32, #tpu.memory_space<vmem>>
      %dma_start3A_294 = tpu.memref_squeeze %dma_start3A_293 : memref<1x128xi32, #tpu.memory_space<vmem>> -> memref<128xi32, #tpu.memory_space<vmem>>
      %dma_start3A_295 = arith.constant 0 : i32
      %dma_start3A_296 = arith.constant 0 : i32
      %dma_start3A_297 = tpu.memref_slice %arg9[%dma_start3A_295, %dma_start3A_296] : memref<10240x16xf32, #tpu.memory_space<vmem_shared>> -> memref<10240x16xf32, #tpu.memory_space<vmem_shared>>
      tpu.enqueue_indirect_dma source(%dma_start3A_297 : memref<10240x16xf32, #tpu.memory_space<vmem_shared>>) target(%dma_start3A_291 : memref<128x16xf32, #tpu.memory_space<vmem>>) offsets(%dma_start3A_294 : memref<128xi32, #tpu.memory_space<vmem>>) semaphore(%arg11 : memref<!tpu.dma_semaphore, #tpu.memory_space<semaphore_mem>>)
      %add3A_298 = arith.constant 1 : i32
      %add3A_299 = arith.addi %add3A_257, %add3A_298 : i32
      %dma_wait3A_300 = arith.constant 1 : i32
      %dma_wait3A_301 = arith.constant 0 : i32
      %dma_wait3A_302 = arith.constant 0 : i32
      %dma_wait3A_303 = tpu.memref_slice %arg7[%dma_wait3A_300, %dma_wait3A_301, %dma_wait3A_302] : memref<2x128x16xf32, #tpu.memory_space<vmem>> -> memref<1x128x16xf32, #tpu.memory_space<vmem>>
      %dma_wait3A_304 = tpu.memref_squeeze %dma_wait3A_303 : memref<1x128x16xf32, #tpu.memory_space<vmem>> -> memref<128x16xf32, #tpu.memory_space<vmem>>
      %dma_wait3A_305 = arith.constant 0 : i32
      %dma_wait3A_306 = tpu.memref_slice %arg5[%add3A_299, %dma_wait3A_305] : memref<82x128xi32, #tpu.memory_space<vmem>> -> memref<1x128xi32, #tpu.memory_space<vmem>>
      %dma_wait3A_307 = tpu.memref_squeeze %dma_wait3A_306 : memref<1x128xi32, #tpu.memory_space<vmem>> -> memref<128xi32, #tpu.memory_space<vmem>>
      %dma_wait3A_308 = arith.constant 0 : i32
      %dma_wait3A_309 = arith.constant 0 : i32
      %dma_wait3A_310 = tpu.memref_slice %arg9[%dma_wait3A_308, %dma_wait3A_309] : memref<10240x16xf32, #tpu.memory_space<vmem_shared>> -> memref<10240x16xf32, #tpu.memory_space<vmem_shared>>
      tpu.wait_indirect_dma semaphore(%arg12 : memref<!tpu.dma_semaphore, #tpu.memory_space<semaphore_mem>>) src(%dma_wait3A_310 : memref<10240x16xf32, #tpu.memory_space<vmem_shared>>) dst(%dma_wait3A_304 : memref<128x16xf32, #tpu.memory_space<vmem>>)
      %add3A_311 = arith.constant 1 : i32
      %add3A_312 = arith.addi %add3A_257, %add3A_311 : i32
      %run_scoped3A_313 = arith.constant 1 : i32
      "tpu.region"() ({
        %run_scoped3A_314 = tpu.sem_alloc : memref<!tpu.dma_semaphore, #tpu.memory_space<semaphore_mem>>
        %dma_start3A_315 = arith.constant 0 : i32
        %dma_start3A_316 = arith.constant 0 : i32
        %dma_start3A_317 = tpu.memref_slice %arg7[%run_scoped3A_313, %dma_start3A_315, %dma_start3A_316] : memref<2x128x16xf32, #tpu.memory_space<vmem>> -> memref<1x128x16xf32, #tpu.memory_space<vmem>>
        %dma_start3A_318 = tpu.memref_squeeze %dma_start3A_317 : memref<1x128x16xf32, #tpu.memory_space<vmem>> -> memref<128x16xf32, #tpu.memory_space<vmem>>
        %dma_start3A_319 = arith.constant 0 : i32
        %dma_start3A_320 = tpu.memref_slice %arg6[%add3A_312, %dma_start3A_319] : memref<82x128xi32, #tpu.memory_space<vmem>> -> memref<1x128xi32, #tpu.memory_space<vmem>>
        %dma_start3A_321 = tpu.memref_squeeze %dma_start3A_320 : memref<1x128xi32, #tpu.memory_space<vmem>> -> memref<128xi32, #tpu.memory_space<vmem>>
        %dma_start3A_322 = arith.constant 0 : i32
        %dma_start3A_323 = arith.constant 0 : i32
        %dma_start3A_324 = tpu.memref_slice %arg10[%dma_start3A_322, %dma_start3A_323] : memref<10240x16xf32, #tpu.memory_space<vmem_shared>> -> memref<10240x16xf32, #tpu.memory_space<vmem_shared>>
        tpu.enqueue_indirect_dma source(%dma_start3A_318 : memref<128x16xf32, #tpu.memory_space<vmem>>) target(%dma_start3A_324 : memref<10240x16xf32, #tpu.memory_space<vmem_shared>>) offsets(%dma_start3A_321 : memref<128xi32, #tpu.memory_space<vmem>>) semaphore(%run_scoped3A_314 : memref<!tpu.dma_semaphore, #tpu.memory_space<semaphore_mem>>) {add = true}
        %dma_wait3A_325 = arith.constant 0 : i32
        %dma_wait3A_326 = arith.constant 0 : i32
        %dma_wait3A_327 = tpu.memref_slice %arg7[%run_scoped3A_313, %dma_wait3A_325, %dma_wait3A_326] : memref<2x128x16xf32, #tpu.memory_space<vmem>> -> memref<1x128x16xf32, #tpu.memory_space<vmem>>
        %dma_wait3A_328 = tpu.memref_squeeze %dma_wait3A_327 : memref<1x128x16xf32, #tpu.memory_space<vmem>> -> memref<128x16xf32, #tpu.memory_space<vmem>>
        %dma_wait3A_329 = arith.constant 0 : i32
        %dma_wait3A_330 = tpu.memref_slice %arg6[%add3A_312, %dma_wait3A_329] : memref<82x128xi32, #tpu.memory_space<vmem>> -> memref<1x128xi32, #tpu.memory_space<vmem>>
        %dma_wait3A_331 = tpu.memref_squeeze %dma_wait3A_330 : memref<1x128xi32, #tpu.memory_space<vmem>> -> memref<128xi32, #tpu.memory_space<vmem>>
        %dma_wait3A_332 = arith.constant 0 : i32
        %dma_wait3A_333 = arith.constant 0 : i32
        %dma_wait3A_334 = tpu.memref_slice %arg10[%dma_wait3A_332, %dma_wait3A_333] : memref<10240x16xf32, #tpu.memory_space<vmem_shared>> -> memref<10240x16xf32, #tpu.memory_space<vmem_shared>>
        tpu.wait_indirect_dma semaphore(%run_scoped3A_314 : memref<!tpu.dma_semaphore, #tpu.memory_space<semaphore_mem>>) src(%dma_wait3A_328 : memref<128x16xf32, #tpu.memory_space<vmem>>) dst(%dma_wait3A_334 : memref<10240x16xf32, #tpu.memory_space<vmem_shared>>)
        tpu.yield
      }) : () -> ()
    }
    %while3A_242 = arith.constant 1 : i32
    scf.for %while3A_255 = %while3A_240 to %while3A_236 step %while3A_242  : i32 {
      %mul3A_256 = arith.muli %while3A_255, %while3A : i32
      %add3A_257 = arith.addi %while3A_233, %mul3A_256 : i32
      %add3A_258 = arith.constant 1 : i32
      %add3A_259 = arith.addi %add3A_257, %add3A_258 : i32
      %dma_start3A_260 = arith.constant 1 : i32
      %dma_start3A_261 = arith.constant 0 : i32
      %dma_start3A_262 = arith.constant 0 : i32
      %dma_start3A_263 = tpu.memref_slice %arg7[%dma_start3A_260, %dma_start3A_261, %dma_start3A_262] : memref<2x128x16xf32, #tpu.memory_space<vmem>> -> memref<1x128x16xf32, #tpu.memory_space<vmem>>
      %dma_start3A_264 = tpu.memref_squeeze %dma_start3A_263 : memref<1x128x16xf32, #tpu.memory_space<vmem>> -> memref<128x16xf32, #tpu.memory_space<vmem>>
      %dma_start3A_265 = arith.constant 0 : i32
      %dma_start3A_266 = tpu.memref_slice %arg5[%add3A_259, %dma_start3A_265] : memref<82x128xi32, #tpu.memory_space<vmem>> -> memref<1x128xi32, #tpu.memory_space<vmem>>
      %dma_start3A_267 = tpu.memref_squeeze %dma_start3A_266 : memref<1x128xi32, #tpu.memory_space<vmem>> -> memref<128xi32, #tpu.memory_space<vmem>>
      %dma_start3A_268 = arith.constant 0 : i32
      %dma_start3A_269 = arith.constant 0 : i32
      %dma_start3A_270 = tpu.memref_slice %arg9[%dma_start3A_268, %dma_start3A_269] : memref<10240x16xf32, #tpu.memory_space<vmem_shared>> -> memref<10240x16xf32, #tpu.memory_space<vmem_shared>>
      tpu.enqueue_indirect_dma source(%dma_start3A_270 : memref<10240x16xf32, #tpu.memory_space<vmem_shared>>) target(%dma_start3A_264 : memref<128x16xf32, #tpu.memory_space<vmem>>) offsets(%dma_start3A_267 : memref<128xi32, #tpu.memory_space<vmem>>) semaphore(%arg12 : memref<!tpu.dma_semaphore, #tpu.memory_space<semaphore_mem>>)
      %dma_wait3A_271 = arith.constant 0 : i32
      %dma_wait3A_272 = arith.constant 0 : i32
      %dma_wait3A_273 = arith.constant 0 : i32
      %dma_wait3A_274 = tpu.memref_slice %arg7[%dma_wait3A_271, %dma_wait3A_272, %dma_wait3A_273] : memref<2x128x16xf32, #tpu.memory_space<vmem>> -> memref<1x128x16xf32, #tpu.memory_space<vmem>>
      %dma_wait3A_275 = tpu.memref_squeeze %dma_wait3A_274 : memref<1x128x16xf32, #tpu.memory_space<vmem>> -> memref<128x16xf32, #tpu.memory_space<vmem>>
      %dma_wait3A_276 = arith.constant 0 : i32
      %dma_wait3A_277 = tpu.memref_slice %arg5[%add3A_257, %dma_wait3A_276] : memref<82x128xi32, #tpu.memory_space<vmem>> -> memref<1x128xi32, #tpu.memory_space<vmem>>
      %dma_wait3A_278 = tpu.memref_squeeze %dma_wait3A_277 : memref<1x128xi32, #tpu.memory_space<vmem>> -> memref<128xi32, #tpu.memory_space<vmem>>
      %dma_wait3A_279 = arith.constant 0 : i32
      %dma_wait3A_280 = arith.constant 0 : i32
      %dma_wait3A_281 = tpu.memref_slice %arg9[%dma_wait3A_279, %dma_wait3A_280] : memref<10240x16xf32, #tpu.memory_space<vmem_shared>> -> memref<10240x16xf32, #tpu.memory_space<vmem_shared>>
      tpu.wait_indirect_dma semaphore(%arg11 : memref<!tpu.dma_semaphore, #tpu.memory_space<semaphore_mem>>) src(%dma_wait3A_281 : memref<10240x16xf32, #tpu.memory_space<vmem_shared>>) dst(%dma_wait3A_275 : memref<128x16xf32, #tpu.memory_space<vmem>>)
      %run_scoped3A_282 = arith.constant 0 : i32
      "tpu.region"() ({
        %run_scoped3A_314 = tpu.sem_alloc : memref<!tpu.dma_semaphore, #tpu.memory_space<semaphore_mem>>
        %dma_start3A_315 = arith.constant 0 : i32
        %dma_start3A_316 = arith.constant 0 : i32
        %dma_start3A_317 = tpu.memref_slice %arg7[%run_scoped3A_282, %dma_start3A_315, %dma_start3A_316] : memref<2x128x16xf32, #tpu.memory_space<vmem>> -> memref<1x128x16xf32, #tpu.memory_space<vmem>>
        %dma_start3A_318 = tpu.memref_squeeze %dma_start3A_317 : memref<1x128x16xf32, #tpu.memory_space<vmem>> -> memref<128x16xf32, #tpu.memory_space<vmem>>
        %dma_start3A_319 = arith.constant 0 : i32
        %dma_start3A_320 = tpu.memref_slice %arg6[%add3A_257, %dma_start3A_319] : memref<82x128xi32, #tpu.memory_space<vmem>> -> memref<1x128xi32, #tpu.memory_space<vmem>>
        %dma_start3A_321 = tpu.memref_squeeze %dma_start3A_320 : memref<1x128xi32, #tpu.memory_space<vmem>> -> memref<128xi32, #tpu.memory_space<vmem>>
        %dma_start3A_322 = arith.constant 0 : i32
        %dma_start3A_323 = arith.constant 0 : i32
        %dma_start3A_324 = tpu.memref_slice %arg10[%dma_start3A_322, %dma_start3A_323] : memref<10240x16xf32, #tpu.memory_space<vmem_shared>> -> memref<10240x16xf32, #tpu.memory_space<vmem_shared>>
        tpu.enqueue_indirect_dma source(%dma_start3A_318 : memref<128x16xf32, #tpu.memory_space<vmem>>) target(%dma_start3A_324 : memref<10240x16xf32, #tpu.memory_space<vmem_shared>>) offsets(%dma_start3A_321 : memref<128xi32, #tpu.memory_space<vmem>>) semaphore(%run_scoped3A_314 : memref<!tpu.dma_semaphore, #tpu.memory_space<semaphore_mem>>) {add = true}
        %dma_wait3A_325 = arith.constant 0 : i32
        %dma_wait3A_326 = arith.constant 0 : i32
        %dma_wait3A_327 = tpu.memref_slice %arg7[%run_scoped3A_282, %dma_wait3A_325, %dma_wait3A_326] : memref<2x128x16xf32, #tpu.memory_space<vmem>> -> memref<1x128x16xf32, #tpu.memory_space<vmem>>
        %dma_wait3A_328 = tpu.memref_squeeze %dma_wait3A_327 : memref<1x128x16xf32, #tpu.memory_space<vmem>> -> memref<128x16xf32, #tpu.memory_space<vmem>>
        %dma_wait3A_329 = arith.constant 0 : i32
        %dma_wait3A_330 = tpu.memref_slice %arg6[%add3A_257, %dma_wait3A_329] : memref<82x128xi32, #tpu.memory_space<vmem>> -> memref<1x128xi32, #tpu.memory_space<vmem>>
        %dma_wait3A_331 = tpu.memref_squeeze %dma_wait3A_330 : memref<1x128xi32, #tpu.memory_space<vmem>> -> memref<128xi32, #tpu.memory_space<vmem>>
        %dma_wait3A_332 = arith.constant 0 : i32
        %dma_wait3A_333 = arith.constant 0 : i32
        %dma_wait3A_334 = tpu.memref_slice %arg10[%dma_wait3A_332, %dma_wait3A_333] : memref<10240x16xf32, #tpu.memory_space<vmem_shared>> -> memref<10240x16xf32, #tpu.memory_space<vmem_shared>>
        tpu.wait_indirect_dma semaphore(%run_scoped3A_314 : memref<!tpu.dma_semaphore, #tpu.memory_space<semaphore_mem>>) src(%dma_wait3A_328 : memref<128x16xf32, #tpu.memory_space<vmem>>) dst(%dma_wait3A_334 : memref<10240x16xf32, #tpu.memory_space<vmem_shared>>)
        tpu.yield
      }) : () -> ()
      %add3A_283 = arith.constant 2 : i32
      %add3A_284 = arith.addi %add3A_257, %add3A_283 : i32
      %sub3A_285 = arith.constant 2 : i32
      %sub3A_286 = arith.subi %select_n3A, %sub3A_285 : i32
      %min3A = arith.minsi %add3A_284, %sub3A_286 : i32
      %dma_start3A_287 = arith.constant 0 : i32
      %dma_start3A_288 = arith.constant 0 : i32
      %dma_start3A_289 = arith.constant 0 : i32
      %dma_start3A_290 = tpu.memref_slice %arg7[%dma_start3A_287, %dma_start3A_288, %dma_start3A_289] : memref<2x128x16xf32, #tpu.memory_space<vmem>> -> memref<1x128x16xf32, #tpu.memory_space<vmem>>
      %dma_start3A_291 = tpu.memref_squeeze %dma_start3A_290 : memref<1x128x16xf32, #tpu.memory_space<vmem>> -> memref<128x16xf32, #tpu.memory_space<vmem>>
      %dma_start3A_292 = arith.constant 0 : i32
      %dma_start3A_293 = tpu.memref_slice %arg5[%min3A, %dma_start3A_292] : memref<82x128xi32, #tpu.memory_space<vmem>> -> memref<1x128xi32, #tpu.memory_space<vmem>>
      %dma_start3A_294 = tpu.memref_squeeze %dma_start3A_293 : memref<1x128xi32, #tpu.memory_space<vmem>> -> memref<128xi32, #tpu.memory_space<vmem>>
      %dma_start3A_295 = arith.constant 0 : i32
      %dma_start3A_296 = arith.constant 0 : i32
      %dma_start3A_297 = tpu.memref_slice %arg9[%dma_start3A_295, %dma_start3A_296] : memref<10240x16xf32, #tpu.memory_space<vmem_shared>> -> memref<10240x16xf32, #tpu.memory_space<vmem_shared>>
      tpu.enqueue_indirect_dma source(%dma_start3A_297 : memref<10240x16xf32, #tpu.memory_space<vmem_shared>>) target(%dma_start3A_291 : memref<128x16xf32, #tpu.memory_space<vmem>>) offsets(%dma_start3A_294 : memref<128xi32, #tpu.memory_space<vmem>>) semaphore(%arg11 : memref<!tpu.dma_semaphore, #tpu.memory_space<semaphore_mem>>)
      %add3A_298 = arith.constant 1 : i32
      %add3A_299 = arith.addi %add3A_257, %add3A_298 : i32
      %dma_wait3A_300 = arith.constant 1 : i32
      %dma_wait3A_301 = arith.constant 0 : i32
      %dma_wait3A_302 = arith.constant 0 : i32
      %dma_wait3A_303 = tpu.memref_slice %arg7[%dma_wait3A_300, %dma_wait3A_301, %dma_wait3A_302] : memref<2x128x16xf32, #tpu.memory_space<vmem>> -> memref<1x128x16xf32, #tpu.memory_space<vmem>>
      %dma_wait3A_304 = tpu.memref_squeeze %dma_wait3A_303 : memref<1x128x16xf32, #tpu.memory_space<vmem>> -> memref<128x16xf32, #tpu.memory_space<vmem>>
      %dma_wait3A_305 = arith.constant 0 : i32
      %dma_wait3A_306 = tpu.memref_slice %arg5[%add3A_299, %dma_wait3A_305] : memref<82x128xi32, #tpu.memory_space<vmem>> -> memref<1x128xi32, #tpu.memory_space<vmem>>
      %dma_wait3A_307 = tpu.memref_squeeze %dma_wait3A_306 : memref<1x128xi32, #tpu.memory_space<vmem>> -> memref<128xi32, #tpu.memory_space<vmem>>
      %dma_wait3A_308 = arith.constant 0 : i32
      %dma_wait3A_309 = arith.constant 0 : i32
      %dma_wait3A_310 = tpu.memref_slice %arg9[%dma_wait3A_308, %dma_wait3A_309] : memref<10240x16xf32, #tpu.memory_space<vmem_shared>> -> memref<10240x16xf32, #tpu.memory_space<vmem_shared>>
      tpu.wait_indirect_dma semaphore(%arg12 : memref<!tpu.dma_semaphore, #tpu.memory_space<semaphore_mem>>) src(%dma_wait3A_310 : memref<10240x16xf32, #tpu.memory_space<vmem_shared>>) dst(%dma_wait3A_304 : memref<128x16xf32, #tpu.memory_space<vmem>>)
      %add3A_311 = arith.constant 1 : i32
      %add3A_312 = arith.addi %add3A_257, %add3A_311 : i32
      %run_scoped3A_313 = arith.constant 1 : i32
      "tpu.region"() ({
        %run_scoped3A_314 = tpu.sem_alloc : memref<!tpu.dma_semaphore, #tpu.memory_space<semaphore_mem>>
        %dma_start3A_315 = arith.constant 0 : i32
        %dma_start3A_316 = arith.constant 0 : i32
        %dma_start3A_317 = tpu.memref_slice %arg7[%run_scoped3A_313, %dma_start3A_315, %dma_start3A_316] : memref<2x128x16xf32, #tpu.memory_space<vmem>> -> memref<1x128x16xf32, #tpu.memory_space<vmem>>
        %dma_start3A_318 = tpu.memref_squeeze %dma_start3A_317 : memref<1x128x16xf32, #tpu.memory_space<vmem>> -> memref<128x16xf32, #tpu.memory_space<vmem>>
        %dma_start3A_319 = arith.constant 0 : i32
        %dma_start3A_320 = tpu.memref_slice %arg6[%add3A_312, %dma_start3A_319] : memref<82x128xi32, #tpu.memory_space<vmem>> -> memref<1x128xi32, #tpu.memory_space<vmem>>
        %dma_start3A_321 = tpu.memref_squeeze %dma_start3A_320 : memref<1x128xi32, #tpu.memory_space<vmem>> -> memref<128xi32, #tpu.memory_space<vmem>>
        %dma_start3A_322 = arith.constant 0 : i32
        %dma_start3A_323 = arith.constant 0 : i32
        %dma_start3A_324 = tpu.memref_slice %arg10[%dma_start3A_322, %dma_start3A_323] : memref<10240x16xf32, #tpu.memory_space<vmem_shared>> -> memref<10240x16xf32, #tpu.memory_space<vmem_shared>>
        tpu.enqueue_indirect_dma source(%dma_start3A_318 : memref<128x16xf32, #tpu.memory_space<vmem>>) target(%dma_start3A_324 : memref<10240x16xf32, #tpu.memory_space<vmem_shared>>) offsets(%dma_start3A_321 : memref<128xi32, #tpu.memory_space<vmem>>) semaphore(%run_scoped3A_314 : memref<!tpu.dma_semaphore, #tpu.memory_space<semaphore_mem>>) {add = true}
        %dma_wait3A_325 = arith.constant 0 : i32
        %dma_wait3A_326 = arith.constant 0 : i32
        %dma_wait3A_327 = tpu.memref_slice %arg7[%run_scoped3A_313, %dma_wait3A_325, %dma_wait3A_326] : memref<2x128x16xf32, #tpu.memory_space<vmem>> -> memref<1x128x16xf32, #tpu.memory_space<vmem>>
        %dma_wait3A_328 = tpu.memref_squeeze %dma_wait3A_327 : memref<1x128x16xf32, #tpu.memory_space<vmem>> -> memref<128x16xf32, #tpu.memory_space<vmem>>
        %dma_wait3A_329 = arith.constant 0 : i32
        %dma_wait3A_330 = tpu.memref_slice %arg6[%add3A_312, %dma_wait3A_329] : memref<82x128xi32, #tpu.memory_space<vmem>> -> memref<1x128xi32, #tpu.memory_space<vmem>>
        %dma_wait3A_331 = tpu.memref_squeeze %dma_wait3A_330 : memref<1x128xi32, #tpu.memory_space<vmem>> -> memref<128xi32, #tpu.memory_space<vmem>>
        %dma_wait3A_332 = arith.constant 0 : i32
        %dma_wait3A_333 = arith.constant 0 : i32
        %dma_wait3A_334 = tpu.memref_slice %arg10[%dma_wait3A_332, %dma_wait3A_333] : memref<10240x16xf32, #tpu.memory_space<vmem_shared>> -> memref<10240x16xf32, #tpu.memory_space<vmem_shared>>
        tpu.wait_indirect_dma semaphore(%run_scoped3A_314 : memref<!tpu.dma_semaphore, #tpu.memory_space<semaphore_mem>>) src(%dma_wait3A_328 : memref<128x16xf32, #tpu.memory_space<vmem>>) dst(%dma_wait3A_334 : memref<10240x16xf32, #tpu.memory_space<vmem_shared>>)
        tpu.yield
      }) : () -> ()
    }
    %dma_wait3A = arith.constant 0 : i32
    %dma_wait3A_243 = arith.constant 0 : i32
    %dma_wait3A_244 = arith.constant 0 : i32
    %dma_wait3A_245 = arith.constant 0 : i32
    %dma_wait3A_246 = tpu.memref_slice %arg7[%dma_wait3A_243, %dma_wait3A_244, %dma_wait3A_245] : memref<2x128x16xf32, #tpu.memory_space<vmem>> -> memref<1x128x16xf32, #tpu.memory_space<vmem>>
    %dma_wait3A_247 = tpu.memref_squeeze %dma_wait3A_246 : memref<1x128x16xf32, #tpu.memory_space<vmem>> -> memref<128x16xf32, #tpu.memory_space<vmem>>
    %dma_wait3A_248 = arith.constant 0 : i32
    %dma_wait3A_249 = tpu.memref_slice %arg5[%dma_wait3A, %dma_wait3A_248] : memref<82x128xi32, #tpu.memory_space<vmem>> -> memref<1x128xi32, #tpu.memory_space<vmem>>
    %dma_wait3A_250 = tpu.memref_squeeze %dma_wait3A_249 : memref<1x128xi32, #tpu.memory_space<vmem>> -> memref<128xi32, #tpu.memory_space<vmem>>
    %dma_wait3A_251 = arith.constant 0 : i32
    %dma_wait3A_252 = arith.constant 0 : i32
    %dma_wait3A_253 = tpu.memref_slice %arg9[%dma_wait3A_251, %dma_wait3A_252] : memref<10240x16xf32, #tpu.memory_space<vmem_shared>> -> memref<10240x16xf32, #tpu.memory_space<vmem_shared>>
    tpu.wait_indirect_dma semaphore(%arg11 : memref<!tpu.dma_semaphore, #tpu.memory_space<semaphore_mem>>) src(%dma_wait3A_253 : memref<10240x16xf32, #tpu.memory_space<vmem_shared>>) dst(%dma_wait3A_247 : memref<128x16xf32, #tpu.memory_space<vmem>>)
    %barrier3A_254 = arith.constant 0 : index
    tpu.barrier barrier_id(%barrier3A_254)
    "tpu.region"() ({
      %run_scoped3A_255 = tpu.sem_alloc : memref<!tpu.dma_semaphore, #tpu.memory_space<semaphore_mem>>
      %dma_start3A_256 = arith.constant 0 : i32
      %dma_start3A_257 = tpu.memref_slice %arg4[%arg0, %mul3A_2, %dma_start3A_256] : memref<2x10240x16xf32, #tpu.memory_space<hbm>> -> memref<1x640x16xf32, #tpu.memory_space<hbm>>
      %dma_start3A_258 = tpu.memref_squeeze %dma_start3A_257 : memref<1x640x16xf32, #tpu.memory_space<hbm>> -> memref<640x16xf32, #tpu.memory_space<hbm>>
      %dma_start3A_259 = arith.constant 0 : i32
      %dma_start3A_260 = tpu.memref_slice %arg10[%mul3A_2, %dma_start3A_259] : memref<10240x16xf32, #tpu.memory_space<vmem_shared>> -> memref<640x16xf32, #tpu.memory_space<vmem_shared>>
      tpu.enqueue_dma source(%dma_start3A_260 : memref<640x16xf32, #tpu.memory_space<vmem_shared>>) target(%dma_start3A_258 : memref<640x16xf32, #tpu.memory_space<hbm>>) target_semaphore(%run_scoped3A_255 : memref<!tpu.dma_semaphore, #tpu.memory_space<semaphore_mem>>)
      %dma_wait3A_261 = arith.constant 0 : i32
      %dma_wait3A_262 = tpu.memref_slice %arg4[%arg0, %mul3A_2, %dma_wait3A_261] : memref<2x10240x16xf32, #tpu.memory_space<hbm>> -> memref<1x640x16xf32, #tpu.memory_space<hbm>>
      %dma_wait3A_263 = tpu.memref_squeeze %dma_wait3A_262 : memref<1x640x16xf32, #tpu.memory_space<hbm>> -> memref<640x16xf32, #tpu.memory_space<hbm>>
      %dma_wait3A_264 = arith.constant 0 : i32
      %dma_wait3A_265 = tpu.memref_slice %arg10[%mul3A_2, %dma_wait3A_264] : memref<10240x16xf32, #tpu.memory_space<vmem_shared>> -> memref<640x16xf32, #tpu.memory_space<vmem_shared>>
      tpu.wait_dma2 semaphore(%run_scoped3A_255 : memref<!tpu.dma_semaphore, #tpu.memory_space<semaphore_mem>>) src(%dma_wait3A_265 : memref<640x16xf32, #tpu.memory_space<vmem_shared>>) dst(%dma_wait3A_263 : memref<640x16xf32, #tpu.memory_space<hbm>>)
      tpu.yield
    }) : () -> ()
    return
  }
}

#map = affine_map<(d0, d1) -> (0, 0, 0)>
#map1 = affine_map<(d0, d1) -> (0, 0)>
module attributes {stable_mosaic.version = 14 : i64} {
  func.func @_hist_body(%arg0: i32, %arg1: i32, %arg2: memref<2x2500x128xi32, #tpu.memory_space<hbm>>, %arg3: memref<2x10240xf32, #tpu.memory_space<hbm>>, %arg4: memref<82x128xi32, #tpu.memory_space<vmem>>, %arg5: memref<128xf32, #tpu.memory_space<vmem>>, %arg6: memref<640xf32, #tpu.memory_space<vmem>>, %arg7: memref<10240xf32, #tpu.memory_space<vmem_shared>>, %arg8: memref<!tpu.dma_semaphore, #tpu.memory_space<semaphore_mem>>) attributes {dimension_semantics = [#tpu.dimension_semantics<core_parallel>, #tpu.dimension_semantics<subcore_parallel>], iteration_bounds = array<i64: 2, 16>, scalar_prefetch = 0 : i64, scratch_operands = 5 : i64, tpu.core_type = #tpu.core_type<sc_vector_subcore>, window_params = [{transform_indices = #map}, {transform_indices = #map1}]} {
    %mul3A = arith.constant 16 : i32
    %mul3A_0 = arith.muli %arg0, %mul3A : i32
    %add3A = arith.addi %mul3A_0, %arg1 : i32
    %mul3A_1 = arith.constant 640 : i32
    %mul3A_2 = arith.muli %arg1, %mul3A_1 : i32
    %eq3A = arith.constant 31 : i32
    %eq3A_3 = arith.cmpi eq, %add3A, %eq3A : i32
    %jit3A = arith.constant 82 : i32
    %jit3A_4 = arith.constant 78 : i32
    %select_n3A = arith.select %eq3A_3, %jit3A, %jit3A_4 : i32
    %mul3A_5 = arith.constant 78 : i32
    %mul3A_6 = arith.muli %add3A, %mul3A_5 : i32
    %run_scoped3A = arith.constant 1 : i32
    "tpu.region"() ({
      %run_scoped3A_329 = tpu.sem_alloc : memref<!tpu.dma_semaphore, #tpu.memory_space<semaphore_mem>>
      %dma_start3A = arith.constant 0 : i32
      %dma_start3A_330 = tpu.memref_slice %arg2[%run_scoped3A, %mul3A_6, %dma_start3A] : memref<2x2500x128xi32, #tpu.memory_space<hbm>> -> memref<1x82x128xi32, #tpu.memory_space<hbm>>
      %dma_start3A_331 = tpu.memref_squeeze %dma_start3A_330 : memref<1x82x128xi32, #tpu.memory_space<hbm>> -> memref<82x128xi32, #tpu.memory_space<hbm>>
      %dma_start3A_332 = arith.constant 0 : i32
      %dma_start3A_333 = tpu.memref_slice %arg2[%run_scoped3A, %mul3A_6, %dma_start3A_332] : memref<2x2500x128xi32, #tpu.memory_space<hbm>> -> memref<1x82x128xi32, #tpu.memory_space<hbm>>
      %dma_start3A_334 = tpu.memref_squeeze %dma_start3A_333 : memref<1x82x128xi32, #tpu.memory_space<hbm>> -> memref<82x128xi32, #tpu.memory_space<hbm>>
      tpu.enqueue_dma source(%dma_start3A_334 : memref<82x128xi32, #tpu.memory_space<hbm>>) target(%arg4 : memref<82x128xi32, #tpu.memory_space<vmem>>) target_semaphore(%run_scoped3A_329 : memref<!tpu.dma_semaphore, #tpu.memory_space<semaphore_mem>>)
      %dma_wait3A = arith.constant 0 : i32
      %dma_wait3A_335 = tpu.memref_slice %arg2[%run_scoped3A, %mul3A_6, %dma_wait3A] : memref<2x2500x128xi32, #tpu.memory_space<hbm>> -> memref<1x82x128xi32, #tpu.memory_space<hbm>>
      %dma_wait3A_336 = tpu.memref_squeeze %dma_wait3A_335 : memref<1x82x128xi32, #tpu.memory_space<hbm>> -> memref<82x128xi32, #tpu.memory_space<hbm>>
      %dma_wait3A_337 = arith.constant 0 : i32
      %dma_wait3A_338 = tpu.memref_slice %arg2[%run_scoped3A, %mul3A_6, %dma_wait3A_337] : memref<2x2500x128xi32, #tpu.memory_space<hbm>> -> memref<1x82x128xi32, #tpu.memory_space<hbm>>
      %dma_wait3A_339 = tpu.memref_squeeze %dma_wait3A_338 : memref<1x82x128xi32, #tpu.memory_space<hbm>> -> memref<82x128xi32, #tpu.memory_space<hbm>>
      tpu.wait_dma2 semaphore(%run_scoped3A_329 : memref<!tpu.dma_semaphore, #tpu.memory_space<semaphore_mem>>) src(%dma_wait3A_339 : memref<82x128xi32, #tpu.memory_space<hbm>>) dst(%arg4 : memref<82x128xi32, #tpu.memory_space<vmem>>)
      tpu.yield
    }) : () -> ()
    %broadcast_in_dim3A = arith.constant 1.000000e+00 : f32
    %broadcast_in_dim3A_7 = vector.broadcast %broadcast_in_dim3A : f32 to vector<16xf32>
    %swap3A = arith.constant 0 : index
    %swap3A_8 = tpu.vector_load %arg5[%swap3A] {strides = array<i32>} : memref<128xf32, #tpu.memory_space<vmem>>, vector<16xf32>,
    %swap3A_9 = vector.shape_cast %swap3A_8 : vector<16xf32> to vector<16xf32>
    %swap3A_10 = vector.shape_cast %broadcast_in_dim3A_7 : vector<16xf32> to vector<16xf32>
    tpu.vector_store %arg5[%swap3A], %swap3A_10 {strides = array<i32>} : memref<128xf32, #tpu.memory_space<vmem>>, vector<16xf32>,
    %broadcast_in_dim3A_11 = arith.constant 1.000000e+00 : f32
    %broadcast_in_dim3A_12 = vector.broadcast %broadcast_in_dim3A_11 : f32 to vector<16xf32>
    %swap3A_13 = arith.constant 16 : index
    %swap3A_14 = tpu.vector_load %arg5[%swap3A_13] {strides = array<i32>} : memref<128xf32, #tpu.memory_space<vmem>>, vector<16xf32>,
    %swap3A_15 = vector.shape_cast %swap3A_14 : vector<16xf32> to vector<16xf32>
    %swap3A_16 = vector.shape_cast %broadcast_in_dim3A_12 : vector<16xf32> to vector<16xf32>
    tpu.vector_store %arg5[%swap3A_13], %swap3A_16 {strides = array<i32>} : memref<128xf32, #tpu.memory_space<vmem>>, vector<16xf32>,
    %broadcast_in_dim3A_17 = arith.constant 1.000000e+00 : f32
    %broadcast_in_dim3A_18 = vector.broadcast %broadcast_in_dim3A_17 : f32 to vector<16xf32>
    %swap3A_19 = arith.constant 32 : index
    %swap3A_20 = tpu.vector_load %arg5[%swap3A_19] {strides = array<i32>} : memref<128xf32, #tpu.memory_space<vmem>>, vector<16xf32>,
    %swap3A_21 = vector.shape_cast %swap3A_20 : vector<16xf32> to vector<16xf32>
    %swap3A_22 = vector.shape_cast %broadcast_in_dim3A_18 : vector<16xf32> to vector<16xf32>
    tpu.vector_store %arg5[%swap3A_19], %swap3A_22 {strides = array<i32>} : memref<128xf32, #tpu.memory_space<vmem>>, vector<16xf32>,
    %broadcast_in_dim3A_23 = arith.constant 1.000000e+00 : f32
    %broadcast_in_dim3A_24 = vector.broadcast %broadcast_in_dim3A_23 : f32 to vector<16xf32>
    %swap3A_25 = arith.constant 48 : index
    %swap3A_26 = tpu.vector_load %arg5[%swap3A_25] {strides = array<i32>} : memref<128xf32, #tpu.memory_space<vmem>>, vector<16xf32>,
    %swap3A_27 = vector.shape_cast %swap3A_26 : vector<16xf32> to vector<16xf32>
    %swap3A_28 = vector.shape_cast %broadcast_in_dim3A_24 : vector<16xf32> to vector<16xf32>
    tpu.vector_store %arg5[%swap3A_25], %swap3A_28 {strides = array<i32>} : memref<128xf32, #tpu.memory_space<vmem>>, vector<16xf32>,
    %broadcast_in_dim3A_29 = arith.constant 1.000000e+00 : f32
    %broadcast_in_dim3A_30 = vector.broadcast %broadcast_in_dim3A_29 : f32 to vector<16xf32>
    %swap3A_31 = arith.constant 64 : index
    %swap3A_32 = tpu.vector_load %arg5[%swap3A_31] {strides = array<i32>} : memref<128xf32, #tpu.memory_space<vmem>>, vector<16xf32>,
    %swap3A_33 = vector.shape_cast %swap3A_32 : vector<16xf32> to vector<16xf32>
    %swap3A_34 = vector.shape_cast %broadcast_in_dim3A_30 : vector<16xf32> to vector<16xf32>
    tpu.vector_store %arg5[%swap3A_31], %swap3A_34 {strides = array<i32>} : memref<128xf32, #tpu.memory_space<vmem>>, vector<16xf32>,
    %broadcast_in_dim3A_35 = arith.constant 1.000000e+00 : f32
    %broadcast_in_dim3A_36 = vector.broadcast %broadcast_in_dim3A_35 : f32 to vector<16xf32>
    %swap3A_37 = arith.constant 80 : index
    %swap3A_38 = tpu.vector_load %arg5[%swap3A_37] {strides = array<i32>} : memref<128xf32, #tpu.memory_space<vmem>>, vector<16xf32>,
    %swap3A_39 = vector.shape_cast %swap3A_38 : vector<16xf32> to vector<16xf32>
    %swap3A_40 = vector.shape_cast %broadcast_in_dim3A_36 : vector<16xf32> to vector<16xf32>
    tpu.vector_store %arg5[%swap3A_37], %swap3A_40 {strides = array<i32>} : memref<128xf32, #tpu.memory_space<vmem>>, vector<16xf32>,
    %broadcast_in_dim3A_41 = arith.constant 1.000000e+00 : f32
    %broadcast_in_dim3A_42 = vector.broadcast %broadcast_in_dim3A_41 : f32 to vector<16xf32>
    %swap3A_43 = arith.constant 96 : index
    %swap3A_44 = tpu.vector_load %arg5[%swap3A_43] {strides = array<i32>} : memref<128xf32, #tpu.memory_space<vmem>>, vector<16xf32>,
    %swap3A_45 = vector.shape_cast %swap3A_44 : vector<16xf32> to vector<16xf32>
    %swap3A_46 = vector.shape_cast %broadcast_in_dim3A_42 : vector<16xf32> to vector<16xf32>
    tpu.vector_store %arg5[%swap3A_43], %swap3A_46 {strides = array<i32>} : memref<128xf32, #tpu.memory_space<vmem>>, vector<16xf32>,
    %broadcast_in_dim3A_47 = arith.constant 1.000000e+00 : f32
    %broadcast_in_dim3A_48 = vector.broadcast %broadcast_in_dim3A_47 : f32 to vector<16xf32>
    %swap3A_49 = arith.constant 112 : index
    %swap3A_50 = tpu.vector_load %arg5[%swap3A_49] {strides = array<i32>} : memref<128xf32, #tpu.memory_space<vmem>>, vector<16xf32>,
    %swap3A_51 = vector.shape_cast %swap3A_50 : vector<16xf32> to vector<16xf32>
    %swap3A_52 = vector.shape_cast %broadcast_in_dim3A_48 : vector<16xf32> to vector<16xf32>
    tpu.vector_store %arg5[%swap3A_49], %swap3A_52 {strides = array<i32>} : memref<128xf32, #tpu.memory_space<vmem>>, vector<16xf32>,
    %broadcast_in_dim3A_53 = arith.constant 0.000000e+00 : f32
    %broadcast_in_dim3A_54 = vector.broadcast %broadcast_in_dim3A_53 : f32 to vector<16xf32>
    %swap3A_55 = arith.constant 0 : index
    %swap3A_56 = tpu.vector_load %arg6[%swap3A_55] {strides = array<i32>} : memref<640xf32, #tpu.memory_space<vmem>>, vector<16xf32>,
    %swap3A_57 = vector.shape_cast %swap3A_56 : vector<16xf32> to vector<16xf32>
    %swap3A_58 = vector.shape_cast %broadcast_in_dim3A_54 : vector<16xf32> to vector<16xf32>
    tpu.vector_store %arg6[%swap3A_55], %swap3A_58 {strides = array<i32>} : memref<640xf32, #tpu.memory_space<vmem>>, vector<16xf32>,
    %broadcast_in_dim3A_59 = arith.constant 0.000000e+00 : f32
    %broadcast_in_dim3A_60 = vector.broadcast %broadcast_in_dim3A_59 : f32 to vector<16xf32>
    %swap3A_61 = arith.constant 16 : index
    %swap3A_62 = tpu.vector_load %arg6[%swap3A_61] {strides = array<i32>} : memref<640xf32, #tpu.memory_space<vmem>>, vector<16xf32>,
    %swap3A_63 = vector.shape_cast %swap3A_62 : vector<16xf32> to vector<16xf32>
    %swap3A_64 = vector.shape_cast %broadcast_in_dim3A_60 : vector<16xf32> to vector<16xf32>
    tpu.vector_store %arg6[%swap3A_61], %swap3A_64 {strides = array<i32>} : memref<640xf32, #tpu.memory_space<vmem>>, vector<16xf32>,
    %broadcast_in_dim3A_65 = arith.constant 0.000000e+00 : f32
    %broadcast_in_dim3A_66 = vector.broadcast %broadcast_in_dim3A_65 : f32 to vector<16xf32>
    %swap3A_67 = arith.constant 32 : index
    %swap3A_68 = tpu.vector_load %arg6[%swap3A_67] {strides = array<i32>} : memref<640xf32, #tpu.memory_space<vmem>>, vector<16xf32>,
    %swap3A_69 = vector.shape_cast %swap3A_68 : vector<16xf32> to vector<16xf32>
    %swap3A_70 = vector.shape_cast %broadcast_in_dim3A_66 : vector<16xf32> to vector<16xf32>
    tpu.vector_store %arg6[%swap3A_67], %swap3A_70 {strides = array<i32>} : memref<640xf32, #tpu.memory_space<vmem>>, vector<16xf32>,
    %broadcast_in_dim3A_71 = arith.constant 0.000000e+00 : f32
    %broadcast_in_dim3A_72 = vector.broadcast %broadcast_in_dim3A_71 : f32 to vector<16xf32>
    %swap3A_73 = arith.constant 48 : index
    %swap3A_74 = tpu.vector_load %arg6[%swap3A_73] {strides = array<i32>} : memref<640xf32, #tpu.memory_space<vmem>>, vector<16xf32>,
    %swap3A_75 = vector.shape_cast %swap3A_74 : vector<16xf32> to vector<16xf32>
    %swap3A_76 = vector.shape_cast %broadcast_in_dim3A_72 : vector<16xf32> to vector<16xf32>
    tpu.vector_store %arg6[%swap3A_73], %swap3A_76 {strides = array<i32>} : memref<640xf32, #tpu.memory_space<vmem>>, vector<16xf32>,
    %broadcast_in_dim3A_77 = arith.constant 0.000000e+00 : f32
    %broadcast_in_dim3A_78 = vector.broadcast %broadcast_in_dim3A_77 : f32 to vector<16xf32>
    %swap3A_79 = arith.constant 64 : index
    %swap3A_80 = tpu.vector_load %arg6[%swap3A_79] {strides = array<i32>} : memref<640xf32, #tpu.memory_space<vmem>>, vector<16xf32>,
    %swap3A_81 = vector.shape_cast %swap3A_80 : vector<16xf32> to vector<16xf32>
    %swap3A_82 = vector.shape_cast %broadcast_in_dim3A_78 : vector<16xf32> to vector<16xf32>
    tpu.vector_store %arg6[%swap3A_79], %swap3A_82 {strides = array<i32>} : memref<640xf32, #tpu.memory_space<vmem>>, vector<16xf32>,
    %broadcast_in_dim3A_83 = arith.constant 0.000000e+00 : f32
    %broadcast_in_dim3A_84 = vector.broadcast %broadcast_in_dim3A_83 : f32 to vector<16xf32>
    %swap3A_85 = arith.constant 80 : index
    %swap3A_86 = tpu.vector_load %arg6[%swap3A_85] {strides = array<i32>} : memref<640xf32, #tpu.memory_space<vmem>>, vector<16xf32>,
    %swap3A_87 = vector.shape_cast %swap3A_86 : vector<16xf32> to vector<16xf32>
    %swap3A_88 = vector.shape_cast %broadcast_in_dim3A_84 : vector<16xf32> to vector<16xf32>
    tpu.vector_store %arg6[%swap3A_85], %swap3A_88 {strides = array<i32>} : memref<640xf32, #tpu.memory_space<vmem>>, vector<16xf32>,
    %broadcast_in_dim3A_89 = arith.constant 0.000000e+00 : f32
    %broadcast_in_dim3A_90 = vector.broadcast %broadcast_in_dim3A_89 : f32 to vector<16xf32>
    %swap3A_91 = arith.constant 96 : index
    %swap3A_92 = tpu.vector_load %arg6[%swap3A_91] {strides = array<i32>} : memref<640xf32, #tpu.memory_space<vmem>>, vector<16xf32>,
    %swap3A_93 = vector.shape_cast %swap3A_92 : vector<16xf32> to vector<16xf32>
    %swap3A_94 = vector.shape_cast %broadcast_in_dim3A_90 : vector<16xf32> to vector<16xf32>
    tpu.vector_store %arg6[%swap3A_91], %swap3A_94 {strides = array<i32>} : memref<640xf32, #tpu.memory_space<vmem>>, vector<16xf32>,
    %broadcast_in_dim3A_95 = arith.constant 0.000000e+00 : f32
    %broadcast_in_dim3A_96 = vector.broadcast %broadcast_in_dim3A_95 : f32 to vector<16xf32>
    %swap3A_97 = arith.constant 112 : index
    %swap3A_98 = tpu.vector_load %arg6[%swap3A_97] {strides = array<i32>} : memref<640xf32, #tpu.memory_space<vmem>>, vector<16xf32>,
    %swap3A_99 = vector.shape_cast %swap3A_98 : vector<16xf32> to vector<16xf32>
    %swap3A_100 = vector.shape_cast %broadcast_in_dim3A_96 : vector<16xf32> to vector<16xf32>
    tpu.vector_store %arg6[%swap3A_97], %swap3A_100 {strides = array<i32>} : memref<640xf32, #tpu.memory_space<vmem>>, vector<16xf32>,
    %broadcast_in_dim3A_101 = arith.constant 0.000000e+00 : f32
    %broadcast_in_dim3A_102 = vector.broadcast %broadcast_in_dim3A_101 : f32 to vector<16xf32>
    %swap3A_103 = arith.constant 128 : index
    %swap3A_104 = tpu.vector_load %arg6[%swap3A_103] {strides = array<i32>} : memref<640xf32, #tpu.memory_space<vmem>>, vector<16xf32>,
    %swap3A_105 = vector.shape_cast %swap3A_104 : vector<16xf32> to vector<16xf32>
    %swap3A_106 = vector.shape_cast %broadcast_in_dim3A_102 : vector<16xf32> to vector<16xf32>
    tpu.vector_store %arg6[%swap3A_103], %swap3A_106 {strides = array<i32>} : memref<640xf32, #tpu.memory_space<vmem>>, vector<16xf32>,
    %broadcast_in_dim3A_107 = arith.constant 0.000000e+00 : f32
    %broadcast_in_dim3A_108 = vector.broadcast %broadcast_in_dim3A_107 : f32 to vector<16xf32>
    %swap3A_109 = arith.constant 144 : index
    %swap3A_110 = tpu.vector_load %arg6[%swap3A_109] {strides = array<i32>} : memref<640xf32, #tpu.memory_space<vmem>>, vector<16xf32>,
    %swap3A_111 = vector.shape_cast %swap3A_110 : vector<16xf32> to vector<16xf32>
    %swap3A_112 = vector.shape_cast %broadcast_in_dim3A_108 : vector<16xf32> to vector<16xf32>
    tpu.vector_store %arg6[%swap3A_109], %swap3A_112 {strides = array<i32>} : memref<640xf32, #tpu.memory_space<vmem>>, vector<16xf32>,
    %broadcast_in_dim3A_113 = arith.constant 0.000000e+00 : f32
    %broadcast_in_dim3A_114 = vector.broadcast %broadcast_in_dim3A_113 : f32 to vector<16xf32>
    %swap3A_115 = arith.constant 160 : index
    %swap3A_116 = tpu.vector_load %arg6[%swap3A_115] {strides = array<i32>} : memref<640xf32, #tpu.memory_space<vmem>>, vector<16xf32>,
    %swap3A_117 = vector.shape_cast %swap3A_116 : vector<16xf32> to vector<16xf32>
    %swap3A_118 = vector.shape_cast %broadcast_in_dim3A_114 : vector<16xf32> to vector<16xf32>
    tpu.vector_store %arg6[%swap3A_115], %swap3A_118 {strides = array<i32>} : memref<640xf32, #tpu.memory_space<vmem>>, vector<16xf32>,
    %broadcast_in_dim3A_119 = arith.constant 0.000000e+00 : f32
    %broadcast_in_dim3A_120 = vector.broadcast %broadcast_in_dim3A_119 : f32 to vector<16xf32>
    %swap3A_121 = arith.constant 176 : index
    %swap3A_122 = tpu.vector_load %arg6[%swap3A_121] {strides = array<i32>} : memref<640xf32, #tpu.memory_space<vmem>>, vector<16xf32>,
    %swap3A_123 = vector.shape_cast %swap3A_122 : vector<16xf32> to vector<16xf32>
    %swap3A_124 = vector.shape_cast %broadcast_in_dim3A_120 : vector<16xf32> to vector<16xf32>
    tpu.vector_store %arg6[%swap3A_121], %swap3A_124 {strides = array<i32>} : memref<640xf32, #tpu.memory_space<vmem>>, vector<16xf32>,
    %broadcast_in_dim3A_125 = arith.constant 0.000000e+00 : f32
    %broadcast_in_dim3A_126 = vector.broadcast %broadcast_in_dim3A_125 : f32 to vector<16xf32>
    %swap3A_127 = arith.constant 192 : index
    %swap3A_128 = tpu.vector_load %arg6[%swap3A_127] {strides = array<i32>} : memref<640xf32, #tpu.memory_space<vmem>>, vector<16xf32>,
    %swap3A_129 = vector.shape_cast %swap3A_128 : vector<16xf32> to vector<16xf32>
    %swap3A_130 = vector.shape_cast %broadcast_in_dim3A_126 : vector<16xf32> to vector<16xf32>
    tpu.vector_store %arg6[%swap3A_127], %swap3A_130 {strides = array<i32>} : memref<640xf32, #tpu.memory_space<vmem>>, vector<16xf32>,
    %broadcast_in_dim3A_131 = arith.constant 0.000000e+00 : f32
    %broadcast_in_dim3A_132 = vector.broadcast %broadcast_in_dim3A_131 : f32 to vector<16xf32>
    %swap3A_133 = arith.constant 208 : index
    %swap3A_134 = tpu.vector_load %arg6[%swap3A_133] {strides = array<i32>} : memref<640xf32, #tpu.memory_space<vmem>>, vector<16xf32>,
    %swap3A_135 = vector.shape_cast %swap3A_134 : vector<16xf32> to vector<16xf32>
    %swap3A_136 = vector.shape_cast %broadcast_in_dim3A_132 : vector<16xf32> to vector<16xf32>
    tpu.vector_store %arg6[%swap3A_133], %swap3A_136 {strides = array<i32>} : memref<640xf32, #tpu.memory_space<vmem>>, vector<16xf32>,
    %broadcast_in_dim3A_137 = arith.constant 0.000000e+00 : f32
    %broadcast_in_dim3A_138 = vector.broadcast %broadcast_in_dim3A_137 : f32 to vector<16xf32>
    %swap3A_139 = arith.constant 224 : index
    %swap3A_140 = tpu.vector_load %arg6[%swap3A_139] {strides = array<i32>} : memref<640xf32, #tpu.memory_space<vmem>>, vector<16xf32>,
    %swap3A_141 = vector.shape_cast %swap3A_140 : vector<16xf32> to vector<16xf32>
    %swap3A_142 = vector.shape_cast %broadcast_in_dim3A_138 : vector<16xf32> to vector<16xf32>
    tpu.vector_store %arg6[%swap3A_139], %swap3A_142 {strides = array<i32>} : memref<640xf32, #tpu.memory_space<vmem>>, vector<16xf32>,
    %broadcast_in_dim3A_143 = arith.constant 0.000000e+00 : f32
    %broadcast_in_dim3A_144 = vector.broadcast %broadcast_in_dim3A_143 : f32 to vector<16xf32>
    %swap3A_145 = arith.constant 240 : index
    %swap3A_146 = tpu.vector_load %arg6[%swap3A_145] {strides = array<i32>} : memref<640xf32, #tpu.memory_space<vmem>>, vector<16xf32>,
    %swap3A_147 = vector.shape_cast %swap3A_146 : vector<16xf32> to vector<16xf32>
    %swap3A_148 = vector.shape_cast %broadcast_in_dim3A_144 : vector<16xf32> to vector<16xf32>
    tpu.vector_store %arg6[%swap3A_145], %swap3A_148 {strides = array<i32>} : memref<640xf32, #tpu.memory_space<vmem>>, vector<16xf32>,
    %broadcast_in_dim3A_149 = arith.constant 0.000000e+00 : f32
    %broadcast_in_dim3A_150 = vector.broadcast %broadcast_in_dim3A_149 : f32 to vector<16xf32>
    %swap3A_151 = arith.constant 256 : index
    %swap3A_152 = tpu.vector_load %arg6[%swap3A_151] {strides = array<i32>} : memref<640xf32, #tpu.memory_space<vmem>>, vector<16xf32>,
    %swap3A_153 = vector.shape_cast %swap3A_152 : vector<16xf32> to vector<16xf32>
    %swap3A_154 = vector.shape_cast %broadcast_in_dim3A_150 : vector<16xf32> to vector<16xf32>
    tpu.vector_store %arg6[%swap3A_151], %swap3A_154 {strides = array<i32>} : memref<640xf32, #tpu.memory_space<vmem>>, vector<16xf32>,
    %broadcast_in_dim3A_155 = arith.constant 0.000000e+00 : f32
    %broadcast_in_dim3A_156 = vector.broadcast %broadcast_in_dim3A_155 : f32 to vector<16xf32>
    %swap3A_157 = arith.constant 272 : index
    %swap3A_158 = tpu.vector_load %arg6[%swap3A_157] {strides = array<i32>} : memref<640xf32, #tpu.memory_space<vmem>>, vector<16xf32>,
    %swap3A_159 = vector.shape_cast %swap3A_158 : vector<16xf32> to vector<16xf32>
    %swap3A_160 = vector.shape_cast %broadcast_in_dim3A_156 : vector<16xf32> to vector<16xf32>
    tpu.vector_store %arg6[%swap3A_157], %swap3A_160 {strides = array<i32>} : memref<640xf32, #tpu.memory_space<vmem>>, vector<16xf32>,
    %broadcast_in_dim3A_161 = arith.constant 0.000000e+00 : f32
    %broadcast_in_dim3A_162 = vector.broadcast %broadcast_in_dim3A_161 : f32 to vector<16xf32>
    %swap3A_163 = arith.constant 288 : index
    %swap3A_164 = tpu.vector_load %arg6[%swap3A_163] {strides = array<i32>} : memref<640xf32, #tpu.memory_space<vmem>>, vector<16xf32>,
    %swap3A_165 = vector.shape_cast %swap3A_164 : vector<16xf32> to vector<16xf32>
    %swap3A_166 = vector.shape_cast %broadcast_in_dim3A_162 : vector<16xf32> to vector<16xf32>
    tpu.vector_store %arg6[%swap3A_163], %swap3A_166 {strides = array<i32>} : memref<640xf32, #tpu.memory_space<vmem>>, vector<16xf32>,
    %broadcast_in_dim3A_167 = arith.constant 0.000000e+00 : f32
    %broadcast_in_dim3A_168 = vector.broadcast %broadcast_in_dim3A_167 : f32 to vector<16xf32>
    %swap3A_169 = arith.constant 304 : index
    %swap3A_170 = tpu.vector_load %arg6[%swap3A_169] {strides = array<i32>} : memref<640xf32, #tpu.memory_space<vmem>>, vector<16xf32>,
    %swap3A_171 = vector.shape_cast %swap3A_170 : vector<16xf32> to vector<16xf32>
    %swap3A_172 = vector.shape_cast %broadcast_in_dim3A_168 : vector<16xf32> to vector<16xf32>
    tpu.vector_store %arg6[%swap3A_169], %swap3A_172 {strides = array<i32>} : memref<640xf32, #tpu.memory_space<vmem>>, vector<16xf32>,
    %broadcast_in_dim3A_173 = arith.constant 0.000000e+00 : f32
    %broadcast_in_dim3A_174 = vector.broadcast %broadcast_in_dim3A_173 : f32 to vector<16xf32>
    %swap3A_175 = arith.constant 320 : index
    %swap3A_176 = tpu.vector_load %arg6[%swap3A_175] {strides = array<i32>} : memref<640xf32, #tpu.memory_space<vmem>>, vector<16xf32>,
    %swap3A_177 = vector.shape_cast %swap3A_176 : vector<16xf32> to vector<16xf32>
    %swap3A_178 = vector.shape_cast %broadcast_in_dim3A_174 : vector<16xf32> to vector<16xf32>
    tpu.vector_store %arg6[%swap3A_175], %swap3A_178 {strides = array<i32>} : memref<640xf32, #tpu.memory_space<vmem>>, vector<16xf32>,
    %broadcast_in_dim3A_179 = arith.constant 0.000000e+00 : f32
    %broadcast_in_dim3A_180 = vector.broadcast %broadcast_in_dim3A_179 : f32 to vector<16xf32>
    %swap3A_181 = arith.constant 336 : index
    %swap3A_182 = tpu.vector_load %arg6[%swap3A_181] {strides = array<i32>} : memref<640xf32, #tpu.memory_space<vmem>>, vector<16xf32>,
    %swap3A_183 = vector.shape_cast %swap3A_182 : vector<16xf32> to vector<16xf32>
    %swap3A_184 = vector.shape_cast %broadcast_in_dim3A_180 : vector<16xf32> to vector<16xf32>
    tpu.vector_store %arg6[%swap3A_181], %swap3A_184 {strides = array<i32>} : memref<640xf32, #tpu.memory_space<vmem>>, vector<16xf32>,
    %broadcast_in_dim3A_185 = arith.constant 0.000000e+00 : f32
    %broadcast_in_dim3A_186 = vector.broadcast %broadcast_in_dim3A_185 : f32 to vector<16xf32>
    %swap3A_187 = arith.constant 352 : index
    %swap3A_188 = tpu.vector_load %arg6[%swap3A_187] {strides = array<i32>} : memref<640xf32, #tpu.memory_space<vmem>>, vector<16xf32>,
    %swap3A_189 = vector.shape_cast %swap3A_188 : vector<16xf32> to vector<16xf32>
    %swap3A_190 = vector.shape_cast %broadcast_in_dim3A_186 : vector<16xf32> to vector<16xf32>
    tpu.vector_store %arg6[%swap3A_187], %swap3A_190 {strides = array<i32>} : memref<640xf32, #tpu.memory_space<vmem>>, vector<16xf32>,
    %broadcast_in_dim3A_191 = arith.constant 0.000000e+00 : f32
    %broadcast_in_dim3A_192 = vector.broadcast %broadcast_in_dim3A_191 : f32 to vector<16xf32>
    %swap3A_193 = arith.constant 368 : index
    %swap3A_194 = tpu.vector_load %arg6[%swap3A_193] {strides = array<i32>} : memref<640xf32, #tpu.memory_space<vmem>>, vector<16xf32>,
    %swap3A_195 = vector.shape_cast %swap3A_194 : vector<16xf32> to vector<16xf32>
    %swap3A_196 = vector.shape_cast %broadcast_in_dim3A_192 : vector<16xf32> to vector<16xf32>
    tpu.vector_store %arg6[%swap3A_193], %swap3A_196 {strides = array<i32>} : memref<640xf32, #tpu.memory_space<vmem>>, vector<16xf32>,
    %broadcast_in_dim3A_197 = arith.constant 0.000000e+00 : f32
    %broadcast_in_dim3A_198 = vector.broadcast %broadcast_in_dim3A_197 : f32 to vector<16xf32>
    %swap3A_199 = arith.constant 384 : index
    %swap3A_200 = tpu.vector_load %arg6[%swap3A_199] {strides = array<i32>} : memref<640xf32, #tpu.memory_space<vmem>>, vector<16xf32>,
    %swap3A_201 = vector.shape_cast %swap3A_200 : vector<16xf32> to vector<16xf32>
    %swap3A_202 = vector.shape_cast %broadcast_in_dim3A_198 : vector<16xf32> to vector<16xf32>
    tpu.vector_store %arg6[%swap3A_199], %swap3A_202 {strides = array<i32>} : memref<640xf32, #tpu.memory_space<vmem>>, vector<16xf32>,
    %broadcast_in_dim3A_203 = arith.constant 0.000000e+00 : f32
    %broadcast_in_dim3A_204 = vector.broadcast %broadcast_in_dim3A_203 : f32 to vector<16xf32>
    %swap3A_205 = arith.constant 400 : index
    %swap3A_206 = tpu.vector_load %arg6[%swap3A_205] {strides = array<i32>} : memref<640xf32, #tpu.memory_space<vmem>>, vector<16xf32>,
    %swap3A_207 = vector.shape_cast %swap3A_206 : vector<16xf32> to vector<16xf32>
    %swap3A_208 = vector.shape_cast %broadcast_in_dim3A_204 : vector<16xf32> to vector<16xf32>
    tpu.vector_store %arg6[%swap3A_205], %swap3A_208 {strides = array<i32>} : memref<640xf32, #tpu.memory_space<vmem>>, vector<16xf32>,
    %broadcast_in_dim3A_209 = arith.constant 0.000000e+00 : f32
    %broadcast_in_dim3A_210 = vector.broadcast %broadcast_in_dim3A_209 : f32 to vector<16xf32>
    %swap3A_211 = arith.constant 416 : index
    %swap3A_212 = tpu.vector_load %arg6[%swap3A_211] {strides = array<i32>} : memref<640xf32, #tpu.memory_space<vmem>>, vector<16xf32>,
    %swap3A_213 = vector.shape_cast %swap3A_212 : vector<16xf32> to vector<16xf32>
    %swap3A_214 = vector.shape_cast %broadcast_in_dim3A_210 : vector<16xf32> to vector<16xf32>
    tpu.vector_store %arg6[%swap3A_211], %swap3A_214 {strides = array<i32>} : memref<640xf32, #tpu.memory_space<vmem>>, vector<16xf32>,
    %broadcast_in_dim3A_215 = arith.constant 0.000000e+00 : f32
    %broadcast_in_dim3A_216 = vector.broadcast %broadcast_in_dim3A_215 : f32 to vector<16xf32>
    %swap3A_217 = arith.constant 432 : index
    %swap3A_218 = tpu.vector_load %arg6[%swap3A_217] {strides = array<i32>} : memref<640xf32, #tpu.memory_space<vmem>>, vector<16xf32>,
    %swap3A_219 = vector.shape_cast %swap3A_218 : vector<16xf32> to vector<16xf32>
    %swap3A_220 = vector.shape_cast %broadcast_in_dim3A_216 : vector<16xf32> to vector<16xf32>
    tpu.vector_store %arg6[%swap3A_217], %swap3A_220 {strides = array<i32>} : memref<640xf32, #tpu.memory_space<vmem>>, vector<16xf32>,
    %broadcast_in_dim3A_221 = arith.constant 0.000000e+00 : f32
    %broadcast_in_dim3A_222 = vector.broadcast %broadcast_in_dim3A_221 : f32 to vector<16xf32>
    %swap3A_223 = arith.constant 448 : index
    %swap3A_224 = tpu.vector_load %arg6[%swap3A_223] {strides = array<i32>} : memref<640xf32, #tpu.memory_space<vmem>>, vector<16xf32>,
    %swap3A_225 = vector.shape_cast %swap3A_224 : vector<16xf32> to vector<16xf32>
    %swap3A_226 = vector.shape_cast %broadcast_in_dim3A_222 : vector<16xf32> to vector<16xf32>
    tpu.vector_store %arg6[%swap3A_223], %swap3A_226 {strides = array<i32>} : memref<640xf32, #tpu.memory_space<vmem>>, vector<16xf32>,
    %broadcast_in_dim3A_227 = arith.constant 0.000000e+00 : f32
    %broadcast_in_dim3A_228 = vector.broadcast %broadcast_in_dim3A_227 : f32 to vector<16xf32>
    %swap3A_229 = arith.constant 464 : index
    %swap3A_230 = tpu.vector_load %arg6[%swap3A_229] {strides = array<i32>} : memref<640xf32, #tpu.memory_space<vmem>>, vector<16xf32>,
    %swap3A_231 = vector.shape_cast %swap3A_230 : vector<16xf32> to vector<16xf32>
    %swap3A_232 = vector.shape_cast %broadcast_in_dim3A_228 : vector<16xf32> to vector<16xf32>
    tpu.vector_store %arg6[%swap3A_229], %swap3A_232 {strides = array<i32>} : memref<640xf32, #tpu.memory_space<vmem>>, vector<16xf32>,
    %broadcast_in_dim3A_233 = arith.constant 0.000000e+00 : f32
    %broadcast_in_dim3A_234 = vector.broadcast %broadcast_in_dim3A_233 : f32 to vector<16xf32>
    %swap3A_235 = arith.constant 480 : index
    %swap3A_236 = tpu.vector_load %arg6[%swap3A_235] {strides = array<i32>} : memref<640xf32, #tpu.memory_space<vmem>>, vector<16xf32>,
    %swap3A_237 = vector.shape_cast %swap3A_236 : vector<16xf32> to vector<16xf32>
    %swap3A_238 = vector.shape_cast %broadcast_in_dim3A_234 : vector<16xf32> to vector<16xf32>
    tpu.vector_store %arg6[%swap3A_235], %swap3A_238 {strides = array<i32>} : memref<640xf32, #tpu.memory_space<vmem>>, vector<16xf32>,
    %broadcast_in_dim3A_239 = arith.constant 0.000000e+00 : f32
    %broadcast_in_dim3A_240 = vector.broadcast %broadcast_in_dim3A_239 : f32 to vector<16xf32>
    %swap3A_241 = arith.constant 496 : index
    %swap3A_242 = tpu.vector_load %arg6[%swap3A_241] {strides = array<i32>} : memref<640xf32, #tpu.memory_space<vmem>>, vector<16xf32>,
    %swap3A_243 = vector.shape_cast %swap3A_242 : vector<16xf32> to vector<16xf32>
    %swap3A_244 = vector.shape_cast %broadcast_in_dim3A_240 : vector<16xf32> to vector<16xf32>
    tpu.vector_store %arg6[%swap3A_241], %swap3A_244 {strides = array<i32>} : memref<640xf32, #tpu.memory_space<vmem>>, vector<16xf32>,
    %broadcast_in_dim3A_245 = arith.constant 0.000000e+00 : f32
    %broadcast_in_dim3A_246 = vector.broadcast %broadcast_in_dim3A_245 : f32 to vector<16xf32>
    %swap3A_247 = arith.constant 512 : index
    %swap3A_248 = tpu.vector_load %arg6[%swap3A_247] {strides = array<i32>} : memref<640xf32, #tpu.memory_space<vmem>>, vector<16xf32>,
    %swap3A_249 = vector.shape_cast %swap3A_248 : vector<16xf32> to vector<16xf32>
    %swap3A_250 = vector.shape_cast %broadcast_in_dim3A_246 : vector<16xf32> to vector<16xf32>
    tpu.vector_store %arg6[%swap3A_247], %swap3A_250 {strides = array<i32>} : memref<640xf32, #tpu.memory_space<vmem>>, vector<16xf32>,
    %broadcast_in_dim3A_251 = arith.constant 0.000000e+00 : f32
    %broadcast_in_dim3A_252 = vector.broadcast %broadcast_in_dim3A_251 : f32 to vector<16xf32>
    %swap3A_253 = arith.constant 528 : index
    %swap3A_254 = tpu.vector_load %arg6[%swap3A_253] {strides = array<i32>} : memref<640xf32, #tpu.memory_space<vmem>>, vector<16xf32>,
    %swap3A_255 = vector.shape_cast %swap3A_254 : vector<16xf32> to vector<16xf32>
    %swap3A_256 = vector.shape_cast %broadcast_in_dim3A_252 : vector<16xf32> to vector<16xf32>
    tpu.vector_store %arg6[%swap3A_253], %swap3A_256 {strides = array<i32>} : memref<640xf32, #tpu.memory_space<vmem>>, vector<16xf32>,
    %broadcast_in_dim3A_257 = arith.constant 0.000000e+00 : f32
    %broadcast_in_dim3A_258 = vector.broadcast %broadcast_in_dim3A_257 : f32 to vector<16xf32>
    %swap3A_259 = arith.constant 544 : index
    %swap3A_260 = tpu.vector_load %arg6[%swap3A_259] {strides = array<i32>} : memref<640xf32, #tpu.memory_space<vmem>>, vector<16xf32>,
    %swap3A_261 = vector.shape_cast %swap3A_260 : vector<16xf32> to vector<16xf32>
    %swap3A_262 = vector.shape_cast %broadcast_in_dim3A_258 : vector<16xf32> to vector<16xf32>
    tpu.vector_store %arg6[%swap3A_259], %swap3A_262 {strides = array<i32>} : memref<640xf32, #tpu.memory_space<vmem>>, vector<16xf32>,
    %broadcast_in_dim3A_263 = arith.constant 0.000000e+00 : f32
    %broadcast_in_dim3A_264 = vector.broadcast %broadcast_in_dim3A_263 : f32 to vector<16xf32>
    %swap3A_265 = arith.constant 560 : index
    %swap3A_266 = tpu.vector_load %arg6[%swap3A_265] {strides = array<i32>} : memref<640xf32, #tpu.memory_space<vmem>>, vector<16xf32>,
    %swap3A_267 = vector.shape_cast %swap3A_266 : vector<16xf32> to vector<16xf32>
    %swap3A_268 = vector.shape_cast %broadcast_in_dim3A_264 : vector<16xf32> to vector<16xf32>
    tpu.vector_store %arg6[%swap3A_265], %swap3A_268 {strides = array<i32>} : memref<640xf32, #tpu.memory_space<vmem>>, vector<16xf32>,
    %broadcast_in_dim3A_269 = arith.constant 0.000000e+00 : f32
    %broadcast_in_dim3A_270 = vector.broadcast %broadcast_in_dim3A_269 : f32 to vector<16xf32>
    %swap3A_271 = arith.constant 576 : index
    %swap3A_272 = tpu.vector_load %arg6[%swap3A_271] {strides = array<i32>} : memref<640xf32, #tpu.memory_space<vmem>>, vector<16xf32>,
    %swap3A_273 = vector.shape_cast %swap3A_272 : vector<16xf32> to vector<16xf32>
    %swap3A_274 = vector.shape_cast %broadcast_in_dim3A_270 : vector<16xf32> to vector<16xf32>
    tpu.vector_store %arg6[%swap3A_271], %swap3A_274 {strides = array<i32>} : memref<640xf32, #tpu.memory_space<vmem>>, vector<16xf32>,
    %broadcast_in_dim3A_275 = arith.constant 0.000000e+00 : f32
    %broadcast_in_dim3A_276 = vector.broadcast %broadcast_in_dim3A_275 : f32 to vector<16xf32>
    %swap3A_277 = arith.constant 592 : index
    %swap3A_278 = tpu.vector_load %arg6[%swap3A_277] {strides = array<i32>} : memref<640xf32, #tpu.memory_space<vmem>>, vector<16xf32>,
    %swap3A_279 = vector.shape_cast %swap3A_278 : vector<16xf32> to vector<16xf32>
    %swap3A_280 = vector.shape_cast %broadcast_in_dim3A_276 : vector<16xf32> to vector<16xf32>
    tpu.vector_store %arg6[%swap3A_277], %swap3A_280 {strides = array<i32>} : memref<640xf32, #tpu.memory_space<vmem>>, vector<16xf32>,
    %broadcast_in_dim3A_281 = arith.constant 0.000000e+00 : f32
    %broadcast_in_dim3A_282 = vector.broadcast %broadcast_in_dim3A_281 : f32 to vector<16xf32>
    %swap3A_283 = arith.constant 608 : index
    %swap3A_284 = tpu.vector_load %arg6[%swap3A_283] {strides = array<i32>} : memref<640xf32, #tpu.memory_space<vmem>>, vector<16xf32>,
    %swap3A_285 = vector.shape_cast %swap3A_284 : vector<16xf32> to vector<16xf32>
    %swap3A_286 = vector.shape_cast %broadcast_in_dim3A_282 : vector<16xf32> to vector<16xf32>
    tpu.vector_store %arg6[%swap3A_283], %swap3A_286 {strides = array<i32>} : memref<640xf32, #tpu.memory_space<vmem>>, vector<16xf32>,
    %broadcast_in_dim3A_287 = arith.constant 0.000000e+00 : f32
    %broadcast_in_dim3A_288 = vector.broadcast %broadcast_in_dim3A_287 : f32 to vector<16xf32>
    %swap3A_289 = arith.constant 624 : index
    %swap3A_290 = tpu.vector_load %arg6[%swap3A_289] {strides = array<i32>} : memref<640xf32, #tpu.memory_space<vmem>>, vector<16xf32>,
    %swap3A_291 = vector.shape_cast %swap3A_290 : vector<16xf32> to vector<16xf32>
    %swap3A_292 = vector.shape_cast %broadcast_in_dim3A_288 : vector<16xf32> to vector<16xf32>
    tpu.vector_store %arg6[%swap3A_289], %swap3A_292 {strides = array<i32>} : memref<640xf32, #tpu.memory_space<vmem>>, vector<16xf32>,
    "tpu.region"() ({
      %run_scoped3A_329 = tpu.sem_alloc : memref<!tpu.dma_semaphore, #tpu.memory_space<semaphore_mem>>
      %dma_start3A = tpu.memref_slice %arg7[%mul3A_2] : memref<10240xf32, #tpu.memory_space<vmem_shared>> -> memref<640xf32, #tpu.memory_space<vmem_shared>>
      %dma_start3A_330 = tpu.memref_slice %arg7[%mul3A_2] : memref<10240xf32, #tpu.memory_space<vmem_shared>> -> memref<640xf32, #tpu.memory_space<vmem_shared>>
      tpu.enqueue_dma source(%arg6 : memref<640xf32, #tpu.memory_space<vmem>>) target(%dma_start3A_330 : memref<640xf32, #tpu.memory_space<vmem_shared>>) target_semaphore(%run_scoped3A_329 : memref<!tpu.dma_semaphore, #tpu.memory_space<semaphore_mem>>)
      %dma_wait3A = tpu.memref_slice %arg7[%mul3A_2] : memref<10240xf32, #tpu.memory_space<vmem_shared>> -> memref<640xf32, #tpu.memory_space<vmem_shared>>
      %dma_wait3A_331 = tpu.memref_slice %arg7[%mul3A_2] : memref<10240xf32, #tpu.memory_space<vmem_shared>> -> memref<640xf32, #tpu.memory_space<vmem_shared>>
      tpu.wait_dma2 semaphore(%run_scoped3A_329 : memref<!tpu.dma_semaphore, #tpu.memory_space<semaphore_mem>>) src(%arg6 : memref<640xf32, #tpu.memory_space<vmem>>) dst(%dma_wait3A_331 : memref<640xf32, #tpu.memory_space<vmem_shared>>)
      tpu.yield
    }) : () -> ()
    %barrier3A = arith.constant 0 : index
    tpu.barrier barrier_id(%barrier3A)
    %sub3A = arith.constant 0 : i32
    %sub3A_293 = arith.subi %select_n3A, %sub3A : i32
    %sub3A_294 = arith.constant 1 : i32
    %sub3A_295 = arith.constant 1 : i32
    %sub3A_296 = arith.subi %sub3A_294, %sub3A_295 : i32
    %add3A_297 = arith.addi %sub3A_293, %sub3A_296 : i32
    %div3A = arith.constant 1 : i32
    %div3A_298 = arith.divsi %add3A_297, %div3A : i32
    %while3A = arith.constant 1 : i32
    %while3A_299 = arith.constant 0 : i32
    %while3A_300 = arith.constant 0 : i32
    %while3A_301 = arith.subi %div3A_298, %while3A_300 : i32
    %while3A_302 = arith.addi %while3A_300, %while3A_301 : i32
    %while3A_303 = arith.constant 1 : i32
    %while3A_304 = arith.divsi %while3A_301, %while3A_303 : i32
    %while3A_305 = arith.muli %while3A_304, %while3A_303 : i32
    %while3A_306 = arith.addi %while3A_300, %while3A_305 : i32
    %while3A_307 = arith.constant 1 : i32
    scf.for %while3A_329 = %while3A_300 to %while3A_306 step %while3A_307  : i32 {
      %mul3A_330 = arith.muli %while3A_329, %while3A : i32
      %add3A_331 = arith.addi %while3A_299, %mul3A_330 : i32
      %dma_start3A = arith.constant 0 : i32
      %dma_start3A_332 = tpu.memref_slice %arg4[%add3A_331, %dma_start3A] : memref<82x128xi32, #tpu.memory_space<vmem>> -> memref<1x128xi32, #tpu.memory_space<vmem>>
      %dma_start3A_333 = tpu.memref_squeeze %dma_start3A_332 : memref<1x128xi32, #tpu.memory_space<vmem>> -> memref<128xi32, #tpu.memory_space<vmem>>
      %dma_start3A_334 = arith.constant 0 : i32
      %dma_start3A_335 = tpu.memref_slice %arg7[%dma_start3A_334] : memref<10240xf32, #tpu.memory_space<vmem_shared>> -> memref<10240xf32, #tpu.memory_space<vmem_shared>>
      tpu.enqueue_indirect_dma source(%arg5 : memref<128xf32, #tpu.memory_space<vmem>>) target(%dma_start3A_335 : memref<10240xf32, #tpu.memory_space<vmem_shared>>) offsets(%dma_start3A_333 : memref<128xi32, #tpu.memory_space<vmem>>) semaphore(%arg8 : memref<!tpu.dma_semaphore, #tpu.memory_space<semaphore_mem>>) {add = true}
    }
    %while3A_308 = arith.constant 1 : i32
    scf.for %while3A_329 = %while3A_306 to %while3A_302 step %while3A_308  : i32 {
      %mul3A_330 = arith.muli %while3A_329, %while3A : i32
      %add3A_331 = arith.addi %while3A_299, %mul3A_330 : i32
      %dma_start3A = arith.constant 0 : i32
      %dma_start3A_332 = tpu.memref_slice %arg4[%add3A_331, %dma_start3A] : memref<82x128xi32, #tpu.memory_space<vmem>> -> memref<1x128xi32, #tpu.memory_space<vmem>>
      %dma_start3A_333 = tpu.memref_squeeze %dma_start3A_332 : memref<1x128xi32, #tpu.memory_space<vmem>> -> memref<128xi32, #tpu.memory_space<vmem>>
      %dma_start3A_334 = arith.constant 0 : i32
      %dma_start3A_335 = tpu.memref_slice %arg7[%dma_start3A_334] : memref<10240xf32, #tpu.memory_space<vmem_shared>> -> memref<10240xf32, #tpu.memory_space<vmem_shared>>
      tpu.enqueue_indirect_dma source(%arg5 : memref<128xf32, #tpu.memory_space<vmem>>) target(%dma_start3A_335 : memref<10240xf32, #tpu.memory_space<vmem_shared>>) offsets(%dma_start3A_333 : memref<128xi32, #tpu.memory_space<vmem>>) semaphore(%arg8 : memref<!tpu.dma_semaphore, #tpu.memory_space<semaphore_mem>>) {add = true}
    }
    %sub3A_309 = arith.constant 0 : i32
    %sub3A_310 = arith.subi %select_n3A, %sub3A_309 : i32
    %sub3A_311 = arith.constant 1 : i32
    %sub3A_312 = arith.constant 1 : i32
    %sub3A_313 = arith.subi %sub3A_311, %sub3A_312 : i32
    %add3A_314 = arith.addi %sub3A_310, %sub3A_313 : i32
    %div3A_315 = arith.constant 1 : i32
    %div3A_316 = arith.divsi %add3A_314, %div3A_315 : i32
    %while3A_317 = arith.constant 1 : i32
    %while3A_318 = arith.constant 0 : i32
    %while3A_319 = arith.constant 0 : i32
    %while3A_320 = arith.subi %div3A_316, %while3A_319 : i32
    %while3A_321 = arith.addi %while3A_319, %while3A_320 : i32
    %while3A_322 = arith.constant 1 : i32
    %while3A_323 = arith.divsi %while3A_320, %while3A_322 : i32
    %while3A_324 = arith.muli %while3A_323, %while3A_322 : i32
    %while3A_325 = arith.addi %while3A_319, %while3A_324 : i32
    %while3A_326 = arith.constant 1 : i32
    scf.for %while3A_329 = %while3A_319 to %while3A_325 step %while3A_326  : i32 {
      %mul3A_330 = arith.muli %while3A_329, %while3A_317 : i32
      %add3A_331 = arith.addi %while3A_318, %mul3A_330 : i32
      %dma_wait3A = arith.constant 0 : i32
      %dma_wait3A_332 = tpu.memref_slice %arg4[%add3A_331, %dma_wait3A] : memref<82x128xi32, #tpu.memory_space<vmem>> -> memref<1x128xi32, #tpu.memory_space<vmem>>
      %dma_wait3A_333 = tpu.memref_squeeze %dma_wait3A_332 : memref<1x128xi32, #tpu.memory_space<vmem>> -> memref<128xi32, #tpu.memory_space<vmem>>
      %dma_wait3A_334 = arith.constant 0 : i32
      %dma_wait3A_335 = tpu.memref_slice %arg7[%dma_wait3A_334] : memref<10240xf32, #tpu.memory_space<vmem_shared>> -> memref<10240xf32, #tpu.memory_space<vmem_shared>>
      tpu.wait_indirect_dma semaphore(%arg8 : memref<!tpu.dma_semaphore, #tpu.memory_space<semaphore_mem>>) src(%arg5 : memref<128xf32, #tpu.memory_space<vmem>>) dst(%dma_wait3A_335 : memref<10240xf32, #tpu.memory_space<vmem_shared>>)
    }
    %while3A_327 = arith.constant 1 : i32
    scf.for %while3A_329 = %while3A_325 to %while3A_321 step %while3A_327  : i32 {
      %mul3A_330 = arith.muli %while3A_329, %while3A_317 : i32
      %add3A_331 = arith.addi %while3A_318, %mul3A_330 : i32
      %dma_wait3A = arith.constant 0 : i32
      %dma_wait3A_332 = tpu.memref_slice %arg4[%add3A_331, %dma_wait3A] : memref<82x128xi32, #tpu.memory_space<vmem>> -> memref<1x128xi32, #tpu.memory_space<vmem>>
      %dma_wait3A_333 = tpu.memref_squeeze %dma_wait3A_332 : memref<1x128xi32, #tpu.memory_space<vmem>> -> memref<128xi32, #tpu.memory_space<vmem>>
      %dma_wait3A_334 = arith.constant 0 : i32
      %dma_wait3A_335 = tpu.memref_slice %arg7[%dma_wait3A_334] : memref<10240xf32, #tpu.memory_space<vmem_shared>> -> memref<10240xf32, #tpu.memory_space<vmem_shared>>
      tpu.wait_indirect_dma semaphore(%arg8 : memref<!tpu.dma_semaphore, #tpu.memory_space<semaphore_mem>>) src(%arg5 : memref<128xf32, #tpu.memory_space<vmem>>) dst(%dma_wait3A_335 : memref<10240xf32, #tpu.memory_space<vmem_shared>>)
    }
    %barrier3A_328 = arith.constant 0 : index
    tpu.barrier barrier_id(%barrier3A_328)
    "tpu.region"() ({
      %run_scoped3A_329 = tpu.sem_alloc : memref<!tpu.dma_semaphore, #tpu.memory_space<semaphore_mem>>
      %dma_start3A = tpu.memref_slice %arg3[%arg0, %mul3A_2] : memref<2x10240xf32, #tpu.memory_space<hbm>> -> memref<1x640xf32, #tpu.memory_space<hbm>>
      %dma_start3A_330 = tpu.memref_squeeze %dma_start3A : memref<1x640xf32, #tpu.memory_space<hbm>> -> memref<640xf32, #tpu.memory_space<hbm>>
      %dma_start3A_331 = tpu.memref_slice %arg7[%mul3A_2] : memref<10240xf32, #tpu.memory_space<vmem_shared>> -> memref<640xf32, #tpu.memory_space<vmem_shared>>
      tpu.enqueue_dma source(%dma_start3A_331 : memref<640xf32, #tpu.memory_space<vmem_shared>>) target(%dma_start3A_330 : memref<640xf32, #tpu.memory_space<hbm>>) target_semaphore(%run_scoped3A_329 : memref<!tpu.dma_semaphore, #tpu.memory_space<semaphore_mem>>)
      %dma_wait3A = tpu.memref_slice %arg3[%arg0, %mul3A_2] : memref<2x10240xf32, #tpu.memory_space<hbm>> -> memref<1x640xf32, #tpu.memory_space<hbm>>
      %dma_wait3A_332 = tpu.memref_squeeze %dma_wait3A : memref<1x640xf32, #tpu.memory_space<hbm>> -> memref<640xf32, #tpu.memory_space<hbm>>
      %dma_wait3A_333 = tpu.memref_slice %arg7[%mul3A_2] : memref<10240xf32, #tpu.memory_space<vmem_shared>> -> memref<640xf32, #tpu.memory_space<vmem_shared>>
      tpu.wait_dma2 semaphore(%run_scoped3A_329 : memref<!tpu.dma_semaphore, #tpu.memory_space<semaphore_mem>>) src(%dma_wait3A_333 : memref<640xf32, #tpu.memory_space<vmem_shared>>) dst(%dma_wait3A_332 : memref<640xf32, #tpu.memory_space<hbm>>)
      tpu.yield
    }) : () -> ()
    return
  }
}

#map = affine_map<(d0, d1) -> (0, 0)>
#map1 = affine_map<(d0, d1) -> (0, 0, 0)>
module attributes {stable_mosaic.version = 14 : i64} {
  func.func @_scat_body(%arg0: i32, %arg1: i32, %arg2: memref<10240x32xf32, #tpu.memory_space<hbm>>, %arg3: memref<2x2500x128xi32, #tpu.memory_space<hbm>>, %arg4: memref<2x10240x32xf32, #tpu.memory_space<hbm>>, %arg5: memref<82x128xi32, #tpu.memory_space<vmem>>, %arg6: memref<82x128xi32, #tpu.memory_space<vmem>>, %arg7: memref<2x128x32xf32, #tpu.memory_space<vmem>>, %arg8: memref<16x32xf32, #tpu.memory_space<vmem>>, %arg9: memref<10240x32xf32, #tpu.memory_space<vmem_shared>>, %arg10: memref<10240x32xf32, #tpu.memory_space<vmem_shared>>, %arg11: memref<!tpu.dma_semaphore, #tpu.memory_space<semaphore_mem>>, %arg12: memref<!tpu.dma_semaphore, #tpu.memory_space<semaphore_mem>>) attributes {dimension_semantics = [#tpu.dimension_semantics<core_parallel>, #tpu.dimension_semantics<subcore_parallel>], iteration_bounds = array<i64: 2, 16>, scalar_prefetch = 0 : i64, scratch_operands = 8 : i64, tpu.core_type = #tpu.core_type<sc_vector_subcore>, window_params = [{transform_indices = #map}, {transform_indices = #map1}, {transform_indices = #map1}]} {
    %mul3A = arith.constant 16 : i32
    %mul3A_0 = arith.muli %arg0, %mul3A : i32
    %add3A = arith.addi %mul3A_0, %arg1 : i32
    %mul3A_1 = arith.constant 640 : i32
    %mul3A_2 = arith.muli %arg1, %mul3A_1 : i32
    %eq3A = arith.constant 31 : i32
    %eq3A_3 = arith.cmpi eq, %add3A, %eq3A : i32
    %jit3A = arith.constant 82 : i32
    %jit3A_4 = arith.constant 78 : i32
    %select_n3A = arith.select %eq3A_3, %jit3A, %jit3A_4 : i32
    %mul3A_5 = arith.constant 78 : i32
    %mul3A_6 = arith.muli %add3A, %mul3A_5 : i32
    %run_scoped3A = arith.constant 0 : i32
    "tpu.region"() ({
      %run_scoped3A_383 = tpu.sem_alloc : memref<!tpu.dma_semaphore, #tpu.memory_space<semaphore_mem>>
      %dma_start3A_384 = arith.constant 0 : i32
      %dma_start3A_385 = tpu.memref_slice %arg3[%run_scoped3A, %mul3A_6, %dma_start3A_384] : memref<2x2500x128xi32, #tpu.memory_space<hbm>> -> memref<1x82x128xi32, #tpu.memory_space<hbm>>
      %dma_start3A_386 = tpu.memref_squeeze %dma_start3A_385 : memref<1x82x128xi32, #tpu.memory_space<hbm>> -> memref<82x128xi32, #tpu.memory_space<hbm>>
      %dma_start3A_387 = arith.constant 0 : i32
      %dma_start3A_388 = tpu.memref_slice %arg3[%run_scoped3A, %mul3A_6, %dma_start3A_387] : memref<2x2500x128xi32, #tpu.memory_space<hbm>> -> memref<1x82x128xi32, #tpu.memory_space<hbm>>
      %dma_start3A_389 = tpu.memref_squeeze %dma_start3A_388 : memref<1x82x128xi32, #tpu.memory_space<hbm>> -> memref<82x128xi32, #tpu.memory_space<hbm>>
      tpu.enqueue_dma source(%dma_start3A_389 : memref<82x128xi32, #tpu.memory_space<hbm>>) target(%arg5 : memref<82x128xi32, #tpu.memory_space<vmem>>) target_semaphore(%run_scoped3A_383 : memref<!tpu.dma_semaphore, #tpu.memory_space<semaphore_mem>>)
      %dma_wait3A_390 = arith.constant 0 : i32
      %dma_wait3A_391 = tpu.memref_slice %arg3[%run_scoped3A, %mul3A_6, %dma_wait3A_390] : memref<2x2500x128xi32, #tpu.memory_space<hbm>> -> memref<1x82x128xi32, #tpu.memory_space<hbm>>
      %dma_wait3A_392 = tpu.memref_squeeze %dma_wait3A_391 : memref<1x82x128xi32, #tpu.memory_space<hbm>> -> memref<82x128xi32, #tpu.memory_space<hbm>>
      %dma_wait3A_393 = arith.constant 0 : i32
      %dma_wait3A_394 = tpu.memref_slice %arg3[%run_scoped3A, %mul3A_6, %dma_wait3A_393] : memref<2x2500x128xi32, #tpu.memory_space<hbm>> -> memref<1x82x128xi32, #tpu.memory_space<hbm>>
      %dma_wait3A_395 = tpu.memref_squeeze %dma_wait3A_394 : memref<1x82x128xi32, #tpu.memory_space<hbm>> -> memref<82x128xi32, #tpu.memory_space<hbm>>
      tpu.wait_dma2 semaphore(%run_scoped3A_383 : memref<!tpu.dma_semaphore, #tpu.memory_space<semaphore_mem>>) src(%dma_wait3A_395 : memref<82x128xi32, #tpu.memory_space<hbm>>) dst(%arg5 : memref<82x128xi32, #tpu.memory_space<vmem>>)
      tpu.yield
    }) : () -> ()
    %mul3A_7 = arith.constant 78 : i32
    %mul3A_8 = arith.muli %add3A, %mul3A_7 : i32
    %run_scoped3A_9 = arith.constant 1 : i32
    "tpu.region"() ({
      %run_scoped3A_383 = tpu.sem_alloc : memref<!tpu.dma_semaphore, #tpu.memory_space<semaphore_mem>>
      %dma_start3A_384 = arith.constant 0 : i32
      %dma_start3A_385 = tpu.memref_slice %arg3[%run_scoped3A_9, %mul3A_8, %dma_start3A_384] : memref<2x2500x128xi32, #tpu.memory_space<hbm>> -> memref<1x82x128xi32, #tpu.memory_space<hbm>>
      %dma_start3A_386 = tpu.memref_squeeze %dma_start3A_385 : memref<1x82x128xi32, #tpu.memory_space<hbm>> -> memref<82x128xi32, #tpu.memory_space<hbm>>
      %dma_start3A_387 = arith.constant 0 : i32
      %dma_start3A_388 = tpu.memref_slice %arg3[%run_scoped3A_9, %mul3A_8, %dma_start3A_387] : memref<2x2500x128xi32, #tpu.memory_space<hbm>> -> memref<1x82x128xi32, #tpu.memory_space<hbm>>
      %dma_start3A_389 = tpu.memref_squeeze %dma_start3A_388 : memref<1x82x128xi32, #tpu.memory_space<hbm>> -> memref<82x128xi32, #tpu.memory_space<hbm>>
      tpu.enqueue_dma source(%dma_start3A_389 : memref<82x128xi32, #tpu.memory_space<hbm>>) target(%arg6 : memref<82x128xi32, #tpu.memory_space<vmem>>) target_semaphore(%run_scoped3A_383 : memref<!tpu.dma_semaphore, #tpu.memory_space<semaphore_mem>>)
      %dma_wait3A_390 = arith.constant 0 : i32
      %dma_wait3A_391 = tpu.memref_slice %arg3[%run_scoped3A_9, %mul3A_8, %dma_wait3A_390] : memref<2x2500x128xi32, #tpu.memory_space<hbm>> -> memref<1x82x128xi32, #tpu.memory_space<hbm>>
      %dma_wait3A_392 = tpu.memref_squeeze %dma_wait3A_391 : memref<1x82x128xi32, #tpu.memory_space<hbm>> -> memref<82x128xi32, #tpu.memory_space<hbm>>
      %dma_wait3A_393 = arith.constant 0 : i32
      %dma_wait3A_394 = tpu.memref_slice %arg3[%run_scoped3A_9, %mul3A_8, %dma_wait3A_393] : memref<2x2500x128xi32, #tpu.memory_space<hbm>> -> memref<1x82x128xi32, #tpu.memory_space<hbm>>
      %dma_wait3A_395 = tpu.memref_squeeze %dma_wait3A_394 : memref<1x82x128xi32, #tpu.memory_space<hbm>> -> memref<82x128xi32, #tpu.memory_space<hbm>>
      tpu.wait_dma2 semaphore(%run_scoped3A_383 : memref<!tpu.dma_semaphore, #tpu.memory_space<semaphore_mem>>) src(%dma_wait3A_395 : memref<82x128xi32, #tpu.memory_space<hbm>>) dst(%arg6 : memref<82x128xi32, #tpu.memory_space<vmem>>)
      tpu.yield
    }) : () -> ()
    "tpu.region"() ({
      %run_scoped3A_383 = tpu.sem_alloc : memref<!tpu.dma_semaphore, #tpu.memory_space<semaphore_mem>>
      %dma_start3A_384 = arith.constant 0 : i32
      %dma_start3A_385 = tpu.memref_slice %arg9[%mul3A_2, %dma_start3A_384] : memref<10240x32xf32, #tpu.memory_space<vmem_shared>> -> memref<640x32xf32, #tpu.memory_space<vmem_shared>>
      %dma_start3A_386 = arith.constant 0 : i32
      %dma_start3A_387 = tpu.memref_slice %arg2[%mul3A_2, %dma_start3A_386] : memref<10240x32xf32, #tpu.memory_space<hbm>> -> memref<640x32xf32, #tpu.memory_space<hbm>>
      tpu.enqueue_dma source(%dma_start3A_387 : memref<640x32xf32, #tpu.memory_space<hbm>>) target(%dma_start3A_385 : memref<640x32xf32, #tpu.memory_space<vmem_shared>>) target_semaphore(%run_scoped3A_383 : memref<!tpu.dma_semaphore, #tpu.memory_space<semaphore_mem>>)
      %dma_wait3A_388 = arith.constant 0 : i32
      %dma_wait3A_389 = tpu.memref_slice %arg9[%mul3A_2, %dma_wait3A_388] : memref<10240x32xf32, #tpu.memory_space<vmem_shared>> -> memref<640x32xf32, #tpu.memory_space<vmem_shared>>
      %dma_wait3A_390 = arith.constant 0 : i32
      %dma_wait3A_391 = tpu.memref_slice %arg2[%mul3A_2, %dma_wait3A_390] : memref<10240x32xf32, #tpu.memory_space<hbm>> -> memref<640x32xf32, #tpu.memory_space<hbm>>
      tpu.wait_dma2 semaphore(%run_scoped3A_383 : memref<!tpu.dma_semaphore, #tpu.memory_space<semaphore_mem>>) src(%dma_wait3A_391 : memref<640x32xf32, #tpu.memory_space<hbm>>) dst(%dma_wait3A_389 : memref<640x32xf32, #tpu.memory_space<vmem_shared>>)
      tpu.yield
    }) : () -> ()
    %broadcast_in_dim3A = arith.constant 0.000000e+00 : f32
    %broadcast_in_dim3A_10 = vector.broadcast %broadcast_in_dim3A : f32 to vector<16xf32>
    %swap3A = arith.constant 0 : i32
    %swap3A_11 = arith.index_cast %swap3A : i32 to index
    %swap3A_12 = arith.constant 0 : index
    %swap3A_13 = tpu.vector_load %arg8[%swap3A_11, %swap3A_12] {strides = array<i32>} : memref<16x32xf32, #tpu.memory_space<vmem>>, vector<1x16xf32>,
    %swap3A_14 = vector.shape_cast %swap3A_13 : vector<1x16xf32> to vector<16xf32>
    %swap3A_15 = vector.shape_cast %broadcast_in_dim3A_10 : vector<16xf32> to vector<1x16xf32>
    tpu.vector_store %arg8[%swap3A_11, %swap3A_12], %swap3A_15 {strides = array<i32>} : memref<16x32xf32, #tpu.memory_space<vmem>>, vector<1x16xf32>,
    %broadcast_in_dim3A_16 = arith.constant 0.000000e+00 : f32
    %broadcast_in_dim3A_17 = vector.broadcast %broadcast_in_dim3A_16 : f32 to vector<16xf32>
    %swap3A_18 = arith.constant 0 : i32
    %swap3A_19 = arith.index_cast %swap3A_18 : i32 to index
    %swap3A_20 = arith.constant 16 : index
    %swap3A_21 = tpu.vector_load %arg8[%swap3A_19, %swap3A_20] {strides = array<i32>} : memref<16x32xf32, #tpu.memory_space<vmem>>, vector<1x16xf32>,
    %swap3A_22 = vector.shape_cast %swap3A_21 : vector<1x16xf32> to vector<16xf32>
    %swap3A_23 = vector.shape_cast %broadcast_in_dim3A_17 : vector<16xf32> to vector<1x16xf32>
    tpu.vector_store %arg8[%swap3A_19, %swap3A_20], %swap3A_23 {strides = array<i32>} : memref<16x32xf32, #tpu.memory_space<vmem>>, vector<1x16xf32>,
    %broadcast_in_dim3A_24 = arith.constant 0.000000e+00 : f32
    %broadcast_in_dim3A_25 = vector.broadcast %broadcast_in_dim3A_24 : f32 to vector<16xf32>
    %swap3A_26 = arith.constant 1 : i32
    %swap3A_27 = arith.index_cast %swap3A_26 : i32 to index
    %swap3A_28 = arith.constant 0 : index
    %swap3A_29 = tpu.vector_load %arg8[%swap3A_27, %swap3A_28] {strides = array<i32>} : memref<16x32xf32, #tpu.memory_space<vmem>>, vector<1x16xf32>,
    %swap3A_30 = vector.shape_cast %swap3A_29 : vector<1x16xf32> to vector<16xf32>
    %swap3A_31 = vector.shape_cast %broadcast_in_dim3A_25 : vector<16xf32> to vector<1x16xf32>
    tpu.vector_store %arg8[%swap3A_27, %swap3A_28], %swap3A_31 {strides = array<i32>} : memref<16x32xf32, #tpu.memory_space<vmem>>, vector<1x16xf32>,
    %broadcast_in_dim3A_32 = arith.constant 0.000000e+00 : f32
    %broadcast_in_dim3A_33 = vector.broadcast %broadcast_in_dim3A_32 : f32 to vector<16xf32>
    %swap3A_34 = arith.constant 1 : i32
    %swap3A_35 = arith.index_cast %swap3A_34 : i32 to index
    %swap3A_36 = arith.constant 16 : index
    %swap3A_37 = tpu.vector_load %arg8[%swap3A_35, %swap3A_36] {strides = array<i32>} : memref<16x32xf32, #tpu.memory_space<vmem>>, vector<1x16xf32>,
    %swap3A_38 = vector.shape_cast %swap3A_37 : vector<1x16xf32> to vector<16xf32>
    %swap3A_39 = vector.shape_cast %broadcast_in_dim3A_33 : vector<16xf32> to vector<1x16xf32>
    tpu.vector_store %arg8[%swap3A_35, %swap3A_36], %swap3A_39 {strides = array<i32>} : memref<16x32xf32, #tpu.memory_space<vmem>>, vector<1x16xf32>,
    %broadcast_in_dim3A_40 = arith.constant 0.000000e+00 : f32
    %broadcast_in_dim3A_41 = vector.broadcast %broadcast_in_dim3A_40 : f32 to vector<16xf32>
    %swap3A_42 = arith.constant 2 : i32
    %swap3A_43 = arith.index_cast %swap3A_42 : i32 to index
    %swap3A_44 = arith.constant 0 : index
    %swap3A_45 = tpu.vector_load %arg8[%swap3A_43, %swap3A_44] {strides = array<i32>} : memref<16x32xf32, #tpu.memory_space<vmem>>, vector<1x16xf32>,
    %swap3A_46 = vector.shape_cast %swap3A_45 : vector<1x16xf32> to vector<16xf32>
    %swap3A_47 = vector.shape_cast %broadcast_in_dim3A_41 : vector<16xf32> to vector<1x16xf32>
    tpu.vector_store %arg8[%swap3A_43, %swap3A_44], %swap3A_47 {strides = array<i32>} : memref<16x32xf32, #tpu.memory_space<vmem>>, vector<1x16xf32>,
    %broadcast_in_dim3A_48 = arith.constant 0.000000e+00 : f32
    %broadcast_in_dim3A_49 = vector.broadcast %broadcast_in_dim3A_48 : f32 to vector<16xf32>
    %swap3A_50 = arith.constant 2 : i32
    %swap3A_51 = arith.index_cast %swap3A_50 : i32 to index
    %swap3A_52 = arith.constant 16 : index
    %swap3A_53 = tpu.vector_load %arg8[%swap3A_51, %swap3A_52] {strides = array<i32>} : memref<16x32xf32, #tpu.memory_space<vmem>>, vector<1x16xf32>,
    %swap3A_54 = vector.shape_cast %swap3A_53 : vector<1x16xf32> to vector<16xf32>
    %swap3A_55 = vector.shape_cast %broadcast_in_dim3A_49 : vector<16xf32> to vector<1x16xf32>
    tpu.vector_store %arg8[%swap3A_51, %swap3A_52], %swap3A_55 {strides = array<i32>} : memref<16x32xf32, #tpu.memory_space<vmem>>, vector<1x16xf32>,
    %broadcast_in_dim3A_56 = arith.constant 0.000000e+00 : f32
    %broadcast_in_dim3A_57 = vector.broadcast %broadcast_in_dim3A_56 : f32 to vector<16xf32>
    %swap3A_58 = arith.constant 3 : i32
    %swap3A_59 = arith.index_cast %swap3A_58 : i32 to index
    %swap3A_60 = arith.constant 0 : index
    %swap3A_61 = tpu.vector_load %arg8[%swap3A_59, %swap3A_60] {strides = array<i32>} : memref<16x32xf32, #tpu.memory_space<vmem>>, vector<1x16xf32>,
    %swap3A_62 = vector.shape_cast %swap3A_61 : vector<1x16xf32> to vector<16xf32>
    %swap3A_63 = vector.shape_cast %broadcast_in_dim3A_57 : vector<16xf32> to vector<1x16xf32>
    tpu.vector_store %arg8[%swap3A_59, %swap3A_60], %swap3A_63 {strides = array<i32>} : memref<16x32xf32, #tpu.memory_space<vmem>>, vector<1x16xf32>,
    %broadcast_in_dim3A_64 = arith.constant 0.000000e+00 : f32
    %broadcast_in_dim3A_65 = vector.broadcast %broadcast_in_dim3A_64 : f32 to vector<16xf32>
    %swap3A_66 = arith.constant 3 : i32
    %swap3A_67 = arith.index_cast %swap3A_66 : i32 to index
    %swap3A_68 = arith.constant 16 : index
    %swap3A_69 = tpu.vector_load %arg8[%swap3A_67, %swap3A_68] {strides = array<i32>} : memref<16x32xf32, #tpu.memory_space<vmem>>, vector<1x16xf32>,
    %swap3A_70 = vector.shape_cast %swap3A_69 : vector<1x16xf32> to vector<16xf32>
    %swap3A_71 = vector.shape_cast %broadcast_in_dim3A_65 : vector<16xf32> to vector<1x16xf32>
    tpu.vector_store %arg8[%swap3A_67, %swap3A_68], %swap3A_71 {strides = array<i32>} : memref<16x32xf32, #tpu.memory_space<vmem>>, vector<1x16xf32>,
    %broadcast_in_dim3A_72 = arith.constant 0.000000e+00 : f32
    %broadcast_in_dim3A_73 = vector.broadcast %broadcast_in_dim3A_72 : f32 to vector<16xf32>
    %swap3A_74 = arith.constant 4 : i32
    %swap3A_75 = arith.index_cast %swap3A_74 : i32 to index
    %swap3A_76 = arith.constant 0 : index
    %swap3A_77 = tpu.vector_load %arg8[%swap3A_75, %swap3A_76] {strides = array<i32>} : memref<16x32xf32, #tpu.memory_space<vmem>>, vector<1x16xf32>,
    %swap3A_78 = vector.shape_cast %swap3A_77 : vector<1x16xf32> to vector<16xf32>
    %swap3A_79 = vector.shape_cast %broadcast_in_dim3A_73 : vector<16xf32> to vector<1x16xf32>
    tpu.vector_store %arg8[%swap3A_75, %swap3A_76], %swap3A_79 {strides = array<i32>} : memref<16x32xf32, #tpu.memory_space<vmem>>, vector<1x16xf32>,
    %broadcast_in_dim3A_80 = arith.constant 0.000000e+00 : f32
    %broadcast_in_dim3A_81 = vector.broadcast %broadcast_in_dim3A_80 : f32 to vector<16xf32>
    %swap3A_82 = arith.constant 4 : i32
    %swap3A_83 = arith.index_cast %swap3A_82 : i32 to index
    %swap3A_84 = arith.constant 16 : index
    %swap3A_85 = tpu.vector_load %arg8[%swap3A_83, %swap3A_84] {strides = array<i32>} : memref<16x32xf32, #tpu.memory_space<vmem>>, vector<1x16xf32>,
    %swap3A_86 = vector.shape_cast %swap3A_85 : vector<1x16xf32> to vector<16xf32>
    %swap3A_87 = vector.shape_cast %broadcast_in_dim3A_81 : vector<16xf32> to vector<1x16xf32>
    tpu.vector_store %arg8[%swap3A_83, %swap3A_84], %swap3A_87 {strides = array<i32>} : memref<16x32xf32, #tpu.memory_space<vmem>>, vector<1x16xf32>,
    %broadcast_in_dim3A_88 = arith.constant 0.000000e+00 : f32
    %broadcast_in_dim3A_89 = vector.broadcast %broadcast_in_dim3A_88 : f32 to vector<16xf32>
    %swap3A_90 = arith.constant 5 : i32
    %swap3A_91 = arith.index_cast %swap3A_90 : i32 to index
    %swap3A_92 = arith.constant 0 : index
    %swap3A_93 = tpu.vector_load %arg8[%swap3A_91, %swap3A_92] {strides = array<i32>} : memref<16x32xf32, #tpu.memory_space<vmem>>, vector<1x16xf32>,
    %swap3A_94 = vector.shape_cast %swap3A_93 : vector<1x16xf32> to vector<16xf32>
    %swap3A_95 = vector.shape_cast %broadcast_in_dim3A_89 : vector<16xf32> to vector<1x16xf32>
    tpu.vector_store %arg8[%swap3A_91, %swap3A_92], %swap3A_95 {strides = array<i32>} : memref<16x32xf32, #tpu.memory_space<vmem>>, vector<1x16xf32>,
    %broadcast_in_dim3A_96 = arith.constant 0.000000e+00 : f32
    %broadcast_in_dim3A_97 = vector.broadcast %broadcast_in_dim3A_96 : f32 to vector<16xf32>
    %swap3A_98 = arith.constant 5 : i32
    %swap3A_99 = arith.index_cast %swap3A_98 : i32 to index
    %swap3A_100 = arith.constant 16 : index
    %swap3A_101 = tpu.vector_load %arg8[%swap3A_99, %swap3A_100] {strides = array<i32>} : memref<16x32xf32, #tpu.memory_space<vmem>>, vector<1x16xf32>,
    %swap3A_102 = vector.shape_cast %swap3A_101 : vector<1x16xf32> to vector<16xf32>
    %swap3A_103 = vector.shape_cast %broadcast_in_dim3A_97 : vector<16xf32> to vector<1x16xf32>
    tpu.vector_store %arg8[%swap3A_99, %swap3A_100], %swap3A_103 {strides = array<i32>} : memref<16x32xf32, #tpu.memory_space<vmem>>, vector<1x16xf32>,
    %broadcast_in_dim3A_104 = arith.constant 0.000000e+00 : f32
    %broadcast_in_dim3A_105 = vector.broadcast %broadcast_in_dim3A_104 : f32 to vector<16xf32>
    %swap3A_106 = arith.constant 6 : i32
    %swap3A_107 = arith.index_cast %swap3A_106 : i32 to index
    %swap3A_108 = arith.constant 0 : index
    %swap3A_109 = tpu.vector_load %arg8[%swap3A_107, %swap3A_108] {strides = array<i32>} : memref<16x32xf32, #tpu.memory_space<vmem>>, vector<1x16xf32>,
    %swap3A_110 = vector.shape_cast %swap3A_109 : vector<1x16xf32> to vector<16xf32>
    %swap3A_111 = vector.shape_cast %broadcast_in_dim3A_105 : vector<16xf32> to vector<1x16xf32>
    tpu.vector_store %arg8[%swap3A_107, %swap3A_108], %swap3A_111 {strides = array<i32>} : memref<16x32xf32, #tpu.memory_space<vmem>>, vector<1x16xf32>,
    %broadcast_in_dim3A_112 = arith.constant 0.000000e+00 : f32
    %broadcast_in_dim3A_113 = vector.broadcast %broadcast_in_dim3A_112 : f32 to vector<16xf32>
    %swap3A_114 = arith.constant 6 : i32
    %swap3A_115 = arith.index_cast %swap3A_114 : i32 to index
    %swap3A_116 = arith.constant 16 : index
    %swap3A_117 = tpu.vector_load %arg8[%swap3A_115, %swap3A_116] {strides = array<i32>} : memref<16x32xf32, #tpu.memory_space<vmem>>, vector<1x16xf32>,
    %swap3A_118 = vector.shape_cast %swap3A_117 : vector<1x16xf32> to vector<16xf32>
    %swap3A_119 = vector.shape_cast %broadcast_in_dim3A_113 : vector<16xf32> to vector<1x16xf32>
    tpu.vector_store %arg8[%swap3A_115, %swap3A_116], %swap3A_119 {strides = array<i32>} : memref<16x32xf32, #tpu.memory_space<vmem>>, vector<1x16xf32>,
    %broadcast_in_dim3A_120 = arith.constant 0.000000e+00 : f32
    %broadcast_in_dim3A_121 = vector.broadcast %broadcast_in_dim3A_120 : f32 to vector<16xf32>
    %swap3A_122 = arith.constant 7 : i32
    %swap3A_123 = arith.index_cast %swap3A_122 : i32 to index
    %swap3A_124 = arith.constant 0 : index
    %swap3A_125 = tpu.vector_load %arg8[%swap3A_123, %swap3A_124] {strides = array<i32>} : memref<16x32xf32, #tpu.memory_space<vmem>>, vector<1x16xf32>,
    %swap3A_126 = vector.shape_cast %swap3A_125 : vector<1x16xf32> to vector<16xf32>
    %swap3A_127 = vector.shape_cast %broadcast_in_dim3A_121 : vector<16xf32> to vector<1x16xf32>
    tpu.vector_store %arg8[%swap3A_123, %swap3A_124], %swap3A_127 {strides = array<i32>} : memref<16x32xf32, #tpu.memory_space<vmem>>, vector<1x16xf32>,
    %broadcast_in_dim3A_128 = arith.constant 0.000000e+00 : f32
    %broadcast_in_dim3A_129 = vector.broadcast %broadcast_in_dim3A_128 : f32 to vector<16xf32>
    %swap3A_130 = arith.constant 7 : i32
    %swap3A_131 = arith.index_cast %swap3A_130 : i32 to index
    %swap3A_132 = arith.constant 16 : index
    %swap3A_133 = tpu.vector_load %arg8[%swap3A_131, %swap3A_132] {strides = array<i32>} : memref<16x32xf32, #tpu.memory_space<vmem>>, vector<1x16xf32>,
    %swap3A_134 = vector.shape_cast %swap3A_133 : vector<1x16xf32> to vector<16xf32>
    %swap3A_135 = vector.shape_cast %broadcast_in_dim3A_129 : vector<16xf32> to vector<1x16xf32>
    tpu.vector_store %arg8[%swap3A_131, %swap3A_132], %swap3A_135 {strides = array<i32>} : memref<16x32xf32, #tpu.memory_space<vmem>>, vector<1x16xf32>,
    %broadcast_in_dim3A_136 = arith.constant 0.000000e+00 : f32
    %broadcast_in_dim3A_137 = vector.broadcast %broadcast_in_dim3A_136 : f32 to vector<16xf32>
    %swap3A_138 = arith.constant 8 : i32
    %swap3A_139 = arith.index_cast %swap3A_138 : i32 to index
    %swap3A_140 = arith.constant 0 : index
    %swap3A_141 = tpu.vector_load %arg8[%swap3A_139, %swap3A_140] {strides = array<i32>} : memref<16x32xf32, #tpu.memory_space<vmem>>, vector<1x16xf32>,
    %swap3A_142 = vector.shape_cast %swap3A_141 : vector<1x16xf32> to vector<16xf32>
    %swap3A_143 = vector.shape_cast %broadcast_in_dim3A_137 : vector<16xf32> to vector<1x16xf32>
    tpu.vector_store %arg8[%swap3A_139, %swap3A_140], %swap3A_143 {strides = array<i32>} : memref<16x32xf32, #tpu.memory_space<vmem>>, vector<1x16xf32>,
    %broadcast_in_dim3A_144 = arith.constant 0.000000e+00 : f32
    %broadcast_in_dim3A_145 = vector.broadcast %broadcast_in_dim3A_144 : f32 to vector<16xf32>
    %swap3A_146 = arith.constant 8 : i32
    %swap3A_147 = arith.index_cast %swap3A_146 : i32 to index
    %swap3A_148 = arith.constant 16 : index
    %swap3A_149 = tpu.vector_load %arg8[%swap3A_147, %swap3A_148] {strides = array<i32>} : memref<16x32xf32, #tpu.memory_space<vmem>>, vector<1x16xf32>,
    %swap3A_150 = vector.shape_cast %swap3A_149 : vector<1x16xf32> to vector<16xf32>
    %swap3A_151 = vector.shape_cast %broadcast_in_dim3A_145 : vector<16xf32> to vector<1x16xf32>
    tpu.vector_store %arg8[%swap3A_147, %swap3A_148], %swap3A_151 {strides = array<i32>} : memref<16x32xf32, #tpu.memory_space<vmem>>, vector<1x16xf32>,
    %broadcast_in_dim3A_152 = arith.constant 0.000000e+00 : f32
    %broadcast_in_dim3A_153 = vector.broadcast %broadcast_in_dim3A_152 : f32 to vector<16xf32>
    %swap3A_154 = arith.constant 9 : i32
    %swap3A_155 = arith.index_cast %swap3A_154 : i32 to index
    %swap3A_156 = arith.constant 0 : index
    %swap3A_157 = tpu.vector_load %arg8[%swap3A_155, %swap3A_156] {strides = array<i32>} : memref<16x32xf32, #tpu.memory_space<vmem>>, vector<1x16xf32>,
    %swap3A_158 = vector.shape_cast %swap3A_157 : vector<1x16xf32> to vector<16xf32>
    %swap3A_159 = vector.shape_cast %broadcast_in_dim3A_153 : vector<16xf32> to vector<1x16xf32>
    tpu.vector_store %arg8[%swap3A_155, %swap3A_156], %swap3A_159 {strides = array<i32>} : memref<16x32xf32, #tpu.memory_space<vmem>>, vector<1x16xf32>,
    %broadcast_in_dim3A_160 = arith.constant 0.000000e+00 : f32
    %broadcast_in_dim3A_161 = vector.broadcast %broadcast_in_dim3A_160 : f32 to vector<16xf32>
    %swap3A_162 = arith.constant 9 : i32
    %swap3A_163 = arith.index_cast %swap3A_162 : i32 to index
    %swap3A_164 = arith.constant 16 : index
    %swap3A_165 = tpu.vector_load %arg8[%swap3A_163, %swap3A_164] {strides = array<i32>} : memref<16x32xf32, #tpu.memory_space<vmem>>, vector<1x16xf32>,
    %swap3A_166 = vector.shape_cast %swap3A_165 : vector<1x16xf32> to vector<16xf32>
    %swap3A_167 = vector.shape_cast %broadcast_in_dim3A_161 : vector<16xf32> to vector<1x16xf32>
    tpu.vector_store %arg8[%swap3A_163, %swap3A_164], %swap3A_167 {strides = array<i32>} : memref<16x32xf32, #tpu.memory_space<vmem>>, vector<1x16xf32>,
    %broadcast_in_dim3A_168 = arith.constant 0.000000e+00 : f32
    %broadcast_in_dim3A_169 = vector.broadcast %broadcast_in_dim3A_168 : f32 to vector<16xf32>
    %swap3A_170 = arith.constant 10 : i32
    %swap3A_171 = arith.index_cast %swap3A_170 : i32 to index
    %swap3A_172 = arith.constant 0 : index
    %swap3A_173 = tpu.vector_load %arg8[%swap3A_171, %swap3A_172] {strides = array<i32>} : memref<16x32xf32, #tpu.memory_space<vmem>>, vector<1x16xf32>,
    %swap3A_174 = vector.shape_cast %swap3A_173 : vector<1x16xf32> to vector<16xf32>
    %swap3A_175 = vector.shape_cast %broadcast_in_dim3A_169 : vector<16xf32> to vector<1x16xf32>
    tpu.vector_store %arg8[%swap3A_171, %swap3A_172], %swap3A_175 {strides = array<i32>} : memref<16x32xf32, #tpu.memory_space<vmem>>, vector<1x16xf32>,
    %broadcast_in_dim3A_176 = arith.constant 0.000000e+00 : f32
    %broadcast_in_dim3A_177 = vector.broadcast %broadcast_in_dim3A_176 : f32 to vector<16xf32>
    %swap3A_178 = arith.constant 10 : i32
    %swap3A_179 = arith.index_cast %swap3A_178 : i32 to index
    %swap3A_180 = arith.constant 16 : index
    %swap3A_181 = tpu.vector_load %arg8[%swap3A_179, %swap3A_180] {strides = array<i32>} : memref<16x32xf32, #tpu.memory_space<vmem>>, vector<1x16xf32>,
    %swap3A_182 = vector.shape_cast %swap3A_181 : vector<1x16xf32> to vector<16xf32>
    %swap3A_183 = vector.shape_cast %broadcast_in_dim3A_177 : vector<16xf32> to vector<1x16xf32>
    tpu.vector_store %arg8[%swap3A_179, %swap3A_180], %swap3A_183 {strides = array<i32>} : memref<16x32xf32, #tpu.memory_space<vmem>>, vector<1x16xf32>,
    %broadcast_in_dim3A_184 = arith.constant 0.000000e+00 : f32
    %broadcast_in_dim3A_185 = vector.broadcast %broadcast_in_dim3A_184 : f32 to vector<16xf32>
    %swap3A_186 = arith.constant 11 : i32
    %swap3A_187 = arith.index_cast %swap3A_186 : i32 to index
    %swap3A_188 = arith.constant 0 : index
    %swap3A_189 = tpu.vector_load %arg8[%swap3A_187, %swap3A_188] {strides = array<i32>} : memref<16x32xf32, #tpu.memory_space<vmem>>, vector<1x16xf32>,
    %swap3A_190 = vector.shape_cast %swap3A_189 : vector<1x16xf32> to vector<16xf32>
    %swap3A_191 = vector.shape_cast %broadcast_in_dim3A_185 : vector<16xf32> to vector<1x16xf32>
    tpu.vector_store %arg8[%swap3A_187, %swap3A_188], %swap3A_191 {strides = array<i32>} : memref<16x32xf32, #tpu.memory_space<vmem>>, vector<1x16xf32>,
    %broadcast_in_dim3A_192 = arith.constant 0.000000e+00 : f32
    %broadcast_in_dim3A_193 = vector.broadcast %broadcast_in_dim3A_192 : f32 to vector<16xf32>
    %swap3A_194 = arith.constant 11 : i32
    %swap3A_195 = arith.index_cast %swap3A_194 : i32 to index
    %swap3A_196 = arith.constant 16 : index
    %swap3A_197 = tpu.vector_load %arg8[%swap3A_195, %swap3A_196] {strides = array<i32>} : memref<16x32xf32, #tpu.memory_space<vmem>>, vector<1x16xf32>,
    %swap3A_198 = vector.shape_cast %swap3A_197 : vector<1x16xf32> to vector<16xf32>
    %swap3A_199 = vector.shape_cast %broadcast_in_dim3A_193 : vector<16xf32> to vector<1x16xf32>
    tpu.vector_store %arg8[%swap3A_195, %swap3A_196], %swap3A_199 {strides = array<i32>} : memref<16x32xf32, #tpu.memory_space<vmem>>, vector<1x16xf32>,
    %broadcast_in_dim3A_200 = arith.constant 0.000000e+00 : f32
    %broadcast_in_dim3A_201 = vector.broadcast %broadcast_in_dim3A_200 : f32 to vector<16xf32>
    %swap3A_202 = arith.constant 12 : i32
    %swap3A_203 = arith.index_cast %swap3A_202 : i32 to index
    %swap3A_204 = arith.constant 0 : index
    %swap3A_205 = tpu.vector_load %arg8[%swap3A_203, %swap3A_204] {strides = array<i32>} : memref<16x32xf32, #tpu.memory_space<vmem>>, vector<1x16xf32>,
    %swap3A_206 = vector.shape_cast %swap3A_205 : vector<1x16xf32> to vector<16xf32>
    %swap3A_207 = vector.shape_cast %broadcast_in_dim3A_201 : vector<16xf32> to vector<1x16xf32>
    tpu.vector_store %arg8[%swap3A_203, %swap3A_204], %swap3A_207 {strides = array<i32>} : memref<16x32xf32, #tpu.memory_space<vmem>>, vector<1x16xf32>,
    %broadcast_in_dim3A_208 = arith.constant 0.000000e+00 : f32
    %broadcast_in_dim3A_209 = vector.broadcast %broadcast_in_dim3A_208 : f32 to vector<16xf32>
    %swap3A_210 = arith.constant 12 : i32
    %swap3A_211 = arith.index_cast %swap3A_210 : i32 to index
    %swap3A_212 = arith.constant 16 : index
    %swap3A_213 = tpu.vector_load %arg8[%swap3A_211, %swap3A_212] {strides = array<i32>} : memref<16x32xf32, #tpu.memory_space<vmem>>, vector<1x16xf32>,
    %swap3A_214 = vector.shape_cast %swap3A_213 : vector<1x16xf32> to vector<16xf32>
    %swap3A_215 = vector.shape_cast %broadcast_in_dim3A_209 : vector<16xf32> to vector<1x16xf32>
    tpu.vector_store %arg8[%swap3A_211, %swap3A_212], %swap3A_215 {strides = array<i32>} : memref<16x32xf32, #tpu.memory_space<vmem>>, vector<1x16xf32>,
    %broadcast_in_dim3A_216 = arith.constant 0.000000e+00 : f32
    %broadcast_in_dim3A_217 = vector.broadcast %broadcast_in_dim3A_216 : f32 to vector<16xf32>
    %swap3A_218 = arith.constant 13 : i32
    %swap3A_219 = arith.index_cast %swap3A_218 : i32 to index
    %swap3A_220 = arith.constant 0 : index
    %swap3A_221 = tpu.vector_load %arg8[%swap3A_219, %swap3A_220] {strides = array<i32>} : memref<16x32xf32, #tpu.memory_space<vmem>>, vector<1x16xf32>,
    %swap3A_222 = vector.shape_cast %swap3A_221 : vector<1x16xf32> to vector<16xf32>
    %swap3A_223 = vector.shape_cast %broadcast_in_dim3A_217 : vector<16xf32> to vector<1x16xf32>
    tpu.vector_store %arg8[%swap3A_219, %swap3A_220], %swap3A_223 {strides = array<i32>} : memref<16x32xf32, #tpu.memory_space<vmem>>, vector<1x16xf32>,
    %broadcast_in_dim3A_224 = arith.constant 0.000000e+00 : f32
    %broadcast_in_dim3A_225 = vector.broadcast %broadcast_in_dim3A_224 : f32 to vector<16xf32>
    %swap3A_226 = arith.constant 13 : i32
    %swap3A_227 = arith.index_cast %swap3A_226 : i32 to index
    %swap3A_228 = arith.constant 16 : index
    %swap3A_229 = tpu.vector_load %arg8[%swap3A_227, %swap3A_228] {strides = array<i32>} : memref<16x32xf32, #tpu.memory_space<vmem>>, vector<1x16xf32>,
    %swap3A_230 = vector.shape_cast %swap3A_229 : vector<1x16xf32> to vector<16xf32>
    %swap3A_231 = vector.shape_cast %broadcast_in_dim3A_225 : vector<16xf32> to vector<1x16xf32>
    tpu.vector_store %arg8[%swap3A_227, %swap3A_228], %swap3A_231 {strides = array<i32>} : memref<16x32xf32, #tpu.memory_space<vmem>>, vector<1x16xf32>,
    %broadcast_in_dim3A_232 = arith.constant 0.000000e+00 : f32
    %broadcast_in_dim3A_233 = vector.broadcast %broadcast_in_dim3A_232 : f32 to vector<16xf32>
    %swap3A_234 = arith.constant 14 : i32
    %swap3A_235 = arith.index_cast %swap3A_234 : i32 to index
    %swap3A_236 = arith.constant 0 : index
    %swap3A_237 = tpu.vector_load %arg8[%swap3A_235, %swap3A_236] {strides = array<i32>} : memref<16x32xf32, #tpu.memory_space<vmem>>, vector<1x16xf32>,
    %swap3A_238 = vector.shape_cast %swap3A_237 : vector<1x16xf32> to vector<16xf32>
    %swap3A_239 = vector.shape_cast %broadcast_in_dim3A_233 : vector<16xf32> to vector<1x16xf32>
    tpu.vector_store %arg8[%swap3A_235, %swap3A_236], %swap3A_239 {strides = array<i32>} : memref<16x32xf32, #tpu.memory_space<vmem>>, vector<1x16xf32>,
    %broadcast_in_dim3A_240 = arith.constant 0.000000e+00 : f32
    %broadcast_in_dim3A_241 = vector.broadcast %broadcast_in_dim3A_240 : f32 to vector<16xf32>
    %swap3A_242 = arith.constant 14 : i32
    %swap3A_243 = arith.index_cast %swap3A_242 : i32 to index
    %swap3A_244 = arith.constant 16 : index
    %swap3A_245 = tpu.vector_load %arg8[%swap3A_243, %swap3A_244] {strides = array<i32>} : memref<16x32xf32, #tpu.memory_space<vmem>>, vector<1x16xf32>,
    %swap3A_246 = vector.shape_cast %swap3A_245 : vector<1x16xf32> to vector<16xf32>
    %swap3A_247 = vector.shape_cast %broadcast_in_dim3A_241 : vector<16xf32> to vector<1x16xf32>
    tpu.vector_store %arg8[%swap3A_243, %swap3A_244], %swap3A_247 {strides = array<i32>} : memref<16x32xf32, #tpu.memory_space<vmem>>, vector<1x16xf32>,
    %broadcast_in_dim3A_248 = arith.constant 0.000000e+00 : f32
    %broadcast_in_dim3A_249 = vector.broadcast %broadcast_in_dim3A_248 : f32 to vector<16xf32>
    %swap3A_250 = arith.constant 15 : i32
    %swap3A_251 = arith.index_cast %swap3A_250 : i32 to index
    %swap3A_252 = arith.constant 0 : index
    %swap3A_253 = tpu.vector_load %arg8[%swap3A_251, %swap3A_252] {strides = array<i32>} : memref<16x32xf32, #tpu.memory_space<vmem>>, vector<1x16xf32>,
    %swap3A_254 = vector.shape_cast %swap3A_253 : vector<1x16xf32> to vector<16xf32>
    %swap3A_255 = vector.shape_cast %broadcast_in_dim3A_249 : vector<16xf32> to vector<1x16xf32>
    tpu.vector_store %arg8[%swap3A_251, %swap3A_252], %swap3A_255 {strides = array<i32>} : memref<16x32xf32, #tpu.memory_space<vmem>>, vector<1x16xf32>,
    %broadcast_in_dim3A_256 = arith.constant 0.000000e+00 : f32
    %broadcast_in_dim3A_257 = vector.broadcast %broadcast_in_dim3A_256 : f32 to vector<16xf32>
    %swap3A_258 = arith.constant 15 : i32
    %swap3A_259 = arith.index_cast %swap3A_258 : i32 to index
    %swap3A_260 = arith.constant 16 : index
    %swap3A_261 = tpu.vector_load %arg8[%swap3A_259, %swap3A_260] {strides = array<i32>} : memref<16x32xf32, #tpu.memory_space<vmem>>, vector<1x16xf32>,
    %swap3A_262 = vector.shape_cast %swap3A_261 : vector<1x16xf32> to vector<16xf32>
    %swap3A_263 = vector.shape_cast %broadcast_in_dim3A_257 : vector<16xf32> to vector<1x16xf32>
    tpu.vector_store %arg8[%swap3A_259, %swap3A_260], %swap3A_263 {strides = array<i32>} : memref<16x32xf32, #tpu.memory_space<vmem>>, vector<1x16xf32>,
    %add3A_264 = arith.constant 0 : i32
    %add3A_265 = arith.addi %mul3A_2, %add3A_264 : i32
    "tpu.region"() ({
      %run_scoped3A_383 = tpu.sem_alloc : memref<!tpu.dma_semaphore, #tpu.memory_space<semaphore_mem>>
      %dma_start3A_384 = arith.constant 0 : i32
      %dma_start3A_385 = tpu.memref_slice %arg10[%add3A_265, %dma_start3A_384] : memref<10240x32xf32, #tpu.memory_space<vmem_shared>> -> memref<16x32xf32, #tpu.memory_space<vmem_shared>>
      %dma_start3A_386 = arith.constant 0 : i32
      %dma_start3A_387 = tpu.memref_slice %arg10[%add3A_265, %dma_start3A_386] : memref<10240x32xf32, #tpu.memory_space<vmem_shared>> -> memref<16x32xf32, #tpu.memory_space<vmem_shared>>
      tpu.enqueue_dma source(%arg8 : memref<16x32xf32, #tpu.memory_space<vmem>>) target(%dma_start3A_387 : memref<16x32xf32, #tpu.memory_space<vmem_shared>>) target_semaphore(%run_scoped3A_383 : memref<!tpu.dma_semaphore, #tpu.memory_space<semaphore_mem>>)
      %dma_wait3A_388 = arith.constant 0 : i32
      %dma_wait3A_389 = tpu.memref_slice %arg10[%add3A_265, %dma_wait3A_388] : memref<10240x32xf32, #tpu.memory_space<vmem_shared>> -> memref<16x32xf32, #tpu.memory_space<vmem_shared>>
      %dma_wait3A_390 = arith.constant 0 : i32
      %dma_wait3A_391 = tpu.memref_slice %arg10[%add3A_265, %dma_wait3A_390] : memref<10240x32xf32, #tpu.memory_space<vmem_shared>> -> memref<16x32xf32, #tpu.memory_space<vmem_shared>>
      tpu.wait_dma2 semaphore(%run_scoped3A_383 : memref<!tpu.dma_semaphore, #tpu.memory_space<semaphore_mem>>) src(%arg8 : memref<16x32xf32, #tpu.memory_space<vmem>>) dst(%dma_wait3A_391 : memref<16x32xf32, #tpu.memory_space<vmem_shared>>)
      tpu.yield
    }) : () -> ()
    %add3A_266 = arith.constant 16 : i32
    %add3A_267 = arith.addi %mul3A_2, %add3A_266 : i32
    "tpu.region"() ({
      %run_scoped3A_383 = tpu.sem_alloc : memref<!tpu.dma_semaphore, #tpu.memory_space<semaphore_mem>>
      %dma_start3A_384 = arith.constant 0 : i32
      %dma_start3A_385 = tpu.memref_slice %arg10[%add3A_267, %dma_start3A_384] : memref<10240x32xf32, #tpu.memory_space<vmem_shared>> -> memref<16x32xf32, #tpu.memory_space<vmem_shared>>
      %dma_start3A_386 = arith.constant 0 : i32
      %dma_start3A_387 = tpu.memref_slice %arg10[%add3A_267, %dma_start3A_386] : memref<10240x32xf32, #tpu.memory_space<vmem_shared>> -> memref<16x32xf32, #tpu.memory_space<vmem_shared>>
      tpu.enqueue_dma source(%arg8 : memref<16x32xf32, #tpu.memory_space<vmem>>) target(%dma_start3A_387 : memref<16x32xf32, #tpu.memory_space<vmem_shared>>) target_semaphore(%run_scoped3A_383 : memref<!tpu.dma_semaphore, #tpu.memory_space<semaphore_mem>>)
      %dma_wait3A_388 = arith.constant 0 : i32
      %dma_wait3A_389 = tpu.memref_slice %arg10[%add3A_267, %dma_wait3A_388] : memref<10240x32xf32, #tpu.memory_space<vmem_shared>> -> memref<16x32xf32, #tpu.memory_space<vmem_shared>>
      %dma_wait3A_390 = arith.constant 0 : i32
      %dma_wait3A_391 = tpu.memref_slice %arg10[%add3A_267, %dma_wait3A_390] : memref<10240x32xf32, #tpu.memory_space<vmem_shared>> -> memref<16x32xf32, #tpu.memory_space<vmem_shared>>
      tpu.wait_dma2 semaphore(%run_scoped3A_383 : memref<!tpu.dma_semaphore, #tpu.memory_space<semaphore_mem>>) src(%arg8 : memref<16x32xf32, #tpu.memory_space<vmem>>) dst(%dma_wait3A_391 : memref<16x32xf32, #tpu.memory_space<vmem_shared>>)
      tpu.yield
    }) : () -> ()
    %add3A_268 = arith.constant 32 : i32
    %add3A_269 = arith.addi %mul3A_2, %add3A_268 : i32
    "tpu.region"() ({
      %run_scoped3A_383 = tpu.sem_alloc : memref<!tpu.dma_semaphore, #tpu.memory_space<semaphore_mem>>
      %dma_start3A_384 = arith.constant 0 : i32
      %dma_start3A_385 = tpu.memref_slice %arg10[%add3A_269, %dma_start3A_384] : memref<10240x32xf32, #tpu.memory_space<vmem_shared>> -> memref<16x32xf32, #tpu.memory_space<vmem_shared>>
      %dma_start3A_386 = arith.constant 0 : i32
      %dma_start3A_387 = tpu.memref_slice %arg10[%add3A_269, %dma_start3A_386] : memref<10240x32xf32, #tpu.memory_space<vmem_shared>> -> memref<16x32xf32, #tpu.memory_space<vmem_shared>>
      tpu.enqueue_dma source(%arg8 : memref<16x32xf32, #tpu.memory_space<vmem>>) target(%dma_start3A_387 : memref<16x32xf32, #tpu.memory_space<vmem_shared>>) target_semaphore(%run_scoped3A_383 : memref<!tpu.dma_semaphore, #tpu.memory_space<semaphore_mem>>)
      %dma_wait3A_388 = arith.constant 0 : i32
      %dma_wait3A_389 = tpu.memref_slice %arg10[%add3A_269, %dma_wait3A_388] : memref<10240x32xf32, #tpu.memory_space<vmem_shared>> -> memref<16x32xf32, #tpu.memory_space<vmem_shared>>
      %dma_wait3A_390 = arith.constant 0 : i32
      %dma_wait3A_391 = tpu.memref_slice %arg10[%add3A_269, %dma_wait3A_390] : memref<10240x32xf32, #tpu.memory_space<vmem_shared>> -> memref<16x32xf32, #tpu.memory_space<vmem_shared>>
      tpu.wait_dma2 semaphore(%run_scoped3A_383 : memref<!tpu.dma_semaphore, #tpu.memory_space<semaphore_mem>>) src(%arg8 : memref<16x32xf32, #tpu.memory_space<vmem>>) dst(%dma_wait3A_391 : memref<16x32xf32, #tpu.memory_space<vmem_shared>>)
      tpu.yield
    }) : () -> ()
    %add3A_270 = arith.constant 48 : i32
    %add3A_271 = arith.addi %mul3A_2, %add3A_270 : i32
    "tpu.region"() ({
      %run_scoped3A_383 = tpu.sem_alloc : memref<!tpu.dma_semaphore, #tpu.memory_space<semaphore_mem>>
      %dma_start3A_384 = arith.constant 0 : i32
      %dma_start3A_385 = tpu.memref_slice %arg10[%add3A_271, %dma_start3A_384] : memref<10240x32xf32, #tpu.memory_space<vmem_shared>> -> memref<16x32xf32, #tpu.memory_space<vmem_shared>>
      %dma_start3A_386 = arith.constant 0 : i32
      %dma_start3A_387 = tpu.memref_slice %arg10[%add3A_271, %dma_start3A_386] : memref<10240x32xf32, #tpu.memory_space<vmem_shared>> -> memref<16x32xf32, #tpu.memory_space<vmem_shared>>
      tpu.enqueue_dma source(%arg8 : memref<16x32xf32, #tpu.memory_space<vmem>>) target(%dma_start3A_387 : memref<16x32xf32, #tpu.memory_space<vmem_shared>>) target_semaphore(%run_scoped3A_383 : memref<!tpu.dma_semaphore, #tpu.memory_space<semaphore_mem>>)
      %dma_wait3A_388 = arith.constant 0 : i32
      %dma_wait3A_389 = tpu.memref_slice %arg10[%add3A_271, %dma_wait3A_388] : memref<10240x32xf32, #tpu.memory_space<vmem_shared>> -> memref<16x32xf32, #tpu.memory_space<vmem_shared>>
      %dma_wait3A_390 = arith.constant 0 : i32
      %dma_wait3A_391 = tpu.memref_slice %arg10[%add3A_271, %dma_wait3A_390] : memref<10240x32xf32, #tpu.memory_space<vmem_shared>> -> memref<16x32xf32, #tpu.memory_space<vmem_shared>>
      tpu.wait_dma2 semaphore(%run_scoped3A_383 : memref<!tpu.dma_semaphore, #tpu.memory_space<semaphore_mem>>) src(%arg8 : memref<16x32xf32, #tpu.memory_space<vmem>>) dst(%dma_wait3A_391 : memref<16x32xf32, #tpu.memory_space<vmem_shared>>)
      tpu.yield
    }) : () -> ()
    %add3A_272 = arith.constant 64 : i32
    %add3A_273 = arith.addi %mul3A_2, %add3A_272 : i32
    "tpu.region"() ({
      %run_scoped3A_383 = tpu.sem_alloc : memref<!tpu.dma_semaphore, #tpu.memory_space<semaphore_mem>>
      %dma_start3A_384 = arith.constant 0 : i32
      %dma_start3A_385 = tpu.memref_slice %arg10[%add3A_273, %dma_start3A_384] : memref<10240x32xf32, #tpu.memory_space<vmem_shared>> -> memref<16x32xf32, #tpu.memory_space<vmem_shared>>
      %dma_start3A_386 = arith.constant 0 : i32
      %dma_start3A_387 = tpu.memref_slice %arg10[%add3A_273, %dma_start3A_386] : memref<10240x32xf32, #tpu.memory_space<vmem_shared>> -> memref<16x32xf32, #tpu.memory_space<vmem_shared>>
      tpu.enqueue_dma source(%arg8 : memref<16x32xf32, #tpu.memory_space<vmem>>) target(%dma_start3A_387 : memref<16x32xf32, #tpu.memory_space<vmem_shared>>) target_semaphore(%run_scoped3A_383 : memref<!tpu.dma_semaphore, #tpu.memory_space<semaphore_mem>>)
      %dma_wait3A_388 = arith.constant 0 : i32
      %dma_wait3A_389 = tpu.memref_slice %arg10[%add3A_273, %dma_wait3A_388] : memref<10240x32xf32, #tpu.memory_space<vmem_shared>> -> memref<16x32xf32, #tpu.memory_space<vmem_shared>>
      %dma_wait3A_390 = arith.constant 0 : i32
      %dma_wait3A_391 = tpu.memref_slice %arg10[%add3A_273, %dma_wait3A_390] : memref<10240x32xf32, #tpu.memory_space<vmem_shared>> -> memref<16x32xf32, #tpu.memory_space<vmem_shared>>
      tpu.wait_dma2 semaphore(%run_scoped3A_383 : memref<!tpu.dma_semaphore, #tpu.memory_space<semaphore_mem>>) src(%arg8 : memref<16x32xf32, #tpu.memory_space<vmem>>) dst(%dma_wait3A_391 : memref<16x32xf32, #tpu.memory_space<vmem_shared>>)
      tpu.yield
    }) : () -> ()
    %add3A_274 = arith.constant 80 : i32
    %add3A_275 = arith.addi %mul3A_2, %add3A_274 : i32
    "tpu.region"() ({
      %run_scoped3A_383 = tpu.sem_alloc : memref<!tpu.dma_semaphore, #tpu.memory_space<semaphore_mem>>
      %dma_start3A_384 = arith.constant 0 : i32
      %dma_start3A_385 = tpu.memref_slice %arg10[%add3A_275, %dma_start3A_384] : memref<10240x32xf32, #tpu.memory_space<vmem_shared>> -> memref<16x32xf32, #tpu.memory_space<vmem_shared>>
      %dma_start3A_386 = arith.constant 0 : i32
      %dma_start3A_387 = tpu.memref_slice %arg10[%add3A_275, %dma_start3A_386] : memref<10240x32xf32, #tpu.memory_space<vmem_shared>> -> memref<16x32xf32, #tpu.memory_space<vmem_shared>>
      tpu.enqueue_dma source(%arg8 : memref<16x32xf32, #tpu.memory_space<vmem>>) target(%dma_start3A_387 : memref<16x32xf32, #tpu.memory_space<vmem_shared>>) target_semaphore(%run_scoped3A_383 : memref<!tpu.dma_semaphore, #tpu.memory_space<semaphore_mem>>)
      %dma_wait3A_388 = arith.constant 0 : i32
      %dma_wait3A_389 = tpu.memref_slice %arg10[%add3A_275, %dma_wait3A_388] : memref<10240x32xf32, #tpu.memory_space<vmem_shared>> -> memref<16x32xf32, #tpu.memory_space<vmem_shared>>
      %dma_wait3A_390 = arith.constant 0 : i32
      %dma_wait3A_391 = tpu.memref_slice %arg10[%add3A_275, %dma_wait3A_390] : memref<10240x32xf32, #tpu.memory_space<vmem_shared>> -> memref<16x32xf32, #tpu.memory_space<vmem_shared>>
      tpu.wait_dma2 semaphore(%run_scoped3A_383 : memref<!tpu.dma_semaphore, #tpu.memory_space<semaphore_mem>>) src(%arg8 : memref<16x32xf32, #tpu.memory_space<vmem>>) dst(%dma_wait3A_391 : memref<16x32xf32, #tpu.memory_space<vmem_shared>>)
      tpu.yield
    }) : () -> ()
    %add3A_276 = arith.constant 96 : i32
    %add3A_277 = arith.addi %mul3A_2, %add3A_276 : i32
    "tpu.region"() ({
      %run_scoped3A_383 = tpu.sem_alloc : memref<!tpu.dma_semaphore, #tpu.memory_space<semaphore_mem>>
      %dma_start3A_384 = arith.constant 0 : i32
      %dma_start3A_385 = tpu.memref_slice %arg10[%add3A_277, %dma_start3A_384] : memref<10240x32xf32, #tpu.memory_space<vmem_shared>> -> memref<16x32xf32, #tpu.memory_space<vmem_shared>>
      %dma_start3A_386 = arith.constant 0 : i32
      %dma_start3A_387 = tpu.memref_slice %arg10[%add3A_277, %dma_start3A_386] : memref<10240x32xf32, #tpu.memory_space<vmem_shared>> -> memref<16x32xf32, #tpu.memory_space<vmem_shared>>
      tpu.enqueue_dma source(%arg8 : memref<16x32xf32, #tpu.memory_space<vmem>>) target(%dma_start3A_387 : memref<16x32xf32, #tpu.memory_space<vmem_shared>>) target_semaphore(%run_scoped3A_383 : memref<!tpu.dma_semaphore, #tpu.memory_space<semaphore_mem>>)
      %dma_wait3A_388 = arith.constant 0 : i32
      %dma_wait3A_389 = tpu.memref_slice %arg10[%add3A_277, %dma_wait3A_388] : memref<10240x32xf32, #tpu.memory_space<vmem_shared>> -> memref<16x32xf32, #tpu.memory_space<vmem_shared>>
      %dma_wait3A_390 = arith.constant 0 : i32
      %dma_wait3A_391 = tpu.memref_slice %arg10[%add3A_277, %dma_wait3A_390] : memref<10240x32xf32, #tpu.memory_space<vmem_shared>> -> memref<16x32xf32, #tpu.memory_space<vmem_shared>>
      tpu.wait_dma2 semaphore(%run_scoped3A_383 : memref<!tpu.dma_semaphore, #tpu.memory_space<semaphore_mem>>) src(%arg8 : memref<16x32xf32, #tpu.memory_space<vmem>>) dst(%dma_wait3A_391 : memref<16x32xf32, #tpu.memory_space<vmem_shared>>)
      tpu.yield
    }) : () -> ()
    %add3A_278 = arith.constant 112 : i32
    %add3A_279 = arith.addi %mul3A_2, %add3A_278 : i32
    "tpu.region"() ({
      %run_scoped3A_383 = tpu.sem_alloc : memref<!tpu.dma_semaphore, #tpu.memory_space<semaphore_mem>>
      %dma_start3A_384 = arith.constant 0 : i32
      %dma_start3A_385 = tpu.memref_slice %arg10[%add3A_279, %dma_start3A_384] : memref<10240x32xf32, #tpu.memory_space<vmem_shared>> -> memref<16x32xf32, #tpu.memory_space<vmem_shared>>
      %dma_start3A_386 = arith.constant 0 : i32
      %dma_start3A_387 = tpu.memref_slice %arg10[%add3A_279, %dma_start3A_386] : memref<10240x32xf32, #tpu.memory_space<vmem_shared>> -> memref<16x32xf32, #tpu.memory_space<vmem_shared>>
      tpu.enqueue_dma source(%arg8 : memref<16x32xf32, #tpu.memory_space<vmem>>) target(%dma_start3A_387 : memref<16x32xf32, #tpu.memory_space<vmem_shared>>) target_semaphore(%run_scoped3A_383 : memref<!tpu.dma_semaphore, #tpu.memory_space<semaphore_mem>>)
      %dma_wait3A_388 = arith.constant 0 : i32
      %dma_wait3A_389 = tpu.memref_slice %arg10[%add3A_279, %dma_wait3A_388] : memref<10240x32xf32, #tpu.memory_space<vmem_shared>> -> memref<16x32xf32, #tpu.memory_space<vmem_shared>>
      %dma_wait3A_390 = arith.constant 0 : i32
      %dma_wait3A_391 = tpu.memref_slice %arg10[%add3A_279, %dma_wait3A_390] : memref<10240x32xf32, #tpu.memory_space<vmem_shared>> -> memref<16x32xf32, #tpu.memory_space<vmem_shared>>
      tpu.wait_dma2 semaphore(%run_scoped3A_383 : memref<!tpu.dma_semaphore, #tpu.memory_space<semaphore_mem>>) src(%arg8 : memref<16x32xf32, #tpu.memory_space<vmem>>) dst(%dma_wait3A_391 : memref<16x32xf32, #tpu.memory_space<vmem_shared>>)
      tpu.yield
    }) : () -> ()
    %add3A_280 = arith.constant 128 : i32
    %add3A_281 = arith.addi %mul3A_2, %add3A_280 : i32
    "tpu.region"() ({
      %run_scoped3A_383 = tpu.sem_alloc : memref<!tpu.dma_semaphore, #tpu.memory_space<semaphore_mem>>
      %dma_start3A_384 = arith.constant 0 : i32
      %dma_start3A_385 = tpu.memref_slice %arg10[%add3A_281, %dma_start3A_384] : memref<10240x32xf32, #tpu.memory_space<vmem_shared>> -> memref<16x32xf32, #tpu.memory_space<vmem_shared>>
      %dma_start3A_386 = arith.constant 0 : i32
      %dma_start3A_387 = tpu.memref_slice %arg10[%add3A_281, %dma_start3A_386] : memref<10240x32xf32, #tpu.memory_space<vmem_shared>> -> memref<16x32xf32, #tpu.memory_space<vmem_shared>>
      tpu.enqueue_dma source(%arg8 : memref<16x32xf32, #tpu.memory_space<vmem>>) target(%dma_start3A_387 : memref<16x32xf32, #tpu.memory_space<vmem_shared>>) target_semaphore(%run_scoped3A_383 : memref<!tpu.dma_semaphore, #tpu.memory_space<semaphore_mem>>)
      %dma_wait3A_388 = arith.constant 0 : i32
      %dma_wait3A_389 = tpu.memref_slice %arg10[%add3A_281, %dma_wait3A_388] : memref<10240x32xf32, #tpu.memory_space<vmem_shared>> -> memref<16x32xf32, #tpu.memory_space<vmem_shared>>
      %dma_wait3A_390 = arith.constant 0 : i32
      %dma_wait3A_391 = tpu.memref_slice %arg10[%add3A_281, %dma_wait3A_390] : memref<10240x32xf32, #tpu.memory_space<vmem_shared>> -> memref<16x32xf32, #tpu.memory_space<vmem_shared>>
      tpu.wait_dma2 semaphore(%run_scoped3A_383 : memref<!tpu.dma_semaphore, #tpu.memory_space<semaphore_mem>>) src(%arg8 : memref<16x32xf32, #tpu.memory_space<vmem>>) dst(%dma_wait3A_391 : memref<16x32xf32, #tpu.memory_space<vmem_shared>>)
      tpu.yield
    }) : () -> ()
    %add3A_282 = arith.constant 144 : i32
    %add3A_283 = arith.addi %mul3A_2, %add3A_282 : i32
    "tpu.region"() ({
      %run_scoped3A_383 = tpu.sem_alloc : memref<!tpu.dma_semaphore, #tpu.memory_space<semaphore_mem>>
      %dma_start3A_384 = arith.constant 0 : i32
      %dma_start3A_385 = tpu.memref_slice %arg10[%add3A_283, %dma_start3A_384] : memref<10240x32xf32, #tpu.memory_space<vmem_shared>> -> memref<16x32xf32, #tpu.memory_space<vmem_shared>>
      %dma_start3A_386 = arith.constant 0 : i32
      %dma_start3A_387 = tpu.memref_slice %arg10[%add3A_283, %dma_start3A_386] : memref<10240x32xf32, #tpu.memory_space<vmem_shared>> -> memref<16x32xf32, #tpu.memory_space<vmem_shared>>
      tpu.enqueue_dma source(%arg8 : memref<16x32xf32, #tpu.memory_space<vmem>>) target(%dma_start3A_387 : memref<16x32xf32, #tpu.memory_space<vmem_shared>>) target_semaphore(%run_scoped3A_383 : memref<!tpu.dma_semaphore, #tpu.memory_space<semaphore_mem>>)
      %dma_wait3A_388 = arith.constant 0 : i32
      %dma_wait3A_389 = tpu.memref_slice %arg10[%add3A_283, %dma_wait3A_388] : memref<10240x32xf32, #tpu.memory_space<vmem_shared>> -> memref<16x32xf32, #tpu.memory_space<vmem_shared>>
      %dma_wait3A_390 = arith.constant 0 : i32
      %dma_wait3A_391 = tpu.memref_slice %arg10[%add3A_283, %dma_wait3A_390] : memref<10240x32xf32, #tpu.memory_space<vmem_shared>> -> memref<16x32xf32, #tpu.memory_space<vmem_shared>>
      tpu.wait_dma2 semaphore(%run_scoped3A_383 : memref<!tpu.dma_semaphore, #tpu.memory_space<semaphore_mem>>) src(%arg8 : memref<16x32xf32, #tpu.memory_space<vmem>>) dst(%dma_wait3A_391 : memref<16x32xf32, #tpu.memory_space<vmem_shared>>)
      tpu.yield
    }) : () -> ()
    %add3A_284 = arith.constant 160 : i32
    %add3A_285 = arith.addi %mul3A_2, %add3A_284 : i32
    "tpu.region"() ({
      %run_scoped3A_383 = tpu.sem_alloc : memref<!tpu.dma_semaphore, #tpu.memory_space<semaphore_mem>>
      %dma_start3A_384 = arith.constant 0 : i32
      %dma_start3A_385 = tpu.memref_slice %arg10[%add3A_285, %dma_start3A_384] : memref<10240x32xf32, #tpu.memory_space<vmem_shared>> -> memref<16x32xf32, #tpu.memory_space<vmem_shared>>
      %dma_start3A_386 = arith.constant 0 : i32
      %dma_start3A_387 = tpu.memref_slice %arg10[%add3A_285, %dma_start3A_386] : memref<10240x32xf32, #tpu.memory_space<vmem_shared>> -> memref<16x32xf32, #tpu.memory_space<vmem_shared>>
      tpu.enqueue_dma source(%arg8 : memref<16x32xf32, #tpu.memory_space<vmem>>) target(%dma_start3A_387 : memref<16x32xf32, #tpu.memory_space<vmem_shared>>) target_semaphore(%run_scoped3A_383 : memref<!tpu.dma_semaphore, #tpu.memory_space<semaphore_mem>>)
      %dma_wait3A_388 = arith.constant 0 : i32
      %dma_wait3A_389 = tpu.memref_slice %arg10[%add3A_285, %dma_wait3A_388] : memref<10240x32xf32, #tpu.memory_space<vmem_shared>> -> memref<16x32xf32, #tpu.memory_space<vmem_shared>>
      %dma_wait3A_390 = arith.constant 0 : i32
      %dma_wait3A_391 = tpu.memref_slice %arg10[%add3A_285, %dma_wait3A_390] : memref<10240x32xf32, #tpu.memory_space<vmem_shared>> -> memref<16x32xf32, #tpu.memory_space<vmem_shared>>
      tpu.wait_dma2 semaphore(%run_scoped3A_383 : memref<!tpu.dma_semaphore, #tpu.memory_space<semaphore_mem>>) src(%arg8 : memref<16x32xf32, #tpu.memory_space<vmem>>) dst(%dma_wait3A_391 : memref<16x32xf32, #tpu.memory_space<vmem_shared>>)
      tpu.yield
    }) : () -> ()
    %add3A_286 = arith.constant 176 : i32
    %add3A_287 = arith.addi %mul3A_2, %add3A_286 : i32
    "tpu.region"() ({
      %run_scoped3A_383 = tpu.sem_alloc : memref<!tpu.dma_semaphore, #tpu.memory_space<semaphore_mem>>
      %dma_start3A_384 = arith.constant 0 : i32
      %dma_start3A_385 = tpu.memref_slice %arg10[%add3A_287, %dma_start3A_384] : memref<10240x32xf32, #tpu.memory_space<vmem_shared>> -> memref<16x32xf32, #tpu.memory_space<vmem_shared>>
      %dma_start3A_386 = arith.constant 0 : i32
      %dma_start3A_387 = tpu.memref_slice %arg10[%add3A_287, %dma_start3A_386] : memref<10240x32xf32, #tpu.memory_space<vmem_shared>> -> memref<16x32xf32, #tpu.memory_space<vmem_shared>>
      tpu.enqueue_dma source(%arg8 : memref<16x32xf32, #tpu.memory_space<vmem>>) target(%dma_start3A_387 : memref<16x32xf32, #tpu.memory_space<vmem_shared>>) target_semaphore(%run_scoped3A_383 : memref<!tpu.dma_semaphore, #tpu.memory_space<semaphore_mem>>)
      %dma_wait3A_388 = arith.constant 0 : i32
      %dma_wait3A_389 = tpu.memref_slice %arg10[%add3A_287, %dma_wait3A_388] : memref<10240x32xf32, #tpu.memory_space<vmem_shared>> -> memref<16x32xf32, #tpu.memory_space<vmem_shared>>
      %dma_wait3A_390 = arith.constant 0 : i32
      %dma_wait3A_391 = tpu.memref_slice %arg10[%add3A_287, %dma_wait3A_390] : memref<10240x32xf32, #tpu.memory_space<vmem_shared>> -> memref<16x32xf32, #tpu.memory_space<vmem_shared>>
      tpu.wait_dma2 semaphore(%run_scoped3A_383 : memref<!tpu.dma_semaphore, #tpu.memory_space<semaphore_mem>>) src(%arg8 : memref<16x32xf32, #tpu.memory_space<vmem>>) dst(%dma_wait3A_391 : memref<16x32xf32, #tpu.memory_space<vmem_shared>>)
      tpu.yield
    }) : () -> ()
    %add3A_288 = arith.constant 192 : i32
    %add3A_289 = arith.addi %mul3A_2, %add3A_288 : i32
    "tpu.region"() ({
      %run_scoped3A_383 = tpu.sem_alloc : memref<!tpu.dma_semaphore, #tpu.memory_space<semaphore_mem>>
      %dma_start3A_384 = arith.constant 0 : i32
      %dma_start3A_385 = tpu.memref_slice %arg10[%add3A_289, %dma_start3A_384] : memref<10240x32xf32, #tpu.memory_space<vmem_shared>> -> memref<16x32xf32, #tpu.memory_space<vmem_shared>>
      %dma_start3A_386 = arith.constant 0 : i32
      %dma_start3A_387 = tpu.memref_slice %arg10[%add3A_289, %dma_start3A_386] : memref<10240x32xf32, #tpu.memory_space<vmem_shared>> -> memref<16x32xf32, #tpu.memory_space<vmem_shared>>
      tpu.enqueue_dma source(%arg8 : memref<16x32xf32, #tpu.memory_space<vmem>>) target(%dma_start3A_387 : memref<16x32xf32, #tpu.memory_space<vmem_shared>>) target_semaphore(%run_scoped3A_383 : memref<!tpu.dma_semaphore, #tpu.memory_space<semaphore_mem>>)
      %dma_wait3A_388 = arith.constant 0 : i32
      %dma_wait3A_389 = tpu.memref_slice %arg10[%add3A_289, %dma_wait3A_388] : memref<10240x32xf32, #tpu.memory_space<vmem_shared>> -> memref<16x32xf32, #tpu.memory_space<vmem_shared>>
      %dma_wait3A_390 = arith.constant 0 : i32
      %dma_wait3A_391 = tpu.memref_slice %arg10[%add3A_289, %dma_wait3A_390] : memref<10240x32xf32, #tpu.memory_space<vmem_shared>> -> memref<16x32xf32, #tpu.memory_space<vmem_shared>>
      tpu.wait_dma2 semaphore(%run_scoped3A_383 : memref<!tpu.dma_semaphore, #tpu.memory_space<semaphore_mem>>) src(%arg8 : memref<16x32xf32, #tpu.memory_space<vmem>>) dst(%dma_wait3A_391 : memref<16x32xf32, #tpu.memory_space<vmem_shared>>)
      tpu.yield
    }) : () -> ()
    %add3A_290 = arith.constant 208 : i32
    %add3A_291 = arith.addi %mul3A_2, %add3A_290 : i32
    "tpu.region"() ({
      %run_scoped3A_383 = tpu.sem_alloc : memref<!tpu.dma_semaphore, #tpu.memory_space<semaphore_mem>>
      %dma_start3A_384 = arith.constant 0 : i32
      %dma_start3A_385 = tpu.memref_slice %arg10[%add3A_291, %dma_start3A_384] : memref<10240x32xf32, #tpu.memory_space<vmem_shared>> -> memref<16x32xf32, #tpu.memory_space<vmem_shared>>
      %dma_start3A_386 = arith.constant 0 : i32
      %dma_start3A_387 = tpu.memref_slice %arg10[%add3A_291, %dma_start3A_386] : memref<10240x32xf32, #tpu.memory_space<vmem_shared>> -> memref<16x32xf32, #tpu.memory_space<vmem_shared>>
      tpu.enqueue_dma source(%arg8 : memref<16x32xf32, #tpu.memory_space<vmem>>) target(%dma_start3A_387 : memref<16x32xf32, #tpu.memory_space<vmem_shared>>) target_semaphore(%run_scoped3A_383 : memref<!tpu.dma_semaphore, #tpu.memory_space<semaphore_mem>>)
      %dma_wait3A_388 = arith.constant 0 : i32
      %dma_wait3A_389 = tpu.memref_slice %arg10[%add3A_291, %dma_wait3A_388] : memref<10240x32xf32, #tpu.memory_space<vmem_shared>> -> memref<16x32xf32, #tpu.memory_space<vmem_shared>>
      %dma_wait3A_390 = arith.constant 0 : i32
      %dma_wait3A_391 = tpu.memref_slice %arg10[%add3A_291, %dma_wait3A_390] : memref<10240x32xf32, #tpu.memory_space<vmem_shared>> -> memref<16x32xf32, #tpu.memory_space<vmem_shared>>
      tpu.wait_dma2 semaphore(%run_scoped3A_383 : memref<!tpu.dma_semaphore, #tpu.memory_space<semaphore_mem>>) src(%arg8 : memref<16x32xf32, #tpu.memory_space<vmem>>) dst(%dma_wait3A_391 : memref<16x32xf32, #tpu.memory_space<vmem_shared>>)
      tpu.yield
    }) : () -> ()
    %add3A_292 = arith.constant 224 : i32
    %add3A_293 = arith.addi %mul3A_2, %add3A_292 : i32
    "tpu.region"() ({
      %run_scoped3A_383 = tpu.sem_alloc : memref<!tpu.dma_semaphore, #tpu.memory_space<semaphore_mem>>
      %dma_start3A_384 = arith.constant 0 : i32
      %dma_start3A_385 = tpu.memref_slice %arg10[%add3A_293, %dma_start3A_384] : memref<10240x32xf32, #tpu.memory_space<vmem_shared>> -> memref<16x32xf32, #tpu.memory_space<vmem_shared>>
      %dma_start3A_386 = arith.constant 0 : i32
      %dma_start3A_387 = tpu.memref_slice %arg10[%add3A_293, %dma_start3A_386] : memref<10240x32xf32, #tpu.memory_space<vmem_shared>> -> memref<16x32xf32, #tpu.memory_space<vmem_shared>>
      tpu.enqueue_dma source(%arg8 : memref<16x32xf32, #tpu.memory_space<vmem>>) target(%dma_start3A_387 : memref<16x32xf32, #tpu.memory_space<vmem_shared>>) target_semaphore(%run_scoped3A_383 : memref<!tpu.dma_semaphore, #tpu.memory_space<semaphore_mem>>)
      %dma_wait3A_388 = arith.constant 0 : i32
      %dma_wait3A_389 = tpu.memref_slice %arg10[%add3A_293, %dma_wait3A_388] : memref<10240x32xf32, #tpu.memory_space<vmem_shared>> -> memref<16x32xf32, #tpu.memory_space<vmem_shared>>
      %dma_wait3A_390 = arith.constant 0 : i32
      %dma_wait3A_391 = tpu.memref_slice %arg10[%add3A_293, %dma_wait3A_390] : memref<10240x32xf32, #tpu.memory_space<vmem_shared>> -> memref<16x32xf32, #tpu.memory_space<vmem_shared>>
      tpu.wait_dma2 semaphore(%run_scoped3A_383 : memref<!tpu.dma_semaphore, #tpu.memory_space<semaphore_mem>>) src(%arg8 : memref<16x32xf32, #tpu.memory_space<vmem>>) dst(%dma_wait3A_391 : memref<16x32xf32, #tpu.memory_space<vmem_shared>>)
      tpu.yield
    }) : () -> ()
    %add3A_294 = arith.constant 240 : i32
    %add3A_295 = arith.addi %mul3A_2, %add3A_294 : i32
    "tpu.region"() ({
      %run_scoped3A_383 = tpu.sem_alloc : memref<!tpu.dma_semaphore, #tpu.memory_space<semaphore_mem>>
      %dma_start3A_384 = arith.constant 0 : i32
      %dma_start3A_385 = tpu.memref_slice %arg10[%add3A_295, %dma_start3A_384] : memref<10240x32xf32, #tpu.memory_space<vmem_shared>> -> memref<16x32xf32, #tpu.memory_space<vmem_shared>>
      %dma_start3A_386 = arith.constant 0 : i32
      %dma_start3A_387 = tpu.memref_slice %arg10[%add3A_295, %dma_start3A_386] : memref<10240x32xf32, #tpu.memory_space<vmem_shared>> -> memref<16x32xf32, #tpu.memory_space<vmem_shared>>
      tpu.enqueue_dma source(%arg8 : memref<16x32xf32, #tpu.memory_space<vmem>>) target(%dma_start3A_387 : memref<16x32xf32, #tpu.memory_space<vmem_shared>>) target_semaphore(%run_scoped3A_383 : memref<!tpu.dma_semaphore, #tpu.memory_space<semaphore_mem>>)
      %dma_wait3A_388 = arith.constant 0 : i32
      %dma_wait3A_389 = tpu.memref_slice %arg10[%add3A_295, %dma_wait3A_388] : memref<10240x32xf32, #tpu.memory_space<vmem_shared>> -> memref<16x32xf32, #tpu.memory_space<vmem_shared>>
      %dma_wait3A_390 = arith.constant 0 : i32
      %dma_wait3A_391 = tpu.memref_slice %arg10[%add3A_295, %dma_wait3A_390] : memref<10240x32xf32, #tpu.memory_space<vmem_shared>> -> memref<16x32xf32, #tpu.memory_space<vmem_shared>>
      tpu.wait_dma2 semaphore(%run_scoped3A_383 : memref<!tpu.dma_semaphore, #tpu.memory_space<semaphore_mem>>) src(%arg8 : memref<16x32xf32, #tpu.memory_space<vmem>>) dst(%dma_wait3A_391 : memref<16x32xf32, #tpu.memory_space<vmem_shared>>)
      tpu.yield
    }) : () -> ()
    %add3A_296 = arith.constant 256 : i32
    %add3A_297 = arith.addi %mul3A_2, %add3A_296 : i32
    "tpu.region"() ({
      %run_scoped3A_383 = tpu.sem_alloc : memref<!tpu.dma_semaphore, #tpu.memory_space<semaphore_mem>>
      %dma_start3A_384 = arith.constant 0 : i32
      %dma_start3A_385 = tpu.memref_slice %arg10[%add3A_297, %dma_start3A_384] : memref<10240x32xf32, #tpu.memory_space<vmem_shared>> -> memref<16x32xf32, #tpu.memory_space<vmem_shared>>
      %dma_start3A_386 = arith.constant 0 : i32
      %dma_start3A_387 = tpu.memref_slice %arg10[%add3A_297, %dma_start3A_386] : memref<10240x32xf32, #tpu.memory_space<vmem_shared>> -> memref<16x32xf32, #tpu.memory_space<vmem_shared>>
      tpu.enqueue_dma source(%arg8 : memref<16x32xf32, #tpu.memory_space<vmem>>) target(%dma_start3A_387 : memref<16x32xf32, #tpu.memory_space<vmem_shared>>) target_semaphore(%run_scoped3A_383 : memref<!tpu.dma_semaphore, #tpu.memory_space<semaphore_mem>>)
      %dma_wait3A_388 = arith.constant 0 : i32
      %dma_wait3A_389 = tpu.memref_slice %arg10[%add3A_297, %dma_wait3A_388] : memref<10240x32xf32, #tpu.memory_space<vmem_shared>> -> memref<16x32xf32, #tpu.memory_space<vmem_shared>>
      %dma_wait3A_390 = arith.constant 0 : i32
      %dma_wait3A_391 = tpu.memref_slice %arg10[%add3A_297, %dma_wait3A_390] : memref<10240x32xf32, #tpu.memory_space<vmem_shared>> -> memref<16x32xf32, #tpu.memory_space<vmem_shared>>
      tpu.wait_dma2 semaphore(%run_scoped3A_383 : memref<!tpu.dma_semaphore, #tpu.memory_space<semaphore_mem>>) src(%arg8 : memref<16x32xf32, #tpu.memory_space<vmem>>) dst(%dma_wait3A_391 : memref<16x32xf32, #tpu.memory_space<vmem_shared>>)
      tpu.yield
    }) : () -> ()
    %add3A_298 = arith.constant 272 : i32
    %add3A_299 = arith.addi %mul3A_2, %add3A_298 : i32
    "tpu.region"() ({
      %run_scoped3A_383 = tpu.sem_alloc : memref<!tpu.dma_semaphore, #tpu.memory_space<semaphore_mem>>
      %dma_start3A_384 = arith.constant 0 : i32
      %dma_start3A_385 = tpu.memref_slice %arg10[%add3A_299, %dma_start3A_384] : memref<10240x32xf32, #tpu.memory_space<vmem_shared>> -> memref<16x32xf32, #tpu.memory_space<vmem_shared>>
      %dma_start3A_386 = arith.constant 0 : i32
      %dma_start3A_387 = tpu.memref_slice %arg10[%add3A_299, %dma_start3A_386] : memref<10240x32xf32, #tpu.memory_space<vmem_shared>> -> memref<16x32xf32, #tpu.memory_space<vmem_shared>>
      tpu.enqueue_dma source(%arg8 : memref<16x32xf32, #tpu.memory_space<vmem>>) target(%dma_start3A_387 : memref<16x32xf32, #tpu.memory_space<vmem_shared>>) target_semaphore(%run_scoped3A_383 : memref<!tpu.dma_semaphore, #tpu.memory_space<semaphore_mem>>)
      %dma_wait3A_388 = arith.constant 0 : i32
      %dma_wait3A_389 = tpu.memref_slice %arg10[%add3A_299, %dma_wait3A_388] : memref<10240x32xf32, #tpu.memory_space<vmem_shared>> -> memref<16x32xf32, #tpu.memory_space<vmem_shared>>
      %dma_wait3A_390 = arith.constant 0 : i32
      %dma_wait3A_391 = tpu.memref_slice %arg10[%add3A_299, %dma_wait3A_390] : memref<10240x32xf32, #tpu.memory_space<vmem_shared>> -> memref<16x32xf32, #tpu.memory_space<vmem_shared>>
      tpu.wait_dma2 semaphore(%run_scoped3A_383 : memref<!tpu.dma_semaphore, #tpu.memory_space<semaphore_mem>>) src(%arg8 : memref<16x32xf32, #tpu.memory_space<vmem>>) dst(%dma_wait3A_391 : memref<16x32xf32, #tpu.memory_space<vmem_shared>>)
      tpu.yield
    }) : () -> ()
    %add3A_300 = arith.constant 288 : i32
    %add3A_301 = arith.addi %mul3A_2, %add3A_300 : i32
    "tpu.region"() ({
      %run_scoped3A_383 = tpu.sem_alloc : memref<!tpu.dma_semaphore, #tpu.memory_space<semaphore_mem>>
      %dma_start3A_384 = arith.constant 0 : i32
      %dma_start3A_385 = tpu.memref_slice %arg10[%add3A_301, %dma_start3A_384] : memref<10240x32xf32, #tpu.memory_space<vmem_shared>> -> memref<16x32xf32, #tpu.memory_space<vmem_shared>>
      %dma_start3A_386 = arith.constant 0 : i32
      %dma_start3A_387 = tpu.memref_slice %arg10[%add3A_301, %dma_start3A_386] : memref<10240x32xf32, #tpu.memory_space<vmem_shared>> -> memref<16x32xf32, #tpu.memory_space<vmem_shared>>
      tpu.enqueue_dma source(%arg8 : memref<16x32xf32, #tpu.memory_space<vmem>>) target(%dma_start3A_387 : memref<16x32xf32, #tpu.memory_space<vmem_shared>>) target_semaphore(%run_scoped3A_383 : memref<!tpu.dma_semaphore, #tpu.memory_space<semaphore_mem>>)
      %dma_wait3A_388 = arith.constant 0 : i32
      %dma_wait3A_389 = tpu.memref_slice %arg10[%add3A_301, %dma_wait3A_388] : memref<10240x32xf32, #tpu.memory_space<vmem_shared>> -> memref<16x32xf32, #tpu.memory_space<vmem_shared>>
      %dma_wait3A_390 = arith.constant 0 : i32
      %dma_wait3A_391 = tpu.memref_slice %arg10[%add3A_301, %dma_wait3A_390] : memref<10240x32xf32, #tpu.memory_space<vmem_shared>> -> memref<16x32xf32, #tpu.memory_space<vmem_shared>>
      tpu.wait_dma2 semaphore(%run_scoped3A_383 : memref<!tpu.dma_semaphore, #tpu.memory_space<semaphore_mem>>) src(%arg8 : memref<16x32xf32, #tpu.memory_space<vmem>>) dst(%dma_wait3A_391 : memref<16x32xf32, #tpu.memory_space<vmem_shared>>)
      tpu.yield
    }) : () -> ()
    %add3A_302 = arith.constant 304 : i32
    %add3A_303 = arith.addi %mul3A_2, %add3A_302 : i32
    "tpu.region"() ({
      %run_scoped3A_383 = tpu.sem_alloc : memref<!tpu.dma_semaphore, #tpu.memory_space<semaphore_mem>>
      %dma_start3A_384 = arith.constant 0 : i32
      %dma_start3A_385 = tpu.memref_slice %arg10[%add3A_303, %dma_start3A_384] : memref<10240x32xf32, #tpu.memory_space<vmem_shared>> -> memref<16x32xf32, #tpu.memory_space<vmem_shared>>
      %dma_start3A_386 = arith.constant 0 : i32
      %dma_start3A_387 = tpu.memref_slice %arg10[%add3A_303, %dma_start3A_386] : memref<10240x32xf32, #tpu.memory_space<vmem_shared>> -> memref<16x32xf32, #tpu.memory_space<vmem_shared>>
      tpu.enqueue_dma source(%arg8 : memref<16x32xf32, #tpu.memory_space<vmem>>) target(%dma_start3A_387 : memref<16x32xf32, #tpu.memory_space<vmem_shared>>) target_semaphore(%run_scoped3A_383 : memref<!tpu.dma_semaphore, #tpu.memory_space<semaphore_mem>>)
      %dma_wait3A_388 = arith.constant 0 : i32
      %dma_wait3A_389 = tpu.memref_slice %arg10[%add3A_303, %dma_wait3A_388] : memref<10240x32xf32, #tpu.memory_space<vmem_shared>> -> memref<16x32xf32, #tpu.memory_space<vmem_shared>>
      %dma_wait3A_390 = arith.constant 0 : i32
      %dma_wait3A_391 = tpu.memref_slice %arg10[%add3A_303, %dma_wait3A_390] : memref<10240x32xf32, #tpu.memory_space<vmem_shared>> -> memref<16x32xf32, #tpu.memory_space<vmem_shared>>
      tpu.wait_dma2 semaphore(%run_scoped3A_383 : memref<!tpu.dma_semaphore, #tpu.memory_space<semaphore_mem>>) src(%arg8 : memref<16x32xf32, #tpu.memory_space<vmem>>) dst(%dma_wait3A_391 : memref<16x32xf32, #tpu.memory_space<vmem_shared>>)
      tpu.yield
    }) : () -> ()
    %add3A_304 = arith.constant 320 : i32
    %add3A_305 = arith.addi %mul3A_2, %add3A_304 : i32
    "tpu.region"() ({
      %run_scoped3A_383 = tpu.sem_alloc : memref<!tpu.dma_semaphore, #tpu.memory_space<semaphore_mem>>
      %dma_start3A_384 = arith.constant 0 : i32
      %dma_start3A_385 = tpu.memref_slice %arg10[%add3A_305, %dma_start3A_384] : memref<10240x32xf32, #tpu.memory_space<vmem_shared>> -> memref<16x32xf32, #tpu.memory_space<vmem_shared>>
      %dma_start3A_386 = arith.constant 0 : i32
      %dma_start3A_387 = tpu.memref_slice %arg10[%add3A_305, %dma_start3A_386] : memref<10240x32xf32, #tpu.memory_space<vmem_shared>> -> memref<16x32xf32, #tpu.memory_space<vmem_shared>>
      tpu.enqueue_dma source(%arg8 : memref<16x32xf32, #tpu.memory_space<vmem>>) target(%dma_start3A_387 : memref<16x32xf32, #tpu.memory_space<vmem_shared>>) target_semaphore(%run_scoped3A_383 : memref<!tpu.dma_semaphore, #tpu.memory_space<semaphore_mem>>)
      %dma_wait3A_388 = arith.constant 0 : i32
      %dma_wait3A_389 = tpu.memref_slice %arg10[%add3A_305, %dma_wait3A_388] : memref<10240x32xf32, #tpu.memory_space<vmem_shared>> -> memref<16x32xf32, #tpu.memory_space<vmem_shared>>
      %dma_wait3A_390 = arith.constant 0 : i32
      %dma_wait3A_391 = tpu.memref_slice %arg10[%add3A_305, %dma_wait3A_390] : memref<10240x32xf32, #tpu.memory_space<vmem_shared>> -> memref<16x32xf32, #tpu.memory_space<vmem_shared>>
      tpu.wait_dma2 semaphore(%run_scoped3A_383 : memref<!tpu.dma_semaphore, #tpu.memory_space<semaphore_mem>>) src(%arg8 : memref<16x32xf32, #tpu.memory_space<vmem>>) dst(%dma_wait3A_391 : memref<16x32xf32, #tpu.memory_space<vmem_shared>>)
      tpu.yield
    }) : () -> ()
    %add3A_306 = arith.constant 336 : i32
    %add3A_307 = arith.addi %mul3A_2, %add3A_306 : i32
    "tpu.region"() ({
      %run_scoped3A_383 = tpu.sem_alloc : memref<!tpu.dma_semaphore, #tpu.memory_space<semaphore_mem>>
      %dma_start3A_384 = arith.constant 0 : i32
      %dma_start3A_385 = tpu.memref_slice %arg10[%add3A_307, %dma_start3A_384] : memref<10240x32xf32, #tpu.memory_space<vmem_shared>> -> memref<16x32xf32, #tpu.memory_space<vmem_shared>>
      %dma_start3A_386 = arith.constant 0 : i32
      %dma_start3A_387 = tpu.memref_slice %arg10[%add3A_307, %dma_start3A_386] : memref<10240x32xf32, #tpu.memory_space<vmem_shared>> -> memref<16x32xf32, #tpu.memory_space<vmem_shared>>
      tpu.enqueue_dma source(%arg8 : memref<16x32xf32, #tpu.memory_space<vmem>>) target(%dma_start3A_387 : memref<16x32xf32, #tpu.memory_space<vmem_shared>>) target_semaphore(%run_scoped3A_383 : memref<!tpu.dma_semaphore, #tpu.memory_space<semaphore_mem>>)
      %dma_wait3A_388 = arith.constant 0 : i32
      %dma_wait3A_389 = tpu.memref_slice %arg10[%add3A_307, %dma_wait3A_388] : memref<10240x32xf32, #tpu.memory_space<vmem_shared>> -> memref<16x32xf32, #tpu.memory_space<vmem_shared>>
      %dma_wait3A_390 = arith.constant 0 : i32
      %dma_wait3A_391 = tpu.memref_slice %arg10[%add3A_307, %dma_wait3A_390] : memref<10240x32xf32, #tpu.memory_space<vmem_shared>> -> memref<16x32xf32, #tpu.memory_space<vmem_shared>>
      tpu.wait_dma2 semaphore(%run_scoped3A_383 : memref<!tpu.dma_semaphore, #tpu.memory_space<semaphore_mem>>) src(%arg8 : memref<16x32xf32, #tpu.memory_space<vmem>>) dst(%dma_wait3A_391 : memref<16x32xf32, #tpu.memory_space<vmem_shared>>)
      tpu.yield
    }) : () -> ()
    %add3A_308 = arith.constant 352 : i32
    %add3A_309 = arith.addi %mul3A_2, %add3A_308 : i32
    "tpu.region"() ({
      %run_scoped3A_383 = tpu.sem_alloc : memref<!tpu.dma_semaphore, #tpu.memory_space<semaphore_mem>>
      %dma_start3A_384 = arith.constant 0 : i32
      %dma_start3A_385 = tpu.memref_slice %arg10[%add3A_309, %dma_start3A_384] : memref<10240x32xf32, #tpu.memory_space<vmem_shared>> -> memref<16x32xf32, #tpu.memory_space<vmem_shared>>
      %dma_start3A_386 = arith.constant 0 : i32
      %dma_start3A_387 = tpu.memref_slice %arg10[%add3A_309, %dma_start3A_386] : memref<10240x32xf32, #tpu.memory_space<vmem_shared>> -> memref<16x32xf32, #tpu.memory_space<vmem_shared>>
      tpu.enqueue_dma source(%arg8 : memref<16x32xf32, #tpu.memory_space<vmem>>) target(%dma_start3A_387 : memref<16x32xf32, #tpu.memory_space<vmem_shared>>) target_semaphore(%run_scoped3A_383 : memref<!tpu.dma_semaphore, #tpu.memory_space<semaphore_mem>>)
      %dma_wait3A_388 = arith.constant 0 : i32
      %dma_wait3A_389 = tpu.memref_slice %arg10[%add3A_309, %dma_wait3A_388] : memref<10240x32xf32, #tpu.memory_space<vmem_shared>> -> memref<16x32xf32, #tpu.memory_space<vmem_shared>>
      %dma_wait3A_390 = arith.constant 0 : i32
      %dma_wait3A_391 = tpu.memref_slice %arg10[%add3A_309, %dma_wait3A_390] : memref<10240x32xf32, #tpu.memory_space<vmem_shared>> -> memref<16x32xf32, #tpu.memory_space<vmem_shared>>
      tpu.wait_dma2 semaphore(%run_scoped3A_383 : memref<!tpu.dma_semaphore, #tpu.memory_space<semaphore_mem>>) src(%arg8 : memref<16x32xf32, #tpu.memory_space<vmem>>) dst(%dma_wait3A_391 : memref<16x32xf32, #tpu.memory_space<vmem_shared>>)
      tpu.yield
    }) : () -> ()
    %add3A_310 = arith.constant 368 : i32
    %add3A_311 = arith.addi %mul3A_2, %add3A_310 : i32
    "tpu.region"() ({
      %run_scoped3A_383 = tpu.sem_alloc : memref<!tpu.dma_semaphore, #tpu.memory_space<semaphore_mem>>
      %dma_start3A_384 = arith.constant 0 : i32
      %dma_start3A_385 = tpu.memref_slice %arg10[%add3A_311, %dma_start3A_384] : memref<10240x32xf32, #tpu.memory_space<vmem_shared>> -> memref<16x32xf32, #tpu.memory_space<vmem_shared>>
      %dma_start3A_386 = arith.constant 0 : i32
      %dma_start3A_387 = tpu.memref_slice %arg10[%add3A_311, %dma_start3A_386] : memref<10240x32xf32, #tpu.memory_space<vmem_shared>> -> memref<16x32xf32, #tpu.memory_space<vmem_shared>>
      tpu.enqueue_dma source(%arg8 : memref<16x32xf32, #tpu.memory_space<vmem>>) target(%dma_start3A_387 : memref<16x32xf32, #tpu.memory_space<vmem_shared>>) target_semaphore(%run_scoped3A_383 : memref<!tpu.dma_semaphore, #tpu.memory_space<semaphore_mem>>)
      %dma_wait3A_388 = arith.constant 0 : i32
      %dma_wait3A_389 = tpu.memref_slice %arg10[%add3A_311, %dma_wait3A_388] : memref<10240x32xf32, #tpu.memory_space<vmem_shared>> -> memref<16x32xf32, #tpu.memory_space<vmem_shared>>
      %dma_wait3A_390 = arith.constant 0 : i32
      %dma_wait3A_391 = tpu.memref_slice %arg10[%add3A_311, %dma_wait3A_390] : memref<10240x32xf32, #tpu.memory_space<vmem_shared>> -> memref<16x32xf32, #tpu.memory_space<vmem_shared>>
      tpu.wait_dma2 semaphore(%run_scoped3A_383 : memref<!tpu.dma_semaphore, #tpu.memory_space<semaphore_mem>>) src(%arg8 : memref<16x32xf32, #tpu.memory_space<vmem>>) dst(%dma_wait3A_391 : memref<16x32xf32, #tpu.memory_space<vmem_shared>>)
      tpu.yield
    }) : () -> ()
    %add3A_312 = arith.constant 384 : i32
    %add3A_313 = arith.addi %mul3A_2, %add3A_312 : i32
    "tpu.region"() ({
      %run_scoped3A_383 = tpu.sem_alloc : memref<!tpu.dma_semaphore, #tpu.memory_space<semaphore_mem>>
      %dma_start3A_384 = arith.constant 0 : i32
      %dma_start3A_385 = tpu.memref_slice %arg10[%add3A_313, %dma_start3A_384] : memref<10240x32xf32, #tpu.memory_space<vmem_shared>> -> memref<16x32xf32, #tpu.memory_space<vmem_shared>>
      %dma_start3A_386 = arith.constant 0 : i32
      %dma_start3A_387 = tpu.memref_slice %arg10[%add3A_313, %dma_start3A_386] : memref<10240x32xf32, #tpu.memory_space<vmem_shared>> -> memref<16x32xf32, #tpu.memory_space<vmem_shared>>
      tpu.enqueue_dma source(%arg8 : memref<16x32xf32, #tpu.memory_space<vmem>>) target(%dma_start3A_387 : memref<16x32xf32, #tpu.memory_space<vmem_shared>>) target_semaphore(%run_scoped3A_383 : memref<!tpu.dma_semaphore, #tpu.memory_space<semaphore_mem>>)
      %dma_wait3A_388 = arith.constant 0 : i32
      %dma_wait3A_389 = tpu.memref_slice %arg10[%add3A_313, %dma_wait3A_388] : memref<10240x32xf32, #tpu.memory_space<vmem_shared>> -> memref<16x32xf32, #tpu.memory_space<vmem_shared>>
      %dma_wait3A_390 = arith.constant 0 : i32
      %dma_wait3A_391 = tpu.memref_slice %arg10[%add3A_313, %dma_wait3A_390] : memref<10240x32xf32, #tpu.memory_space<vmem_shared>> -> memref<16x32xf32, #tpu.memory_space<vmem_shared>>
      tpu.wait_dma2 semaphore(%run_scoped3A_383 : memref<!tpu.dma_semaphore, #tpu.memory_space<semaphore_mem>>) src(%arg8 : memref<16x32xf32, #tpu.memory_space<vmem>>) dst(%dma_wait3A_391 : memref<16x32xf32, #tpu.memory_space<vmem_shared>>)
      tpu.yield
    }) : () -> ()
    %add3A_314 = arith.constant 400 : i32
    %add3A_315 = arith.addi %mul3A_2, %add3A_314 : i32
    "tpu.region"() ({
      %run_scoped3A_383 = tpu.sem_alloc : memref<!tpu.dma_semaphore, #tpu.memory_space<semaphore_mem>>
      %dma_start3A_384 = arith.constant 0 : i32
      %dma_start3A_385 = tpu.memref_slice %arg10[%add3A_315, %dma_start3A_384] : memref<10240x32xf32, #tpu.memory_space<vmem_shared>> -> memref<16x32xf32, #tpu.memory_space<vmem_shared>>
      %dma_start3A_386 = arith.constant 0 : i32
      %dma_start3A_387 = tpu.memref_slice %arg10[%add3A_315, %dma_start3A_386] : memref<10240x32xf32, #tpu.memory_space<vmem_shared>> -> memref<16x32xf32, #tpu.memory_space<vmem_shared>>
      tpu.enqueue_dma source(%arg8 : memref<16x32xf32, #tpu.memory_space<vmem>>) target(%dma_start3A_387 : memref<16x32xf32, #tpu.memory_space<vmem_shared>>) target_semaphore(%run_scoped3A_383 : memref<!tpu.dma_semaphore, #tpu.memory_space<semaphore_mem>>)
      %dma_wait3A_388 = arith.constant 0 : i32
      %dma_wait3A_389 = tpu.memref_slice %arg10[%add3A_315, %dma_wait3A_388] : memref<10240x32xf32, #tpu.memory_space<vmem_shared>> -> memref<16x32xf32, #tpu.memory_space<vmem_shared>>
      %dma_wait3A_390 = arith.constant 0 : i32
      %dma_wait3A_391 = tpu.memref_slice %arg10[%add3A_315, %dma_wait3A_390] : memref<10240x32xf32, #tpu.memory_space<vmem_shared>> -> memref<16x32xf32, #tpu.memory_space<vmem_shared>>
      tpu.wait_dma2 semaphore(%run_scoped3A_383 : memref<!tpu.dma_semaphore, #tpu.memory_space<semaphore_mem>>) src(%arg8 : memref<16x32xf32, #tpu.memory_space<vmem>>) dst(%dma_wait3A_391 : memref<16x32xf32, #tpu.memory_space<vmem_shared>>)
      tpu.yield
    }) : () -> ()
    %add3A_316 = arith.constant 416 : i32
    %add3A_317 = arith.addi %mul3A_2, %add3A_316 : i32
    "tpu.region"() ({
      %run_scoped3A_383 = tpu.sem_alloc : memref<!tpu.dma_semaphore, #tpu.memory_space<semaphore_mem>>
      %dma_start3A_384 = arith.constant 0 : i32
      %dma_start3A_385 = tpu.memref_slice %arg10[%add3A_317, %dma_start3A_384] : memref<10240x32xf32, #tpu.memory_space<vmem_shared>> -> memref<16x32xf32, #tpu.memory_space<vmem_shared>>
      %dma_start3A_386 = arith.constant 0 : i32
      %dma_start3A_387 = tpu.memref_slice %arg10[%add3A_317, %dma_start3A_386] : memref<10240x32xf32, #tpu.memory_space<vmem_shared>> -> memref<16x32xf32, #tpu.memory_space<vmem_shared>>
      tpu.enqueue_dma source(%arg8 : memref<16x32xf32, #tpu.memory_space<vmem>>) target(%dma_start3A_387 : memref<16x32xf32, #tpu.memory_space<vmem_shared>>) target_semaphore(%run_scoped3A_383 : memref<!tpu.dma_semaphore, #tpu.memory_space<semaphore_mem>>)
      %dma_wait3A_388 = arith.constant 0 : i32
      %dma_wait3A_389 = tpu.memref_slice %arg10[%add3A_317, %dma_wait3A_388] : memref<10240x32xf32, #tpu.memory_space<vmem_shared>> -> memref<16x32xf32, #tpu.memory_space<vmem_shared>>
      %dma_wait3A_390 = arith.constant 0 : i32
      %dma_wait3A_391 = tpu.memref_slice %arg10[%add3A_317, %dma_wait3A_390] : memref<10240x32xf32, #tpu.memory_space<vmem_shared>> -> memref<16x32xf32, #tpu.memory_space<vmem_shared>>
      tpu.wait_dma2 semaphore(%run_scoped3A_383 : memref<!tpu.dma_semaphore, #tpu.memory_space<semaphore_mem>>) src(%arg8 : memref<16x32xf32, #tpu.memory_space<vmem>>) dst(%dma_wait3A_391 : memref<16x32xf32, #tpu.memory_space<vmem_shared>>)
      tpu.yield
    }) : () -> ()
    %add3A_318 = arith.constant 432 : i32
    %add3A_319 = arith.addi %mul3A_2, %add3A_318 : i32
    "tpu.region"() ({
      %run_scoped3A_383 = tpu.sem_alloc : memref<!tpu.dma_semaphore, #tpu.memory_space<semaphore_mem>>
      %dma_start3A_384 = arith.constant 0 : i32
      %dma_start3A_385 = tpu.memref_slice %arg10[%add3A_319, %dma_start3A_384] : memref<10240x32xf32, #tpu.memory_space<vmem_shared>> -> memref<16x32xf32, #tpu.memory_space<vmem_shared>>
      %dma_start3A_386 = arith.constant 0 : i32
      %dma_start3A_387 = tpu.memref_slice %arg10[%add3A_319, %dma_start3A_386] : memref<10240x32xf32, #tpu.memory_space<vmem_shared>> -> memref<16x32xf32, #tpu.memory_space<vmem_shared>>
      tpu.enqueue_dma source(%arg8 : memref<16x32xf32, #tpu.memory_space<vmem>>) target(%dma_start3A_387 : memref<16x32xf32, #tpu.memory_space<vmem_shared>>) target_semaphore(%run_scoped3A_383 : memref<!tpu.dma_semaphore, #tpu.memory_space<semaphore_mem>>)
      %dma_wait3A_388 = arith.constant 0 : i32
      %dma_wait3A_389 = tpu.memref_slice %arg10[%add3A_319, %dma_wait3A_388] : memref<10240x32xf32, #tpu.memory_space<vmem_shared>> -> memref<16x32xf32, #tpu.memory_space<vmem_shared>>
      %dma_wait3A_390 = arith.constant 0 : i32
      %dma_wait3A_391 = tpu.memref_slice %arg10[%add3A_319, %dma_wait3A_390] : memref<10240x32xf32, #tpu.memory_space<vmem_shared>> -> memref<16x32xf32, #tpu.memory_space<vmem_shared>>
      tpu.wait_dma2 semaphore(%run_scoped3A_383 : memref<!tpu.dma_semaphore, #tpu.memory_space<semaphore_mem>>) src(%arg8 : memref<16x32xf32, #tpu.memory_space<vmem>>) dst(%dma_wait3A_391 : memref<16x32xf32, #tpu.memory_space<vmem_shared>>)
      tpu.yield
    }) : () -> ()
    %add3A_320 = arith.constant 448 : i32
    %add3A_321 = arith.addi %mul3A_2, %add3A_320 : i32
    "tpu.region"() ({
      %run_scoped3A_383 = tpu.sem_alloc : memref<!tpu.dma_semaphore, #tpu.memory_space<semaphore_mem>>
      %dma_start3A_384 = arith.constant 0 : i32
      %dma_start3A_385 = tpu.memref_slice %arg10[%add3A_321, %dma_start3A_384] : memref<10240x32xf32, #tpu.memory_space<vmem_shared>> -> memref<16x32xf32, #tpu.memory_space<vmem_shared>>
      %dma_start3A_386 = arith.constant 0 : i32
      %dma_start3A_387 = tpu.memref_slice %arg10[%add3A_321, %dma_start3A_386] : memref<10240x32xf32, #tpu.memory_space<vmem_shared>> -> memref<16x32xf32, #tpu.memory_space<vmem_shared>>
      tpu.enqueue_dma source(%arg8 : memref<16x32xf32, #tpu.memory_space<vmem>>) target(%dma_start3A_387 : memref<16x32xf32, #tpu.memory_space<vmem_shared>>) target_semaphore(%run_scoped3A_383 : memref<!tpu.dma_semaphore, #tpu.memory_space<semaphore_mem>>)
      %dma_wait3A_388 = arith.constant 0 : i32
      %dma_wait3A_389 = tpu.memref_slice %arg10[%add3A_321, %dma_wait3A_388] : memref<10240x32xf32, #tpu.memory_space<vmem_shared>> -> memref<16x32xf32, #tpu.memory_space<vmem_shared>>
      %dma_wait3A_390 = arith.constant 0 : i32
      %dma_wait3A_391 = tpu.memref_slice %arg10[%add3A_321, %dma_wait3A_390] : memref<10240x32xf32, #tpu.memory_space<vmem_shared>> -> memref<16x32xf32, #tpu.memory_space<vmem_shared>>
      tpu.wait_dma2 semaphore(%run_scoped3A_383 : memref<!tpu.dma_semaphore, #tpu.memory_space<semaphore_mem>>) src(%arg8 : memref<16x32xf32, #tpu.memory_space<vmem>>) dst(%dma_wait3A_391 : memref<16x32xf32, #tpu.memory_space<vmem_shared>>)
      tpu.yield
    }) : () -> ()
    %add3A_322 = arith.constant 464 : i32
    %add3A_323 = arith.addi %mul3A_2, %add3A_322 : i32
    "tpu.region"() ({
      %run_scoped3A_383 = tpu.sem_alloc : memref<!tpu.dma_semaphore, #tpu.memory_space<semaphore_mem>>
      %dma_start3A_384 = arith.constant 0 : i32
      %dma_start3A_385 = tpu.memref_slice %arg10[%add3A_323, %dma_start3A_384] : memref<10240x32xf32, #tpu.memory_space<vmem_shared>> -> memref<16x32xf32, #tpu.memory_space<vmem_shared>>
      %dma_start3A_386 = arith.constant 0 : i32
      %dma_start3A_387 = tpu.memref_slice %arg10[%add3A_323, %dma_start3A_386] : memref<10240x32xf32, #tpu.memory_space<vmem_shared>> -> memref<16x32xf32, #tpu.memory_space<vmem_shared>>
      tpu.enqueue_dma source(%arg8 : memref<16x32xf32, #tpu.memory_space<vmem>>) target(%dma_start3A_387 : memref<16x32xf32, #tpu.memory_space<vmem_shared>>) target_semaphore(%run_scoped3A_383 : memref<!tpu.dma_semaphore, #tpu.memory_space<semaphore_mem>>)
      %dma_wait3A_388 = arith.constant 0 : i32
      %dma_wait3A_389 = tpu.memref_slice %arg10[%add3A_323, %dma_wait3A_388] : memref<10240x32xf32, #tpu.memory_space<vmem_shared>> -> memref<16x32xf32, #tpu.memory_space<vmem_shared>>
      %dma_wait3A_390 = arith.constant 0 : i32
      %dma_wait3A_391 = tpu.memref_slice %arg10[%add3A_323, %dma_wait3A_390] : memref<10240x32xf32, #tpu.memory_space<vmem_shared>> -> memref<16x32xf32, #tpu.memory_space<vmem_shared>>
      tpu.wait_dma2 semaphore(%run_scoped3A_383 : memref<!tpu.dma_semaphore, #tpu.memory_space<semaphore_mem>>) src(%arg8 : memref<16x32xf32, #tpu.memory_space<vmem>>) dst(%dma_wait3A_391 : memref<16x32xf32, #tpu.memory_space<vmem_shared>>)
      tpu.yield
    }) : () -> ()
    %add3A_324 = arith.constant 480 : i32
    %add3A_325 = arith.addi %mul3A_2, %add3A_324 : i32
    "tpu.region"() ({
      %run_scoped3A_383 = tpu.sem_alloc : memref<!tpu.dma_semaphore, #tpu.memory_space<semaphore_mem>>
      %dma_start3A_384 = arith.constant 0 : i32
      %dma_start3A_385 = tpu.memref_slice %arg10[%add3A_325, %dma_start3A_384] : memref<10240x32xf32, #tpu.memory_space<vmem_shared>> -> memref<16x32xf32, #tpu.memory_space<vmem_shared>>
      %dma_start3A_386 = arith.constant 0 : i32
      %dma_start3A_387 = tpu.memref_slice %arg10[%add3A_325, %dma_start3A_386] : memref<10240x32xf32, #tpu.memory_space<vmem_shared>> -> memref<16x32xf32, #tpu.memory_space<vmem_shared>>
      tpu.enqueue_dma source(%arg8 : memref<16x32xf32, #tpu.memory_space<vmem>>) target(%dma_start3A_387 : memref<16x32xf32, #tpu.memory_space<vmem_shared>>) target_semaphore(%run_scoped3A_383 : memref<!tpu.dma_semaphore, #tpu.memory_space<semaphore_mem>>)
      %dma_wait3A_388 = arith.constant 0 : i32
      %dma_wait3A_389 = tpu.memref_slice %arg10[%add3A_325, %dma_wait3A_388] : memref<10240x32xf32, #tpu.memory_space<vmem_shared>> -> memref<16x32xf32, #tpu.memory_space<vmem_shared>>
      %dma_wait3A_390 = arith.constant 0 : i32
      %dma_wait3A_391 = tpu.memref_slice %arg10[%add3A_325, %dma_wait3A_390] : memref<10240x32xf32, #tpu.memory_space<vmem_shared>> -> memref<16x32xf32, #tpu.memory_space<vmem_shared>>
      tpu.wait_dma2 semaphore(%run_scoped3A_383 : memref<!tpu.dma_semaphore, #tpu.memory_space<semaphore_mem>>) src(%arg8 : memref<16x32xf32, #tpu.memory_space<vmem>>) dst(%dma_wait3A_391 : memref<16x32xf32, #tpu.memory_space<vmem_shared>>)
      tpu.yield
    }) : () -> ()
    %add3A_326 = arith.constant 496 : i32
    %add3A_327 = arith.addi %mul3A_2, %add3A_326 : i32
    "tpu.region"() ({
      %run_scoped3A_383 = tpu.sem_alloc : memref<!tpu.dma_semaphore, #tpu.memory_space<semaphore_mem>>
      %dma_start3A_384 = arith.constant 0 : i32
      %dma_start3A_385 = tpu.memref_slice %arg10[%add3A_327, %dma_start3A_384] : memref<10240x32xf32, #tpu.memory_space<vmem_shared>> -> memref<16x32xf32, #tpu.memory_space<vmem_shared>>
      %dma_start3A_386 = arith.constant 0 : i32
      %dma_start3A_387 = tpu.memref_slice %arg10[%add3A_327, %dma_start3A_386] : memref<10240x32xf32, #tpu.memory_space<vmem_shared>> -> memref<16x32xf32, #tpu.memory_space<vmem_shared>>
      tpu.enqueue_dma source(%arg8 : memref<16x32xf32, #tpu.memory_space<vmem>>) target(%dma_start3A_387 : memref<16x32xf32, #tpu.memory_space<vmem_shared>>) target_semaphore(%run_scoped3A_383 : memref<!tpu.dma_semaphore, #tpu.memory_space<semaphore_mem>>)
      %dma_wait3A_388 = arith.constant 0 : i32
      %dma_wait3A_389 = tpu.memref_slice %arg10[%add3A_327, %dma_wait3A_388] : memref<10240x32xf32, #tpu.memory_space<vmem_shared>> -> memref<16x32xf32, #tpu.memory_space<vmem_shared>>
      %dma_wait3A_390 = arith.constant 0 : i32
      %dma_wait3A_391 = tpu.memref_slice %arg10[%add3A_327, %dma_wait3A_390] : memref<10240x32xf32, #tpu.memory_space<vmem_shared>> -> memref<16x32xf32, #tpu.memory_space<vmem_shared>>
      tpu.wait_dma2 semaphore(%run_scoped3A_383 : memref<!tpu.dma_semaphore, #tpu.memory_space<semaphore_mem>>) src(%arg8 : memref<16x32xf32, #tpu.memory_space<vmem>>) dst(%dma_wait3A_391 : memref<16x32xf32, #tpu.memory_space<vmem_shared>>)
      tpu.yield
    }) : () -> ()
    %add3A_328 = arith.constant 512 : i32
    %add3A_329 = arith.addi %mul3A_2, %add3A_328 : i32
    "tpu.region"() ({
      %run_scoped3A_383 = tpu.sem_alloc : memref<!tpu.dma_semaphore, #tpu.memory_space<semaphore_mem>>
      %dma_start3A_384 = arith.constant 0 : i32
      %dma_start3A_385 = tpu.memref_slice %arg10[%add3A_329, %dma_start3A_384] : memref<10240x32xf32, #tpu.memory_space<vmem_shared>> -> memref<16x32xf32, #tpu.memory_space<vmem_shared>>
      %dma_start3A_386 = arith.constant 0 : i32
      %dma_start3A_387 = tpu.memref_slice %arg10[%add3A_329, %dma_start3A_386] : memref<10240x32xf32, #tpu.memory_space<vmem_shared>> -> memref<16x32xf32, #tpu.memory_space<vmem_shared>>
      tpu.enqueue_dma source(%arg8 : memref<16x32xf32, #tpu.memory_space<vmem>>) target(%dma_start3A_387 : memref<16x32xf32, #tpu.memory_space<vmem_shared>>) target_semaphore(%run_scoped3A_383 : memref<!tpu.dma_semaphore, #tpu.memory_space<semaphore_mem>>)
      %dma_wait3A_388 = arith.constant 0 : i32
      %dma_wait3A_389 = tpu.memref_slice %arg10[%add3A_329, %dma_wait3A_388] : memref<10240x32xf32, #tpu.memory_space<vmem_shared>> -> memref<16x32xf32, #tpu.memory_space<vmem_shared>>
      %dma_wait3A_390 = arith.constant 0 : i32
      %dma_wait3A_391 = tpu.memref_slice %arg10[%add3A_329, %dma_wait3A_390] : memref<10240x32xf32, #tpu.memory_space<vmem_shared>> -> memref<16x32xf32, #tpu.memory_space<vmem_shared>>
      tpu.wait_dma2 semaphore(%run_scoped3A_383 : memref<!tpu.dma_semaphore, #tpu.memory_space<semaphore_mem>>) src(%arg8 : memref<16x32xf32, #tpu.memory_space<vmem>>) dst(%dma_wait3A_391 : memref<16x32xf32, #tpu.memory_space<vmem_shared>>)
      tpu.yield
    }) : () -> ()
    %add3A_330 = arith.constant 528 : i32
    %add3A_331 = arith.addi %mul3A_2, %add3A_330 : i32
    "tpu.region"() ({
      %run_scoped3A_383 = tpu.sem_alloc : memref<!tpu.dma_semaphore, #tpu.memory_space<semaphore_mem>>
      %dma_start3A_384 = arith.constant 0 : i32
      %dma_start3A_385 = tpu.memref_slice %arg10[%add3A_331, %dma_start3A_384] : memref<10240x32xf32, #tpu.memory_space<vmem_shared>> -> memref<16x32xf32, #tpu.memory_space<vmem_shared>>
      %dma_start3A_386 = arith.constant 0 : i32
      %dma_start3A_387 = tpu.memref_slice %arg10[%add3A_331, %dma_start3A_386] : memref<10240x32xf32, #tpu.memory_space<vmem_shared>> -> memref<16x32xf32, #tpu.memory_space<vmem_shared>>
      tpu.enqueue_dma source(%arg8 : memref<16x32xf32, #tpu.memory_space<vmem>>) target(%dma_start3A_387 : memref<16x32xf32, #tpu.memory_space<vmem_shared>>) target_semaphore(%run_scoped3A_383 : memref<!tpu.dma_semaphore, #tpu.memory_space<semaphore_mem>>)
      %dma_wait3A_388 = arith.constant 0 : i32
      %dma_wait3A_389 = tpu.memref_slice %arg10[%add3A_331, %dma_wait3A_388] : memref<10240x32xf32, #tpu.memory_space<vmem_shared>> -> memref<16x32xf32, #tpu.memory_space<vmem_shared>>
      %dma_wait3A_390 = arith.constant 0 : i32
      %dma_wait3A_391 = tpu.memref_slice %arg10[%add3A_331, %dma_wait3A_390] : memref<10240x32xf32, #tpu.memory_space<vmem_shared>> -> memref<16x32xf32, #tpu.memory_space<vmem_shared>>
      tpu.wait_dma2 semaphore(%run_scoped3A_383 : memref<!tpu.dma_semaphore, #tpu.memory_space<semaphore_mem>>) src(%arg8 : memref<16x32xf32, #tpu.memory_space<vmem>>) dst(%dma_wait3A_391 : memref<16x32xf32, #tpu.memory_space<vmem_shared>>)
      tpu.yield
    }) : () -> ()
    %add3A_332 = arith.constant 544 : i32
    %add3A_333 = arith.addi %mul3A_2, %add3A_332 : i32
    "tpu.region"() ({
      %run_scoped3A_383 = tpu.sem_alloc : memref<!tpu.dma_semaphore, #tpu.memory_space<semaphore_mem>>
      %dma_start3A_384 = arith.constant 0 : i32
      %dma_start3A_385 = tpu.memref_slice %arg10[%add3A_333, %dma_start3A_384] : memref<10240x32xf32, #tpu.memory_space<vmem_shared>> -> memref<16x32xf32, #tpu.memory_space<vmem_shared>>
      %dma_start3A_386 = arith.constant 0 : i32
      %dma_start3A_387 = tpu.memref_slice %arg10[%add3A_333, %dma_start3A_386] : memref<10240x32xf32, #tpu.memory_space<vmem_shared>> -> memref<16x32xf32, #tpu.memory_space<vmem_shared>>
      tpu.enqueue_dma source(%arg8 : memref<16x32xf32, #tpu.memory_space<vmem>>) target(%dma_start3A_387 : memref<16x32xf32, #tpu.memory_space<vmem_shared>>) target_semaphore(%run_scoped3A_383 : memref<!tpu.dma_semaphore, #tpu.memory_space<semaphore_mem>>)
      %dma_wait3A_388 = arith.constant 0 : i32
      %dma_wait3A_389 = tpu.memref_slice %arg10[%add3A_333, %dma_wait3A_388] : memref<10240x32xf32, #tpu.memory_space<vmem_shared>> -> memref<16x32xf32, #tpu.memory_space<vmem_shared>>
      %dma_wait3A_390 = arith.constant 0 : i32
      %dma_wait3A_391 = tpu.memref_slice %arg10[%add3A_333, %dma_wait3A_390] : memref<10240x32xf32, #tpu.memory_space<vmem_shared>> -> memref<16x32xf32, #tpu.memory_space<vmem_shared>>
      tpu.wait_dma2 semaphore(%run_scoped3A_383 : memref<!tpu.dma_semaphore, #tpu.memory_space<semaphore_mem>>) src(%arg8 : memref<16x32xf32, #tpu.memory_space<vmem>>) dst(%dma_wait3A_391 : memref<16x32xf32, #tpu.memory_space<vmem_shared>>)
      tpu.yield
    }) : () -> ()
    %add3A_334 = arith.constant 560 : i32
    %add3A_335 = arith.addi %mul3A_2, %add3A_334 : i32
    "tpu.region"() ({
      %run_scoped3A_383 = tpu.sem_alloc : memref<!tpu.dma_semaphore, #tpu.memory_space<semaphore_mem>>
      %dma_start3A_384 = arith.constant 0 : i32
      %dma_start3A_385 = tpu.memref_slice %arg10[%add3A_335, %dma_start3A_384] : memref<10240x32xf32, #tpu.memory_space<vmem_shared>> -> memref<16x32xf32, #tpu.memory_space<vmem_shared>>
      %dma_start3A_386 = arith.constant 0 : i32
      %dma_start3A_387 = tpu.memref_slice %arg10[%add3A_335, %dma_start3A_386] : memref<10240x32xf32, #tpu.memory_space<vmem_shared>> -> memref<16x32xf32, #tpu.memory_space<vmem_shared>>
      tpu.enqueue_dma source(%arg8 : memref<16x32xf32, #tpu.memory_space<vmem>>) target(%dma_start3A_387 : memref<16x32xf32, #tpu.memory_space<vmem_shared>>) target_semaphore(%run_scoped3A_383 : memref<!tpu.dma_semaphore, #tpu.memory_space<semaphore_mem>>)
      %dma_wait3A_388 = arith.constant 0 : i32
      %dma_wait3A_389 = tpu.memref_slice %arg10[%add3A_335, %dma_wait3A_388] : memref<10240x32xf32, #tpu.memory_space<vmem_shared>> -> memref<16x32xf32, #tpu.memory_space<vmem_shared>>
      %dma_wait3A_390 = arith.constant 0 : i32
      %dma_wait3A_391 = tpu.memref_slice %arg10[%add3A_335, %dma_wait3A_390] : memref<10240x32xf32, #tpu.memory_space<vmem_shared>> -> memref<16x32xf32, #tpu.memory_space<vmem_shared>>
      tpu.wait_dma2 semaphore(%run_scoped3A_383 : memref<!tpu.dma_semaphore, #tpu.memory_space<semaphore_mem>>) src(%arg8 : memref<16x32xf32, #tpu.memory_space<vmem>>) dst(%dma_wait3A_391 : memref<16x32xf32, #tpu.memory_space<vmem_shared>>)
      tpu.yield
    }) : () -> ()
    %add3A_336 = arith.constant 576 : i32
    %add3A_337 = arith.addi %mul3A_2, %add3A_336 : i32
    "tpu.region"() ({
      %run_scoped3A_383 = tpu.sem_alloc : memref<!tpu.dma_semaphore, #tpu.memory_space<semaphore_mem>>
      %dma_start3A_384 = arith.constant 0 : i32
      %dma_start3A_385 = tpu.memref_slice %arg10[%add3A_337, %dma_start3A_384] : memref<10240x32xf32, #tpu.memory_space<vmem_shared>> -> memref<16x32xf32, #tpu.memory_space<vmem_shared>>
      %dma_start3A_386 = arith.constant 0 : i32
      %dma_start3A_387 = tpu.memref_slice %arg10[%add3A_337, %dma_start3A_386] : memref<10240x32xf32, #tpu.memory_space<vmem_shared>> -> memref<16x32xf32, #tpu.memory_space<vmem_shared>>
      tpu.enqueue_dma source(%arg8 : memref<16x32xf32, #tpu.memory_space<vmem>>) target(%dma_start3A_387 : memref<16x32xf32, #tpu.memory_space<vmem_shared>>) target_semaphore(%run_scoped3A_383 : memref<!tpu.dma_semaphore, #tpu.memory_space<semaphore_mem>>)
      %dma_wait3A_388 = arith.constant 0 : i32
      %dma_wait3A_389 = tpu.memref_slice %arg10[%add3A_337, %dma_wait3A_388] : memref<10240x32xf32, #tpu.memory_space<vmem_shared>> -> memref<16x32xf32, #tpu.memory_space<vmem_shared>>
      %dma_wait3A_390 = arith.constant 0 : i32
      %dma_wait3A_391 = tpu.memref_slice %arg10[%add3A_337, %dma_wait3A_390] : memref<10240x32xf32, #tpu.memory_space<vmem_shared>> -> memref<16x32xf32, #tpu.memory_space<vmem_shared>>
      tpu.wait_dma2 semaphore(%run_scoped3A_383 : memref<!tpu.dma_semaphore, #tpu.memory_space<semaphore_mem>>) src(%arg8 : memref<16x32xf32, #tpu.memory_space<vmem>>) dst(%dma_wait3A_391 : memref<16x32xf32, #tpu.memory_space<vmem_shared>>)
      tpu.yield
    }) : () -> ()
    %add3A_338 = arith.constant 592 : i32
    %add3A_339 = arith.addi %mul3A_2, %add3A_338 : i32
    "tpu.region"() ({
      %run_scoped3A_383 = tpu.sem_alloc : memref<!tpu.dma_semaphore, #tpu.memory_space<semaphore_mem>>
      %dma_start3A_384 = arith.constant 0 : i32
      %dma_start3A_385 = tpu.memref_slice %arg10[%add3A_339, %dma_start3A_384] : memref<10240x32xf32, #tpu.memory_space<vmem_shared>> -> memref<16x32xf32, #tpu.memory_space<vmem_shared>>
      %dma_start3A_386 = arith.constant 0 : i32
      %dma_start3A_387 = tpu.memref_slice %arg10[%add3A_339, %dma_start3A_386] : memref<10240x32xf32, #tpu.memory_space<vmem_shared>> -> memref<16x32xf32, #tpu.memory_space<vmem_shared>>
      tpu.enqueue_dma source(%arg8 : memref<16x32xf32, #tpu.memory_space<vmem>>) target(%dma_start3A_387 : memref<16x32xf32, #tpu.memory_space<vmem_shared>>) target_semaphore(%run_scoped3A_383 : memref<!tpu.dma_semaphore, #tpu.memory_space<semaphore_mem>>)
      %dma_wait3A_388 = arith.constant 0 : i32
      %dma_wait3A_389 = tpu.memref_slice %arg10[%add3A_339, %dma_wait3A_388] : memref<10240x32xf32, #tpu.memory_space<vmem_shared>> -> memref<16x32xf32, #tpu.memory_space<vmem_shared>>
      %dma_wait3A_390 = arith.constant 0 : i32
      %dma_wait3A_391 = tpu.memref_slice %arg10[%add3A_339, %dma_wait3A_390] : memref<10240x32xf32, #tpu.memory_space<vmem_shared>> -> memref<16x32xf32, #tpu.memory_space<vmem_shared>>
      tpu.wait_dma2 semaphore(%run_scoped3A_383 : memref<!tpu.dma_semaphore, #tpu.memory_space<semaphore_mem>>) src(%arg8 : memref<16x32xf32, #tpu.memory_space<vmem>>) dst(%dma_wait3A_391 : memref<16x32xf32, #tpu.memory_space<vmem_shared>>)
      tpu.yield
    }) : () -> ()
    %add3A_340 = arith.constant 608 : i32
    %add3A_341 = arith.addi %mul3A_2, %add3A_340 : i32
    "tpu.region"() ({
      %run_scoped3A_383 = tpu.sem_alloc : memref<!tpu.dma_semaphore, #tpu.memory_space<semaphore_mem>>
      %dma_start3A_384 = arith.constant 0 : i32
      %dma_start3A_385 = tpu.memref_slice %arg10[%add3A_341, %dma_start3A_384] : memref<10240x32xf32, #tpu.memory_space<vmem_shared>> -> memref<16x32xf32, #tpu.memory_space<vmem_shared>>
      %dma_start3A_386 = arith.constant 0 : i32
      %dma_start3A_387 = tpu.memref_slice %arg10[%add3A_341, %dma_start3A_386] : memref<10240x32xf32, #tpu.memory_space<vmem_shared>> -> memref<16x32xf32, #tpu.memory_space<vmem_shared>>
      tpu.enqueue_dma source(%arg8 : memref<16x32xf32, #tpu.memory_space<vmem>>) target(%dma_start3A_387 : memref<16x32xf32, #tpu.memory_space<vmem_shared>>) target_semaphore(%run_scoped3A_383 : memref<!tpu.dma_semaphore, #tpu.memory_space<semaphore_mem>>)
      %dma_wait3A_388 = arith.constant 0 : i32
      %dma_wait3A_389 = tpu.memref_slice %arg10[%add3A_341, %dma_wait3A_388] : memref<10240x32xf32, #tpu.memory_space<vmem_shared>> -> memref<16x32xf32, #tpu.memory_space<vmem_shared>>
      %dma_wait3A_390 = arith.constant 0 : i32
      %dma_wait3A_391 = tpu.memref_slice %arg10[%add3A_341, %dma_wait3A_390] : memref<10240x32xf32, #tpu.memory_space<vmem_shared>> -> memref<16x32xf32, #tpu.memory_space<vmem_shared>>
      tpu.wait_dma2 semaphore(%run_scoped3A_383 : memref<!tpu.dma_semaphore, #tpu.memory_space<semaphore_mem>>) src(%arg8 : memref<16x32xf32, #tpu.memory_space<vmem>>) dst(%dma_wait3A_391 : memref<16x32xf32, #tpu.memory_space<vmem_shared>>)
      tpu.yield
    }) : () -> ()
    %add3A_342 = arith.constant 624 : i32
    %add3A_343 = arith.addi %mul3A_2, %add3A_342 : i32
    "tpu.region"() ({
      %run_scoped3A_383 = tpu.sem_alloc : memref<!tpu.dma_semaphore, #tpu.memory_space<semaphore_mem>>
      %dma_start3A_384 = arith.constant 0 : i32
      %dma_start3A_385 = tpu.memref_slice %arg10[%add3A_343, %dma_start3A_384] : memref<10240x32xf32, #tpu.memory_space<vmem_shared>> -> memref<16x32xf32, #tpu.memory_space<vmem_shared>>
      %dma_start3A_386 = arith.constant 0 : i32
      %dma_start3A_387 = tpu.memref_slice %arg10[%add3A_343, %dma_start3A_386] : memref<10240x32xf32, #tpu.memory_space<vmem_shared>> -> memref<16x32xf32, #tpu.memory_space<vmem_shared>>
      tpu.enqueue_dma source(%arg8 : memref<16x32xf32, #tpu.memory_space<vmem>>) target(%dma_start3A_387 : memref<16x32xf32, #tpu.memory_space<vmem_shared>>) target_semaphore(%run_scoped3A_383 : memref<!tpu.dma_semaphore, #tpu.memory_space<semaphore_mem>>)
      %dma_wait3A_388 = arith.constant 0 : i32
      %dma_wait3A_389 = tpu.memref_slice %arg10[%add3A_343, %dma_wait3A_388] : memref<10240x32xf32, #tpu.memory_space<vmem_shared>> -> memref<16x32xf32, #tpu.memory_space<vmem_shared>>
      %dma_wait3A_390 = arith.constant 0 : i32
      %dma_wait3A_391 = tpu.memref_slice %arg10[%add3A_343, %dma_wait3A_390] : memref<10240x32xf32, #tpu.memory_space<vmem_shared>> -> memref<16x32xf32, #tpu.memory_space<vmem_shared>>
      tpu.wait_dma2 semaphore(%run_scoped3A_383 : memref<!tpu.dma_semaphore, #tpu.memory_space<semaphore_mem>>) src(%arg8 : memref<16x32xf32, #tpu.memory_space<vmem>>) dst(%dma_wait3A_391 : memref<16x32xf32, #tpu.memory_space<vmem_shared>>)
      tpu.yield
    }) : () -> ()
    %barrier3A = arith.constant 0 : index
    tpu.barrier barrier_id(%barrier3A)
    %dma_start3A = arith.constant 0 : i32
    %dma_start3A_344 = arith.constant 0 : i32
    %dma_start3A_345 = arith.constant 0 : i32
    %dma_start3A_346 = arith.constant 0 : i32
    %dma_start3A_347 = tpu.memref_slice %arg7[%dma_start3A_344, %dma_start3A_345, %dma_start3A_346] : memref<2x128x32xf32, #tpu.memory_space<vmem>> -> memref<1x128x32xf32, #tpu.memory_space<vmem>>
    %dma_start3A_348 = tpu.memref_squeeze %dma_start3A_347 : memref<1x128x32xf32, #tpu.memory_space<vmem>> -> memref<128x32xf32, #tpu.memory_space<vmem>>
    %dma_start3A_349 = arith.constant 0 : i32
    %dma_start3A_350 = tpu.memref_slice %arg5[%dma_start3A, %dma_start3A_349] : memref<82x128xi32, #tpu.memory_space<vmem>> -> memref<1x128xi32, #tpu.memory_space<vmem>>
    %dma_start3A_351 = tpu.memref_squeeze %dma_start3A_350 : memref<1x128xi32, #tpu.memory_space<vmem>> -> memref<128xi32, #tpu.memory_space<vmem>>
    %dma_start3A_352 = arith.constant 0 : i32
    %dma_start3A_353 = arith.constant 0 : i32
    %dma_start3A_354 = tpu.memref_slice %arg9[%dma_start3A_352, %dma_start3A_353] : memref<10240x32xf32, #tpu.memory_space<vmem_shared>> -> memref<10240x32xf32, #tpu.memory_space<vmem_shared>>
    tpu.enqueue_indirect_dma source(%dma_start3A_354 : memref<10240x32xf32, #tpu.memory_space<vmem_shared>>) target(%dma_start3A_348 : memref<128x32xf32, #tpu.memory_space<vmem>>) offsets(%dma_start3A_351 : memref<128xi32, #tpu.memory_space<vmem>>) semaphore(%arg11 : memref<!tpu.dma_semaphore, #tpu.memory_space<semaphore_mem>>)
    %sub3A = arith.constant 0 : i32
    %sub3A_355 = arith.subi %select_n3A, %sub3A : i32
    %sub3A_356 = arith.constant 2 : i32
    %sub3A_357 = arith.constant 1 : i32
    %sub3A_358 = arith.subi %sub3A_356, %sub3A_357 : i32
    %add3A_359 = arith.addi %sub3A_355, %sub3A_358 : i32
    %div3A = arith.constant 2 : i32
    %div3A_360 = arith.divsi %add3A_359, %div3A : i32
    %while3A = arith.constant 2 : i32
    %while3A_361 = arith.constant 0 : i32
    %while3A_362 = arith.constant 0 : i32
    %while3A_363 = arith.subi %div3A_360, %while3A_362 : i32
    %while3A_364 = arith.addi %while3A_362, %while3A_363 : i32
    %while3A_365 = arith.constant 1 : i32
    %while3A_366 = arith.divsi %while3A_363, %while3A_365 : i32
    %while3A_367 = arith.muli %while3A_366, %while3A_365 : i32
    %while3A_368 = arith.addi %while3A_362, %while3A_367 : i32
    %while3A_369 = arith.constant 1 : i32
    scf.for %while3A_383 = %while3A_362 to %while3A_368 step %while3A_369  : i32 {
      %mul3A_384 = arith.muli %while3A_383, %while3A : i32
      %add3A_385 = arith.addi %while3A_361, %mul3A_384 : i32
      %add3A_386 = arith.constant 1 : i32
      %add3A_387 = arith.addi %add3A_385, %add3A_386 : i32
      %dma_start3A_388 = arith.constant 1 : i32
      %dma_start3A_389 = arith.constant 0 : i32
      %dma_start3A_390 = arith.constant 0 : i32
      %dma_start3A_391 = tpu.memref_slice %arg7[%dma_start3A_388, %dma_start3A_389, %dma_start3A_390] : memref<2x128x32xf32, #tpu.memory_space<vmem>> -> memref<1x128x32xf32, #tpu.memory_space<vmem>>
      %dma_start3A_392 = tpu.memref_squeeze %dma_start3A_391 : memref<1x128x32xf32, #tpu.memory_space<vmem>> -> memref<128x32xf32, #tpu.memory_space<vmem>>
      %dma_start3A_393 = arith.constant 0 : i32
      %dma_start3A_394 = tpu.memref_slice %arg5[%add3A_387, %dma_start3A_393] : memref<82x128xi32, #tpu.memory_space<vmem>> -> memref<1x128xi32, #tpu.memory_space<vmem>>
      %dma_start3A_395 = tpu.memref_squeeze %dma_start3A_394 : memref<1x128xi32, #tpu.memory_space<vmem>> -> memref<128xi32, #tpu.memory_space<vmem>>
      %dma_start3A_396 = arith.constant 0 : i32
      %dma_start3A_397 = arith.constant 0 : i32
      %dma_start3A_398 = tpu.memref_slice %arg9[%dma_start3A_396, %dma_start3A_397] : memref<10240x32xf32, #tpu.memory_space<vmem_shared>> -> memref<10240x32xf32, #tpu.memory_space<vmem_shared>>
      tpu.enqueue_indirect_dma source(%dma_start3A_398 : memref<10240x32xf32, #tpu.memory_space<vmem_shared>>) target(%dma_start3A_392 : memref<128x32xf32, #tpu.memory_space<vmem>>) offsets(%dma_start3A_395 : memref<128xi32, #tpu.memory_space<vmem>>) semaphore(%arg12 : memref<!tpu.dma_semaphore, #tpu.memory_space<semaphore_mem>>)
      %dma_wait3A_399 = arith.constant 0 : i32
      %dma_wait3A_400 = arith.constant 0 : i32
      %dma_wait3A_401 = arith.constant 0 : i32
      %dma_wait3A_402 = tpu.memref_slice %arg7[%dma_wait3A_399, %dma_wait3A_400, %dma_wait3A_401] : memref<2x128x32xf32, #tpu.memory_space<vmem>> -> memref<1x128x32xf32, #tpu.memory_space<vmem>>
      %dma_wait3A_403 = tpu.memref_squeeze %dma_wait3A_402 : memref<1x128x32xf32, #tpu.memory_space<vmem>> -> memref<128x32xf32, #tpu.memory_space<vmem>>
      %dma_wait3A_404 = arith.constant 0 : i32
      %dma_wait3A_405 = tpu.memref_slice %arg5[%add3A_385, %dma_wait3A_404] : memref<82x128xi32, #tpu.memory_space<vmem>> -> memref<1x128xi32, #tpu.memory_space<vmem>>
      %dma_wait3A_406 = tpu.memref_squeeze %dma_wait3A_405 : memref<1x128xi32, #tpu.memory_space<vmem>> -> memref<128xi32, #tpu.memory_space<vmem>>
      %dma_wait3A_407 = arith.constant 0 : i32
      %dma_wait3A_408 = arith.constant 0 : i32
      %dma_wait3A_409 = tpu.memref_slice %arg9[%dma_wait3A_407, %dma_wait3A_408] : memref<10240x32xf32, #tpu.memory_space<vmem_shared>> -> memref<10240x32xf32, #tpu.memory_space<vmem_shared>>
      tpu.wait_indirect_dma semaphore(%arg11 : memref<!tpu.dma_semaphore, #tpu.memory_space<semaphore_mem>>) src(%dma_wait3A_409 : memref<10240x32xf32, #tpu.memory_space<vmem_shared>>) dst(%dma_wait3A_403 : memref<128x32xf32, #tpu.memory_space<vmem>>)
      %run_scoped3A_410 = arith.constant 0 : i32
      "tpu.region"() ({
        %run_scoped3A_442 = tpu.sem_alloc : memref<!tpu.dma_semaphore, #tpu.memory_space<semaphore_mem>>
        %dma_start3A_443 = arith.constant 0 : i32
        %dma_start3A_444 = arith.constant 0 : i32
        %dma_start3A_445 = tpu.memref_slice %arg7[%run_scoped3A_410, %dma_start3A_443, %dma_start3A_444] : memref<2x128x32xf32, #tpu.memory_space<vmem>> -> memref<1x128x32xf32, #tpu.memory_space<vmem>>
        %dma_start3A_446 = tpu.memref_squeeze %dma_start3A_445 : memref<1x128x32xf32, #tpu.memory_space<vmem>> -> memref<128x32xf32, #tpu.memory_space<vmem>>
        %dma_start3A_447 = arith.constant 0 : i32
        %dma_start3A_448 = tpu.memref_slice %arg6[%add3A_385, %dma_start3A_447] : memref<82x128xi32, #tpu.memory_space<vmem>> -> memref<1x128xi32, #tpu.memory_space<vmem>>
        %dma_start3A_449 = tpu.memref_squeeze %dma_start3A_448 : memref<1x128xi32, #tpu.memory_space<vmem>> -> memref<128xi32, #tpu.memory_space<vmem>>
        %dma_start3A_450 = arith.constant 0 : i32
        %dma_start3A_451 = arith.constant 0 : i32
        %dma_start3A_452 = tpu.memref_slice %arg10[%dma_start3A_450, %dma_start3A_451] : memref<10240x32xf32, #tpu.memory_space<vmem_shared>> -> memref<10240x32xf32, #tpu.memory_space<vmem_shared>>
        tpu.enqueue_indirect_dma source(%dma_start3A_446 : memref<128x32xf32, #tpu.memory_space<vmem>>) target(%dma_start3A_452 : memref<10240x32xf32, #tpu.memory_space<vmem_shared>>) offsets(%dma_start3A_449 : memref<128xi32, #tpu.memory_space<vmem>>) semaphore(%run_scoped3A_442 : memref<!tpu.dma_semaphore, #tpu.memory_space<semaphore_mem>>) {add = true}
        %dma_wait3A_453 = arith.constant 0 : i32
        %dma_wait3A_454 = arith.constant 0 : i32
        %dma_wait3A_455 = tpu.memref_slice %arg7[%run_scoped3A_410, %dma_wait3A_453, %dma_wait3A_454] : memref<2x128x32xf32, #tpu.memory_space<vmem>> -> memref<1x128x32xf32, #tpu.memory_space<vmem>>
        %dma_wait3A_456 = tpu.memref_squeeze %dma_wait3A_455 : memref<1x128x32xf32, #tpu.memory_space<vmem>> -> memref<128x32xf32, #tpu.memory_space<vmem>>
        %dma_wait3A_457 = arith.constant 0 : i32
        %dma_wait3A_458 = tpu.memref_slice %arg6[%add3A_385, %dma_wait3A_457] : memref<82x128xi32, #tpu.memory_space<vmem>> -> memref<1x128xi32, #tpu.memory_space<vmem>>
        %dma_wait3A_459 = tpu.memref_squeeze %dma_wait3A_458 : memref<1x128xi32, #tpu.memory_space<vmem>> -> memref<128xi32, #tpu.memory_space<vmem>>
        %dma_wait3A_460 = arith.constant 0 : i32
        %dma_wait3A_461 = arith.constant 0 : i32
        %dma_wait3A_462 = tpu.memref_slice %arg10[%dma_wait3A_460, %dma_wait3A_461] : memref<10240x32xf32, #tpu.memory_space<vmem_shared>> -> memref<10240x32xf32, #tpu.memory_space<vmem_shared>>
        tpu.wait_indirect_dma semaphore(%run_scoped3A_442 : memref<!tpu.dma_semaphore, #tpu.memory_space<semaphore_mem>>) src(%dma_wait3A_456 : memref<128x32xf32, #tpu.memory_space<vmem>>) dst(%dma_wait3A_462 : memref<10240x32xf32, #tpu.memory_space<vmem_shared>>)
        tpu.yield
      }) : () -> ()
      %add3A_411 = arith.constant 2 : i32
      %add3A_412 = arith.addi %add3A_385, %add3A_411 : i32
      %sub3A_413 = arith.constant 2 : i32
      %sub3A_414 = arith.subi %select_n3A, %sub3A_413 : i32
      %min3A = arith.minsi %add3A_412, %sub3A_414 : i32
      %dma_start3A_415 = arith.constant 0 : i32
      %dma_start3A_416 = arith.constant 0 : i32
      %dma_start3A_417 = arith.constant 0 : i32
      %dma_start3A_418 = tpu.memref_slice %arg7[%dma_start3A_415, %dma_start3A_416, %dma_start3A_417] : memref<2x128x32xf32, #tpu.memory_space<vmem>> -> memref<1x128x32xf32, #tpu.memory_space<vmem>>
      %dma_start3A_419 = tpu.memref_squeeze %dma_start3A_418 : memref<1x128x32xf32, #tpu.memory_space<vmem>> -> memref<128x32xf32, #tpu.memory_space<vmem>>
      %dma_start3A_420 = arith.constant 0 : i32
      %dma_start3A_421 = tpu.memref_slice %arg5[%min3A, %dma_start3A_420] : memref<82x128xi32, #tpu.memory_space<vmem>> -> memref<1x128xi32, #tpu.memory_space<vmem>>
      %dma_start3A_422 = tpu.memref_squeeze %dma_start3A_421 : memref<1x128xi32, #tpu.memory_space<vmem>> -> memref<128xi32, #tpu.memory_space<vmem>>
      %dma_start3A_423 = arith.constant 0 : i32
      %dma_start3A_424 = arith.constant 0 : i32
      %dma_start3A_425 = tpu.memref_slice %arg9[%dma_start3A_423, %dma_start3A_424] : memref<10240x32xf32, #tpu.memory_space<vmem_shared>> -> memref<10240x32xf32, #tpu.memory_space<vmem_shared>>
      tpu.enqueue_indirect_dma source(%dma_start3A_425 : memref<10240x32xf32, #tpu.memory_space<vmem_shared>>) target(%dma_start3A_419 : memref<128x32xf32, #tpu.memory_space<vmem>>) offsets(%dma_start3A_422 : memref<128xi32, #tpu.memory_space<vmem>>) semaphore(%arg11 : memref<!tpu.dma_semaphore, #tpu.memory_space<semaphore_mem>>)
      %add3A_426 = arith.constant 1 : i32
      %add3A_427 = arith.addi %add3A_385, %add3A_426 : i32
      %dma_wait3A_428 = arith.constant 1 : i32
      %dma_wait3A_429 = arith.constant 0 : i32
      %dma_wait3A_430 = arith.constant 0 : i32
      %dma_wait3A_431 = tpu.memref_slice %arg7[%dma_wait3A_428, %dma_wait3A_429, %dma_wait3A_430] : memref<2x128x32xf32, #tpu.memory_space<vmem>> -> memref<1x128x32xf32, #tpu.memory_space<vmem>>
      %dma_wait3A_432 = tpu.memref_squeeze %dma_wait3A_431 : memref<1x128x32xf32, #tpu.memory_space<vmem>> -> memref<128x32xf32, #tpu.memory_space<vmem>>
      %dma_wait3A_433 = arith.constant 0 : i32
      %dma_wait3A_434 = tpu.memref_slice %arg5[%add3A_427, %dma_wait3A_433] : memref<82x128xi32, #tpu.memory_space<vmem>> -> memref<1x128xi32, #tpu.memory_space<vmem>>
      %dma_wait3A_435 = tpu.memref_squeeze %dma_wait3A_434 : memref<1x128xi32, #tpu.memory_space<vmem>> -> memref<128xi32, #tpu.memory_space<vmem>>
      %dma_wait3A_436 = arith.constant 0 : i32
      %dma_wait3A_437 = arith.constant 0 : i32
      %dma_wait3A_438 = tpu.memref_slice %arg9[%dma_wait3A_436, %dma_wait3A_437] : memref<10240x32xf32, #tpu.memory_space<vmem_shared>> -> memref<10240x32xf32, #tpu.memory_space<vmem_shared>>
      tpu.wait_indirect_dma semaphore(%arg12 : memref<!tpu.dma_semaphore, #tpu.memory_space<semaphore_mem>>) src(%dma_wait3A_438 : memref<10240x32xf32, #tpu.memory_space<vmem_shared>>) dst(%dma_wait3A_432 : memref<128x32xf32, #tpu.memory_space<vmem>>)
      %add3A_439 = arith.constant 1 : i32
      %add3A_440 = arith.addi %add3A_385, %add3A_439 : i32
      %run_scoped3A_441 = arith.constant 1 : i32
      "tpu.region"() ({
        %run_scoped3A_442 = tpu.sem_alloc : memref<!tpu.dma_semaphore, #tpu.memory_space<semaphore_mem>>
        %dma_start3A_443 = arith.constant 0 : i32
        %dma_start3A_444 = arith.constant 0 : i32
        %dma_start3A_445 = tpu.memref_slice %arg7[%run_scoped3A_441, %dma_start3A_443, %dma_start3A_444] : memref<2x128x32xf32, #tpu.memory_space<vmem>> -> memref<1x128x32xf32, #tpu.memory_space<vmem>>
        %dma_start3A_446 = tpu.memref_squeeze %dma_start3A_445 : memref<1x128x32xf32, #tpu.memory_space<vmem>> -> memref<128x32xf32, #tpu.memory_space<vmem>>
        %dma_start3A_447 = arith.constant 0 : i32
        %dma_start3A_448 = tpu.memref_slice %arg6[%add3A_440, %dma_start3A_447] : memref<82x128xi32, #tpu.memory_space<vmem>> -> memref<1x128xi32, #tpu.memory_space<vmem>>
        %dma_start3A_449 = tpu.memref_squeeze %dma_start3A_448 : memref<1x128xi32, #tpu.memory_space<vmem>> -> memref<128xi32, #tpu.memory_space<vmem>>
        %dma_start3A_450 = arith.constant 0 : i32
        %dma_start3A_451 = arith.constant 0 : i32
        %dma_start3A_452 = tpu.memref_slice %arg10[%dma_start3A_450, %dma_start3A_451] : memref<10240x32xf32, #tpu.memory_space<vmem_shared>> -> memref<10240x32xf32, #tpu.memory_space<vmem_shared>>
        tpu.enqueue_indirect_dma source(%dma_start3A_446 : memref<128x32xf32, #tpu.memory_space<vmem>>) target(%dma_start3A_452 : memref<10240x32xf32, #tpu.memory_space<vmem_shared>>) offsets(%dma_start3A_449 : memref<128xi32, #tpu.memory_space<vmem>>) semaphore(%run_scoped3A_442 : memref<!tpu.dma_semaphore, #tpu.memory_space<semaphore_mem>>) {add = true}
        %dma_wait3A_453 = arith.constant 0 : i32
        %dma_wait3A_454 = arith.constant 0 : i32
        %dma_wait3A_455 = tpu.memref_slice %arg7[%run_scoped3A_441, %dma_wait3A_453, %dma_wait3A_454] : memref<2x128x32xf32, #tpu.memory_space<vmem>> -> memref<1x128x32xf32, #tpu.memory_space<vmem>>
        %dma_wait3A_456 = tpu.memref_squeeze %dma_wait3A_455 : memref<1x128x32xf32, #tpu.memory_space<vmem>> -> memref<128x32xf32, #tpu.memory_space<vmem>>
        %dma_wait3A_457 = arith.constant 0 : i32
        %dma_wait3A_458 = tpu.memref_slice %arg6[%add3A_440, %dma_wait3A_457] : memref<82x128xi32, #tpu.memory_space<vmem>> -> memref<1x128xi32, #tpu.memory_space<vmem>>
        %dma_wait3A_459 = tpu.memref_squeeze %dma_wait3A_458 : memref<1x128xi32, #tpu.memory_space<vmem>> -> memref<128xi32, #tpu.memory_space<vmem>>
        %dma_wait3A_460 = arith.constant 0 : i32
        %dma_wait3A_461 = arith.constant 0 : i32
        %dma_wait3A_462 = tpu.memref_slice %arg10[%dma_wait3A_460, %dma_wait3A_461] : memref<10240x32xf32, #tpu.memory_space<vmem_shared>> -> memref<10240x32xf32, #tpu.memory_space<vmem_shared>>
        tpu.wait_indirect_dma semaphore(%run_scoped3A_442 : memref<!tpu.dma_semaphore, #tpu.memory_space<semaphore_mem>>) src(%dma_wait3A_456 : memref<128x32xf32, #tpu.memory_space<vmem>>) dst(%dma_wait3A_462 : memref<10240x32xf32, #tpu.memory_space<vmem_shared>>)
        tpu.yield
      }) : () -> ()
    }
    %while3A_370 = arith.constant 1 : i32
    scf.for %while3A_383 = %while3A_368 to %while3A_364 step %while3A_370  : i32 {
      %mul3A_384 = arith.muli %while3A_383, %while3A : i32
      %add3A_385 = arith.addi %while3A_361, %mul3A_384 : i32
      %add3A_386 = arith.constant 1 : i32
      %add3A_387 = arith.addi %add3A_385, %add3A_386 : i32
      %dma_start3A_388 = arith.constant 1 : i32
      %dma_start3A_389 = arith.constant 0 : i32
      %dma_start3A_390 = arith.constant 0 : i32
      %dma_start3A_391 = tpu.memref_slice %arg7[%dma_start3A_388, %dma_start3A_389, %dma_start3A_390] : memref<2x128x32xf32, #tpu.memory_space<vmem>> -> memref<1x128x32xf32, #tpu.memory_space<vmem>>
      %dma_start3A_392 = tpu.memref_squeeze %dma_start3A_391 : memref<1x128x32xf32, #tpu.memory_space<vmem>> -> memref<128x32xf32, #tpu.memory_space<vmem>>
      %dma_start3A_393 = arith.constant 0 : i32
      %dma_start3A_394 = tpu.memref_slice %arg5[%add3A_387, %dma_start3A_393] : memref<82x128xi32, #tpu.memory_space<vmem>> -> memref<1x128xi32, #tpu.memory_space<vmem>>
      %dma_start3A_395 = tpu.memref_squeeze %dma_start3A_394 : memref<1x128xi32, #tpu.memory_space<vmem>> -> memref<128xi32, #tpu.memory_space<vmem>>
      %dma_start3A_396 = arith.constant 0 : i32
      %dma_start3A_397 = arith.constant 0 : i32
      %dma_start3A_398 = tpu.memref_slice %arg9[%dma_start3A_396, %dma_start3A_397] : memref<10240x32xf32, #tpu.memory_space<vmem_shared>> -> memref<10240x32xf32, #tpu.memory_space<vmem_shared>>
      tpu.enqueue_indirect_dma source(%dma_start3A_398 : memref<10240x32xf32, #tpu.memory_space<vmem_shared>>) target(%dma_start3A_392 : memref<128x32xf32, #tpu.memory_space<vmem>>) offsets(%dma_start3A_395 : memref<128xi32, #tpu.memory_space<vmem>>) semaphore(%arg12 : memref<!tpu.dma_semaphore, #tpu.memory_space<semaphore_mem>>)
      %dma_wait3A_399 = arith.constant 0 : i32
      %dma_wait3A_400 = arith.constant 0 : i32
      %dma_wait3A_401 = arith.constant 0 : i32
      %dma_wait3A_402 = tpu.memref_slice %arg7[%dma_wait3A_399, %dma_wait3A_400, %dma_wait3A_401] : memref<2x128x32xf32, #tpu.memory_space<vmem>> -> memref<1x128x32xf32, #tpu.memory_space<vmem>>
      %dma_wait3A_403 = tpu.memref_squeeze %dma_wait3A_402 : memref<1x128x32xf32, #tpu.memory_space<vmem>> -> memref<128x32xf32, #tpu.memory_space<vmem>>
      %dma_wait3A_404 = arith.constant 0 : i32
      %dma_wait3A_405 = tpu.memref_slice %arg5[%add3A_385, %dma_wait3A_404] : memref<82x128xi32, #tpu.memory_space<vmem>> -> memref<1x128xi32, #tpu.memory_space<vmem>>
      %dma_wait3A_406 = tpu.memref_squeeze %dma_wait3A_405 : memref<1x128xi32, #tpu.memory_space<vmem>> -> memref<128xi32, #tpu.memory_space<vmem>>
      %dma_wait3A_407 = arith.constant 0 : i32
      %dma_wait3A_408 = arith.constant 0 : i32
      %dma_wait3A_409 = tpu.memref_slice %arg9[%dma_wait3A_407, %dma_wait3A_408] : memref<10240x32xf32, #tpu.memory_space<vmem_shared>> -> memref<10240x32xf32, #tpu.memory_space<vmem_shared>>
      tpu.wait_indirect_dma semaphore(%arg11 : memref<!tpu.dma_semaphore, #tpu.memory_space<semaphore_mem>>) src(%dma_wait3A_409 : memref<10240x32xf32, #tpu.memory_space<vmem_shared>>) dst(%dma_wait3A_403 : memref<128x32xf32, #tpu.memory_space<vmem>>)
      %run_scoped3A_410 = arith.constant 0 : i32
      "tpu.region"() ({
        %run_scoped3A_442 = tpu.sem_alloc : memref<!tpu.dma_semaphore, #tpu.memory_space<semaphore_mem>>
        %dma_start3A_443 = arith.constant 0 : i32
        %dma_start3A_444 = arith.constant 0 : i32
        %dma_start3A_445 = tpu.memref_slice %arg7[%run_scoped3A_410, %dma_start3A_443, %dma_start3A_444] : memref<2x128x32xf32, #tpu.memory_space<vmem>> -> memref<1x128x32xf32, #tpu.memory_space<vmem>>
        %dma_start3A_446 = tpu.memref_squeeze %dma_start3A_445 : memref<1x128x32xf32, #tpu.memory_space<vmem>> -> memref<128x32xf32, #tpu.memory_space<vmem>>
        %dma_start3A_447 = arith.constant 0 : i32
        %dma_start3A_448 = tpu.memref_slice %arg6[%add3A_385, %dma_start3A_447] : memref<82x128xi32, #tpu.memory_space<vmem>> -> memref<1x128xi32, #tpu.memory_space<vmem>>
        %dma_start3A_449 = tpu.memref_squeeze %dma_start3A_448 : memref<1x128xi32, #tpu.memory_space<vmem>> -> memref<128xi32, #tpu.memory_space<vmem>>
        %dma_start3A_450 = arith.constant 0 : i32
        %dma_start3A_451 = arith.constant 0 : i32
        %dma_start3A_452 = tpu.memref_slice %arg10[%dma_start3A_450, %dma_start3A_451] : memref<10240x32xf32, #tpu.memory_space<vmem_shared>> -> memref<10240x32xf32, #tpu.memory_space<vmem_shared>>
        tpu.enqueue_indirect_dma source(%dma_start3A_446 : memref<128x32xf32, #tpu.memory_space<vmem>>) target(%dma_start3A_452 : memref<10240x32xf32, #tpu.memory_space<vmem_shared>>) offsets(%dma_start3A_449 : memref<128xi32, #tpu.memory_space<vmem>>) semaphore(%run_scoped3A_442 : memref<!tpu.dma_semaphore, #tpu.memory_space<semaphore_mem>>) {add = true}
        %dma_wait3A_453 = arith.constant 0 : i32
        %dma_wait3A_454 = arith.constant 0 : i32
        %dma_wait3A_455 = tpu.memref_slice %arg7[%run_scoped3A_410, %dma_wait3A_453, %dma_wait3A_454] : memref<2x128x32xf32, #tpu.memory_space<vmem>> -> memref<1x128x32xf32, #tpu.memory_space<vmem>>
        %dma_wait3A_456 = tpu.memref_squeeze %dma_wait3A_455 : memref<1x128x32xf32, #tpu.memory_space<vmem>> -> memref<128x32xf32, #tpu.memory_space<vmem>>
        %dma_wait3A_457 = arith.constant 0 : i32
        %dma_wait3A_458 = tpu.memref_slice %arg6[%add3A_385, %dma_wait3A_457] : memref<82x128xi32, #tpu.memory_space<vmem>> -> memref<1x128xi32, #tpu.memory_space<vmem>>
        %dma_wait3A_459 = tpu.memref_squeeze %dma_wait3A_458 : memref<1x128xi32, #tpu.memory_space<vmem>> -> memref<128xi32, #tpu.memory_space<vmem>>
        %dma_wait3A_460 = arith.constant 0 : i32
        %dma_wait3A_461 = arith.constant 0 : i32
        %dma_wait3A_462 = tpu.memref_slice %arg10[%dma_wait3A_460, %dma_wait3A_461] : memref<10240x32xf32, #tpu.memory_space<vmem_shared>> -> memref<10240x32xf32, #tpu.memory_space<vmem_shared>>
        tpu.wait_indirect_dma semaphore(%run_scoped3A_442 : memref<!tpu.dma_semaphore, #tpu.memory_space<semaphore_mem>>) src(%dma_wait3A_456 : memref<128x32xf32, #tpu.memory_space<vmem>>) dst(%dma_wait3A_462 : memref<10240x32xf32, #tpu.memory_space<vmem_shared>>)
        tpu.yield
      }) : () -> ()
      %add3A_411 = arith.constant 2 : i32
      %add3A_412 = arith.addi %add3A_385, %add3A_411 : i32
      %sub3A_413 = arith.constant 2 : i32
      %sub3A_414 = arith.subi %select_n3A, %sub3A_413 : i32
      %min3A = arith.minsi %add3A_412, %sub3A_414 : i32
      %dma_start3A_415 = arith.constant 0 : i32
      %dma_start3A_416 = arith.constant 0 : i32
      %dma_start3A_417 = arith.constant 0 : i32
      %dma_start3A_418 = tpu.memref_slice %arg7[%dma_start3A_415, %dma_start3A_416, %dma_start3A_417] : memref<2x128x32xf32, #tpu.memory_space<vmem>> -> memref<1x128x32xf32, #tpu.memory_space<vmem>>
      %dma_start3A_419 = tpu.memref_squeeze %dma_start3A_418 : memref<1x128x32xf32, #tpu.memory_space<vmem>> -> memref<128x32xf32, #tpu.memory_space<vmem>>
      %dma_start3A_420 = arith.constant 0 : i32
      %dma_start3A_421 = tpu.memref_slice %arg5[%min3A, %dma_start3A_420] : memref<82x128xi32, #tpu.memory_space<vmem>> -> memref<1x128xi32, #tpu.memory_space<vmem>>
      %dma_start3A_422 = tpu.memref_squeeze %dma_start3A_421 : memref<1x128xi32, #tpu.memory_space<vmem>> -> memref<128xi32, #tpu.memory_space<vmem>>
      %dma_start3A_423 = arith.constant 0 : i32
      %dma_start3A_424 = arith.constant 0 : i32
      %dma_start3A_425 = tpu.memref_slice %arg9[%dma_start3A_423, %dma_start3A_424] : memref<10240x32xf32, #tpu.memory_space<vmem_shared>> -> memref<10240x32xf32, #tpu.memory_space<vmem_shared>>
      tpu.enqueue_indirect_dma source(%dma_start3A_425 : memref<10240x32xf32, #tpu.memory_space<vmem_shared>>) target(%dma_start3A_419 : memref<128x32xf32, #tpu.memory_space<vmem>>) offsets(%dma_start3A_422 : memref<128xi32, #tpu.memory_space<vmem>>) semaphore(%arg11 : memref<!tpu.dma_semaphore, #tpu.memory_space<semaphore_mem>>)
      %add3A_426 = arith.constant 1 : i32
      %add3A_427 = arith.addi %add3A_385, %add3A_426 : i32
      %dma_wait3A_428 = arith.constant 1 : i32
      %dma_wait3A_429 = arith.constant 0 : i32
      %dma_wait3A_430 = arith.constant 0 : i32
      %dma_wait3A_431 = tpu.memref_slice %arg7[%dma_wait3A_428, %dma_wait3A_429, %dma_wait3A_430] : memref<2x128x32xf32, #tpu.memory_space<vmem>> -> memref<1x128x32xf32, #tpu.memory_space<vmem>>
      %dma_wait3A_432 = tpu.memref_squeeze %dma_wait3A_431 : memref<1x128x32xf32, #tpu.memory_space<vmem>> -> memref<128x32xf32, #tpu.memory_space<vmem>>
      %dma_wait3A_433 = arith.constant 0 : i32
      %dma_wait3A_434 = tpu.memref_slice %arg5[%add3A_427, %dma_wait3A_433] : memref<82x128xi32, #tpu.memory_space<vmem>> -> memref<1x128xi32, #tpu.memory_space<vmem>>
      %dma_wait3A_435 = tpu.memref_squeeze %dma_wait3A_434 : memref<1x128xi32, #tpu.memory_space<vmem>> -> memref<128xi32, #tpu.memory_space<vmem>>
      %dma_wait3A_436 = arith.constant 0 : i32
      %dma_wait3A_437 = arith.constant 0 : i32
      %dma_wait3A_438 = tpu.memref_slice %arg9[%dma_wait3A_436, %dma_wait3A_437] : memref<10240x32xf32, #tpu.memory_space<vmem_shared>> -> memref<10240x32xf32, #tpu.memory_space<vmem_shared>>
      tpu.wait_indirect_dma semaphore(%arg12 : memref<!tpu.dma_semaphore, #tpu.memory_space<semaphore_mem>>) src(%dma_wait3A_438 : memref<10240x32xf32, #tpu.memory_space<vmem_shared>>) dst(%dma_wait3A_432 : memref<128x32xf32, #tpu.memory_space<vmem>>)
      %add3A_439 = arith.constant 1 : i32
      %add3A_440 = arith.addi %add3A_385, %add3A_439 : i32
      %run_scoped3A_441 = arith.constant 1 : i32
      "tpu.region"() ({
        %run_scoped3A_442 = tpu.sem_alloc : memref<!tpu.dma_semaphore, #tpu.memory_space<semaphore_mem>>
        %dma_start3A_443 = arith.constant 0 : i32
        %dma_start3A_444 = arith.constant 0 : i32
        %dma_start3A_445 = tpu.memref_slice %arg7[%run_scoped3A_441, %dma_start3A_443, %dma_start3A_444] : memref<2x128x32xf32, #tpu.memory_space<vmem>> -> memref<1x128x32xf32, #tpu.memory_space<vmem>>
        %dma_start3A_446 = tpu.memref_squeeze %dma_start3A_445 : memref<1x128x32xf32, #tpu.memory_space<vmem>> -> memref<128x32xf32, #tpu.memory_space<vmem>>
        %dma_start3A_447 = arith.constant 0 : i32
        %dma_start3A_448 = tpu.memref_slice %arg6[%add3A_440, %dma_start3A_447] : memref<82x128xi32, #tpu.memory_space<vmem>> -> memref<1x128xi32, #tpu.memory_space<vmem>>
        %dma_start3A_449 = tpu.memref_squeeze %dma_start3A_448 : memref<1x128xi32, #tpu.memory_space<vmem>> -> memref<128xi32, #tpu.memory_space<vmem>>
        %dma_start3A_450 = arith.constant 0 : i32
        %dma_start3A_451 = arith.constant 0 : i32
        %dma_start3A_452 = tpu.memref_slice %arg10[%dma_start3A_450, %dma_start3A_451] : memref<10240x32xf32, #tpu.memory_space<vmem_shared>> -> memref<10240x32xf32, #tpu.memory_space<vmem_shared>>
        tpu.enqueue_indirect_dma source(%dma_start3A_446 : memref<128x32xf32, #tpu.memory_space<vmem>>) target(%dma_start3A_452 : memref<10240x32xf32, #tpu.memory_space<vmem_shared>>) offsets(%dma_start3A_449 : memref<128xi32, #tpu.memory_space<vmem>>) semaphore(%run_scoped3A_442 : memref<!tpu.dma_semaphore, #tpu.memory_space<semaphore_mem>>) {add = true}
        %dma_wait3A_453 = arith.constant 0 : i32
        %dma_wait3A_454 = arith.constant 0 : i32
        %dma_wait3A_455 = tpu.memref_slice %arg7[%run_scoped3A_441, %dma_wait3A_453, %dma_wait3A_454] : memref<2x128x32xf32, #tpu.memory_space<vmem>> -> memref<1x128x32xf32, #tpu.memory_space<vmem>>
        %dma_wait3A_456 = tpu.memref_squeeze %dma_wait3A_455 : memref<1x128x32xf32, #tpu.memory_space<vmem>> -> memref<128x32xf32, #tpu.memory_space<vmem>>
        %dma_wait3A_457 = arith.constant 0 : i32
        %dma_wait3A_458 = tpu.memref_slice %arg6[%add3A_440, %dma_wait3A_457] : memref<82x128xi32, #tpu.memory_space<vmem>> -> memref<1x128xi32, #tpu.memory_space<vmem>>
        %dma_wait3A_459 = tpu.memref_squeeze %dma_wait3A_458 : memref<1x128xi32, #tpu.memory_space<vmem>> -> memref<128xi32, #tpu.memory_space<vmem>>
        %dma_wait3A_460 = arith.constant 0 : i32
        %dma_wait3A_461 = arith.constant 0 : i32
        %dma_wait3A_462 = tpu.memref_slice %arg10[%dma_wait3A_460, %dma_wait3A_461] : memref<10240x32xf32, #tpu.memory_space<vmem_shared>> -> memref<10240x32xf32, #tpu.memory_space<vmem_shared>>
        tpu.wait_indirect_dma semaphore(%run_scoped3A_442 : memref<!tpu.dma_semaphore, #tpu.memory_space<semaphore_mem>>) src(%dma_wait3A_456 : memref<128x32xf32, #tpu.memory_space<vmem>>) dst(%dma_wait3A_462 : memref<10240x32xf32, #tpu.memory_space<vmem_shared>>)
        tpu.yield
      }) : () -> ()
    }
    %dma_wait3A = arith.constant 0 : i32
    %dma_wait3A_371 = arith.constant 0 : i32
    %dma_wait3A_372 = arith.constant 0 : i32
    %dma_wait3A_373 = arith.constant 0 : i32
    %dma_wait3A_374 = tpu.memref_slice %arg7[%dma_wait3A_371, %dma_wait3A_372, %dma_wait3A_373] : memref<2x128x32xf32, #tpu.memory_space<vmem>> -> memref<1x128x32xf32, #tpu.memory_space<vmem>>
    %dma_wait3A_375 = tpu.memref_squeeze %dma_wait3A_374 : memref<1x128x32xf32, #tpu.memory_space<vmem>> -> memref<128x32xf32, #tpu.memory_space<vmem>>
    %dma_wait3A_376 = arith.constant 0 : i32
    %dma_wait3A_377 = tpu.memref_slice %arg5[%dma_wait3A, %dma_wait3A_376] : memref<82x128xi32, #tpu.memory_space<vmem>> -> memref<1x128xi32, #tpu.memory_space<vmem>>
    %dma_wait3A_378 = tpu.memref_squeeze %dma_wait3A_377 : memref<1x128xi32, #tpu.memory_space<vmem>> -> memref<128xi32, #tpu.memory_space<vmem>>
    %dma_wait3A_379 = arith.constant 0 : i32
    %dma_wait3A_380 = arith.constant 0 : i32
    %dma_wait3A_381 = tpu.memref_slice %arg9[%dma_wait3A_379, %dma_wait3A_380] : memref<10240x32xf32, #tpu.memory_space<vmem_shared>> -> memref<10240x32xf32, #tpu.memory_space<vmem_shared>>
    tpu.wait_indirect_dma semaphore(%arg11 : memref<!tpu.dma_semaphore, #tpu.memory_space<semaphore_mem>>) src(%dma_wait3A_381 : memref<10240x32xf32, #tpu.memory_space<vmem_shared>>) dst(%dma_wait3A_375 : memref<128x32xf32, #tpu.memory_space<vmem>>)
    %barrier3A_382 = arith.constant 0 : index
    tpu.barrier barrier_id(%barrier3A_382)
    "tpu.region"() ({
      %run_scoped3A_383 = tpu.sem_alloc : memref<!tpu.dma_semaphore, #tpu.memory_space<semaphore_mem>>
      %dma_start3A_384 = arith.constant 0 : i32
      %dma_start3A_385 = tpu.memref_slice %arg4[%arg0, %mul3A_2, %dma_start3A_384] : memref<2x10240x32xf32, #tpu.memory_space<hbm>> -> memref<1x640x32xf32, #tpu.memory_space<hbm>>
      %dma_start3A_386 = tpu.memref_squeeze %dma_start3A_385 : memref<1x640x32xf32, #tpu.memory_space<hbm>> -> memref<640x32xf32, #tpu.memory_space<hbm>>
      %dma_start3A_387 = arith.constant 0 : i32
      %dma_start3A_388 = tpu.memref_slice %arg10[%mul3A_2, %dma_start3A_387] : memref<10240x32xf32, #tpu.memory_space<vmem_shared>> -> memref<640x32xf32, #tpu.memory_space<vmem_shared>>
      tpu.enqueue_dma source(%dma_start3A_388 : memref<640x32xf32, #tpu.memory_space<vmem_shared>>) target(%dma_start3A_386 : memref<640x32xf32, #tpu.memory_space<hbm>>) target_semaphore(%run_scoped3A_383 : memref<!tpu.dma_semaphore, #tpu.memory_space<semaphore_mem>>)
      %dma_wait3A_389 = arith.constant 0 : i32
      %dma_wait3A_390 = tpu.memref_slice %arg4[%arg0, %mul3A_2, %dma_wait3A_389] : memref<2x10240x32xf32, #tpu.memory_space<hbm>> -> memref<1x640x32xf32, #tpu.memory_space<hbm>>
      %dma_wait3A_391 = tpu.memref_squeeze %dma_wait3A_390 : memref<1x640x32xf32, #tpu.memory_space<hbm>> -> memref<640x32xf32, #tpu.memory_space<hbm>>
      %dma_wait3A_392 = arith.constant 0 : i32
      %dma_wait3A_393 = tpu.memref_slice %arg10[%mul3A_2, %dma_wait3A_392] : memref<10240x32xf32, #tpu.memory_space<vmem_shared>> -> memref<640x32xf32, #tpu.memory_space<vmem_shared>>
      tpu.wait_dma2 semaphore(%run_scoped3A_383 : memref<!tpu.dma_semaphore, #tpu.memory_space<semaphore_mem>>) src(%dma_wait3A_393 : memref<640x32xf32, #tpu.memory_space<vmem_shared>>) dst(%dma_wait3A_391 : memref<640x32xf32, #tpu.memory_space<hbm>>)
      tpu.yield
    }) : () -> ()
    return
  }
}

module attributes {stable_mosaic.version = 14 : i64} {
  func.func @_prep_body(%arg0: i32, %arg1: memref<2x10240xf32, #tpu.memory_space<vmem>>, %arg2: memref<10240x128xf32, #tpu.memory_space<vmem>>, %arg3: memref<128x32xf32, #tpu.memory_space<vmem>>, %arg4: memref<10240x32xf32, #tpu.memory_space<vmem>>, %arg5: memref<10240x32xf32, #tpu.memory_space<vmem>>) attributes {dimension_semantics = [#tpu.dimension_semantics<arbitrary>], iteration_bounds = array<i64: 1>, scalar_prefetch = 0 : i64, scratch_operands = 0 : i64, tpu.core_type = #tpu.core_type<tc>, window_params = [{transform_indices = @transform_0, window_bounds = array<i64: 2, 10240>}, {transform_indices = @transform_1, window_bounds = array<i64: 10240, 128>}, {pipeline_mode = #tpu.pipeline_mode<synchronous>, transform_indices = @transform_2, window_bounds = array<i64: 128, 32>}, {transform_indices = @transform_3, window_bounds = array<i64: 10240, 32>}, {transform_indices = @transform_4, window_bounds = array<i64: 10240, 32>}]} {
    %broadcast_in_dim3A = arith.constant 1.000000e+00 : f32
    %broadcast_in_dim3A_0 = vector.broadcast %broadcast_in_dim3A : f32 to vector<2x1xf32>
    %get3A = arith.constant 0 : index
    %get3A_1 = arith.constant 0 : index
    %get3A_2 = vector.load %arg1[%get3A, %get3A_1] : memref<2x10240xf32, #tpu.memory_space<vmem>>, vector<2x10240xf32>
    %dot_general3A = arith.constant dense<0.000000e+00> : vector<10240x1xf32>
    %dot_general3A_3 = tpu.matmul %get3A_2, %broadcast_in_dim3A_0, %dot_general3A {dimension_numbers = #tpu.dot_dimension_numbers<[0], [0], [1], [1], [0, 1, 1, 1], [], []>, transpose_lhs_hint = false} : vector<2x10240xf32>, vector<2x1xf32>, vector<10240x1xf32> -> vector<10240x1xf32>
    %add3A = arith.constant 1.000000e+00 : f32
    %add3A_4 = vector.broadcast %add3A : f32 to vector<10240x1xf32>
    %add3A_5 = arith.addf %add3A_4, %dot_general3A_3 : vector<10240x1xf32>
    %rsqrt3A = math.rsqrt %add3A_5 : vector<10240x1xf32>
    %get3A_6 = arith.constant 0 : index
    %get3A_7 = arith.constant 0 : index
    %get3A_8 = vector.load %arg2[%get3A_6, %get3A_7] : memref<10240x128xf32, #tpu.memory_space<vmem>>, vector<10240x128xf32>
    %get3A_9 = arith.constant 0 : index
    %get3A_10 = arith.constant 0 : index
    %get3A_11 = vector.load %arg3[%get3A_9, %get3A_10] : memref<128x32xf32, #tpu.memory_space<vmem>>, vector<128x32xf32>
    %dot_general3A_12 = arith.constant dense<0.000000e+00> : vector<10240x32xf32>
    %dot_general3A_13 = tpu.matmul %get3A_8, %get3A_11, %dot_general3A_12 {dimension_numbers = #tpu.dot_dimension_numbers<[1], [0], [0], [1], [0, 0, 1, 1], [], []>, transpose_lhs_hint = false} : vector<10240x128xf32>, vector<128x32xf32>, vector<10240x32xf32> -> vector<10240x32xf32>
    %mul3A = vector.broadcast %rsqrt3A : vector<10240x1xf32> to vector<10240x32xf32>
    %mul3A_14 = arith.mulf %mul3A, %dot_general3A_13 : vector<10240x32xf32>
    %swap3A = arith.constant 0 : index
    %swap3A_15 = arith.constant 0 : index
    %swap3A_16 = vector.load %arg4[%swap3A, %swap3A_15] : memref<10240x32xf32, #tpu.memory_space<vmem>>, vector<10240x32xf32>
    tpu.vector_store %arg4[%swap3A, %swap3A_15], %mul3A_14 {strides = array<i32>} : memref<10240x32xf32, #tpu.memory_space<vmem>>, vector<10240x32xf32>,
    %broadcast_in_dim3A_17 = vector.shape_cast %rsqrt3A : vector<10240x1xf32> to vector<10240x1xf32>
    %broadcast_in_dim3A_18 = vector.broadcast %broadcast_in_dim3A_17 : vector<10240x1xf32> to vector<10240x32xf32>
    %swap3A_19 = arith.constant 0 : index
    %swap3A_20 = arith.constant 0 : index
    %swap3A_21 = vector.load %arg5[%swap3A_19, %swap3A_20] : memref<10240x32xf32, #tpu.memory_space<vmem>>, vector<10240x32xf32>
    tpu.vector_store %arg5[%swap3A_19, %swap3A_20], %broadcast_in_dim3A_18 {strides = array<i32>} : memref<10240x32xf32, #tpu.memory_space<vmem>>, vector<10240x32xf32>,
    return
  }
  func.func @transform_0(%arg0: i32) -> (i32, i32) {
    %c0_i32 = arith.constant 0 : i32
    %c0_i32_0 = arith.constant 0 : i32
    return %c0_i32, %arg0 : i32, i32
  }
  func.func @transform_1(%arg0: i32) -> (i32, i32) {
    %c0_i32 = arith.constant 0 : i32
    %c0_i32_0 = arith.constant 0 : i32
    return %arg0, %c0_i32 : i32, i32
  }
  func.func @transform_2(%arg0: i32) -> (i32, i32) {
    %c0_i32 = arith.constant 0 : i32
    %c0_i32_0 = arith.constant 0 : i32
    %c0_i32_1 = arith.constant 0 : i32
    return %c0_i32, %c0_i32_0 : i32, i32
  }
  func.func @transform_3(%arg0: i32) -> (i32, i32) {
    %c0_i32 = arith.constant 0 : i32
    %c0_i32_0 = arith.constant 0 : i32
    return %arg0, %c0_i32 : i32, i32
  }
  func.func @transform_4(%arg0: i32) -> (i32, i32) {
    %c0_i32 = arith.constant 0 : i32
    %c0_i32_0 = arith.constant 0 : i32
    return %arg0, %c0_i32 : i32, i32
  }
}

module attributes {stable_mosaic.version = 14 : i64} {
  func.func @_mid_body(%arg0: i32, %arg1: memref<2x10240x32xf32, #tpu.memory_space<vmem>>, %arg2: memref<10240x32xf32, #tpu.memory_space<vmem>>, %arg3: memref<10240x32xf32, #tpu.memory_space<vmem>>, %arg4: memref<32x16xf32, #tpu.memory_space<vmem>>, %arg5: memref<10240x16xf32, #tpu.memory_space<vmem>>) attributes {dimension_semantics = [#tpu.dimension_semantics<arbitrary>], iteration_bounds = array<i64: 1>, scalar_prefetch = 0 : i64, scratch_operands = 0 : i64, tpu.core_type = #tpu.core_type<tc>, window_params = [{transform_indices = @transform_0, window_bounds = array<i64: 2, 10240, 32>}, {transform_indices = @transform_1, window_bounds = array<i64: 10240, 32>}, {transform_indices = @transform_2, window_bounds = array<i64: 10240, 32>}, {pipeline_mode = #tpu.pipeline_mode<synchronous>, transform_indices = @transform_3, window_bounds = array<i64: 32, 16>}, {transform_indices = @transform_4, window_bounds = array<i64: 10240, 16>}]} {
    %get3A = arith.constant 0 : index
    %get3A_0 = arith.constant 0 : index
    %get3A_1 = vector.load %arg3[%get3A, %get3A_0] : memref<10240x32xf32, #tpu.memory_space<vmem>>, vector<10240x32xf32>
    %get3A_2 = arith.constant 0 : index
    %get3A_3 = arith.constant 0 : index
    %get3A_4 = arith.constant 0 : index
    %get3A_5 = vector.load %arg1[%get3A_2, %get3A_3, %get3A_4] : memref<2x10240x32xf32, #tpu.memory_space<vmem>>, vector<1x10240x32xf32>
    %get3A_6 = vector.shape_cast %get3A_5 : vector<1x10240x32xf32> to vector<10240x32xf32>
    %get3A_7 = arith.constant 1 : index
    %get3A_8 = arith.constant 0 : index
    %get3A_9 = arith.constant 0 : index
    %get3A_10 = vector.load %arg1[%get3A_7, %get3A_8, %get3A_9] : memref<2x10240x32xf32, #tpu.memory_space<vmem>>, vector<1x10240x32xf32>
    %get3A_11 = vector.shape_cast %get3A_10 : vector<1x10240x32xf32> to vector<10240x32xf32>
    %add3A = arith.addf %get3A_6, %get3A_11 : vector<10240x32xf32>
    %get3A_12 = arith.constant 0 : index
    %get3A_13 = arith.constant 0 : index
    %get3A_14 = vector.load %arg2[%get3A_12, %get3A_13] : memref<10240x32xf32, #tpu.memory_space<vmem>>, vector<10240x32xf32>
    %add3A_15 = arith.addf %add3A, %get3A_14 : vector<10240x32xf32>
    %mul3A = arith.mulf %get3A_1, %add3A_15 : vector<10240x32xf32>
    %get3A_16 = arith.constant 0 : index
    %get3A_17 = arith.constant 0 : index
    %get3A_18 = vector.load %arg4[%get3A_16, %get3A_17] : memref<32x16xf32, #tpu.memory_space<vmem>>, vector<32x16xf32>
    %dot_general3A = arith.constant dense<0.000000e+00> : vector<10240x16xf32>
    %dot_general3A_19 = tpu.matmul %mul3A, %get3A_18, %dot_general3A {dimension_numbers = #tpu.dot_dimension_numbers<[1], [0], [0], [1], [0, 0, 1, 1], [], []>, transpose_lhs_hint = false} : vector<10240x32xf32>, vector<32x16xf32>, vector<10240x16xf32> -> vector<10240x16xf32>
    %get3A_20 = arith.constant 0 : index
    %get3A_21 = arith.constant 0 : index
    %get3A_22 = vector.load %arg3[%get3A_20, %get3A_21] : memref<10240x32xf32, #tpu.memory_space<vmem>>, vector<10240x16xf32>
    %mul3A_23 = arith.mulf %get3A_22, %dot_general3A_19 : vector<10240x16xf32>
    %swap3A = arith.constant 0 : index
    %swap3A_24 = arith.constant 0 : index
    %swap3A_25 = vector.load %arg5[%swap3A, %swap3A_24] : memref<10240x16xf32, #tpu.memory_space<vmem>>, vector<10240x16xf32>
    tpu.vector_store %arg5[%swap3A, %swap3A_24], %mul3A_23 {strides = array<i32>} : memref<10240x16xf32, #tpu.memory_space<vmem>>, vector<10240x16xf32>,
    return
  }
  func.func @transform_0(%arg0: i32) -> (i32, i32, i32) {
    %c0_i32 = arith.constant 0 : i32
    %c0_i32_0 = arith.constant 0 : i32
    %c0_i32_1 = arith.constant 0 : i32
    return %c0_i32, %arg0, %c0_i32_0 : i32, i32, i32
  }
  func.func @transform_1(%arg0: i32) -> (i32, i32) {
    %c0_i32 = arith.constant 0 : i32
    %c0_i32_0 = arith.constant 0 : i32
    return %arg0, %c0_i32 : i32, i32
  }
  func.func @transform_2(%arg0: i32) -> (i32, i32) {
    %c0_i32 = arith.constant 0 : i32
    %c0_i32_0 = arith.constant 0 : i32
    return %arg0, %c0_i32 : i32, i32
  }
  func.func @transform_3(%arg0: i32) -> (i32, i32) {
    %c0_i32 = arith.constant 0 : i32
    %c0_i32_0 = arith.constant 0 : i32
    %c0_i32_1 = arith.constant 0 : i32
    return %c0_i32, %c0_i32_0 : i32, i32
  }
  func.func @transform_4(%arg0: i32) -> (i32, i32) {
    %c0_i32 = arith.constant 0 : i32
    %c0_i32_0 = arith.constant 0 : i32
    return %arg0, %c0_i32 : i32, i32
  }
}

module attributes {stable_mosaic.version = 14 : i64} {
  func.func @_out_body(%arg0: i32, %arg1: memref<2x10240x16xf32, #tpu.memory_space<vmem>>, %arg2: memref<10240x16xf32, #tpu.memory_space<vmem>>, %arg3: memref<10240x32xf32, #tpu.memory_space<vmem>>, %arg4: memref<16x32xf32, #tpu.memory_space<vmem>>, %arg5: memref<32x128xf32, #tpu.memory_space<vmem>>, %arg6: memref<10000x128xf32, #tpu.memory_space<vmem>>) attributes {dimension_semantics = [#tpu.dimension_semantics<arbitrary>], iteration_bounds = array<i64: 1>, scalar_prefetch = 0 : i64, scratch_operands = 0 : i64, tpu.core_type = #tpu.core_type<tc>, window_params = [{transform_indices = @transform_0, window_bounds = array<i64: 2, 10240, 16>}, {transform_indices = @transform_1, window_bounds = array<i64: 10240, 16>}, {transform_indices = @transform_2, window_bounds = array<i64: 10240, 32>}, {pipeline_mode = #tpu.pipeline_mode<synchronous>, transform_indices = @transform_3, window_bounds = array<i64: 16, 32>}, {pipeline_mode = #tpu.pipeline_mode<synchronous>, transform_indices = @transform_4, window_bounds = array<i64: 32, 128>}, {transform_indices = @transform_5, window_bounds = array<i64: 10000, 128>}]} {
    %get3A = arith.constant 0 : index
    %get3A_0 = arith.constant 0 : index
    %get3A_1 = vector.load %arg3[%get3A, %get3A_0] : memref<10240x32xf32, #tpu.memory_space<vmem>>, vector<10000x16xf32>
    %get3A_2 = arith.constant 0 : index
    %get3A_3 = arith.constant 0 : index
    %get3A_4 = arith.constant 0 : index
    %get3A_5 = vector.load %arg1[%get3A_2, %get3A_3, %get3A_4] : memref<2x10240x16xf32, #tpu.memory_space<vmem>>, vector<1x10000x16xf32>
    %get3A_6 = vector.shape_cast %get3A_5 : vector<1x10000x16xf32> to vector<10000x16xf32>
    %get3A_7 = arith.constant 1 : index
    %get3A_8 = arith.constant 0 : index
    %get3A_9 = arith.constant 0 : index
    %get3A_10 = vector.load %arg1[%get3A_7, %get3A_8, %get3A_9] : memref<2x10240x16xf32, #tpu.memory_space<vmem>>, vector<1x10000x16xf32>
    %get3A_11 = vector.shape_cast %get3A_10 : vector<1x10000x16xf32> to vector<10000x16xf32>
    %add3A = arith.addf %get3A_6, %get3A_11 : vector<10000x16xf32>
    %get3A_12 = arith.constant 0 : index
    %get3A_13 = arith.constant 0 : index
    %get3A_14 = vector.load %arg2[%get3A_12, %get3A_13] : memref<10240x16xf32, #tpu.memory_space<vmem>>, vector<10000x16xf32>
    %add3A_15 = arith.addf %add3A, %get3A_14 : vector<10000x16xf32>
    %mul3A = arith.mulf %get3A_1, %add3A_15 : vector<10000x16xf32>
    %get3A_16 = arith.constant 0 : index
    %get3A_17 = arith.constant 0 : index
    %get3A_18 = vector.load %arg4[%get3A_16, %get3A_17] : memref<16x32xf32, #tpu.memory_space<vmem>>, vector<16x32xf32>
    %get3A_19 = arith.constant 0 : index
    %get3A_20 = arith.constant 0 : index
    %get3A_21 = vector.load %arg5[%get3A_19, %get3A_20] : memref<32x128xf32, #tpu.memory_space<vmem>>, vector<32x128xf32>
    %dot_general3A = arith.constant dense<0.000000e+00> : vector<16x128xf32>
    %dot_general3A_22 = tpu.matmul %get3A_18, %get3A_21, %dot_general3A {dimension_numbers = #tpu.dot_dimension_numbers<[1], [0], [0], [1], [0, 0, 1, 1], [], []>, transpose_lhs_hint = false} : vector<16x32xf32>, vector<32x128xf32>, vector<16x128xf32> -> vector<16x128xf32>
    %dot_general3A_23 = arith.constant dense<0.000000e+00> : vector<10000x128xf32>
    %dot_general3A_24 = tpu.matmul %mul3A, %dot_general3A_22, %dot_general3A_23 {dimension_numbers = #tpu.dot_dimension_numbers<[1], [0], [0], [1], [0, 0, 1, 1], [], []>, transpose_lhs_hint = false} : vector<10000x16xf32>, vector<16x128xf32>, vector<10000x128xf32> -> vector<10000x128xf32>
    %swap3A = arith.constant 0 : index
    %swap3A_25 = arith.constant 0 : index
    %swap3A_26 = vector.load %arg6[%swap3A, %swap3A_25] : memref<10000x128xf32, #tpu.memory_space<vmem>>, vector<10000x128xf32>
    tpu.vector_store %arg6[%swap3A, %swap3A_25], %dot_general3A_24 {strides = array<i32>} : memref<10000x128xf32, #tpu.memory_space<vmem>>, vector<10000x128xf32>,
    return
  }
  func.func @transform_0(%arg0: i32) -> (i32, i32, i32) {
    %c0_i32 = arith.constant 0 : i32
    %c0_i32_0 = arith.constant 0 : i32
    %c0_i32_1 = arith.constant 0 : i32
    return %c0_i32, %arg0, %c0_i32_0 : i32, i32, i32
  }
  func.func @transform_1(%arg0: i32) -> (i32, i32) {
    %c0_i32 = arith.constant 0 : i32
    %c0_i32_0 = arith.constant 0 : i32
    return %arg0, %c0_i32 : i32, i32
  }
  func.func @transform_2(%arg0: i32) -> (i32, i32) {
    %c0_i32 = arith.constant 0 : i32
    %c0_i32_0 = arith.constant 0 : i32
    return %arg0, %c0_i32 : i32, i32
  }
  func.func @transform_3(%arg0: i32) -> (i32, i32) {
    %c0_i32 = arith.constant 0 : i32
    %c0_i32_0 = arith.constant 0 : i32
    %c0_i32_1 = arith.constant 0 : i32
    return %c0_i32, %c0_i32_0 : i32, i32
  }
  func.func @transform_4(%arg0: i32) -> (i32, i32) {
    %c0_i32 = arith.constant 0 : i32
    %c0_i32_0 = arith.constant 0 : i32
    %c0_i32_1 = arith.constant 0 : i32
    return %c0_i32, %c0_i32_0 : i32, i32
  }
  func.func @transform_5(%arg0: i32) -> (i32, i32) {
    %c0_i32 = arith.constant 0 : i32
    %c0_i32_0 = arith.constant 0 : i32
    return %arg0, %c0_i32 : i32, i32
  }
}

</mosaic_0001>

<sc_bundles>
// kernel: kernel.11.cloned.1.call-start
scs
__scs_entry_jumppad:
0x0: {  	(pc) =	sbr.rel $0x88, $3  }
0x1: {  	(tag) =	ssettag $0x0;
	lr =	simm.s32 $0x1  }
0x2: {  	[smem:$0x3F9B] =	sst lr;
	_ =	strace $0xD0000000  }
0x3: {  	_ = 	snop  }
0x4: {  	_ = 	snop  }
0x5: {  	_ = 	snop  }
0x6: {  	_ = 	snop  }
0x7: {  	_ = 	snop  }
__scs_overlays_trampoline_lowered:
0x8: {  	[smem:$0x3FAA] =	sst s0  }
0x9: {  	[smem:$0x3FAB] =	sst s1  }
0xa: {  	[smem:$0x3FAC] =	sst s2  }
0xb: {  	[smem:$0x3FAD] =	sst s3  }
0xc: {  	[smem:$0x3FAE] =	sst s4  }
0xd: {  	[smem:$0x3FAF] =	sst s5  }
0xe: {  	[smem:$0x3FB0] =	sst s6  }
0xf: {  	[smem:$0x3FB1] =	sst s7  }
0x10: {  	[smem:$0x3FB2] =	sst s8  }
0x11: {  	[smem:$0x3FB3] =	sst s9;
	s0 =	simm.s32 @!p0 $0x0  }
0x12: {  	s1 =	sld [smem:$0x3F99];
	s0 =	simm.s32 @p0 $0x1  }
0x13: {  	[smem:$0x3FB4] =	sst s0;
	s0 =	simm.s32 @!p1 $0x0  }
0x14: {  	s2 =	sld [smem:$0x3F98];
	s0 =	simm.s32 @p1 $0x1  }
0x15: {  	[smem:$0x3FB5] =	sst s0;
	s0 =	simm.s32 @!p2 $0x0  }
0x16: {  	s3 =	sld [smem:$0x3FDB];
	s0 =	simm.s32 @p2 $0x1  }
0x17: {  	s4 =	simm.s32 $0x1BF5;
	[smem:$0x3FB7] =	sst s0  }
0x18: {  	s0 =	sld [smem:$0x3F9A];
	_ =	swait.ge [sflag:s4], $0x0  }
0x19: {  	s7 =	sld [smem:$0x3F9B]  }
0x1a: {  	s8 =	sadd.s32 $0xFFFFE003, lr  }
0x1b: {  	s9 =	sadd.s32 $0xFFFFFEF7, lr;
	s5 =	simm.s32 $0xFFFFFFFF;
	p2 =	slt.u32 s8, $0xFFFFF086  }
0x1c: {  	p1 =	slt.u32 s9, $0xF7A;
	s5 =	simm.s32 @!p2 $0x0  }
0x1d: {  	s5 =	simm.s32 @p1 $0x1;
	p0 =	seq.s32 s7, s2  }
0x1e: {  	s7 =	smul.u32 @!p0 $0xF7A, s2;
	p2 =	seq.s32 @!p0 s5, $0x0  }
0x1f: {  	s9 =	smul.u32 $0xF7A, s1;
	s8 =	simm.s32 @!p0 $0x1BF5;
	p2 =	por !p2, p0  }
0x20: {  	[sflag:s8] =	ssyncset.s32 @!p0 $0xFFFFF086;
	s6 =	sadd.s32 @!p0 s3, s7;
	s7 =	simm.s32 @!p0 $0x108  }
0x21: {  	s3 =	sadd.s32 s3, s9;
	s6 =	sadd.s32 @!p0 $0x88, s6;
	s7 =	simm.s32 @p2 $0x1082  }
0x22: {  	[simem:s7], [sflag:s8] =	dma.local @!p0 [hbm:s6], $0xF7A  }
0x23: {  	s9 =	sor.u32 $0xD0000000, s2;
	s6 =	simm.s32 $0x108;
	_ =	swait.ge @!p0 [sflag:s8], $0x0  }
0x24: {  	s3 =	sadd.s32 $0x88, s3;
	s6 =	simm.s32 @!p1 $0x1082;
	[sflag:s4] =	ssyncset.s32 $0xFFFFF086  }
0x25: {  	[simem:s6], [sflag:s4] =	dma.local [hbm:s3], $0xF7A  }
0x26: {  	[smem:$0x3F9B] =	sst s1;
	(tag) =	ssettag s2;
	_ =	strace s9  }
0x27: {  	s1 =	sld [smem:$0x3FAB]  }
0x28: {  	s2 =	sld [smem:$0x3FAC]  }
0x29: {  	s4 =	sld [smem:$0x3FAE]  }
0x2a: {  	p0 =	seq.s32 s5, $0x0;
	s5 =	sld [smem:$0x3FAF]  }
0x2b: {  	s6 =	sld [smem:$0x3FB0]  }
0x2c: {  	s7 =	sld [smem:$0x3FB1]  }
0x2d: {  	s3 =	simm.s32 $0x108;
	s8 =	sld [smem:$0x3FB2]  }
0x2e: {  	s3 =	simm.s32 @!p0 $0x1082;
	s9 =	sld [smem:$0x3FB3]  }
0x2f: {  	lr =	sadd.s32 s0, s3;
	s0 =	sld [smem:$0x3FAA]  }
0x30: {  	s3 =	sld [smem:$0x3FAD]  }
0x31: {  	[smem:$0x3FB6] =	sst s10  }
0x32: {  	s10 =	sld [smem:$0x3FB4];
	_ =	sdelay $0x3  }
0x33: {  	p0 =	seq.s32 s10, $0x1;
	s10 =	sld [smem:$0x3FB6];
	_ =	sdelay $0x3  }
0x34: {  	[smem:$0x3FB6] =	sst s10  }
0x35: {  	s10 =	sld [smem:$0x3FB5];
	_ =	sdelay $0x3  }
0x36: {  	p1 =	seq.s32 s10, $0x1;
	s10 =	sld [smem:$0x3FB6];
	_ =	sdelay $0x3  }
0x37: {  	[smem:$0x3FB6] =	sst s10  }
0x38: {  	s10 =	sld [smem:$0x3FB7]  }
0x39: {  	_ = 	snop;
	(pc) =	sbr.ind lr, $3  }
0x3a: {  	_ = 	snop  }
0x3b: {  	_ = 	snop  }
0x3c: {  	p2 =	seq.s32 s10, $0x1;
	s10 =	sld [smem:$0x3FB6]  }
0x3d: {  	_ =	shalt  }
0x3e: {  	_ =	shalt  }
0x3f: {  	_ =	shalt  }
0x40: {  	_ =	shalt  }
0x41: {  	_ =	shalt  }
0x42: {  	_ =	shalt  }
0x43: {  	_ =	shalt  }
0x44: {  	_ =	shalt  }
0x45: {  	_ =	shalt  }
0x46: {  	_ =	shalt  }
0x47: {  	_ =	shalt  }
0x48: {  	_ =	shalt  }
0x49: {  	_ =	shalt  }
0x4a: {  	_ =	shalt  }
0x4b: {  	_ =	shalt  }
0x4c: {  	_ =	shalt  }
0x4d: {  	_ =	shalt  }
0x4e: {  	_ =	shalt  }
0x4f: {  	_ =	shalt  }
0x50: {  	_ =	shalt  }
0x51: {  	_ =	shalt  }
0x52: {  	_ =	shalt  }
0x53: {  	_ =	shalt  }
0x54: {  	_ =	shalt  }
0x55: {  	_ =	shalt  }
0x56: {  	_ =	shalt  }
0x57: {  	_ =	shalt  }
0x58: {  	_ =	shalt  }
0x59: {  	_ =	shalt  }
0x5a: {  	_ =	shalt  }
0x5b: {  	_ =	shalt  }
0x5c: {  	_ =	shalt  }
0x5d: {  	_ =	shalt  }
0x5e: {  	_ =	shalt  }
0x5f: {  	_ =	shalt  }
0x60: {  	_ =	shalt  }
0x61: {  	_ =	shalt  }
0x62: {  	_ =	shalt  }
0x63: {  	_ =	shalt  }
0x64: {  	_ =	shalt  }
0x65: {  	_ =	shalt  }
0x66: {  	_ =	shalt  }
0x67: {  	_ =	shalt  }
0x68: {  	_ =	shalt  }
0x69: {  	_ =	shalt  }
0x6a: {  	_ =	shalt  }
0x6b: {  	_ =	shalt  }
0x6c: {  	_ =	shalt  }
0x6d: {  	_ =	shalt  }
0x6e: {  	_ =	shalt  }
0x6f: {  	_ =	shalt  }
0x70: {  	_ =	shalt  }
0x71: {  	_ =	shalt  }
0x72: {  	_ =	shalt  }
0x73: {  	_ =	shalt  }
0x74: {  	_ =	shalt  }
0x75: {  	_ =	shalt  }
0x76: {  	_ =	shalt  }
0x77: {  	_ =	shalt  }
0x78: {  	_ =	shalt  }
0x79: {  	_ =	shalt  }
0x7a: {  	_ =	shalt  }
0x7b: {  	_ =	shalt  }
0x7c: {  	_ =	shalt  }
0x7d: {  	_ =	shalt  }
0x7e: {  	_ =	shalt  }
0x7f: {  	_ =	shalt  }
0x80: {  	_ =	shalt  }
0x81: {  	_ =	shalt  }
0x82: {  	_ =	shalt  }
0x83: {  	_ =	shalt  }
0x84: {  	_ =	shalt  }
0x85: {  	_ =	shalt  }
0x86: {  	_ =	shalt  }
0x87: {  	_ =	shalt  }
.Lfunc_end0:
.L_simem_size_0:
called_computation.1_lowered:
.L_overlay_start_0:
0x88: {  	s2 =	sld [smem:$0x3FD9]  }
0x89: {  	s3 =	sld [smem:$0x3FFE];
	_ =	sdelay $0x1  }
0x8a: {  	s1 =	srdreg.scid  }
0x8b: {  	s0 =	sand.u32 $0x1, s1  }
0x8c: {  	s17 =	sshll.u32 s0, $0xA;
	s2 =	sadd.s32 s3, s2  }
0x8d: {  	s2 =	sadd.s32 s2, s17  }
0x8e: {  	[smem:$0x3FC2] =	sst s2  }
0x8f: {  	_ = 	snop  }
0x90: {  	s2 =	sld [smem:$0x3FD0];
	(tm) =	ssettm $0x1  }
0x91: {  	s18 =	sld [smem:$0x3FFB];
	_ =	sdelay $0x3  }
0x92: {  	_ =	strace s18  }
0x93: {  	s3 =	sld [smem:$0x3FFC];
	_ =	sdelay $0x3  }
0x94: {  	_ =	strace s3  }
0x95: {  	s3 =	sld [smem:$0x3FFD];
	_ =	sdelay $0x3  }
0x96: {  	_ =	strace s3  }
0x97: {  	_ =	strace $0x8FFFFFFF  }
0x98: {  	s19 =	sld [smem:$0x3FDB];
	_ =	sdelay $0x1  }
0x99: {  	s4 =	simm.s32 $_scs_section_size  }
0x9a: {  	s5 =	simm.s32 $_size__tile_overlayer_lowered;
	s6 =	simm.s32 $_tile_overlayer_lowered  }
0x9b: {  	s22 =	simm.s32 $0x1BFF;
	s21 =	sshll.u32 s6, $0x1;
	s3 =	sadd.s32 s4, s19  }
0x9c: {  	s7 =	simm.s32 $0x0;
	s20 =	sshll.u32 s5, $0x1;
	s5 =	sadd.s32 s21, s3  }
0x9d: {  	[timem:s7], [sflag:s22] =	dma.local [hbm:s5], s20  }
0x9e: {  	_ =	swait.ge [sflag:s22], s20  }
0x9f: {  	s4 =	ssub.s32 $0x0, s20;
	[sflag:s22] =	ssyncset.done $0x0  }
0xa0: {  	[sflag:s22] =	ssyncadd.s32 s4;
	_ =	sdelay $0x1  }
0xa1: {  	s23 =	simm.s32 $0x1B8B  }
0xa2: {  	_ =	swait.ge [sflag:s23], $0x1  }
0xa3: {  	[sflag:s23] =	ssyncset.done $0x0  }
0xa4: {  	s25 =	simm.s32 $0x1B8E;
	s24 =	sld [smem:$0x3FFE];
	[sflag:s23] =	ssyncadd.s32 $0xFFFFFFFF  }
0xa5: {  	s26 =	simm.s32 $execute0_lowered;
	[smem:$0x3FD2] =	sst s25  }
0xa6: {  	s5 =	sshll.u32 s26, $0x1;
	_ =	strace $0x80000049;
	[dreg:$0x1] =	wrdreg $0xFFFFFFFF  }
0xa7: {  	s28 =	simm.s32 $_size_execute0_lowered;
	s3 =	sadd.s32 s3, s5;
	[dreg:$0x0] =	wrdreg $0x0  }
0xa8: {  	s5 =	sshll.u32 s28, $0x1;
	[dreg:$0x2] =	wrdreg s3  }
0xa9: {  	[dreg:$0x3] =	wrdreg s5  }
0xaa: {  	[dreg:$0x4] =	wrdreg $0xC0  }
0xab: {  	_ =	task [dreg:s7], $0x5FFFF  }
0xac: {  	[dreg:$0x1] =	wrdreg $0xFFFFFFFF  }
0xad: {  	[dreg:$0x0] =	wrdreg $0x60  }
0xae: {  	[dreg:$0x2] =	wrdreg s24  }
0xaf: {  	[dreg:$0x3] =	wrdreg s2  }
0xb0: {  	[dreg:$0x4] =	wrdreg $0x74000  }
0xb1: {  	[dreg:$0x5] =	wrdreg $0xC4000  }
0xb2: {  	[dreg:$0x6] =	wrdreg $0x9  }
0xb3: {  	_ =	task.clear_ibuf [dreg:s7], $0x7FFFF;
	_ =	strace $0x90000049  }
0xb4: {  	s29 =	simm.s32 $0x9;
	_ =	strace $0x8000004B  }
0xb5: {  	_ =	swait.ge [sflag:s29], $0x1  }
0xb6: {  	[sflag:s29] =	ssyncadd.s32 $0xFFFFFFFF  }
0xb7: {  	_ =	strace $0x9000004B  }
0xb8: {  	_ =	sfence  }
0xb9: {  	s30 =	sld [smem:$0x0];
	_ =	sdelay $0x2  }
0xba: {  	s31 =	sshll.u32 s1, $0xD;
	s1 =	sshrl.u32 s1, $0x2  }
0xbb: {  	s3 =	sand.u32 $0x4000, s31;
	s1 =	sadd.s32 s1, s30  }
0xbc: {  	s0 =	sor.u32 s3, s0;
	s1 =	sshll.u32 s1, $0x11  }
0xbd: {  	s0 =	sor.u32 s1, s0  }
0xbe: {  	s0 =	sadd.s32 $0x8F2B, s0  }
0xbf: {  	[sflag:s0] =	ssyncadd.remote.s32 $0x1  }
0xc0: {  	_ =	sfence.sel $0xFFFF  }
0xc1: {  	[dreg:$0x0] =	wrdreg $0xFFFFFFFF;
	(pc) =	sbr.abs _section_cstart, $3  }
0xc2: {  	[dreg:$0x1] =	wrdreg $0xFFFFFFFF  }
0xc3: {  	_ =	task.clear_ibuf [dreg:s7], $0x2FFFF;
	_ =	strace $0x9FFFFFFF  }
0xc4: {  	(tm) =	ssettm $0x7FFFFFFF  }
0xc5: {  	_ =	shalt  }
tec
execute0_lowered:
.L_overlay_start_1:
0x0: {  	(tag) =	ssettag $0x1  }
0x1: {  	s0 =	rddreg [dreg:$0x0]  }
0x2: {  	s2 =	rddreg [dreg:$0x1]  }
0x3: {  	s1 =	rddreg [dreg:$0x2];
	s4 =	srdreg.scid  }
0x4: {  	s3 =	rddreg [dreg:$0x3];
	s11 =	stileid.u32;
	s5 =	sand.u32 $0x1, s4  }
0x5: {  	s4 =	simm.s32 $0x0;
	s7 =	smul.u32 $0x5000, s11;
	s6 =	sshll.u32 s5, $0x4  }
0x6: {  	[smem:$0x7FF] =	sst s4;
	s10 =	ssub.s32 $0x2, s5;
	s5 =	smul.u32 $0x50000, s5  }
0x7: {  	s6 =	sor.u32 s11, s6;
	s9 =	sshrl.u32 s7, $0x3;
	s11 =	smul.u32 $0x14000, s11  }
0x8: {  	_ =	strace $0x8000004A;
	s9 =	sadd.s32 s9, s0;
	s5 =	sadd.s32 s7, s5  }
0x9: {  	s13 =	sshrl.u32 s11, $0x2;
	s14 =	sadd.s32 $0x15800, s9;
	s5 =	sshrl.u32 s5, $0x3  }
0xa: {  	s11 =	sadd.s32 s13, s3;
	[dreg:$0x7] =	wrdreg s14;
	s2 =	sadd.s32 s2, s5  }
0xb: {  	s15 =	sadd.s32 $0x200, s11;
	[dreg:$0x13] =	wrdreg s2  }
0xc: {  	s16 =	sadd.s32 $0x400, s11;
	[dreg:$0x8] =	wrdreg s15  }
0xd: {  	s17 =	sadd.s32 $0x600, s11;
	[dreg:$0x9] =	wrdreg s16  }
0xe: {  	s18 =	sadd.s32 $0x800, s11;
	[dreg:$0xa] =	wrdreg s17  }
0xf: {  	s19 =	sadd.s32 $0xA00, s11;
	[dreg:$0xb] =	wrdreg s18  }
0x10: {  	s20 =	sadd.s32 $0xC00, s11;
	[dreg:$0xc] =	wrdreg s19  }
0x11: {  	s21 =	sadd.s32 $0xE00, s11;
	[dreg:$0xd] =	wrdreg s20  }
0x12: {  	s22 =	sadd.s32 $0x1000, s11;
	[dreg:$0xe] =	wrdreg s21  }
0x13: {  	s23 =	sadd.s32 $0x1200, s11;
	[dreg:$0xf] =	wrdreg s22  }
0x14: {  	s24 =	sadd.s32 $0x1400, s11;
	[dreg:$0x10] =	wrdreg s23  }
0x15: {  	s26 =	sshrl.u32 s10, $0x1;
	s25 =	sadd.s32 $0x1600, s11;
	[dreg:$0x11] =	wrdreg s24  }
0x16: {  	s10 =	ssub.s32 s10, s26;
	s26 =	sadd.s32 $0x1800, s11;
	[dreg:$0x12] =	wrdreg s25  }
0x17: {  	s8 =	smul.u32 $0x2700, s6;
	s5 =	sadd.s32 $0x1A00, s11;
	[dreg:$0x14] =	wrdreg s26  }
0x18: {  	s9 =	sadd.s32 $0x1E00, s11;
	[dreg:$0x15] =	wrdreg s5  }
0x19: {  	s8 =	sshrl.u32 s8, $0x3;
	s13 =	sadd.s32 $0x2200, s11;
	[dreg:$0x17] =	wrdreg s9  }
0x1a: {  	s0 =	sadd.s32 s8, s0;
	s14 =	sadd.s32 $0x2400, s11;
	[dreg:$0x19] =	wrdreg s13  }
0x1b: {  	s12 =	sadd.s32 $0x1E00, s0;
	[dreg:$0x1a] =	wrdreg s14  }
0x1c: {  	s28 =	simm.s32 $0x7200;
	s0 =	sadd.s32 $0xBA40, s0;
	[dreg:$0x5] =	wrdreg s12  }
0x1d: {  	s29 =	simm.s32 $0x5200;
	s15 =	sadd.s32 $0x2600, s11;
	[dreg:$0x6] =	wrdreg s0  }
0x1e: {  	s30 =	simm.s32 $0x80;
	s16 =	sadd.s32 $0x2800, s11;
	[dreg:$0x1b] =	wrdreg s15  }
0x1f: {  	s31 =	simm.s32 $0x6200;
	s17 =	sadd.s32 $0x2A00, s11;
	[dreg:$0x1c] =	wrdreg s16  }
0x20: {  	p0 =	seq.s32 s6, $0x1F;
	s18 =	sadd.s32 $0x2C00, s11;
	[dreg:$0x1d] =	wrdreg s17  }
0x21: {  	s6 =	simm.s32 $0x52;
	s19 =	sadd.s32 $0x2E00, s11;
	[dreg:$0x1e] =	wrdreg s18  }
0x22: {  	s6 =	simm.s32 @!p0 $0x4E;
	s20 =	sadd.s32 $0x3000, s11;
	[dreg:$0x1f] =	wrdreg s19  }
0x23: {  	s8 =	sadd.s32 s7, s3;
	s21 =	sadd.s32 $0x3200, s11;
	[smem:$0x7F7] =	sst s20  }
0x24: {  	s2 =	simm.s32 $0x2;
	s22 =	sadd.s32 $0x3400, s11;
	[smem:$0x7F8] =	sst s21  }
0x25: {  	s23 =	sadd.s32 $0x3600, s11;
	s24 =	sadd.s32 $0x3800, s11;
	[smem:$0x7F9] =	sst s22  }
0x26: {  	s25 =	sadd.s32 $0x3A00, s11;
	s26 =	sadd.s32 $0x3C00, s11;
	[smem:$0x7FA] =	sst s23  }
0x27: {  	s13 =	sadd.s32 $0x3E00, s11;
	s14 =	sadd.s32 $0x4000, s11;
	[smem:$0x7FB] =	sst s24  }
0x28: {  	s5 =	simm.s32 $0x0;
	s0 =	sadd.s32 s7, s1;
	[smem:$0x7FC] =	sst s25  }
0x29: {  	s7 =	sadd.s32 $0x1C00, s11;
	s12 =	sadd.s32 $0x2000, s11;
	[smem:$0x7FD] =	sst s26  }
0x2a: {  	s15 =	sadd.s32 $0x4200, s11;
	s16 =	sadd.s32 $0x4400, s11;
	s17 =	sadd.s32 $0x4600, s11  }
0x2b: {  	s18 =	sadd.s32 $0x4800, s11;
	s19 =	sadd.s32 $0x4A00, s11;
	s20 =	sadd.s32 $0x4C00, s11  }
0x2c: {  	s21 =	sadd.s32 $0x4E00, s11;
	s22 =	sshrl.u32 s6, $0x1;
	[dreg:$0x16] =	wrdreg s7  }
0x2d: {  	s24 =	smax.u32 s10, $0x1;
	s26 =	simm.s32 $0x3;
	[dreg:$0x18] =	wrdreg s12  }
0x2e: {  	v0 =	vimm.f32 $0.0e+00;
	s12 =	sadd.s32 $0xFFFFFFFE, s6;
	s25 =	sshrl.u32 s0, $0x3;
	s0 =	simm.s32 $0x1  }
.LBB2_1:
0x2f: {  	s6 =	rddreg [dreg:$0x5]  }
0x30: {  	[tilespmem:s4], [sflag:$0x3] =	stream.linear.gather [hbm4b:s6+s4], $0x2900, $0x38;
	[tilespmem:$0x11400] =	vst v63  }
0x31: {  	_ =	swait.ge [sflag:s26], $0x2900  }
0x32: {  	[sflag:s26] =	ssyncset.done $0x0  }
0x33: {  	s7 =	simm.s32 $0x2900;
	s10 =	rddreg [dreg:$0x6];
	[sflag:s26] =	ssyncadd.s32 $0xFFFFD700  }
0x34: {  	[tilespmem:s7], [sflag:$0x3] =	stream.linear.gather [hbm4b:s10+s4], $0x2900, $0x38;
	[tilespmem:$0x11400] =	vst v63  }
0x35: {  	s11 =	stileid.u32;
	_ =	swait.ge [sflag:s26], $0x2900  }
0x36: {  	s6 =	sshll.u32 s11, $0x6;
	[sflag:s26] =	ssyncset.done $0x0  }
0x37: {  	s6 =	sor.u32 $0x1C03, s6;
	s9 =	rddreg [dreg:$0x7];
	[sflag:s26] =	ssyncadd.s32 $0xFFFFD700  }
0x38: {  	[spmem:s25], [sflag:s6] =	dma.local [hbm:s9], $0xA00  }
0x39: {  	_ =	swait.ge [sflag:s26], $0xA00  }
0x3a: {  	[sflag:s26] =	ssyncset.done $0x0  }
0x3b: {  	[sflag:s26] =	ssyncadd.s32 $0xFFFFF600  }
0x3c: {  	[tilespmem:$0x7200] =	vst v0  }
0x3d: {  	[tilespmem:$0x7210] =	vst v0  }
0x3e: {  	[tilespmem:$0x7220] =	vst v0  }
0x3f: {  	[tilespmem:$0x7230] =	vst v0  }
0x40: {  	[tilespmem:$0x7240] =	vst v0  }
0x41: {  	[tilespmem:$0x7250] =	vst v0  }
0x42: {  	[tilespmem:$0x7260] =	vst v0  }
0x43: {  	[tilespmem:$0x7270] =	vst v0  }
0x44: {  	[tilespmem:$0x7280] =	vst v0  }
0x45: {  	[tilespmem:$0x7290] =	vst v0  }
0x46: {  	[tilespmem:$0x72A0] =	vst v0  }
0x47: {  	[tilespmem:$0x72B0] =	vst v0  }
0x48: {  	[tilespmem:$0x72C0] =	vst v0  }
0x49: {  	[tilespmem:$0x72D0] =	vst v0  }
0x4a: {  	[tilespmem:$0x72E0] =	vst v0  }
0x4b: {  	[tilespmem:$0x72F0] =	vst v0  }
0x4c: {  	[tilespmem:$0x7300] =	vst v0  }
0x4d: {  	[tilespmem:$0x7310] =	vst v0  }
0x4e: {  	[tilespmem:$0x7320] =	vst v0  }
0x4f: {  	[tilespmem:$0x7330] =	vst v0  }
0x50: {  	[tilespmem:$0x7340] =	vst v0  }
0x51: {  	[tilespmem:$0x7350] =	vst v0  }
0x52: {  	[tilespmem:$0x7360] =	vst v0  }
0x53: {  	[tilespmem:$0x7370] =	vst v0  }
0x54: {  	[tilespmem:$0x7380] =	vst v0  }
0x55: {  	[tilespmem:$0x7390] =	vst v0  }
0x56: {  	[tilespmem:$0x73A0] =	vst v0  }
0x57: {  	[tilespmem:$0x73B0] =	vst v0  }
0x58: {  	[tilespmem:$0x73C0] =	vst v0  }
0x59: {  	[tilespmem:$0x73D0] =	vst v0  }
0x5a: {  	[tilespmem:$0x73E0] =	vst v0  }
0x5b: {  	[tilespmem:$0x73F0] =	vst v0  }
0x5c: {  	[spmem:s8] =	stream.linear.scatter [tilespmem:s28], [sflag:$0x3], $0x200, $0x38;
	[tilespmem:$0x11400] =	vst v63  }
0x5d: {  	_ =	swait.ge [sflag:s26], $0x200  }
0x5e: {  	[sflag:s26] =	ssyncset.done $0x0  }
0x5f: {  	s23 =	rddreg [dreg:$0x8];
	[sflag:s26] =	ssyncadd.s32 $0xFFFFFE00  }
0x60: {  	[spmem:s23] =	stream.linear.scatter [tilespmem:s28], [sflag:$0x3], $0x200, $0x38;
	[tilespmem:$0x11400] =	vst v63  }
0x61: {  	_ =	swait.ge [sflag:s26], $0x200  }
0x62: {  	[sflag:s26] =	ssyncset.done $0x0  }
0x63: {  	s10 =	rddreg [dreg:$0x9];
	[sflag:s26] =	ssyncadd.s32 $0xFFFFFE00  }
0x64: {  	[spmem:s10] =	stream.linear.scatter [tilespmem:s28], [sflag:$0x3], $0x200, $0x38;
	[tilespmem:$0x11400] =	vst v63  }
0x65: {  	_ =	swait.ge [sflag:s26], $0x200  }
0x66: {  	[sflag:s26] =	ssyncset.done $0x0  }
0x67: {  	s11 =	rddreg [dreg:$0xa];
	[sflag:s26] =	ssyncadd.s32 $0xFFFFFE00  }
0x68: {  	[spmem:s11] =	stream.linear.scatter [tilespmem:s28], [sflag:$0x3], $0x200, $0x38;
	[tilespmem:$0x11400] =	vst v63  }
0x69: {  	_ =	swait.ge [sflag:s26], $0x200  }
0x6a: {  	[sflag:s26] =	ssyncset.done $0x0  }
0x6b: {  	s23 =	rddreg [dreg:$0xb];
	[sflag:s26] =	ssyncadd.s32 $0xFFFFFE00  }
0x6c: {  	[spmem:s23] =	stream.linear.scatter [tilespmem:s28], [sflag:$0x3], $0x200, $0x38;
	[tilespmem:$0x11400] =	vst v63  }
0x6d: {  	_ =	swait.ge [sflag:s26], $0x200  }
0x6e: {  	[sflag:s26] =	ssyncset.done $0x0  }
0x6f: {  	s10 =	rddreg [dreg:$0xc];
	[sflag:s26] =	ssyncadd.s32 $0xFFFFFE00  }
0x70: {  	[spmem:s10] =	stream.linear.scatter [tilespmem:s28], [sflag:$0x3], $0x200, $0x38;
	[tilespmem:$0x11400] =	vst v63  }
0x71: {  	_ =	swait.ge [sflag:s26], $0x200  }
0x72: {  	[sflag:s26] =	ssyncset.done $0x0  }
0x73: {  	s11 =	rddreg [dreg:$0xd];
	[sflag:s26] =	ssyncadd.s32 $0xFFFFFE00  }
0x74: {  	[spmem:s11] =	stream.linear.scatter [tilespmem:s28], [sflag:$0x3], $0x200, $0x38;
	[tilespmem:$0x11400] =	vst v63  }
0x75: {  	_ =	swait.ge [sflag:s26], $0x200  }
0x76: {  	[sflag:s26] =	ssyncset.done $0x0  }
0x77: {  	s23 =	rddreg [dreg:$0xe];
	[sflag:s26] =	ssyncadd.s32 $0xFFFFFE00  }
0x78: {  	[spmem:s23] =	stream.linear.scatter [tilespmem:s28], [sflag:$0x3], $0x200, $0x38;
	[tilespmem:$0x11400] =	vst v63  }
0x79: {  	_ =	swait.ge [sflag:s26], $0x200  }
0x7a: {  	[sflag:s26] =	ssyncset.done $0x0  }
0x7b: {  	s10 =	rddreg [dreg:$0xf];
	[sflag:s26] =	ssyncadd.s32 $0xFFFFFE00  }
0x7c: {  	[spmem:s10] =	stream.linear.scatter [tilespmem:s28], [sflag:$0x3], $0x200, $0x38;
	[tilespmem:$0x11400] =	vst v63  }
0x7d: {  	_ =	swait.ge [sflag:s26], $0x200  }
0x7e: {  	[sflag:s26] =	ssyncset.done $0x0  }
0x7f: {  	s11 =	rddreg [dreg:$0x10];
	[sflag:s26] =	ssyncadd.s32 $0xFFFFFE00  }
0x80: {  	[spmem:s11] =	stream.linear.scatter [tilespmem:s28], [sflag:$0x3], $0x200, $0x38;
	[tilespmem:$0x11400] =	vst v63  }
0x81: {  	_ =	swait.ge [sflag:s26], $0x200  }
0x82: {  	[sflag:s26] =	ssyncset.done $0x0  }
0x83: {  	s23 =	rddreg [dreg:$0x11];
	[sflag:s26] =	ssyncadd.s32 $0xFFFFFE00  }
0x84: {  	[spmem:s23] =	stream.linear.scatter [tilespmem:s28], [sflag:$0x3], $0x200, $0x38;
	[tilespmem:$0x11400] =	vst v63  }
0x85: {  	_ =	swait.ge [sflag:s26], $0x200  }
0x86: {  	[sflag:s26] =	ssyncset.done $0x0  }
0x87: {  	s10 =	rddreg [dreg:$0x12];
	[sflag:s26] =	ssyncadd.s32 $0xFFFFFE00  }
0x88: {  	[spmem:s10] =	stream.linear.scatter [tilespmem:s28], [sflag:$0x3], $0x200, $0x38;
	[tilespmem:$0x11400] =	vst v63  }
0x89: {  	_ =	swait.ge [sflag:s26], $0x200  }
0x8a: {  	[sflag:s26] =	ssyncset.done $0x0  }
0x8b: {  	s11 =	rddreg [dreg:$0x14];
	[sflag:s26] =	ssyncadd.s32 $0xFFFFFE00  }
0x8c: {  	[spmem:s11] =	stream.linear.scatter [tilespmem:s28], [sflag:$0x3], $0x200, $0x38;
	[tilespmem:$0x11400] =	vst v63  }
0x8d: {  	_ =	swait.ge [sflag:s26], $0x200  }
0x8e: {  	[sflag:s26] =	ssyncset.done $0x0  }
0x8f: {  	s23 =	rddreg [dreg:$0x15];
	[sflag:s26] =	ssyncadd.s32 $0xFFFFFE00  }
0x90: {  	[spmem:s23] =	stream.linear.scatter [tilespmem:s28], [sflag:$0x3], $0x200, $0x38;
	[tilespmem:$0x11400] =	vst v63  }
0x91: {  	_ =	swait.ge [sflag:s26], $0x200  }
0x92: {  	[sflag:s26] =	ssyncset.done $0x0  }
0x93: {  	s10 =	rddreg [dreg:$0x16];
	[sflag:s26] =	ssyncadd.s32 $0xFFFFFE00  }
0x94: {  	[spmem:s10] =	stream.linear.scatter [tilespmem:s28], [sflag:$0x3], $0x200, $0x38;
	[tilespmem:$0x11400] =	vst v63  }
0x95: {  	_ =	swait.ge [sflag:s26], $0x200  }
0x96: {  	[sflag:s26] =	ssyncset.done $0x0  }
0x97: {  	s11 =	rddreg [dreg:$0x17];
	[sflag:s26] =	ssyncadd.s32 $0xFFFFFE00  }
0x98: {  	[spmem:s11] =	stream.linear.scatter [tilespmem:s28], [sflag:$0x3], $0x200, $0x38;
	[tilespmem:$0x11400] =	vst v63  }
0x99: {  	_ =	swait.ge [sflag:s26], $0x200  }
0x9a: {  	[sflag:s26] =	ssyncset.done $0x0  }
0x9b: {  	s23 =	rddreg [dreg:$0x18];
	[sflag:s26] =	ssyncadd.s32 $0xFFFFFE00  }
0x9c: {  	[spmem:s23] =	stream.linear.scatter [tilespmem:s28], [sflag:$0x3], $0x200, $0x38;
	[tilespmem:$0x11400] =	vst v63  }
0x9d: {  	_ =	swait.ge [sflag:s26], $0x200  }
0x9e: {  	[sflag:s26] =	ssyncset.done $0x0  }
0x9f: {  	s10 =	rddreg [dreg:$0x19];
	[sflag:s26] =	ssyncadd.s32 $0xFFFFFE00  }
0xa0: {  	[spmem:s10] =	stream.linear.scatter [tilespmem:s28], [sflag:$0x3], $0x200, $0x38;
	[tilespmem:$0x11400] =	vst v63  }
0xa1: {  	_ =	swait.ge [sflag:s26], $0x200  }
0xa2: {  	[sflag:s26] =	ssyncset.done $0x0  }
0xa3: {  	s11 =	rddreg [dreg:$0x1a];
	[sflag:s26] =	ssyncadd.s32 $0xFFFFFE00  }
0xa4: {  	[spmem:s11] =	stream.linear.scatter [tilespmem:s28], [sflag:$0x3], $0x200, $0x38;
	[tilespmem:$0x11400] =	vst v63  }
0xa5: {  	_ =	swait.ge [sflag:s26], $0x200  }
0xa6: {  	[sflag:s26] =	ssyncset.done $0x0  }
0xa7: {  	s23 =	rddreg [dreg:$0x1b];
	[sflag:s26] =	ssyncadd.s32 $0xFFFFFE00  }
0xa8: {  	[spmem:s23] =	stream.linear.scatter [tilespmem:s28], [sflag:$0x3], $0x200, $0x38;
	[tilespmem:$0x11400] =	vst v63  }
0xa9: {  	_ =	swait.ge [sflag:s26], $0x200  }
0xaa: {  	[sflag:s26] =	ssyncset.done $0x0  }
0xab: {  	s10 =	rddreg [dreg:$0x1c];
	[sflag:s26] =	ssyncadd.s32 $0xFFFFFE00  }
0xac: {  	[spmem:s10] =	stream.linear.scatter [tilespmem:s28], [sflag:$0x3], $0x200, $0x38;
	[tilespmem:$0x11400] =	vst v63  }
0xad: {  	_ =	swait.ge [sflag:s26], $0x200  }
0xae: {  	[sflag:s26] =	ssyncset.done $0x0  }
0xaf: {  	s11 =	rddreg [dreg:$0x1d];
	[sflag:s26] =	ssyncadd.s32 $0xFFFFFE00  }
0xb0: {  	[spmem:s11] =	stream.linear.scatter [tilespmem:s28], [sflag:$0x3], $0x200, $0x38;
	[tilespmem:$0x11400] =	vst v63  }
0xb1: {  	_ =	swait.ge [sflag:s26], $0x200  }
0xb2: {  	[sflag:s26] =	ssyncset.done $0x0  }
0xb3: {  	s23 =	rddreg [dreg:$0x1e];
	[sflag:s26] =	ssyncadd.s32 $0xFFFFFE00  }
0xb4: {  	[spmem:s23] =	stream.linear.scatter [tilespmem:s28], [sflag:$0x3], $0x200, $0x38;
	[tilespmem:$0x11400] =	vst v63  }
0xb5: {  	_ =	swait.ge [sflag:s26], $0x200  }
0xb6: {  	[sflag:s26] =	ssyncset.done $0x0  }
0xb7: {  	s10 =	rddreg [dreg:$0x1f];
	[sflag:s26] =	ssyncadd.s32 $0xFFFFFE00  }
0xb8: {  	[spmem:s10] =	stream.linear.scatter [tilespmem:s28], [sflag:$0x3], $0x200, $0x38;
	[tilespmem:$0x11400] =	vst v63  }
0xb9: {  	_ =	swait.ge [sflag:s26], $0x200  }
0xba: {  	s11 =	sld [smem:$0x7F7]  }
0xbb: {  	[sflag:s26] =	ssyncset.done $0x0  }
0xbc: {  	[sflag:s26] =	ssyncadd.s32 $0xFFFFFE00  }
0xbd: {  	[spmem:s11] =	stream.linear.scatter [tilespmem:s28], [sflag:$0x3], $0x200, $0x38;
	[tilespmem:$0x11400] =	vst v63  }
0xbe: {  	_ =	swait.ge [sflag:s26], $0x200  }
0xbf: {  	s23 =	sld [smem:$0x7F8]  }
0xc0: {  	[sflag:s26] =	ssyncset.done $0x0  }
0xc1: {  	[sflag:s26] =	ssyncadd.s32 $0xFFFFFE00  }
0xc2: {  	[spmem:s23] =	stream.linear.scatter [tilespmem:s28], [sflag:$0x3], $0x200, $0x38;
	[tilespmem:$0x11400] =	vst v63  }
0xc3: {  	_ =	swait.ge [sflag:s26], $0x200  }
0xc4: {  	s10 =	sld [smem:$0x7F9]  }
0xc5: {  	[sflag:s26] =	ssyncset.done $0x0  }
0xc6: {  	[sflag:s26] =	ssyncadd.s32 $0xFFFFFE00  }
0xc7: {  	[spmem:s10] =	stream.linear.scatter [tilespmem:s28], [sflag:$0x3], $0x200, $0x38;
	[tilespmem:$0x11400] =	vst v63  }
0xc8: {  	_ =	swait.ge [sflag:s26], $0x200  }
0xc9: {  	s11 =	sld [smem:$0x7FA]  }
0xca: {  	[sflag:s26] =	ssyncset.done $0x0  }
0xcb: {  	[sflag:s26] =	ssyncadd.s32 $0xFFFFFE00  }
0xcc: {  	[spmem:s11] =	stream.linear.scatter [tilespmem:s28], [sflag:$0x3], $0x200, $0x38;
	[tilespmem:$0x11400] =	vst v63  }
0xcd: {  	_ =	swait.ge [sflag:s26], $0x200  }
0xce: {  	s23 =	sld [smem:$0x7FB]  }
0xcf: {  	[sflag:s26] =	ssyncset.done $0x0  }
0xd0: {  	[sflag:s26] =	ssyncadd.s32 $0xFFFFFE00  }
0xd1: {  	[spmem:s23] =	stream.linear.scatter [tilespmem:s28], [sflag:$0x3], $0x200, $0x38;
	[tilespmem:$0x11400] =	vst v63  }
0xd2: {  	_ =	swait.ge [sflag:s26], $0x200  }
0xd3: {  	s10 =	sld [smem:$0x7FC]  }
0xd4: {  	[sflag:s26] =	ssyncset.done $0x0  }
0xd5: {  	[sflag:s26] =	ssyncadd.s32 $0xFFFFFE00  }
0xd6: {  	[spmem:s10] =	stream.linear.scatter [tilespmem:s28], [sflag:$0x3], $0x200, $0x38;
	[tilespmem:$0x11400] =	vst v63  }
0xd7: {  	_ =	swait.ge [sflag:s26], $0x200  }
0xd8: {  	s11 =	sld [smem:$0x7FD]  }
0xd9: {  	[sflag:s26] =	ssyncset.done $0x0  }
0xda: {  	[sflag:s26] =	ssyncadd.s32 $0xFFFFFE00  }
0xdb: {  	[spmem:s11] =	stream.linear.scatter [tilespmem:s28], [sflag:$0x3], $0x200, $0x38;
	[tilespmem:$0x11400] =	vst v63  }
0xdc: {  	_ =	swait.ge [sflag:s26], $0x200  }
0xdd: {  	[sflag:s26] =	ssyncset.done $0x0  }
0xde: {  	[sflag:s26] =	ssyncadd.s32 $0xFFFFFE00  }
0xdf: {  	[spmem:s13] =	stream.linear.scatter [tilespmem:s28], [sflag:$0x3], $0x200, $0x38;
	[tilespmem:$0x11400] =	vst v63  }
0xe0: {  	_ =	swait.ge [sflag:s26], $0x200  }
0xe1: {  	[sflag:s26] =	ssyncset.done $0x0  }
0xe2: {  	[sflag:s26] =	ssyncadd.s32 $0xFFFFFE00  }
0xe3: {  	[spmem:s14] =	stream.linear.scatter [tilespmem:s28], [sflag:$0x3], $0x200, $0x38;
	[tilespmem:$0x11400] =	vst v63  }
0xe4: {  	_ =	swait.ge [sflag:s26], $0x200  }
0xe5: {  	[sflag:s26] =	ssyncset.done $0x0  }
0xe6: {  	[sflag:s26] =	ssyncadd.s32 $0xFFFFFE00  }
0xe7: {  	[spmem:s15] =	stream.linear.scatter [tilespmem:s28], [sflag:$0x3], $0x200, $0x38;
	[tilespmem:$0x11400] =	vst v63  }
0xe8: {  	_ =	swait.ge [sflag:s26], $0x200  }
0xe9: {  	[sflag:s26] =	ssyncset.done $0x0  }
0xea: {  	[sflag:s26] =	ssyncadd.s32 $0xFFFFFE00  }
0xeb: {  	[spmem:s16] =	stream.linear.scatter [tilespmem:s28], [sflag:$0x3], $0x200, $0x38;
	[tilespmem:$0x11400] =	vst v63  }
0xec: {  	_ =	swait.ge [sflag:s26], $0x200  }
0xed: {  	[sflag:s26] =	ssyncset.done $0x0  }
0xee: {  	[sflag:s26] =	ssyncadd.s32 $0xFFFFFE00  }
0xef: {  	[spmem:s17] =	stream.linear.scatter [tilespmem:s28], [sflag:$0x3], $0x200, $0x38;
	[tilespmem:$0x11400] =	vst v63  }
0xf0: {  	_ =	swait.ge [sflag:s26], $0x200  }
0xf1: {  	[sflag:s26] =	ssyncset.done $0x0  }
0xf2: {  	[sflag:s26] =	ssyncadd.s32 $0xFFFFFE00  }
0xf3: {  	[spmem:s18] =	stream.linear.scatter [tilespmem:s28], [sflag:$0x3], $0x200, $0x38;
	[tilespmem:$0x11400] =	vst v63  }
0xf4: {  	_ =	swait.ge [sflag:s26], $0x200  }
0xf5: {  	[sflag:s26] =	ssyncset.done $0x0  }
0xf6: {  	[sflag:s26] =	ssyncadd.s32 $0xFFFFFE00  }
0xf7: {  	[spmem:s19] =	stream.linear.scatter [tilespmem:s28], [sflag:$0x3], $0x200, $0x38;
	[tilespmem:$0x11400] =	vst v63  }
0xf8: {  	_ =	swait.ge [sflag:s26], $0x200  }
0xf9: {  	[sflag:s26] =	ssyncset.done $0x0  }
0xfa: {  	[sflag:s26] =	ssyncadd.s32 $0xFFFFFE00  }
0xfb: {  	[spmem:s20] =	stream.linear.scatter [tilespmem:s28], [sflag:$0x3], $0x200, $0x38;
	[tilespmem:$0x11400] =	vst v63  }
0xfc: {  	_ =	swait.ge [sflag:s26], $0x200  }
0xfd: {  	[sflag:s26] =	ssyncset.done $0x0  }
0xfe: {  	[sflag:s26] =	ssyncadd.s32 $0xFFFFFE00  }
0xff: {  	[spmem:s21] =	stream.linear.scatter [tilespmem:s28], [sflag:$0x3], $0x200, $0x38;
	[tilespmem:$0x11400] =	vst v63  }
0x100: {  	_ =	swait.ge [sflag:s26], $0x200  }
0x101: {  	[sflag:s26] =	ssyncset.done $0x0  }
0x102: {  	[sflag:s26] =	ssyncadd.s32 $0xFFFFFE00  }
0x103: {  	[bflag:$0x0] =	sbarrier.arrive $0xFFFF  }
0x104: {  	[tilespmem:s29], [sflag:$0x1] =	stream.indirect.gather [spmem:s1], $0x20, s4, s30, $0xb8;
	[tilespmem:$0x11400] =	vst v63  }
0x105: {  	_ = 	snop  }
0x106: {  	[tilespmem:s31], [sflag:$0x2] =	stream.indirect.gather [spmem:s1], $0x20, s30, s30, $0xb8;
	[tilespmem:$0x11400] =	vst v63  }
0x107: {  	_ =	swait.ge [sflag:s0], $0x1000  }
0x108: {  	[sflag:s0] =	ssyncset.done $0x0  }
0x109: {  	p0 =	sgt.s32 s12, $0x2;
	s9 =	smov.u32 s12;
	[sflag:s0] =	ssyncadd.s32 $0xFFFFF000  }
0x10a: {  	[spmem:s3] =	stream.indirect.scatter.add.f32 [tilespmem:s29], [sflag:$0x3], $0x20, s7, s30, $0xb8;
	[tilespmem:$0x11400] =	vst v63  }
0x10b: {  	s9 =	smov.u32 @p0 s2;
	_ =	swait.ge [sflag:s26], $0x1000  }
0x10c: {  	s9 =	sshll.u32 s9, $0x9;
	[sflag:s26] =	ssyncset.done $0x0  }
0x10d: {  	s9 =	sshra.s32 s9, $0x2;
	[sflag:s26] =	ssyncadd.s32 $0xFFFFF000  }
0x10e: {  	[tilespmem:s29], [sflag:$0x1] =	stream.indirect.gather [spmem:s1], $0x20, s9, s30, $0xb8;
	[tilespmem:$0x11400] =	vst v63  }
0x10f: {  	p0 =	sne.s32 s22, $0x1;
	_ =	swait.ge [sflag:s2], $0x1000  }
.Ltmp0:
0x110: {  	[sflag:s2] =	ssyncset.done $0x0;
	(pc) =	sbr.rel @!p0 .LBB2_3-.Ltmp0, $4  }
0x111: {  	s23 =	simm.s32 $0x2980;
	[sflag:s2] =	ssyncadd.s32 $0xFFFFF000  }
0x112: {  	[spmem:s3] =	stream.indirect.scatter.add.f32 [tilespmem:s31], [sflag:$0x3], $0x20, s23, s30, $0xb8;
	[tilespmem:$0x11400] =	vst v63  }
0x113: {  	s10 =	simm.s32 $0x180;
	_ =	swait.ge [sflag:s26], $0x1000  }
0x114: {  	s11 =	simm.s32 $0x2;
	s9 =	sadd.s32 $0xFFFFFFFF, s22;
	[sflag:s26] =	ssyncset.done $0x0  }
.LBB2_2:
0x115: {  	[sflag:s26] =	ssyncadd.s32 $0xFFFFF000;
	s11 =	sadd.s32 $0x2, s11;
	s7 =	sadd.s32 $0x100, s7  }
0x116: {  	[tilespmem:s31], [sflag:$0x2] =	stream.indirect.gather [spmem:s1], $0x20, s10, s30, $0xb8;
	[tilespmem:$0x11400] =	vst v63  }
0x117: {  	p0 =	sne.s32 s9, $0x1;
	s9 =	sadd.s32 $0xFFFFFFFF, s9;
	_ =	swait.ge [sflag:s0], $0x1000  }
0x118: {  	[sflag:s0] =	ssyncset.done $0x0  }
0x119: {  	s23 =	smov.u32 s12;
	p1 =	slt.s32 s11, s12;
	[sflag:s0] =	ssyncadd.s32 $0xFFFFF000  }
0x11a: {  	[spmem:s3] =	stream.indirect.scatter.add.f32 [tilespmem:s29], [sflag:$0x3], $0x20, s7, s30, $0xb8;
	[tilespmem:$0x11400] =	vst v63  }
0x11b: {  	s23 =	smov.u32 @p1 s11;
	_ =	swait.ge [sflag:s26], $0x1000  }
0x11c: {  	s23 =	sshll.u32 s23, $0x9;
	[sflag:s26] =	ssyncset.done $0x0  }
0x11d: {  	s23 =	sshra.s32 s23, $0x2;
	[sflag:s26] =	ssyncadd.s32 $0xFFFFF000  }
0x11e: {  	[tilespmem:s29], [sflag:$0x1] =	stream.indirect.gather [spmem:s1], $0x20, s23, s30, $0xb8;
	[tilespmem:$0x11400] =	vst v63  }
0x11f: {  	_ =	swait.ge [sflag:s2], $0x1000  }
.Ltmp1:
0x120: {  	[sflag:s2] =	ssyncset.done $0x0;
	(pc) =	sbr.rel @p0 .LBB2_2-.Ltmp1, $4  }
0x121: {  	s23 =	sadd.s32 $0x80, s7;
	[sflag:s2] =	ssyncadd.s32 $0xFFFFF000  }
0x122: {  	[spmem:s3] =	stream.indirect.scatter.add.f32 [tilespmem:s31], [sflag:$0x3], $0x20, s23, s30, $0xb8;
	[tilespmem:$0x11400] =	vst v63  }
0x123: {  	_ =	swait.ge [sflag:s26], $0x1000  }
0x124: {  	s10 =	sadd.s32 $0x100, s10;
	[sflag:s26] =	ssyncset.done $0x0  }
.LBB2_3:
0x125: {  	[sflag:s26] =	ssyncadd.s32 $0xFFFFF000  }
0x126: {  	_ =	swait.ge [sflag:s0], $0x1000  }
0x127: {  	[sflag:s0] =	ssyncset.done $0x0  }
0x128: {  	s5 =	sadd.s32 $0x1, s5;
	[sflag:s0] =	ssyncadd.s32 $0xFFFFF000  }
0x129: {  	p0 =	sne.s32 s5, s24;
	[bflag:$0x0] =	sbarrier.arrive $0xFFFF  }
.Ltmp2:
0x12a: {  	s7 =	sshrl.u32 s8, $0x3;
	s9 =	rddreg [dreg:$0x13];
	(pc) =	sbr.rel @p0 .LBB2_1-.Ltmp2, $4  }
0x12b: {  	[hbm:s9], [sflag:s6] =	dma.local [spmem:s7], $0xA00  }
0x12c: {  	_ =	swait.ge [sflag:s26], $0xA00  }
0x12d: {  	[sflag:s26] =	ssyncset.done $0x0  }
0x12e: {  	[sflag:s26] =	ssyncadd.s32 $0xFFFFF600  }
0x12f: {  	_ =	sfence.sel $0x180000  }
0x130: {  	[bflag:$0x0] =	sbarrier.arrive $0xFFFF  }
0x131: {  	_ =	strace $0x9000004A  }
0x132: {  	s0 =	stileid.u32;
	[bflag:$0x2] =	sbarrier.arrive $0xFFFF  }
0x133: {  	p0 =	sne.s32 s0, $0x0;
	s0 =	rddreg [dreg:$0x4]  }
0x134: {  	s0 =	sadd.s32 @!p0 $0x100000, s0  }
0x135: {  	[sflag:s0] =	ssyncadd.tile.s32 @!p0 $0x1;
	_ =	shalt  }
.Lfunc_end2:
_tile_overlayer_lowered:
.L_overlay_start_2:
0x136: {  	(tag) =	ssettag $0x2  }
0x137: {  	s0 =	rddreg [dreg:$0x0];
	s2 =	stileid.u32  }
0x138: {  	s1 =	rddreg [dreg:$0x1];
	p0 =	sne.s32 s2, $0x0  }
0x139: {  	s3 =	rddreg [dreg:$0x2];
	[bflag:$0x3] =	sbarrier.arrive $0xFFFF;
	s2 =	simm.s32 @!p0 $0x1C03  }
0x13a: {  	[timem:s3], [sflag:s2] =	dma.local @!p0 [hbm:s0], s1  }
0x13b: {  	s0 =	simm.s32 @!p0 $0x3  }
0x13c: {  	_ =	swait.ge @!p0 [sflag:s0], s1  }
0x13d: {  	s1 =	ssub.s32 @!p0 $0x0, s1;
	[sflag:s0] =	ssyncset.done @!p0 $0x0  }
0x13e: {  	[sflag:s0] =	ssyncadd.s32 @!p0 s1  }
0x13f: {  	[bflag:$0x3] =	sbarrier.arrive $0xFFFF  }
0x140: {  	_ =	shalt  }

// kernel: kernel.14.cloned.1.call-start
scs
__scs_entry_jumppad:
0x0: {  	(pc) =	sbr.rel $0x88, $3  }
0x1: {  	(tag) =	ssettag $0x0;
	lr =	simm.s32 $0x1  }
0x2: {  	[smem:$0x3F9B] =	sst lr;
	_ =	strace $0xD0000000  }
0x3: {  	_ = 	snop  }
0x4: {  	_ = 	snop  }
0x5: {  	_ = 	snop  }
0x6: {  	_ = 	snop  }
0x7: {  	_ = 	snop  }
__scs_overlays_trampoline_lowered:
0x8: {  	[smem:$0x3FAA] =	sst s0  }
0x9: {  	[smem:$0x3FAB] =	sst s1  }
0xa: {  	[smem:$0x3FAC] =	sst s2  }
0xb: {  	[smem:$0x3FAD] =	sst s3  }
0xc: {  	[smem:$0x3FAE] =	sst s4  }
0xd: {  	[smem:$0x3FAF] =	sst s5  }
0xe: {  	[smem:$0x3FB0] =	sst s6  }
0xf: {  	[smem:$0x3FB1] =	sst s7  }
0x10: {  	[smem:$0x3FB2] =	sst s8  }
0x11: {  	[smem:$0x3FB3] =	sst s9;
	s0 =	simm.s32 @!p0 $0x0  }
0x12: {  	s1 =	sld [smem:$0x3F99];
	s0 =	simm.s32 @p0 $0x1  }
0x13: {  	[smem:$0x3FB4] =	sst s0;
	s0 =	simm.s32 @!p1 $0x0  }
0x14: {  	s2 =	sld [smem:$0x3F98];
	s0 =	simm.s32 @p1 $0x1  }
0x15: {  	[smem:$0x3FB5] =	sst s0;
	s0 =	simm.s32 @!p2 $0x0  }
0x16: {  	s3 =	sld [smem:$0x3FDB];
	s0 =	simm.s32 @p2 $0x1  }
0x17: {  	s4 =	simm.s32 $0x1BF5;
	[smem:$0x3FB7] =	sst s0  }
0x18: {  	s0 =	sld [smem:$0x3F9A];
	_ =	swait.ge [sflag:s4], $0x0  }
0x19: {  	s7 =	sld [smem:$0x3F9B]  }
0x1a: {  	s8 =	sadd.s32 $0xFFFFE003, lr  }
0x1b: {  	s9 =	sadd.s32 $0xFFFFFEF7, lr;
	s5 =	simm.s32 $0xFFFFFFFF;
	p2 =	slt.u32 s8, $0xFFFFF086  }
0x1c: {  	p1 =	slt.u32 s9, $0xF7A;
	s5 =	simm.s32 @!p2 $0x0  }
0x1d: {  	s5 =	simm.s32 @p1 $0x1;
	p0 =	seq.s32 s7, s2  }
0x1e: {  	s7 =	smul.u32 @!p0 $0xF7A, s2;
	p2 =	seq.s32 @!p0 s5, $0x0  }
0x1f: {  	s9 =	smul.u32 $0xF7A, s1;
	s8 =	simm.s32 @!p0 $0x1BF5;
	p2 =	por !p2, p0  }
0x20: {  	[sflag:s8] =	ssyncset.s32 @!p0 $0xFFFFF086;
	s6 =	sadd.s32 @!p0 s3, s7;
	s7 =	simm.s32 @!p0 $0x108  }
0x21: {  	s3 =	sadd.s32 s3, s9;
	s6 =	sadd.s32 @!p0 $0x88, s6;
	s7 =	simm.s32 @p2 $0x1082  }
0x22: {  	[simem:s7], [sflag:s8] =	dma.local @!p0 [hbm:s6], $0xF7A  }
0x23: {  	s9 =	sor.u32 $0xD0000000, s2;
	s6 =	simm.s32 $0x108;
	_ =	swait.ge @!p0 [sflag:s8], $0x0  }
0x24: {  	s3 =	sadd.s32 $0x88, s3;
	s6 =	simm.s32 @!p1 $0x1082;
	[sflag:s4] =	ssyncset.s32 $0xFFFFF086  }
0x25: {  	[simem:s6], [sflag:s4] =	dma.local [hbm:s3], $0xF7A  }
0x26: {  	[smem:$0x3F9B] =	sst s1;
	(tag) =	ssettag s2;
	_ =	strace s9  }
0x27: {  	s1 =	sld [smem:$0x3FAB]  }
0x28: {  	s2 =	sld [smem:$0x3FAC]  }
0x29: {  	s4 =	sld [smem:$0x3FAE]  }
0x2a: {  	p0 =	seq.s32 s5, $0x0;
	s5 =	sld [smem:$0x3FAF]  }
0x2b: {  	s6 =	sld [smem:$0x3FB0]  }
0x2c: {  	s7 =	sld [smem:$0x3FB1]  }
0x2d: {  	s3 =	simm.s32 $0x108;
	s8 =	sld [smem:$0x3FB2]  }
0x2e: {  	s3 =	simm.s32 @!p0 $0x1082;
	s9 =	sld [smem:$0x3FB3]  }
0x2f: {  	lr =	sadd.s32 s0, s3;
	s0 =	sld [smem:$0x3FAA]  }
0x30: {  	s3 =	sld [smem:$0x3FAD]  }
0x31: {  	[smem:$0x3FB6] =	sst s10  }
0x32: {  	s10 =	sld [smem:$0x3FB4];
	_ =	sdelay $0x3  }
0x33: {  	p0 =	seq.s32 s10, $0x1;
	s10 =	sld [smem:$0x3FB6];
	_ =	sdelay $0x3  }
0x34: {  	[smem:$0x3FB6] =	sst s10  }
0x35: {  	s10 =	sld [smem:$0x3FB5];
	_ =	sdelay $0x3  }
0x36: {  	p1 =	seq.s32 s10, $0x1;
	s10 =	sld [smem:$0x3FB6];
	_ =	sdelay $0x3  }
0x37: {  	[smem:$0x3FB6] =	sst s10  }
0x38: {  	s10 =	sld [smem:$0x3FB7]  }
0x39: {  	_ = 	snop;
	(pc) =	sbr.ind lr, $3  }
0x3a: {  	_ = 	snop  }
0x3b: {  	_ = 	snop  }
0x3c: {  	p2 =	seq.s32 s10, $0x1;
	s10 =	sld [smem:$0x3FB6]  }
0x3d: {  	_ =	shalt  }
0x3e: {  	_ =	shalt  }
0x3f: {  	_ =	shalt  }
0x40: {  	_ =	shalt  }
0x41: {  	_ =	shalt  }
0x42: {  	_ =	shalt  }
0x43: {  	_ =	shalt  }
0x44: {  	_ =	shalt  }
0x45: {  	_ =	shalt  }
0x46: {  	_ =	shalt  }
0x47: {  	_ =	shalt  }
0x48: {  	_ =	shalt  }
0x49: {  	_ =	shalt  }
0x4a: {  	_ =	shalt  }
0x4b: {  	_ =	shalt  }
0x4c: {  	_ =	shalt  }
0x4d: {  	_ =	shalt  }
0x4e: {  	_ =	shalt  }
0x4f: {  	_ =	shalt  }
0x50: {  	_ =	shalt  }
0x51: {  	_ =	shalt  }
0x52: {  	_ =	shalt  }
0x53: {  	_ =	shalt  }
0x54: {  	_ =	shalt  }
0x55: {  	_ =	shalt  }
0x56: {  	_ =	shalt  }
0x57: {  	_ =	shalt  }
0x58: {  	_ =	shalt  }
0x59: {  	_ =	shalt  }
0x5a: {  	_ =	shalt  }
0x5b: {  	_ =	shalt  }
0x5c: {  	_ =	shalt  }
0x5d: {  	_ =	shalt  }
0x5e: {  	_ =	shalt  }
0x5f: {  	_ =	shalt  }
0x60: {  	_ =	shalt  }
0x61: {  	_ =	shalt  }
0x62: {  	_ =	shalt  }
0x63: {  	_ =	shalt  }
0x64: {  	_ =	shalt  }
0x65: {  	_ =	shalt  }
0x66: {  	_ =	shalt  }
0x67: {  	_ =	shalt  }
0x68: {  	_ =	shalt  }
0x69: {  	_ =	shalt  }
0x6a: {  	_ =	shalt  }
0x6b: {  	_ =	shalt  }
0x6c: {  	_ =	shalt  }
0x6d: {  	_ =	shalt  }
0x6e: {  	_ =	shalt  }
0x6f: {  	_ =	shalt  }
0x70: {  	_ =	shalt  }
0x71: {  	_ =	shalt  }
0x72: {  	_ =	shalt  }
0x73: {  	_ =	shalt  }
0x74: {  	_ =	shalt  }
0x75: {  	_ =	shalt  }
0x76: {  	_ =	shalt  }
0x77: {  	_ =	shalt  }
0x78: {  	_ =	shalt  }
0x79: {  	_ =	shalt  }
0x7a: {  	_ =	shalt  }
0x7b: {  	_ =	shalt  }
0x7c: {  	_ =	shalt  }
0x7d: {  	_ =	shalt  }
0x7e: {  	_ =	shalt  }
0x7f: {  	_ =	shalt  }
0x80: {  	_ =	shalt  }
0x81: {  	_ =	shalt  }
0x82: {  	_ =	shalt  }
0x83: {  	_ =	shalt  }
0x84: {  	_ =	shalt  }
0x85: {  	_ =	shalt  }
0x86: {  	_ =	shalt  }
0x87: {  	_ =	shalt  }
.Lfunc_end0:
.L_simem_size_0:
called_computation.2_lowered:
.L_overlay_start_0:
0x88: {  	s2 =	sld [smem:$0x3FD9]  }
0x89: {  	s3 =	sld [smem:$0x3FFE];
	_ =	sdelay $0x1  }
0x8a: {  	s1 =	srdreg.scid  }
0x8b: {  	s0 =	sand.u32 $0x1, s1  }
0x8c: {  	s17 =	sshll.u32 s0, $0xA;
	s2 =	sadd.s32 s3, s2  }
0x8d: {  	s2 =	sadd.s32 s2, s17  }
0x8e: {  	[smem:$0x3FC2] =	sst s2  }
0x8f: {  	_ = 	snop  }
0x90: {  	s2 =	sld [smem:$0x3FD0];
	(tm) =	ssettm $0x1  }
0x91: {  	s18 =	sld [smem:$0x3FFB];
	_ =	sdelay $0x3  }
0x92: {  	_ =	strace s18  }
0x93: {  	s3 =	sld [smem:$0x3FFC];
	_ =	sdelay $0x3  }
0x94: {  	_ =	strace s3  }
0x95: {  	s3 =	sld [smem:$0x3FFD];
	_ =	sdelay $0x3  }
0x96: {  	_ =	strace s3  }
0x97: {  	_ =	strace $0x8FFFFFFF  }
0x98: {  	s19 =	sld [smem:$0x3FDB];
	_ =	sdelay $0x1  }
0x99: {  	s4 =	simm.s32 $_scs_section_size  }
0x9a: {  	s5 =	simm.s32 $_size__tile_overlayer_lowered;
	s6 =	simm.s32 $_tile_overlayer_lowered  }
0x9b: {  	s22 =	simm.s32 $0x1BFF;
	s21 =	sshll.u32 s6, $0x1;
	s3 =	sadd.s32 s4, s19  }
0x9c: {  	s7 =	simm.s32 $0x0;
	s20 =	sshll.u32 s5, $0x1;
	s5 =	sadd.s32 s21, s3  }
0x9d: {  	[timem:s7], [sflag:s22] =	dma.local [hbm:s5], s20  }
0x9e: {  	_ =	swait.ge [sflag:s22], s20  }
0x9f: {  	s4 =	ssub.s32 $0x0, s20;
	[sflag:s22] =	ssyncset.done $0x0  }
0xa0: {  	[sflag:s22] =	ssyncadd.s32 s4;
	_ =	sdelay $0x1  }
0xa1: {  	s23 =	simm.s32 $0x1B8B  }
0xa2: {  	_ =	swait.ge [sflag:s23], $0x1  }
0xa3: {  	[sflag:s23] =	ssyncset.done $0x0  }
0xa4: {  	s25 =	simm.s32 $0x1B8E;
	s24 =	sld [smem:$0x3FFE];
	[sflag:s23] =	ssyncadd.s32 $0xFFFFFFFF  }
0xa5: {  	s26 =	simm.s32 $execute0_lowered;
	[smem:$0x3FD2] =	sst s25  }
0xa6: {  	s5 =	sshll.u32 s26, $0x1;
	_ =	strace $0x8000004C;
	[dreg:$0x1] =	wrdreg $0xFFFFFFFF  }
0xa7: {  	s28 =	simm.s32 $_size_execute0_lowered;
	s3 =	sadd.s32 s3, s5;
	[dreg:$0x0] =	wrdreg $0x0  }
0xa8: {  	s5 =	sshll.u32 s28, $0x1;
	[dreg:$0x2] =	wrdreg s3  }
0xa9: {  	[dreg:$0x3] =	wrdreg s5  }
0xaa: {  	[dreg:$0x4] =	wrdreg $0xC0  }
0xab: {  	_ =	task [dreg:s7], $0x5FFFF  }
0xac: {  	[dreg:$0x1] =	wrdreg $0xFFFFFFFF  }
0xad: {  	[dreg:$0x0] =	wrdreg $0x60  }
0xae: {  	[dreg:$0x2] =	wrdreg s24  }
0xaf: {  	[dreg:$0x3] =	wrdreg s2  }
0xb0: {  	[dreg:$0x4] =	wrdreg $0x63000  }
0xb1: {  	[dreg:$0x5] =	wrdreg $0x8B000  }
0xb2: {  	[dreg:$0x6] =	wrdreg $0x9  }
0xb3: {  	_ =	task.clear_ibuf [dreg:s7], $0x7FFFF;
	_ =	strace $0x9000004C  }
0xb4: {  	s29 =	simm.s32 $0x9;
	_ =	strace $0x8000004E  }
0xb5: {  	_ =	swait.ge [sflag:s29], $0x1  }
0xb6: {  	[sflag:s29] =	ssyncadd.s32 $0xFFFFFFFF  }
0xb7: {  	_ =	strace $0x9000004E  }
0xb8: {  	_ =	sfence  }
0xb9: {  	s30 =	sld [smem:$0x0];
	_ =	sdelay $0x2  }
0xba: {  	s31 =	sshll.u32 s1, $0xD;
	s1 =	sshrl.u32 s1, $0x2  }
0xbb: {  	s3 =	sand.u32 $0x4000, s31;
	s1 =	sadd.s32 s1, s30  }
0xbc: {  	s0 =	sor.u32 s3, s0;
	s1 =	sshll.u32 s1, $0x11  }
0xbd: {  	s0 =	sor.u32 s1, s0  }
0xbe: {  	s0 =	sadd.s32 $0x8F2B, s0  }
0xbf: {  	[sflag:s0] =	ssyncadd.remote.s32 $0x1  }
0xc0: {  	_ =	sfence.sel $0xFFFF  }
0xc1: {  	[dreg:$0x0] =	wrdreg $0xFFFFFFFF;
	(pc) =	sbr.abs _section_cstart, $3  }
0xc2: {  	[dreg:$0x1] =	wrdreg $0xFFFFFFFF  }
0xc3: {  	_ =	task.clear_ibuf [dreg:s7], $0x2FFFF;
	_ =	strace $0x9FFFFFFF  }
0xc4: {  	(tm) =	ssettm $0x7FFFFFFF  }
0xc5: {  	_ =	shalt  }
tec
execute0_lowered:
.L_overlay_start_1:
0x0: {  	(tag) =	ssettag $0x1  }
0x1: {  	s0 =	rddreg [dreg:$0x0]  }
0x2: {  	s2 =	rddreg [dreg:$0x1]  }
0x3: {  	s1 =	rddreg [dreg:$0x2];
	s4 =	srdreg.scid  }
0x4: {  	s3 =	rddreg [dreg:$0x3];
	s11 =	stileid.u32;
	s5 =	sand.u32 $0x1, s4  }
0x5: {  	s4 =	simm.s32 $0x0;
	s7 =	smul.u32 $0x2800, s11;
	s6 =	sshll.u32 s5, $0x4  }
0x6: {  	[smem:$0x7FF] =	sst s4;
	s10 =	ssub.s32 $0x2, s5;
	s5 =	smul.u32 $0x28000, s5  }
0x7: {  	s6 =	sor.u32 s11, s6;
	s9 =	sshrl.u32 s7, $0x3;
	s11 =	smul.u32 $0xA000, s11  }
0x8: {  	_ =	strace $0x8000004D;
	s9 =	sadd.s32 s9, s0;
	s5 =	sadd.s32 s7, s5  }
0x9: {  	s13 =	sshrl.u32 s11, $0x2;
	s14 =	sadd.s32 $0x15800, s9;
	s5 =	sshrl.u32 s5, $0x3  }
0xa: {  	s11 =	sadd.s32 s13, s3;
	[dreg:$0x7] =	wrdreg s14;
	s2 =	sadd.s32 s2, s5  }
0xb: {  	s15 =	sadd.s32 $0x100, s11;
	[dreg:$0x13] =	wrdreg s2  }
0xc: {  	s16 =	sadd.s32 $0x200, s11;
	[dreg:$0x8] =	wrdreg s15  }
0xd: {  	s17 =	sadd.s32 $0x300, s11;
	[dreg:$0x9] =	wrdreg s16  }
0xe: {  	s18 =	sadd.s32 $0x400, s11;
	[dreg:$0xa] =	wrdreg s17  }
0xf: {  	s19 =	sadd.s32 $0x500, s11;
	[dreg:$0xb] =	wrdreg s18  }
0x10: {  	s20 =	sadd.s32 $0x600, s11;
	[dreg:$0xc] =	wrdreg s19  }
0x11: {  	s21 =	sadd.s32 $0x700, s11;
	[dreg:$0xd] =	wrdreg s20  }
0x12: {  	s22 =	sadd.s32 $0x800, s11;
	[dreg:$0xe] =	wrdreg s21  }
0x13: {  	s23 =	sadd.s32 $0x900, s11;
	[dreg:$0xf] =	wrdreg s22  }
0x14: {  	s24 =	sadd.s32 $0xA00, s11;
	[dreg:$0x10] =	wrdreg s23  }
0x15: {  	s26 =	sshrl.u32 s10, $0x1;
	s25 =	sadd.s32 $0xB00, s11;
	[dreg:$0x11] =	wrdreg s24  }
0x16: {  	s10 =	ssub.s32 s10, s26;
	s26 =	sadd.s32 $0xC00, s11;
	[dreg:$0x12] =	wrdreg s25  }
0x17: {  	s8 =	smul.u32 $0x2700, s6;
	s5 =	sadd.s32 $0xD00, s11;
	[dreg:$0x14] =	wrdreg s26  }
0x18: {  	s9 =	sadd.s32 $0xF00, s11;
	[dreg:$0x15] =	wrdreg s5  }
0x19: {  	s8 =	sshrl.u32 s8, $0x3;
	s13 =	sadd.s32 $0x1100, s11;
	[dreg:$0x17] =	wrdreg s9  }
0x1a: {  	s0 =	sadd.s32 s8, s0;
	s14 =	sadd.s32 $0x1200, s11;
	[dreg:$0x19] =	wrdreg s13  }
0x1b: {  	s12 =	sadd.s32 $0x1E00, s0;
	[dreg:$0x1a] =	wrdreg s14  }
0x1c: {  	s28 =	simm.s32 $0x6200;
	s0 =	sadd.s32 $0xBA40, s0;
	[dreg:$0x5] =	wrdreg s12  }
0x1d: {  	s29 =	simm.s32 $0x5200;
	s15 =	sadd.s32 $0x1300, s11;
	[dreg:$0x6] =	wrdreg s0  }
0x1e: {  	s30 =	simm.s32 $0x80;
	s16 =	sadd.s32 $0x1400, s11;
	[dreg:$0x1b] =	wrdreg s15  }
0x1f: {  	s31 =	simm.s32 $0x5A00;
	s17 =	sadd.s32 $0x1500, s11;
	[dreg:$0x1c] =	wrdreg s16  }
0x20: {  	p0 =	seq.s32 s6, $0x1F;
	s18 =	sadd.s32 $0x1600, s11;
	[dreg:$0x1d] =	wrdreg s17  }
0x21: {  	s6 =	simm.s32 $0x52;
	s19 =	sadd.s32 $0x1700, s11;
	[dreg:$0x1e] =	wrdreg s18  }
0x22: {  	s6 =	simm.s32 @!p0 $0x4E;
	s20 =	sadd.s32 $0x1800, s11;
	[dreg:$0x1f] =	wrdreg s19  }
0x23: {  	s8 =	sadd.s32 s7, s3;
	s21 =	sadd.s32 $0x1900, s11;
	[smem:$0x7F7] =	sst s20  }
0x24: {  	s2 =	simm.s32 $0x2;
	s22 =	sadd.s32 $0x1A00, s11;
	[smem:$0x7F8] =	sst s21  }
0x25: {  	s23 =	sadd.s32 $0x1B00, s11;
	s24 =	sadd.s32 $0x1C00, s11;
	[smem:$0x7F9] =	sst s22  }
0x26: {  	s25 =	sadd.s32 $0x1D00, s11;
	s26 =	sadd.s32 $0x1E00, s11;
	[smem:$0x7FA] =	sst s23  }
0x27: {  	s13 =	sadd.s32 $0x1F00, s11;
	s14 =	sadd.s32 $0x2000, s11;
	[smem:$0x7FB] =	sst s24  }
0x28: {  	s5 =	simm.s32 $0x0;
	s0 =	sadd.s32 s7, s1;
	[smem:$0x7FC] =	sst s25  }
0x29: {  	s7 =	sadd.s32 $0xE00, s11;
	s12 =	sadd.s32 $0x1000, s11;
	[smem:$0x7FD] =	sst s26  }
0x2a: {  	s15 =	sadd.s32 $0x2100, s11;
	s16 =	sadd.s32 $0x2200, s11;
	s17 =	sadd.s32 $0x2300, s11  }
0x2b: {  	s18 =	sadd.s32 $0x2400, s11;
	s19 =	sadd.s32 $0x2500, s11;
	s20 =	sadd.s32 $0x2600, s11  }
0x2c: {  	s21 =	sadd.s32 $0x2700, s11;
	s22 =	sshrl.u32 s6, $0x1;
	[dreg:$0x16] =	wrdreg s7  }
0x2d: {  	s24 =	smax.u32 s10, $0x1;
	s26 =	simm.s32 $0x3;
	[dreg:$0x18] =	wrdreg s12  }
0x2e: {  	v0 =	vimm.f32 $0.0e+00;
	s12 =	sadd.s32 $0xFFFFFFFE, s6;
	s25 =	sshrl.u32 s0, $0x3;
	s0 =	simm.s32 $0x1  }
.LBB2_1:
0x2f: {  	s6 =	rddreg [dreg:$0x5]  }
0x30: {  	[tilespmem:s4], [sflag:$0x3] =	stream.linear.gather [hbm4b:s6+s4], $0x2900, $0x38;
	[tilespmem:$0xB300] =	vst v63  }
0x31: {  	_ =	swait.ge [sflag:s26], $0x2900  }
0x32: {  	[sflag:s26] =	ssyncset.done $0x0  }
0x33: {  	s7 =	simm.s32 $0x2900;
	s10 =	rddreg [dreg:$0x6];
	[sflag:s26] =	ssyncadd.s32 $0xFFFFD700  }
0x34: {  	[tilespmem:s7], [sflag:$0x3] =	stream.linear.gather [hbm4b:s10+s4], $0x2900, $0x38;
	[tilespmem:$0xB300] =	vst v63  }
0x35: {  	s11 =	stileid.u32;
	_ =	swait.ge [sflag:s26], $0x2900  }
0x36: {  	s6 =	sshll.u32 s11, $0x6;
	[sflag:s26] =	ssyncset.done $0x0  }
0x37: {  	s6 =	sor.u32 $0x1C03, s6;
	s9 =	rddreg [dreg:$0x7];
	[sflag:s26] =	ssyncadd.s32 $0xFFFFD700  }
0x38: {  	[spmem:s25], [sflag:s6] =	dma.local [hbm:s9], $0x500  }
0x39: {  	_ =	swait.ge [sflag:s26], $0x500  }
0x3a: {  	[sflag:s26] =	ssyncset.done $0x0  }
0x3b: {  	[sflag:s26] =	ssyncadd.s32 $0xFFFFFB00  }
0x3c: {  	[tilespmem:$0x6200] =	vst v0  }
0x3d: {  	[tilespmem:$0x6210] =	vst v0  }
0x3e: {  	[tilespmem:$0x6220] =	vst v0  }
0x3f: {  	[tilespmem:$0x6230] =	vst v0  }
0x40: {  	[tilespmem:$0x6240] =	vst v0  }
0x41: {  	[tilespmem:$0x6250] =	vst v0  }
0x42: {  	[tilespmem:$0x6260] =	vst v0  }
0x43: {  	[tilespmem:$0x6270] =	vst v0  }
0x44: {  	[tilespmem:$0x6280] =	vst v0  }
0x45: {  	[tilespmem:$0x6290] =	vst v0  }
0x46: {  	[tilespmem:$0x62A0] =	vst v0  }
0x47: {  	[tilespmem:$0x62B0] =	vst v0  }
0x48: {  	[tilespmem:$0x62C0] =	vst v0  }
0x49: {  	[tilespmem:$0x62D0] =	vst v0  }
0x4a: {  	[tilespmem:$0x62E0] =	vst v0  }
0x4b: {  	[tilespmem:$0x62F0] =	vst v0  }
0x4c: {  	[spmem:s8] =	stream.linear.scatter [tilespmem:s28], [sflag:$0x3], $0x100, $0x38;
	[tilespmem:$0xB300] =	vst v63  }
0x4d: {  	_ =	swait.ge [sflag:s26], $0x100  }
0x4e: {  	[sflag:s26] =	ssyncset.done $0x0  }
0x4f: {  	s23 =	rddreg [dreg:$0x8];
	[sflag:s26] =	ssyncadd.s32 $0xFFFFFF00  }
0x50: {  	[spmem:s23] =	stream.linear.scatter [tilespmem:s28], [sflag:$0x3], $0x100, $0x38;
	[tilespmem:$0xB300] =	vst v63  }
0x51: {  	_ =	swait.ge [sflag:s26], $0x100  }
0x52: {  	[sflag:s26] =	ssyncset.done $0x0  }
0x53: {  	s10 =	rddreg [dreg:$0x9];
	[sflag:s26] =	ssyncadd.s32 $0xFFFFFF00  }
0x54: {  	[spmem:s10] =	stream.linear.scatter [tilespmem:s28], [sflag:$0x3], $0x100, $0x38;
	[tilespmem:$0xB300] =	vst v63  }
0x55: {  	_ =	swait.ge [sflag:s26], $0x100  }
0x56: {  	[sflag:s26] =	ssyncset.done $0x0  }
0x57: {  	s11 =	rddreg [dreg:$0xa];
	[sflag:s26] =	ssyncadd.s32 $0xFFFFFF00  }
0x58: {  	[spmem:s11] =	stream.linear.scatter [tilespmem:s28], [sflag:$0x3], $0x100, $0x38;
	[tilespmem:$0xB300] =	vst v63  }
0x59: {  	_ =	swait.ge [sflag:s26], $0x100  }
0x5a: {  	[sflag:s26] =	ssyncset.done $0x0  }
0x5b: {  	s23 =	rddreg [dreg:$0xb];
	[sflag:s26] =	ssyncadd.s32 $0xFFFFFF00  }
0x5c: {  	[spmem:s23] =	stream.linear.scatter [tilespmem:s28], [sflag:$0x3], $0x100, $0x38;
	[tilespmem:$0xB300] =	vst v63  }
0x5d: {  	_ =	swait.ge [sflag:s26], $0x100  }
0x5e: {  	[sflag:s26] =	ssyncset.done $0x0  }
0x5f: {  	s10 =	rddreg [dreg:$0xc];
	[sflag:s26] =	ssyncadd.s32 $0xFFFFFF00  }
0x60: {  	[spmem:s10] =	stream.linear.scatter [tilespmem:s28], [sflag:$0x3], $0x100, $0x38;
	[tilespmem:$0xB300] =	vst v63  }
0x61: {  	_ =	swait.ge [sflag:s26], $0x100  }
0x62: {  	[sflag:s26] =	ssyncset.done $0x0  }
0x63: {  	s11 =	rddreg [dreg:$0xd];
	[sflag:s26] =	ssyncadd.s32 $0xFFFFFF00  }
0x64: {  	[spmem:s11] =	stream.linear.scatter [tilespmem:s28], [sflag:$0x3], $0x100, $0x38;
	[tilespmem:$0xB300] =	vst v63  }
0x65: {  	_ =	swait.ge [sflag:s26], $0x100  }
0x66: {  	[sflag:s26] =	ssyncset.done $0x0  }
0x67: {  	s23 =	rddreg [dreg:$0xe];
	[sflag:s26] =	ssyncadd.s32 $0xFFFFFF00  }
0x68: {  	[spmem:s23] =	stream.linear.scatter [tilespmem:s28], [sflag:$0x3], $0x100, $0x38;
	[tilespmem:$0xB300] =	vst v63  }
0x69: {  	_ =	swait.ge [sflag:s26], $0x100  }
0x6a: {  	[sflag:s26] =	ssyncset.done $0x0  }
0x6b: {  	s10 =	rddreg [dreg:$0xf];
	[sflag:s26] =	ssyncadd.s32 $0xFFFFFF00  }
0x6c: {  	[spmem:s10] =	stream.linear.scatter [tilespmem:s28], [sflag:$0x3], $0x100, $0x38;
	[tilespmem:$0xB300] =	vst v63  }
0x6d: {  	_ =	swait.ge [sflag:s26], $0x100  }
0x6e: {  	[sflag:s26] =	ssyncset.done $0x0  }
0x6f: {  	s11 =	rddreg [dreg:$0x10];
	[sflag:s26] =	ssyncadd.s32 $0xFFFFFF00  }
0x70: {  	[spmem:s11] =	stream.linear.scatter [tilespmem:s28], [sflag:$0x3], $0x100, $0x38;
	[tilespmem:$0xB300] =	vst v63  }
0x71: {  	_ =	swait.ge [sflag:s26], $0x100  }
0x72: {  	[sflag:s26] =	ssyncset.done $0x0  }
0x73: {  	s23 =	rddreg [dreg:$0x11];
	[sflag:s26] =	ssyncadd.s32 $0xFFFFFF00  }
0x74: {  	[spmem:s23] =	stream.linear.scatter [tilespmem:s28], [sflag:$0x3], $0x100, $0x38;
	[tilespmem:$0xB300] =	vst v63  }
0x75: {  	_ =	swait.ge [sflag:s26], $0x100  }
0x76: {  	[sflag:s26] =	ssyncset.done $0x0  }
0x77: {  	s10 =	rddreg [dreg:$0x12];
	[sflag:s26] =	ssyncadd.s32 $0xFFFFFF00  }
0x78: {  	[spmem:s10] =	stream.linear.scatter [tilespmem:s28], [sflag:$0x3], $0x100, $0x38;
	[tilespmem:$0xB300] =	vst v63  }
0x79: {  	_ =	swait.ge [sflag:s26], $0x100  }
0x7a: {  	[sflag:s26] =	ssyncset.done $0x0  }
0x7b: {  	s11 =	rddreg [dreg:$0x14];
	[sflag:s26] =	ssyncadd.s32 $0xFFFFFF00  }
0x7c: {  	[spmem:s11] =	stream.linear.scatter [tilespmem:s28], [sflag:$0x3], $0x100, $0x38;
	[tilespmem:$0xB300] =	vst v63  }
0x7d: {  	_ =	swait.ge [sflag:s26], $0x100  }
0x7e: {  	[sflag:s26] =	ssyncset.done $0x0  }
0x7f: {  	s23 =	rddreg [dreg:$0x15];
	[sflag:s26] =	ssyncadd.s32 $0xFFFFFF00  }
0x80: {  	[spmem:s23] =	stream.linear.scatter [tilespmem:s28], [sflag:$0x3], $0x100, $0x38;
	[tilespmem:$0xB300] =	vst v63  }
0x81: {  	_ =	swait.ge [sflag:s26], $0x100  }
0x82: {  	[sflag:s26] =	ssyncset.done $0x0  }
0x83: {  	s10 =	rddreg [dreg:$0x16];
	[sflag:s26] =	ssyncadd.s32 $0xFFFFFF00  }
0x84: {  	[spmem:s10] =	stream.linear.scatter [tilespmem:s28], [sflag:$0x3], $0x100, $0x38;
	[tilespmem:$0xB300] =	vst v63  }
0x85: {  	_ =	swait.ge [sflag:s26], $0x100  }
0x86: {  	[sflag:s26] =	ssyncset.done $0x0  }
0x87: {  	s11 =	rddreg [dreg:$0x17];
	[sflag:s26] =	ssyncadd.s32 $0xFFFFFF00  }
0x88: {  	[spmem:s11] =	stream.linear.scatter [tilespmem:s28], [sflag:$0x3], $0x100, $0x38;
	[tilespmem:$0xB300] =	vst v63  }
0x89: {  	_ =	swait.ge [sflag:s26], $0x100  }
0x8a: {  	[sflag:s26] =	ssyncset.done $0x0  }
0x8b: {  	s23 =	rddreg [dreg:$0x18];
	[sflag:s26] =	ssyncadd.s32 $0xFFFFFF00  }
0x8c: {  	[spmem:s23] =	stream.linear.scatter [tilespmem:s28], [sflag:$0x3], $0x100, $0x38;
	[tilespmem:$0xB300] =	vst v63  }
0x8d: {  	_ =	swait.ge [sflag:s26], $0x100  }
0x8e: {  	[sflag:s26] =	ssyncset.done $0x0  }
0x8f: {  	s10 =	rddreg [dreg:$0x19];
	[sflag:s26] =	ssyncadd.s32 $0xFFFFFF00  }
0x90: {  	[spmem:s10] =	stream.linear.scatter [tilespmem:s28], [sflag:$0x3], $0x100, $0x38;
	[tilespmem:$0xB300] =	vst v63  }
0x91: {  	_ =	swait.ge [sflag:s26], $0x100  }
0x92: {  	[sflag:s26] =	ssyncset.done $0x0  }
0x93: {  	s11 =	rddreg [dreg:$0x1a];
	[sflag:s26] =	ssyncadd.s32 $0xFFFFFF00  }
0x94: {  	[spmem:s11] =	stream.linear.scatter [tilespmem:s28], [sflag:$0x3], $0x100, $0x38;
	[tilespmem:$0xB300] =	vst v63  }
0x95: {  	_ =	swait.ge [sflag:s26], $0x100  }
0x96: {  	[sflag:s26] =	ssyncset.done $0x0  }
0x97: {  	s23 =	rddreg [dreg:$0x1b];
	[sflag:s26] =	ssyncadd.s32 $0xFFFFFF00  }
0x98: {  	[spmem:s23] =	stream.linear.scatter [tilespmem:s28], [sflag:$0x3], $0x100, $0x38;
	[tilespmem:$0xB300] =	vst v63  }
0x99: {  	_ =	swait.ge [sflag:s26], $0x100  }
0x9a: {  	[sflag:s26] =	ssyncset.done $0x0  }
0x9b: {  	s10 =	rddreg [dreg:$0x1c];
	[sflag:s26] =	ssyncadd.s32 $0xFFFFFF00  }
0x9c: {  	[spmem:s10] =	stream.linear.scatter [tilespmem:s28], [sflag:$0x3], $0x100, $0x38;
	[tilespmem:$0xB300] =	vst v63  }
0x9d: {  	_ =	swait.ge [sflag:s26], $0x100  }
0x9e: {  	[sflag:s26] =	ssyncset.done $0x0  }
0x9f: {  	s11 =	rddreg [dreg:$0x1d];
	[sflag:s26] =	ssyncadd.s32 $0xFFFFFF00  }
0xa0: {  	[spmem:s11] =	stream.linear.scatter [tilespmem:s28], [sflag:$0x3], $0x100, $0x38;
	[tilespmem:$0xB300] =	vst v63  }
0xa1: {  	_ =	swait.ge [sflag:s26], $0x100  }
0xa2: {  	[sflag:s26] =	ssyncset.done $0x0  }
0xa3: {  	s23 =	rddreg [dreg:$0x1e];
	[sflag:s26] =	ssyncadd.s32 $0xFFFFFF00  }
0xa4: {  	[spmem:s23] =	stream.linear.scatter [tilespmem:s28], [sflag:$0x3], $0x100, $0x38;
	[tilespmem:$0xB300] =	vst v63  }
0xa5: {  	_ =	swait.ge [sflag:s26], $0x100  }
0xa6: {  	[sflag:s26] =	ssyncset.done $0x0  }
0xa7: {  	s10 =	rddreg [dreg:$0x1f];
	[sflag:s26] =	ssyncadd.s32 $0xFFFFFF00  }
0xa8: {  	[spmem:s10] =	stream.linear.scatter [tilespmem:s28], [sflag:$0x3], $0x100, $0x38;
	[tilespmem:$0xB300] =	vst v63  }
0xa9: {  	_ =	swait.ge [sflag:s26], $0x100  }
0xaa: {  	s11 =	sld [smem:$0x7F7]  }
0xab: {  	[sflag:s26] =	ssyncset.done $0x0  }
0xac: {  	[sflag:s26] =	ssyncadd.s32 $0xFFFFFF00  }
0xad: {  	[spmem:s11] =	stream.linear.scatter [tilespmem:s28], [sflag:$0x3], $0x100, $0x38;
	[tilespmem:$0xB300] =	vst v63  }
0xae: {  	_ =	swait.ge [sflag:s26], $0x100  }
0xaf: {  	s23 =	sld [smem:$0x7F8]  }
0xb0: {  	[sflag:s26] =	ssyncset.done $0x0  }
0xb1: {  	[sflag:s26] =	ssyncadd.s32 $0xFFFFFF00  }
0xb2: {  	[spmem:s23] =	stream.linear.scatter [tilespmem:s28], [sflag:$0x3], $0x100, $0x38;
	[tilespmem:$0xB300] =	vst v63  }
0xb3: {  	_ =	swait.ge [sflag:s26], $0x100  }
0xb4: {  	s10 =	sld [smem:$0x7F9]  }
0xb5: {  	[sflag:s26] =	ssyncset.done $0x0  }
0xb6: {  	[sflag:s26] =	ssyncadd.s32 $0xFFFFFF00  }
0xb7: {  	[spmem:s10] =	stream.linear.scatter [tilespmem:s28], [sflag:$0x3], $0x100, $0x38;
	[tilespmem:$0xB300] =	vst v63  }
0xb8: {  	_ =	swait.ge [sflag:s26], $0x100  }
0xb9: {  	s11 =	sld [smem:$0x7FA]  }
0xba: {  	[sflag:s26] =	ssyncset.done $0x0  }
0xbb: {  	[sflag:s26] =	ssyncadd.s32 $0xFFFFFF00  }
0xbc: {  	[spmem:s11] =	stream.linear.scatter [tilespmem:s28], [sflag:$0x3], $0x100, $0x38;
	[tilespmem:$0xB300] =	vst v63  }
0xbd: {  	_ =	swait.ge [sflag:s26], $0x100  }
0xbe: {  	s23 =	sld [smem:$0x7FB]  }
0xbf: {  	[sflag:s26] =	ssyncset.done $0x0  }
0xc0: {  	[sflag:s26] =	ssyncadd.s32 $0xFFFFFF00  }
0xc1: {  	[spmem:s23] =	stream.linear.scatter [tilespmem:s28], [sflag:$0x3], $0x100, $0x38;
	[tilespmem:$0xB300] =	vst v63  }
0xc2: {  	_ =	swait.ge [sflag:s26], $0x100  }
0xc3: {  	s10 =	sld [smem:$0x7FC]  }
0xc4: {  	[sflag:s26] =	ssyncset.done $0x0  }
0xc5: {  	[sflag:s26] =	ssyncadd.s32 $0xFFFFFF00  }
0xc6: {  	[spmem:s10] =	stream.linear.scatter [tilespmem:s28], [sflag:$0x3], $0x100, $0x38;
	[tilespmem:$0xB300] =	vst v63  }
0xc7: {  	_ =	swait.ge [sflag:s26], $0x100  }
0xc8: {  	s11 =	sld [smem:$0x7FD]  }
0xc9: {  	[sflag:s26] =	ssyncset.done $0x0  }
0xca: {  	[sflag:s26] =	ssyncadd.s32 $0xFFFFFF00  }
0xcb: {  	[spmem:s11] =	stream.linear.scatter [tilespmem:s28], [sflag:$0x3], $0x100, $0x38;
	[tilespmem:$0xB300] =	vst v63  }
0xcc: {  	_ =	swait.ge [sflag:s26], $0x100  }
0xcd: {  	[sflag:s26] =	ssyncset.done $0x0  }
0xce: {  	[sflag:s26] =	ssyncadd.s32 $0xFFFFFF00  }
0xcf: {  	[spmem:s13] =	stream.linear.scatter [tilespmem:s28], [sflag:$0x3], $0x100, $0x38;
	[tilespmem:$0xB300] =	vst v63  }
0xd0: {  	_ =	swait.ge [sflag:s26], $0x100  }
0xd1: {  	[sflag:s26] =	ssyncset.done $0x0  }
0xd2: {  	[sflag:s26] =	ssyncadd.s32 $0xFFFFFF00  }
0xd3: {  	[spmem:s14] =	stream.linear.scatter [tilespmem:s28], [sflag:$0x3], $0x100, $0x38;
	[tilespmem:$0xB300] =	vst v63  }
0xd4: {  	_ =	swait.ge [sflag:s26], $0x100  }
0xd5: {  	[sflag:s26] =	ssyncset.done $0x0  }
0xd6: {  	[sflag:s26] =	ssyncadd.s32 $0xFFFFFF00  }
0xd7: {  	[spmem:s15] =	stream.linear.scatter [tilespmem:s28], [sflag:$0x3], $0x100, $0x38;
	[tilespmem:$0xB300] =	vst v63  }
0xd8: {  	_ =	swait.ge [sflag:s26], $0x100  }
0xd9: {  	[sflag:s26] =	ssyncset.done $0x0  }
0xda: {  	[sflag:s26] =	ssyncadd.s32 $0xFFFFFF00  }
0xdb: {  	[spmem:s16] =	stream.linear.scatter [tilespmem:s28], [sflag:$0x3], $0x100, $0x38;
	[tilespmem:$0xB300] =	vst v63  }
0xdc: {  	_ =	swait.ge [sflag:s26], $0x100  }
0xdd: {  	[sflag:s26] =	ssyncset.done $0x0  }
0xde: {  	[sflag:s26] =	ssyncadd.s32 $0xFFFFFF00  }
0xdf: {  	[spmem:s17] =	stream.linear.scatter [tilespmem:s28], [sflag:$0x3], $0x100, $0x38;
	[tilespmem:$0xB300] =	vst v63  }
0xe0: {  	_ =	swait.ge [sflag:s26], $0x100  }
0xe1: {  	[sflag:s26] =	ssyncset.done $0x0  }
0xe2: {  	[sflag:s26] =	ssyncadd.s32 $0xFFFFFF00  }
0xe3: {  	[spmem:s18] =	stream.linear.scatter [tilespmem:s28], [sflag:$0x3], $0x100, $0x38;
	[tilespmem:$0xB300] =	vst v63  }
0xe4: {  	_ =	swait.ge [sflag:s26], $0x100  }
0xe5: {  	[sflag:s26] =	ssyncset.done $0x0  }
0xe6: {  	[sflag:s26] =	ssyncadd.s32 $0xFFFFFF00  }
0xe7: {  	[spmem:s19] =	stream.linear.scatter [tilespmem:s28], [sflag:$0x3], $0x100, $0x38;
	[tilespmem:$0xB300] =	vst v63  }
0xe8: {  	_ =	swait.ge [sflag:s26], $0x100  }
0xe9: {  	[sflag:s26] =	ssyncset.done $0x0  }
0xea: {  	[sflag:s26] =	ssyncadd.s32 $0xFFFFFF00  }
0xeb: {  	[spmem:s20] =	stream.linear.scatter [tilespmem:s28], [sflag:$0x3], $0x100, $0x38;
	[tilespmem:$0xB300] =	vst v63  }
0xec: {  	_ =	swait.ge [sflag:s26], $0x100  }
0xed: {  	[sflag:s26] =	ssyncset.done $0x0  }
0xee: {  	[sflag:s26] =	ssyncadd.s32 $0xFFFFFF00  }
0xef: {  	[spmem:s21] =	stream.linear.scatter [tilespmem:s28], [sflag:$0x3], $0x100, $0x38;
	[tilespmem:$0xB300] =	vst v63  }
0xf0: {  	_ =	swait.ge [sflag:s26], $0x100  }
0xf1: {  	[sflag:s26] =	ssyncset.done $0x0  }
0xf2: {  	[sflag:s26] =	ssyncadd.s32 $0xFFFFFF00  }
0xf3: {  	[bflag:$0x0] =	sbarrier.arrive $0xFFFF  }
0xf4: {  	[tilespmem:s29], [sflag:$0x1] =	stream.indirect.gather [spmem:s1], $0x10, s4, s30, $0xb8;
	[tilespmem:$0xB300] =	vst v63  }
0xf5: {  	_ = 	snop  }
0xf6: {  	[tilespmem:s31], [sflag:$0x2] =	stream.indirect.gather [spmem:s1], $0x10, s30, s30, $0xb8;
	[tilespmem:$0xB300] =	vst v63  }
0xf7: {  	_ =	swait.ge [sflag:s0], $0x800  }
0xf8: {  	[sflag:s0] =	ssyncset.done $0x0  }
0xf9: {  	p0 =	sgt.s32 s12, $0x2;
	s9 =	smov.u32 s12;
	[sflag:s0] =	ssyncadd.s32 $0xFFFFF800  }
0xfa: {  	[spmem:s3] =	stream.indirect.scatter.add.f32 [tilespmem:s29], [sflag:$0x3], $0x10, s7, s30, $0xb8;
	[tilespmem:$0xB300] =	vst v63  }
0xfb: {  	s9 =	smov.u32 @p0 s2;
	_ =	swait.ge [sflag:s26], $0x800  }
0xfc: {  	s9 =	sshll.u32 s9, $0x9;
	[sflag:s26] =	ssyncset.done $0x0  }
0xfd: {  	s9 =	sshra.s32 s9, $0x2;
	[sflag:s26] =	ssyncadd.s32 $0xFFFFF800  }
0xfe: {  	[tilespmem:s29], [sflag:$0x1] =	stream.indirect.gather [spmem:s1], $0x10, s9, s30, $0xb8;
	[tilespmem:$0xB300] =	vst v63  }
0xff: {  	p0 =	sne.s32 s22, $0x1;
	_ =	swait.ge [sflag:s2], $0x800  }
.Ltmp0:
0x100: {  	[sflag:s2] =	ssyncset.done $0x0;
	(pc) =	sbr.rel @!p0 .LBB2_3-.Ltmp0, $4  }
0x101: {  	s23 =	simm.s32 $0x2980;
	[sflag:s2] =	ssyncadd.s32 $0xFFFFF800  }
0x102: {  	[spmem:s3] =	stream.indirect.scatter.add.f32 [tilespmem:s31], [sflag:$0x3], $0x10, s23, s30, $0xb8;
	[tilespmem:$0xB300] =	vst v63  }
0x103: {  	s10 =	simm.s32 $0x180;
	_ =	swait.ge [sflag:s26], $0x800  }
0x104: {  	s11 =	simm.s32 $0x2;
	s9 =	sadd.s32 $0xFFFFFFFF, s22;
	[sflag:s26] =	ssyncset.done $0x0  }
.LBB2_2:
0x105: {  	[sflag:s26] =	ssyncadd.s32 $0xFFFFF800;
	s11 =	sadd.s32 $0x2, s11;
	s7 =	sadd.s32 $0x100, s7  }
0x106: {  	[tilespmem:s31], [sflag:$0x2] =	stream.indirect.gather [spmem:s1], $0x10, s10, s30, $0xb8;
	[tilespmem:$0xB300] =	vst v63  }
0x107: {  	p0 =	sne.s32 s9, $0x1;
	s9 =	sadd.s32 $0xFFFFFFFF, s9;
	_ =	swait.ge [sflag:s0], $0x800  }
0x108: {  	[sflag:s0] =	ssyncset.done $0x0  }
0x109: {  	s23 =	smov.u32 s12;
	p1 =	slt.s32 s11, s12;
	[sflag:s0] =	ssyncadd.s32 $0xFFFFF800  }
0x10a: {  	[spmem:s3] =	stream.indirect.scatter.add.f32 [tilespmem:s29], [sflag:$0x3], $0x10, s7, s30, $0xb8;
	[tilespmem:$0xB300] =	vst v63  }
0x10b: {  	s23 =	smov.u32 @p1 s11;
	_ =	swait.ge [sflag:s26], $0x800  }
0x10c: {  	s23 =	sshll.u32 s23, $0x9;
	[sflag:s26] =	ssyncset.done $0x0  }
0x10d: {  	s23 =	sshra.s32 s23, $0x2;
	[sflag:s26] =	ssyncadd.s32 $0xFFFFF800  }
0x10e: {  	[tilespmem:s29], [sflag:$0x1] =	stream.indirect.gather [spmem:s1], $0x10, s23, s30, $0xb8;
	[tilespmem:$0xB300] =	vst v63  }
0x10f: {  	_ =	swait.ge [sflag:s2], $0x800  }
.Ltmp1:
0x110: {  	[sflag:s2] =	ssyncset.done $0x0;
	(pc) =	sbr.rel @p0 .LBB2_2-.Ltmp1, $4  }
0x111: {  	s23 =	sadd.s32 $0x80, s7;
	[sflag:s2] =	ssyncadd.s32 $0xFFFFF800  }
0x112: {  	[spmem:s3] =	stream.indirect.scatter.add.f32 [tilespmem:s31], [sflag:$0x3], $0x10, s23, s30, $0xb8;
	[tilespmem:$0xB300] =	vst v63  }
0x113: {  	_ =	swait.ge [sflag:s26], $0x800  }
0x114: {  	s10 =	sadd.s32 $0x100, s10;
	[sflag:s26] =	ssyncset.done $0x0  }
.LBB2_3:
0x115: {  	[sflag:s26] =	ssyncadd.s32 $0xFFFFF800  }
0x116: {  	_ =	swait.ge [sflag:s0], $0x800  }
0x117: {  	[sflag:s0] =	ssyncset.done $0x0  }
0x118: {  	s5 =	sadd.s32 $0x1, s5;
	[sflag:s0] =	ssyncadd.s32 $0xFFFFF800  }
0x119: {  	p0 =	sne.s32 s5, s24;
	[bflag:$0x0] =	sbarrier.arrive $0xFFFF  }
.Ltmp2:
0x11a: {  	s7 =	sshrl.u32 s8, $0x3;
	s9 =	rddreg [dreg:$0x13];
	(pc) =	sbr.rel @p0 .LBB2_1-.Ltmp2, $4  }
0x11b: {  	[hbm:s9], [sflag:s6] =	dma.local [spmem:s7], $0x500  }
0x11c: {  	_ =	swait.ge [sflag:s26], $0x500  }
0x11d: {  	[sflag:s26] =	ssyncset.done $0x0  }
0x11e: {  	[sflag:s26] =	ssyncadd.s32 $0xFFFFFB00  }
0x11f: {  	_ =	sfence.sel $0x180000  }
0x120: {  	[bflag:$0x0] =	sbarrier.arrive $0xFFFF  }
0x121: {  	_ =	strace $0x9000004D  }
0x122: {  	s0 =	stileid.u32;
	[bflag:$0x2] =	sbarrier.arrive $0xFFFF  }
0x123: {  	p0 =	sne.s32 s0, $0x0;
	s0 =	rddreg [dreg:$0x4]  }
0x124: {  	s0 =	sadd.s32 @!p0 $0x100000, s0  }
0x125: {  	[sflag:s0] =	ssyncadd.tile.s32 @!p0 $0x1;
	_ =	shalt  }
.Lfunc_end2:
_tile_overlayer_lowered:
.L_overlay_start_2:
0x126: {  	(tag) =	ssettag $0x2  }
0x127: {  	s0 =	rddreg [dreg:$0x0];
	s2 =	stileid.u32  }
0x128: {  	s1 =	rddreg [dreg:$0x1];
	p0 =	sne.s32 s2, $0x0  }
0x129: {  	s3 =	rddreg [dreg:$0x2];
	[bflag:$0x3] =	sbarrier.arrive $0xFFFF;
	s2 =	simm.s32 @!p0 $0x1C03  }
0x12a: {  	[timem:s3], [sflag:s2] =	dma.local @!p0 [hbm:s0], s1  }
0x12b: {  	s0 =	simm.s32 @!p0 $0x3  }
0x12c: {  	_ =	swait.ge @!p0 [sflag:s0], s1  }
0x12d: {  	s1 =	ssub.s32 @!p0 $0x0, s1;
	[sflag:s0] =	ssyncset.done @!p0 $0x0  }
0x12e: {  	[sflag:s0] =	ssyncadd.s32 @!p0 s1  }
0x12f: {  	[bflag:$0x3] =	sbarrier.arrive $0xFFFF  }
0x130: {  	_ =	shalt  }

// kernel: kernel.8.cloned.1.call-start
scs
__scs_entry_jumppad:
0x0: {  	(pc) =	sbr.rel $0x88, $3  }
0x1: {  	(tag) =	ssettag $0x0;
	lr =	simm.s32 $0x1  }
0x2: {  	[smem:$0x3F9B] =	sst lr;
	_ =	strace $0xD0000000  }
0x3: {  	_ = 	snop  }
0x4: {  	_ = 	snop  }
0x5: {  	_ = 	snop  }
0x6: {  	_ = 	snop  }
0x7: {  	_ = 	snop  }
__scs_overlays_trampoline_lowered:
0x8: {  	[smem:$0x3FAA] =	sst s0  }
0x9: {  	[smem:$0x3FAB] =	sst s1  }
0xa: {  	[smem:$0x3FAC] =	sst s2  }
0xb: {  	[smem:$0x3FAD] =	sst s3  }
0xc: {  	[smem:$0x3FAE] =	sst s4  }
0xd: {  	[smem:$0x3FAF] =	sst s5  }
0xe: {  	[smem:$0x3FB0] =	sst s6  }
0xf: {  	[smem:$0x3FB1] =	sst s7  }
0x10: {  	[smem:$0x3FB2] =	sst s8  }
0x11: {  	[smem:$0x3FB3] =	sst s9;
	s0 =	simm.s32 @!p0 $0x0  }
0x12: {  	s1 =	sld [smem:$0x3F99];
	s0 =	simm.s32 @p0 $0x1  }
0x13: {  	[smem:$0x3FB4] =	sst s0;
	s0 =	simm.s32 @!p1 $0x0  }
0x14: {  	s2 =	sld [smem:$0x3F98];
	s0 =	simm.s32 @p1 $0x1  }
0x15: {  	[smem:$0x3FB5] =	sst s0;
	s0 =	simm.s32 @!p2 $0x0  }
0x16: {  	s3 =	sld [smem:$0x3FDB];
	s0 =	simm.s32 @p2 $0x1  }
0x17: {  	s4 =	simm.s32 $0x1BF5;
	[smem:$0x3FB7] =	sst s0  }
0x18: {  	s0 =	sld [smem:$0x3F9A];
	_ =	swait.ge [sflag:s4], $0x0  }
0x19: {  	s7 =	sld [smem:$0x3F9B]  }
0x1a: {  	s8 =	sadd.s32 $0xFFFFE003, lr  }
0x1b: {  	s9 =	sadd.s32 $0xFFFFFEF7, lr;
	s5 =	simm.s32 $0xFFFFFFFF;
	p2 =	slt.u32 s8, $0xFFFFF086  }
0x1c: {  	p1 =	slt.u32 s9, $0xF7A;
	s5 =	simm.s32 @!p2 $0x0  }
0x1d: {  	s5 =	simm.s32 @p1 $0x1;
	p0 =	seq.s32 s7, s2  }
0x1e: {  	s7 =	smul.u32 @!p0 $0xF7A, s2;
	p2 =	seq.s32 @!p0 s5, $0x0  }
0x1f: {  	s9 =	smul.u32 $0xF7A, s1;
	s8 =	simm.s32 @!p0 $0x1BF5;
	p2 =	por !p2, p0  }
0x20: {  	[sflag:s8] =	ssyncset.s32 @!p0 $0xFFFFF086;
	s6 =	sadd.s32 @!p0 s3, s7;
	s7 =	simm.s32 @!p0 $0x108  }
0x21: {  	s3 =	sadd.s32 s3, s9;
	s6 =	sadd.s32 @!p0 $0x88, s6;
	s7 =	simm.s32 @p2 $0x1082  }
0x22: {  	[simem:s7], [sflag:s8] =	dma.local @!p0 [hbm:s6], $0xF7A  }
0x23: {  	s9 =	sor.u32 $0xD0000000, s2;
	s6 =	simm.s32 $0x108;
	_ =	swait.ge @!p0 [sflag:s8], $0x0  }
0x24: {  	s3 =	sadd.s32 $0x88, s3;
	s6 =	simm.s32 @!p1 $0x1082;
	[sflag:s4] =	ssyncset.s32 $0xFFFFF086  }
0x25: {  	[simem:s6], [sflag:s4] =	dma.local [hbm:s3], $0xF7A  }
0x26: {  	[smem:$0x3F9B] =	sst s1;
	(tag) =	ssettag s2;
	_ =	strace s9  }
0x27: {  	s1 =	sld [smem:$0x3FAB]  }
0x28: {  	s2 =	sld [smem:$0x3FAC]  }
0x29: {  	s4 =	sld [smem:$0x3FAE]  }
0x2a: {  	p0 =	seq.s32 s5, $0x0;
	s5 =	sld [smem:$0x3FAF]  }
0x2b: {  	s6 =	sld [smem:$0x3FB0]  }
0x2c: {  	s7 =	sld [smem:$0x3FB1]  }
0x2d: {  	s3 =	simm.s32 $0x108;
	s8 =	sld [smem:$0x3FB2]  }
0x2e: {  	s3 =	simm.s32 @!p0 $0x1082;
	s9 =	sld [smem:$0x3FB3]  }
0x2f: {  	lr =	sadd.s32 s0, s3;
	s0 =	sld [smem:$0x3FAA]  }
0x30: {  	s3 =	sld [smem:$0x3FAD]  }
0x31: {  	[smem:$0x3FB6] =	sst s10  }
0x32: {  	s10 =	sld [smem:$0x3FB4];
	_ =	sdelay $0x3  }
0x33: {  	p0 =	seq.s32 s10, $0x1;
	s10 =	sld [smem:$0x3FB6];
	_ =	sdelay $0x3  }
0x34: {  	[smem:$0x3FB6] =	sst s10  }
0x35: {  	s10 =	sld [smem:$0x3FB5];
	_ =	sdelay $0x3  }
0x36: {  	p1 =	seq.s32 s10, $0x1;
	s10 =	sld [smem:$0x3FB6];
	_ =	sdelay $0x3  }
0x37: {  	[smem:$0x3FB6] =	sst s10  }
0x38: {  	s10 =	sld [smem:$0x3FB7]  }
0x39: {  	_ = 	snop;
	(pc) =	sbr.ind lr, $3  }
0x3a: {  	_ = 	snop  }
0x3b: {  	_ = 	snop  }
0x3c: {  	p2 =	seq.s32 s10, $0x1;
	s10 =	sld [smem:$0x3FB6]  }
0x3d: {  	_ =	shalt  }
0x3e: {  	_ =	shalt  }
0x3f: {  	_ =	shalt  }
0x40: {  	_ =	shalt  }
0x41: {  	_ =	shalt  }
0x42: {  	_ =	shalt  }
0x43: {  	_ =	shalt  }
0x44: {  	_ =	shalt  }
0x45: {  	_ =	shalt  }
0x46: {  	_ =	shalt  }
0x47: {  	_ =	shalt  }
0x48: {  	_ =	shalt  }
0x49: {  	_ =	shalt  }
0x4a: {  	_ =	shalt  }
0x4b: {  	_ =	shalt  }
0x4c: {  	_ =	shalt  }
0x4d: {  	_ =	shalt  }
0x4e: {  	_ =	shalt  }
0x4f: {  	_ =	shalt  }
0x50: {  	_ =	shalt  }
0x51: {  	_ =	shalt  }
0x52: {  	_ =	shalt  }
0x53: {  	_ =	shalt  }
0x54: {  	_ =	shalt  }
0x55: {  	_ =	shalt  }
0x56: {  	_ =	shalt  }
0x57: {  	_ =	shalt  }
0x58: {  	_ =	shalt  }
0x59: {  	_ =	shalt  }
0x5a: {  	_ =	shalt  }
0x5b: {  	_ =	shalt  }
0x5c: {  	_ =	shalt  }
0x5d: {  	_ =	shalt  }
0x5e: {  	_ =	shalt  }
0x5f: {  	_ =	shalt  }
0x60: {  	_ =	shalt  }
0x61: {  	_ =	shalt  }
0x62: {  	_ =	shalt  }
0x63: {  	_ =	shalt  }
0x64: {  	_ =	shalt  }
0x65: {  	_ =	shalt  }
0x66: {  	_ =	shalt  }
0x67: {  	_ =	shalt  }
0x68: {  	_ =	shalt  }
0x69: {  	_ =	shalt  }
0x6a: {  	_ =	shalt  }
0x6b: {  	_ =	shalt  }
0x6c: {  	_ =	shalt  }
0x6d: {  	_ =	shalt  }
0x6e: {  	_ =	shalt  }
0x6f: {  	_ =	shalt  }
0x70: {  	_ =	shalt  }
0x71: {  	_ =	shalt  }
0x72: {  	_ =	shalt  }
0x73: {  	_ =	shalt  }
0x74: {  	_ =	shalt  }
0x75: {  	_ =	shalt  }
0x76: {  	_ =	shalt  }
0x77: {  	_ =	shalt  }
0x78: {  	_ =	shalt  }
0x79: {  	_ =	shalt  }
0x7a: {  	_ =	shalt  }
0x7b: {  	_ =	shalt  }
0x7c: {  	_ =	shalt  }
0x7d: {  	_ =	shalt  }
0x7e: {  	_ =	shalt  }
0x7f: {  	_ =	shalt  }
0x80: {  	_ =	shalt  }
0x81: {  	_ =	shalt  }
0x82: {  	_ =	shalt  }
0x83: {  	_ =	shalt  }
0x84: {  	_ =	shalt  }
0x85: {  	_ =	shalt  }
0x86: {  	_ =	shalt  }
0x87: {  	_ =	shalt  }
.Lfunc_end0:
.L_simem_size_0:
called_computation_lowered:
.L_overlay_start_0:
0x88: {  	s2 =	sld [smem:$0x3FD9]  }
0x89: {  	s3 =	sld [smem:$0x3FFE];
	_ =	sdelay $0x1  }
0x8a: {  	s1 =	srdreg.scid  }
0x8b: {  	s0 =	sand.u32 $0x1, s1  }
0x8c: {  	s17 =	sshll.u32 s0, $0xA;
	s2 =	sadd.s32 s3, s2  }
0x8d: {  	s2 =	sadd.s32 s2, s17  }
0x8e: {  	[smem:$0x3FC2] =	sst s2  }
0x8f: {  	_ = 	snop  }
0x90: {  	s2 =	sld [smem:$0x3FD0];
	(tm) =	ssettm $0x1  }
0x91: {  	s18 =	sld [smem:$0x3FFB];
	_ =	sdelay $0x3  }
0x92: {  	_ =	strace s18  }
0x93: {  	s3 =	sld [smem:$0x3FFC];
	_ =	sdelay $0x3  }
0x94: {  	_ =	strace s3  }
0x95: {  	s3 =	sld [smem:$0x3FFD];
	_ =	sdelay $0x3  }
0x96: {  	_ =	strace s3  }
0x97: {  	_ =	strace $0x8FFFFFFF  }
0x98: {  	s19 =	sld [smem:$0x3FDB];
	_ =	sdelay $0x1  }
0x99: {  	s4 =	simm.s32 $_scs_section_size  }
0x9a: {  	s5 =	simm.s32 $_size__tile_overlayer_lowered;
	s6 =	simm.s32 $_tile_overlayer_lowered  }
0x9b: {  	s22 =	simm.s32 $0x1BFF;
	s21 =	sshll.u32 s6, $0x1;
	s3 =	sadd.s32 s4, s19  }
0x9c: {  	s7 =	simm.s32 $0x0;
	s20 =	sshll.u32 s5, $0x1;
	s5 =	sadd.s32 s21, s3  }
0x9d: {  	[timem:s7], [sflag:s22] =	dma.local [hbm:s5], s20  }
0x9e: {  	_ =	swait.ge [sflag:s22], s20  }
0x9f: {  	s4 =	ssub.s32 $0x0, s20;
	[sflag:s22] =	ssyncset.done $0x0  }
0xa0: {  	[sflag:s22] =	ssyncadd.s32 s4;
	_ =	sdelay $0x1  }
0xa1: {  	s23 =	simm.s32 $0x1B8B  }
0xa2: {  	_ =	swait.ge [sflag:s23], $0x1  }
0xa3: {  	[sflag:s23] =	ssyncset.done $0x0  }
0xa4: {  	s25 =	simm.s32 $0x1B8E;
	s24 =	sld [smem:$0x3FFE];
	[sflag:s23] =	ssyncadd.s32 $0xFFFFFFFF  }
0xa5: {  	s26 =	simm.s32 $execute0_lowered;
	[smem:$0x3FD2] =	sst s25  }
0xa6: {  	s5 =	sshll.u32 s26, $0x1;
	_ =	strace $0x80000046;
	[dreg:$0x1] =	wrdreg $0xFFFFFFFF  }
0xa7: {  	s28 =	simm.s32 $_size_execute0_lowered;
	s3 =	sadd.s32 s3, s5;
	[dreg:$0x0] =	wrdreg $0x0  }
0xa8: {  	s5 =	sshll.u32 s28, $0x1;
	[dreg:$0x2] =	wrdreg s3  }
0xa9: {  	[dreg:$0x3] =	wrdreg s5  }
0xaa: {  	[dreg:$0x4] =	wrdreg $0xC0  }
0xab: {  	_ =	task [dreg:s7], $0x5FFFF  }
0xac: {  	[dreg:$0x1] =	wrdreg $0xFFFFFFFF  }
0xad: {  	[dreg:$0x0] =	wrdreg $0x60  }
0xae: {  	[dreg:$0x2] =	wrdreg s24  }
0xaf: {  	[dreg:$0x3] =	wrdreg s2  }
0xb0: {  	[dreg:$0x4] =	wrdreg $0x2C000  }
0xb1: {  	[dreg:$0x5] =	wrdreg $0x9  }
0xb2: {  	_ =	task.clear_ibuf [dreg:s7], $0x6FFFF;
	_ =	strace $0x90000046  }
0xb3: {  	s29 =	simm.s32 $0x9;
	_ =	strace $0x80000048  }
0xb4: {  	_ =	swait.ge [sflag:s29], $0x1  }
0xb5: {  	[sflag:s29] =	ssyncadd.s32 $0xFFFFFFFF  }
0xb6: {  	_ =	strace $0x90000048  }
0xb7: {  	_ =	sfence  }
0xb8: {  	s30 =	sld [smem:$0x0];
	_ =	sdelay $0x2  }
0xb9: {  	s31 =	sshll.u32 s1, $0xD;
	s1 =	sshrl.u32 s1, $0x2  }
0xba: {  	s3 =	sand.u32 $0x4000, s31;
	s1 =	sadd.s32 s1, s30  }
0xbb: {  	s0 =	sor.u32 s3, s0;
	s1 =	sshll.u32 s1, $0x11  }
0xbc: {  	s0 =	sor.u32 s1, s0  }
0xbd: {  	s0 =	sadd.s32 $0x8F2B, s0  }
0xbe: {  	[sflag:s0] =	ssyncadd.remote.s32 $0x1  }
0xbf: {  	_ =	sfence.sel $0xFFFF  }
0xc0: {  	[dreg:$0x0] =	wrdreg $0xFFFFFFFF;
	(pc) =	sbr.abs _section_cstart, $3  }
0xc1: {  	[dreg:$0x1] =	wrdreg $0xFFFFFFFF  }
0xc2: {  	_ =	task.clear_ibuf [dreg:s7], $0x2FFFF;
	_ =	strace $0x9FFFFFFF  }
0xc3: {  	(tm) =	ssettm $0x7FFFFFFF  }
tec
execute0_lowered:
.L_overlay_start_1:
0x0: {  	(tag) =	ssettag $0x1  }
0x1: {  	s5 =	rddreg [dreg:$0x0]  }
0x2: {  	s7 =	rddreg [dreg:$0x1];
	s0 =	srdreg.scid  }
0x3: {  	s2 =	rddreg [dreg:$0x2];
	s1 =	stileid.u32  }
0x4: {  	s3 =	simm.s32 $0x0;
	s13 =	simm.s32 $0x1;
	s16 =	simm.s32 $0x0  }
0x5: {  	s4 =	sand.u32 $0x1, s0;
	s0 =	rddreg [dreg:$0x3];
	s8 =	smul.u32 $0x280, s1  }
0x6: {  	[smem:$0x7FF] =	sst s3;
	s14 =	sshll.u32 s1, $0x6;
	s6 =	sshll.u32 s4, $0x4  }
0x7: {  	s9 =	ssub.s32 $0x2, s4;
	_ =	strace $0x80000047;
	s12 =	smul.u32 $0x2800, s4  }
0x8: {  	s4 =	simm.s32 $0x52;
	s6 =	sor.u32 s1, s6;
	s11 =	sshrl.u32 s9, $0x1  }
0x9: {  	s14 =	sor.u32 $0x1C02, s14;
	s10 =	smul.u32 $0x2700, s6;
	s9 =	ssub.s32 s9, s11  }
0xa: {  	p0 =	seq.s32 s6, $0x1F;
	s30 =	sadd.s32 s8, s12;
	s6 =	sadd.s32 s8, s2  }
0xb: {  	s11 =	simm.s32 $0x80;
	s12 =	simm.s32 $0x2900;
	s4 =	simm.s32 @!p0 $0x4E  }
0xc: {  	s31 =	sshrl.u32 s30, $0x3;
	s8 =	smax.u32 s9, $0x1;
	s29 =	sshrl.u32 s10, $0x3  }
0xd: {  	s9 =	simm.s32 $0x2;
	s15 =	sshrl.u32 s6, $0x3;
	s5 =	sadd.s32 s5, s29  }
0xe: {  	v0 =	vimm.f32 $1.000000000e+00;
	v1 =	vimm.f32 $0.0e+00;
	s7 =	sadd.s32 s7, s31;
	s10 =	simm.s32 $0x2980;
	s5 =	sadd.s32 $0xBA40, s5  }
.LBB2_1:
0xf: {  	[tilespmem:s3], [sflag:$0x2] =	stream.linear.gather [hbm4b:s5+s3], $0x2900, $0x38;
	[tilespmem:$0x2E80] =	vst v63  }
0x10: {  	_ =	swait.ge [sflag:s9], $0x2900  }
0x11: {  	[sflag:s9] =	ssyncset.done $0x0  }
0x12: {  	[sflag:s9] =	ssyncadd.s32 $0xFFFFD700  }
0x13: {  	[tilespmem:$0x2900] =	vst v0  }
0x14: {  	[tilespmem:$0x2910] =	vst v0  }
0x15: {  	[tilespmem:$0x2920] =	vst v0  }
0x16: {  	[tilespmem:$0x2930] =	vst v0  }
0x17: {  	[tilespmem:$0x2940] =	vst v0  }
0x18: {  	[tilespmem:$0x2950] =	vst v0  }
0x19: {  	[tilespmem:$0x2960] =	vst v0  }
0x1a: {  	[tilespmem:$0x2970] =	vst v0  }
0x1b: {  	[tilespmem:$0x2980] =	vst v1  }
0x1c: {  	[tilespmem:$0x2990] =	vst v1  }
0x1d: {  	[tilespmem:$0x29A0] =	vst v1  }
0x1e: {  	[tilespmem:$0x29B0] =	vst v1  }
0x1f: {  	[tilespmem:$0x29C0] =	vst v1  }
0x20: {  	[tilespmem:$0x29D0] =	vst v1  }
0x21: {  	[tilespmem:$0x29E0] =	vst v1  }
0x22: {  	[tilespmem:$0x29F0] =	vst v1  }
0x23: {  	[tilespmem:$0x2A00] =	vst v1  }
0x24: {  	[tilespmem:$0x2A10] =	vst v1  }
0x25: {  	[tilespmem:$0x2A20] =	vst v1  }
0x26: {  	[tilespmem:$0x2A30] =	vst v1  }
0x27: {  	[tilespmem:$0x2A40] =	vst v1  }
0x28: {  	[tilespmem:$0x2A50] =	vst v1  }
0x29: {  	[tilespmem:$0x2A60] =	vst v1  }
0x2a: {  	[tilespmem:$0x2A70] =	vst v1  }
0x2b: {  	[tilespmem:$0x2A80] =	vst v1  }
0x2c: {  	[tilespmem:$0x2A90] =	vst v1  }
0x2d: {  	[tilespmem:$0x2AA0] =	vst v1  }
0x2e: {  	[tilespmem:$0x2AB0] =	vst v1  }
0x2f: {  	[tilespmem:$0x2AC0] =	vst v1  }
0x30: {  	[tilespmem:$0x2AD0] =	vst v1  }
0x31: {  	[tilespmem:$0x2AE0] =	vst v1  }
0x32: {  	[tilespmem:$0x2AF0] =	vst v1  }
0x33: {  	[tilespmem:$0x2B00] =	vst v1  }
0x34: {  	[tilespmem:$0x2B10] =	vst v1  }
0x35: {  	[tilespmem:$0x2B20] =	vst v1  }
0x36: {  	[tilespmem:$0x2B30] =	vst v1  }
0x37: {  	[tilespmem:$0x2B40] =	vst v1  }
0x38: {  	[tilespmem:$0x2B50] =	vst v1  }
0x39: {  	[tilespmem:$0x2B60] =	vst v1  }
0x3a: {  	[tilespmem:$0x2B70] =	vst v1  }
0x3b: {  	[tilespmem:$0x2B80] =	vst v1  }
0x3c: {  	[tilespmem:$0x2B90] =	vst v1  }
0x3d: {  	[tilespmem:$0x2BA0] =	vst v1  }
0x3e: {  	[tilespmem:$0x2BB0] =	vst v1  }
0x3f: {  	[tilespmem:$0x2BC0] =	vst v1  }
0x40: {  	[tilespmem:$0x2BD0] =	vst v1  }
0x41: {  	[tilespmem:$0x2BE0] =	vst v1  }
0x42: {  	p0 =	sne.s32 s4, $0x1;
	[tilespmem:$0x2BF0] =	vst v1  }
0x43: {  	[spmem:s6] =	stream.linear.scatter [tilespmem:s10], [sflag:$0x2], $0x280, $0x38;
	[tilespmem:$0x2E80] =	vst v63  }
.Ltmp0:
0x44: {  	_ =	swait.ge [sflag:s9], $0x280;
	(pc) =	sbr.rel @!p0 .LBB2_3-.Ltmp0, $4  }
0x45: {  	[sflag:s9] =	ssyncset.done $0x0  }
0x46: {  	[sflag:s9] =	ssyncadd.s32 $0xFFFFFD80  }
0x47: {  	s17 =	sadd.s32 $0xFFFFFFFF, s4;
	s18 =	simm.s32 $0x0;
	[bflag:$0x0] =	sbarrier.arrive $0xFFFF  }
0x48: {  	[spmem:s2] =	stream.indirect.scatter.add.f32 [tilespmem:s12], [sflag:$0x1], $0x1, s3, s11, $0xb8;
	[tilespmem:$0x2E80] =	vst v63  }
.LBB2_2:
0x49: {  	p1 =	sne.s32 s17, $0x1  }
.Ltmp1:
0x4a: {  	_ = 	snop;
	(pc) =	sbr.rel @p1 .LBB2_2-.Ltmp1, $3  }
0x4b: {  	_ = 	snop  }
0x4c: {  	s17 =	sadd.s32 $0xFFFFFFFF, s17;
	s18 =	sadd.s32 $0x80, s18;
	_ =	sdelay $0x1  }
0x4d: {  	[spmem:s2] =	stream.indirect.scatter.add.f32 [tilespmem:s12], [sflag:$0x1], $0x1, s18, s11, $0xb8;
	[tilespmem:$0x2E80] =	vst v63  }
.LBB2_3:
.Ltmp2:
0x4e: {  	(pc) =	sbr.rel @!p0 .LBB2_5-.Ltmp2, $3  }
0x4f: {  	_ =	sdelay $0x1  }
0x50: {  	_ =	swait.ge [sflag:s13], $0x80  }
0x51: {  	s17 =	sadd.s32 $0xFFFFFFFF, s4;
	[sflag:s13] =	ssyncset.done $0x0  }
.LBB2_4:
0x52: {  	p0 =	sne.s32 s17, $0x1;
	s17 =	sadd.s32 $0xFFFFFFFF, s17;
	[sflag:s13] =	ssyncadd.s32 $0xFFFFFF80  }
.Ltmp3:
0x53: {  	(pc) =	sbr.rel @p0 .LBB2_4-.Ltmp3, $3  }
0x54: {  	_ =	sdelay $0x1  }
0x55: {  	_ =	swait.ge [sflag:s13], $0x80  }
0x56: {  	[sflag:s13] =	ssyncset.done $0x0  }
.LBB2_5:
0x57: {  	s16 =	sadd.s32 $0x1, s16  }
0x58: {  	[sflag:s13] =	ssyncadd.s32 $0xFFFFFF80;
	p0 =	sne.s32 s16, s8  }
.Ltmp4:
0x59: {  	[bflag:$0x0] =	sbarrier.arrive $0xFFFF;
	(pc) =	sbr.rel @p0 .LBB2_1-.Ltmp4, $4  }
0x5a: {  	[hbm:s7], [sflag:s14] =	dma.local [spmem:s15], $0x50  }
0x5b: {  	_ =	swait.ge [sflag:s9], $0x50  }
0x5c: {  	[sflag:s9] =	ssyncset.done $0x0  }
0x5d: {  	[sflag:s9] =	ssyncadd.s32 $0xFFFFFFB0  }
0x5e: {  	_ =	sfence.sel $0x180000  }
0x5f: {  	[bflag:$0x0] =	sbarrier.arrive $0xFFFF  }
0x60: {  	p0 =	sne.s32 s1, $0x0;
	_ =	strace $0x90000047  }
0x61: {  	s0 =	sadd.s32 @!p0 $0x100000, s0;
	[bflag:$0x2] =	sbarrier.arrive $0xFFFF  }
0x62: {  	[sflag:s0] =	ssyncadd.tile.s32 @!p0 $0x1;
	_ =	shalt  }
.Lfunc_end2:
_tile_overlayer_lowered:
.L_overlay_start_2:
0x63: {  	(tag) =	ssettag $0x2  }
0x64: {  	s0 =	rddreg [dreg:$0x0];
	s2 =	stileid.u32  }
0x65: {  	s1 =	rddreg [dreg:$0x1];
	p0 =	sne.s32 s2, $0x0  }
0x66: {  	s3 =	rddreg [dreg:$0x2];
	[bflag:$0x3] =	sbarrier.arrive $0xFFFF;
	s2 =	simm.s32 @!p0 $0x1C02  }
0x67: {  	[timem:s3], [sflag:s2] =	dma.local @!p0 [hbm:s0], s1  }
0x68: {  	s0 =	simm.s32 @!p0 $0x2  }
0x69: {  	_ =	swait.ge @!p0 [sflag:s0], s1  }
0x6a: {  	s1 =	ssub.s32 @!p0 $0x0, s1;
	[sflag:s0] =	ssyncset.done @!p0 $0x0  }
0x6b: {  	[sflag:s0] =	ssyncadd.s32 @!p0 s1  }
0x6c: {  	[bflag:$0x3] =	sbarrier.arrive $0xFFFF  }
0x6d: {  	_ =	shalt  }

</sc_bundles>
